<compile_context>
chip_gen: v7x
topology: tpu7x:2x2x1
jax: 0.10.2.dev20260603
libtpu: 0.0.44.dev20260713+nightly
codegen_flags: <defaults>
</compile_context>

<pallas_src>
import jax
import jax.numpy as jnp
from jax.experimental import pallas as pl
from jax.experimental.pallas import tpu as pltpu
from jax.experimental.pallas import tpu_sc as plsc

NC = 4
NL = 3
FPC = 32
GH = 1024
GE = 512
LD = 128
K = 2048
IN = 128

BT = 512
DT = 1024
GW = 128

_PREC = jax.lax.Precision.DEFAULT


def _cn_body(cbt_ref, cn_ref):
    cbt = cbt_ref[0]
    cn_ref[0] = jnp.sum(cbt * cbt, axis=0, keepdims=True)


def _vq_codes_body(x_ref, w1_ref, b1_ref, w2_ref, b2_ref, pw_ref, pb_ref,
                   cbt_ref, cn_ref, out_ref):
    x = x_ref[...]
    h_all = jnp.maximum(
        jnp.dot(x, w1_ref[...], preferred_element_type=jnp.float32,
                precision=_PREC) + b1_ref[...], 0.0)
    for c in range(NC):
        h = h_all[:, c * GH:(c + 1) * GH]
        emb = jnp.dot(h, w2_ref[c], preferred_element_type=jnp.float32,
                      precision=_PREC) + b2_ref[c][None, :]
        zc = jnp.dot(emb, pw_ref[c], preferred_element_type=jnp.float32,
                     precision=_PREC) + pb_ref[c][None, :]
        for l in range(NL):
            j = c * NL + l
            z2 = zc[:, l * LD:(l + 1) * LD]
            cbt = cbt_ref[j]
            scores2 = jnp.dot(z2, cbt, preferred_element_type=jnp.float32,
                              precision=_PREC)
            d = scores2 + cn_ref[j]
            m = jnp.min(d, axis=1, keepdims=True)
            iota_f = jax.lax.broadcasted_iota(
                jnp.int32, d.shape, 1).astype(jnp.float32)
            code_f = jnp.min(jnp.where(d <= m, iota_f, float(K)), axis=1)
            out_ref[:, j] = code_f.astype(jnp.int32) + j * K
    for j in range(NC * NL, 16):
        out_ref[:, j] = jnp.zeros((BT,), jnp.int32)


def _decoder_body(zq_ref, w1_ref, b1_ref, w2_ref, b2_ref, out_ref):
    acc = jnp.dot(zq_ref[0], w1_ref[0], preferred_element_type=jnp.float32,
                  precision=_PREC)
    for j in range(1, NC * NL):
        acc = acc + jnp.dot(zq_ref[j], w1_ref[j],
                            preferred_element_type=jnp.float32,
                            precision=_PREC)
    h = jnp.maximum(acc + b1_ref[...], 0.0)
    out_ref[...] = jnp.dot(h, w2_ref[...], preferred_element_type=jnp.float32,
                           precision=_PREC) + b2_ref[...]


_NW = 32
_NBUF = 6
_DEPTH = 3


def _sc_gather(cb_flat, idx):
    num = idx.shape[0]
    width = cb_flat.shape[1]
    per_w = num // _NW
    nblk = per_w // GW
    mesh = plsc.VectorSubcoreMesh(core_axis_name="c", subcore_axis_name="s")

    @pl.kernel(out_type=jax.ShapeDtypeStruct((num, width), cb_flat.dtype),
               mesh=mesh,
               scratch_types=([pltpu.VMEM((per_w,), jnp.int32)]
                              + [pltpu.VMEM((GW, width), cb_flat.dtype)
                                 for _ in range(_NBUF)]
                              + [pltpu.SemaphoreType.DMA] * (2 * _NBUF)))
    def gather_kernel(cb_hbm, i_hbm, o_hbm, idx_v, *bufs_and_sems):
        rows = bufs_and_sems[:_NBUF]
        sg = bufs_and_sems[_NBUF:2 * _NBUF]
        so = bufs_and_sems[2 * _NBUF:]
        wid = jax.lax.axis_index("s") * 2 + jax.lax.axis_index("c")
        base = wid * per_w
        pltpu.sync_copy(i_hbm.at[pl.ds(base, per_w)], idx_v)
        gath = [None] * _NBUF
        outc = [None] * _NBUF
        for k in range(nblk):
            b = k % _NBUF
            if k >= _NBUF:
                outc[b].wait()
            gath[b] = pltpu.async_copy(
                cb_hbm.at[idx_v.at[pl.ds(k * GW, GW)]], rows[b], sg[b])
            if k >= _DEPTH:
                p = (k - _DEPTH) % _NBUF
                gath[p].wait()
                outc[p] = pltpu.async_copy(
                    rows[p], o_hbm.at[pl.ds(base + (k - _DEPTH) * GW, GW)],
                    so[p])
        for k in range(max(0, nblk - _DEPTH), nblk):
            p = k % _NBUF
            gath[p].wait()
            outc[p] = pltpu.async_copy(
                rows[p], o_hbm.at[pl.ds(base + k * GW, GW)], so[p])
        for k in range(max(0, nblk - _NBUF), nblk):
            outc[k % _NBUF].wait()

    return gather_kernel(cb_flat, idx)


def _cn_call(cbt):
    return pl.pallas_call(
        _cn_body,
        grid=(NC * NL,),
        in_specs=[pl.BlockSpec((1, LD, K), lambda j: (j, 0, 0))],
        out_specs=pl.BlockSpec((1, 1, K), lambda j: (j, 0, 0)),
        out_shape=jax.ShapeDtypeStruct((NC * NL, 1, K), jnp.float32),
    )(cbt)


def _codes_call(x_t, w1_bd, b1_all, fe_w2, fe_b2, pw_cat, pb_cat, cbt, cn):
    Bc = x_t.shape[0]
    return pl.pallas_call(
        _vq_codes_body,
        grid=(Bc // BT,),
        in_specs=[
            pl.BlockSpec((BT, IN), lambda i: (i, 0)),
            pl.BlockSpec((IN, NC * GH), lambda i: (0, 0)),
            pl.BlockSpec((1, NC * GH), lambda i: (0, 0)),
            pl.BlockSpec((NC, GH, GE), lambda i: (0, 0, 0)),
            pl.BlockSpec((NC, GE), lambda i: (0, 0)),
            pl.BlockSpec((NC, GE, NL * LD), lambda i: (0, 0, 0)),
            pl.BlockSpec((NC, NL * LD), lambda i: (0, 0)),
            pl.BlockSpec((NC * NL, LD, K), lambda i: (0, 0, 0)),
            pl.BlockSpec((NC * NL, 1, K), lambda i: (0, 0, 0)),
        ],
        out_specs=pl.BlockSpec((BT, 16), lambda i: (i, 0)),
        out_shape=jax.ShapeDtypeStruct((Bc, 16), jnp.int32),
    )(x_t, w1_bd, b1_all, fe_w2, fe_b2, pw_cat, pb_cat, cbt, cn)


def _decoder_call(zq3, dec_w1, dec_b1, dec_w2, dec_b2):
    Bc = zq3.shape[1]
    return pl.pallas_call(
        _decoder_body,
        grid=(Bc // DT,),
        in_specs=[
            pl.BlockSpec((NC * NL, DT, LD), lambda i: (0, i, 0)),
            pl.BlockSpec((NC * NL, LD, 256), lambda i: (0, 0, 0)),
            pl.BlockSpec((1, 256), lambda i: (0, 0)),
            pl.BlockSpec((256, IN), lambda i: (0, 0)),
            pl.BlockSpec((1, IN), lambda i: (0, 0)),
        ],
        out_specs=pl.BlockSpec((DT, IN), lambda i: (i, 0)),
        out_shape=jax.ShapeDtypeStruct((Bc, IN), jnp.float32),
    )(zq3, dec_w1, dec_b1, dec_w2, dec_b2)


NCHUNK = 2


def kernel(x, fe_w1, fe_b1, fe_w2, fe_b2, proj_w, proj_b, codebooks,
           dec_w1, dec_b1, dec_w2, dec_b2):
    B = x.shape[0]

    w1_bd = jnp.zeros((IN, NC * GH), jnp.float32)
    for c in range(NC):
        w1_bd = w1_bd.at[c * FPC:(c + 1) * FPC, c * GH:(c + 1) * GH].set(fe_w1[c])
    b1_all = fe_b1.reshape(1, NC * GH)
    pw_cat = -2.0 * jnp.transpose(proj_w.reshape(NC, NL, GE, LD),
                                  (0, 2, 1, 3)).reshape(NC, GE, NL * LD)
    pb_cat = -2.0 * proj_b.reshape(NC, NL * LD)
    cbt = jnp.transpose(codebooks, (0, 2, 1))
    cn = _cn_call(cbt)
    w1_bd = w1_bd.astype(jnp.bfloat16)
    fe_w2 = fe_w2.astype(jnp.bfloat16)
    pw_cat = pw_cat.astype(jnp.bfloat16)
    cbt = cbt.astype(jnp.bfloat16)
    cb_flat = codebooks.reshape(NC * NL * K, LD)
    db1 = dec_b1.reshape(1, 256)
    db2 = dec_b2.reshape(1, IN)
    dw1 = dec_w1.reshape(NC * NL, LD, 256).astype(jnp.bfloat16)

    sizes = [B // NCHUNK] * NCHUNK
    recons = []
    off = 0
    for t in range(NCHUNK):
        Bc = sizes[t]
        x_t = jax.lax.slice_in_dim(x, off, off + Bc, axis=0)
        off += Bc
        codes = _codes_call(x_t, w1_bd, b1_all, fe_w2, fe_b2, pw_cat,
                            pb_cat, cbt, cn)
        idx = codes[:, :NC * NL].T.reshape(Bc * NC * NL)
        zq3 = _sc_gather(cb_flat, idx).reshape(NC * NL, Bc, LD)
        recons.append(_decoder_call(zq3, dw1, db1, dec_w2, db2))
    return jnp.concatenate(recons, axis=0)

# --- scband reference (transcript-rebuilt; emitter-appended) ---
"""Pipeline reference for scband-categorical-hierarchical-vqvae-50697793962338 (READ-ONLY COPY).

The authoritative reference and input builder live on the scoring server;
editing this copy changes nothing except your own understanding.
"""

import jax, jax.numpy as jnp
import numpy as np

NC = 4        # num categories
NL = 3        # levels per category
FPC = 32      # features per category group
GE = 512      # group_embedding_dim
GH = 1024     # group_hidden_dim
LD = 128      # latent_dim per level
K = 2048      # num_tokens per codebook
IN = 128      # input_dim
B = 16384     # batch


def setup_inputs(seed: int = 0) -> dict:
    key = jax.random.key(seed)
    ks = jax.random.split(key, 8)

    def s(k, shape, scale):
        return jax.random.normal(k, shape, dtype=jnp.float32) * scale

    inp = {
        "x": jax.random.normal(ks[0], (B, IN), dtype=jnp.float32),
        # GroupedFeatureExtractor: per-category 2-layer MLP (Linear->ReLU->Dropout->Linear)
        "fe_w1": s(ks[1], (NC, FPC, GH), 0.05),
        "fe_b1": jnp.zeros((NC, GH), dtype=jnp.float32),
        "fe_w2": s(ks[2], (NC, GH, GE), 0.02),
        "fe_b2": jnp.zeros((NC, GE), dtype=jnp.float32),
        # CategoricalProjector: one linear per (category, level)
        "proj_w": s(ks[3], (NC * NL, GE, LD), 0.03),
        "proj_b": jnp.zeros((NC * NL, LD), dtype=jnp.float32),
        # VectorQuantizer codebooks
        "codebooks": s(ks[4], (NC * NL, K, LD), 0.1),
        # shared decoder: Linear(total_latent_dim,256)->ReLU->Dropout->Linear(256,input_dim)
        "dec_w1": s(ks[5], (NC * NL * LD, 256), 0.02),
        "dec_b1": jnp.zeros((256,), dtype=jnp.float32),
        "dec_w2": s(ks[6], (256, IN), 0.05),
        "dec_b2": jnp.zeros((IN,), dtype=jnp.float32),
    }
    return inp


def reference(x, fe_w1, fe_b1, fe_w2, fe_b2, proj_w, proj_b, codebooks,
              dec_w1, dec_b1, dec_w2, dec_b2):
    quants = []
    for c in range(NC):
        gidx = jnp.arange(c * FPC, (c + 1) * FPC)
        xg = jnp.take(x, gidx, axis=1)                      # gather group features
        h = jax.nn.relu(xg @ fe_w1[c] + fe_b1[c])           # dropout = identity (eval)
        emb = h @ fe_w2[c] + fe_b2[c]                       # [B, GE]
        for l in range(NL):
            j = c * NL + l
            z = emb @ proj_w[j] + proj_b[j]                 # [B, LD]
            cb = codebooks[j]                               # [K, LD]
            d2 = (jnp.sum(z * z, axis=1, keepdims=True)
                  - 2.0 * (z @ cb.T)
                  + jnp.sum(cb * cb, axis=1)[None, :])      # [B, K]
            code = jnp.argmin(d2, axis=1)                   # [B]
            q = jnp.take(cb, code, axis=0)                  # [B, LD]
            q_st = z + jax.lax.stop_gradient(q - z)         # straight-through
            quants.append(q_st)
    zq = jnp.concatenate(quants, axis=1)                    # [B, NC*NL*LD]
    h = jax.nn.relu(zq @ dec_w1 + dec_b1)                   # dropout = identity (eval)
    recon = h @ dec_w2 + dec_b2                             # [B, IN]
    return recon

if __name__ == "__main__":
    import jax
    _d = setup_inputs()
    print(jax.jit(kernel)(*tuple(_d.values())))

</pallas_src>

<mosaic_0001>
#map = affine_map<(d0, d1) -> (0, 0)>
#map1 = affine_map<(d0, d1) -> (0)>
module attributes {stable_mosaic.version = 14 : i64} {
  func.func @gather_kernel(%arg0: i32, %arg1: i32, %arg2: memref<24576x128xf32, #tpu.memory_space<hbm>>, %arg3: memref<98304xi32, #tpu.memory_space<hbm>>, %arg4: memref<98304x128xf32, #tpu.memory_space<hbm>>, %arg5: memref<3072xi32, #tpu.memory_space<vmem>>, %arg6: memref<128x128xf32, #tpu.memory_space<vmem>>, %arg7: memref<128x128xf32, #tpu.memory_space<vmem>>, %arg8: memref<128x128xf32, #tpu.memory_space<vmem>>, %arg9: memref<128x128xf32, #tpu.memory_space<vmem>>, %arg10: memref<128x128xf32, #tpu.memory_space<vmem>>, %arg11: memref<128x128xf32, #tpu.memory_space<vmem>>, %arg12: memref<!tpu.dma_semaphore, #tpu.memory_space<semaphore_mem>>, %arg13: memref<!tpu.dma_semaphore, #tpu.memory_space<semaphore_mem>>, %arg14: memref<!tpu.dma_semaphore, #tpu.memory_space<semaphore_mem>>, %arg15: memref<!tpu.dma_semaphore, #tpu.memory_space<semaphore_mem>>, %arg16: memref<!tpu.dma_semaphore, #tpu.memory_space<semaphore_mem>>, %arg17: memref<!tpu.dma_semaphore, #tpu.memory_space<semaphore_mem>>, %arg18: memref<!tpu.dma_semaphore, #tpu.memory_space<semaphore_mem>>, %arg19: memref<!tpu.dma_semaphore, #tpu.memory_space<semaphore_mem>>, %arg20: memref<!tpu.dma_semaphore, #tpu.memory_space<semaphore_mem>>, %arg21: memref<!tpu.dma_semaphore, #tpu.memory_space<semaphore_mem>>, %arg22: memref<!tpu.dma_semaphore, #tpu.memory_space<semaphore_mem>>, %arg23: memref<!tpu.dma_semaphore, #tpu.memory_space<semaphore_mem>>) attributes {dimension_semantics = [#tpu.dimension_semantics<core_parallel>, #tpu.dimension_semantics<subcore_parallel>], iteration_bounds = array<i64: 2, 16>, scalar_prefetch = 0 : i64, scratch_operands = 19 : i64, tpu.core_type = #tpu.core_type<sc_vector_subcore>, window_params = [{transform_indices = #map}, {transform_indices = #map1}, {transform_indices = #map}]} {
    %mul3A = arith.constant 2 : i32
    %mul3A_0 = arith.muli %arg1, %mul3A : i32
    %add3A = arith.addi %mul3A_0, %arg0 : i32
    %mul3A_1 = arith.constant 3072 : i32
    %mul3A_2 = arith.muli %add3A, %mul3A_1 : i32
    "tpu.region"() ({
      %run_scoped3A = tpu.sem_alloc : memref<!tpu.dma_semaphore, #tpu.memory_space<semaphore_mem>>
      %dma_start3A_481 = tpu.memref_slice %arg3[%mul3A_2] : memref<98304xi32, #tpu.memory_space<hbm>> -> memref<3072xi32, #tpu.memory_space<hbm>>
      %dma_start3A_482 = tpu.memref_slice %arg3[%mul3A_2] : memref<98304xi32, #tpu.memory_space<hbm>> -> memref<3072xi32, #tpu.memory_space<hbm>>
      tpu.enqueue_dma source(%dma_start3A_482 : memref<3072xi32, #tpu.memory_space<hbm>>) target(%arg5 : memref<3072xi32, #tpu.memory_space<vmem>>) target_semaphore(%run_scoped3A : memref<!tpu.dma_semaphore, #tpu.memory_space<semaphore_mem>>)
      %dma_wait3A_483 = tpu.memref_slice %arg3[%mul3A_2] : memref<98304xi32, #tpu.memory_space<hbm>> -> memref<3072xi32, #tpu.memory_space<hbm>>
      %dma_wait3A_484 = tpu.memref_slice %arg3[%mul3A_2] : memref<98304xi32, #tpu.memory_space<hbm>> -> memref<3072xi32, #tpu.memory_space<hbm>>
      tpu.wait_dma2 semaphore(%run_scoped3A : memref<!tpu.dma_semaphore, #tpu.memory_space<semaphore_mem>>) src(%dma_wait3A_484 : memref<3072xi32, #tpu.memory_space<hbm>>) dst(%arg5 : memref<3072xi32, #tpu.memory_space<vmem>>)
      tpu.yield
    }) : () -> ()
    %dma_start3A = arith.constant 0 : i32
    %dma_start3A_3 = tpu.memref_slice %arg5[%dma_start3A] : memref<3072xi32, #tpu.memory_space<vmem>> -> memref<128xi32, #tpu.memory_space<vmem>>
    %dma_start3A_4 = arith.constant 0 : i32
    %dma_start3A_5 = arith.constant 0 : i32
    %dma_start3A_6 = tpu.memref_slice %arg2[%dma_start3A_4, %dma_start3A_5] : memref<24576x128xf32, #tpu.memory_space<hbm>> -> memref<24576x128xf32, #tpu.memory_space<hbm>>
    tpu.enqueue_indirect_dma source(%dma_start3A_6 : memref<24576x128xf32, #tpu.memory_space<hbm>>) target(%arg6 : memref<128x128xf32, #tpu.memory_space<vmem>>) offsets(%dma_start3A_3 : memref<128xi32, #tpu.memory_space<vmem>>) semaphore(%arg12 : memref<!tpu.dma_semaphore, #tpu.memory_space<semaphore_mem>>)
    %dma_start3A_7 = arith.constant 128 : i32
    %dma_start3A_8 = tpu.memref_slice %arg5[%dma_start3A_7] : memref<3072xi32, #tpu.memory_space<vmem>> -> memref<128xi32, #tpu.memory_space<vmem>>
    %dma_start3A_9 = arith.constant 0 : i32
    %dma_start3A_10 = arith.constant 0 : i32
    %dma_start3A_11 = tpu.memref_slice %arg2[%dma_start3A_9, %dma_start3A_10] : memref<24576x128xf32, #tpu.memory_space<hbm>> -> memref<24576x128xf32, #tpu.memory_space<hbm>>
    tpu.enqueue_indirect_dma source(%dma_start3A_11 : memref<24576x128xf32, #tpu.memory_space<hbm>>) target(%arg7 : memref<128x128xf32, #tpu.memory_space<vmem>>) offsets(%dma_start3A_8 : memref<128xi32, #tpu.memory_space<vmem>>) semaphore(%arg13 : memref<!tpu.dma_semaphore, #tpu.memory_space<semaphore_mem>>)
    %dma_start3A_12 = arith.constant 256 : i32
    %dma_start3A_13 = tpu.memref_slice %arg5[%dma_start3A_12] : memref<3072xi32, #tpu.memory_space<vmem>> -> memref<128xi32, #tpu.memory_space<vmem>>
    %dma_start3A_14 = arith.constant 0 : i32
    %dma_start3A_15 = arith.constant 0 : i32
    %dma_start3A_16 = tpu.memref_slice %arg2[%dma_start3A_14, %dma_start3A_15] : memref<24576x128xf32, #tpu.memory_space<hbm>> -> memref<24576x128xf32, #tpu.memory_space<hbm>>
    tpu.enqueue_indirect_dma source(%dma_start3A_16 : memref<24576x128xf32, #tpu.memory_space<hbm>>) target(%arg8 : memref<128x128xf32, #tpu.memory_space<vmem>>) offsets(%dma_start3A_13 : memref<128xi32, #tpu.memory_space<vmem>>) semaphore(%arg14 : memref<!tpu.dma_semaphore, #tpu.memory_space<semaphore_mem>>)
    %dma_start3A_17 = arith.constant 384 : i32
    %dma_start3A_18 = tpu.memref_slice %arg5[%dma_start3A_17] : memref<3072xi32, #tpu.memory_space<vmem>> -> memref<128xi32, #tpu.memory_space<vmem>>
    %dma_start3A_19 = arith.constant 0 : i32
    %dma_start3A_20 = arith.constant 0 : i32
    %dma_start3A_21 = tpu.memref_slice %arg2[%dma_start3A_19, %dma_start3A_20] : memref<24576x128xf32, #tpu.memory_space<hbm>> -> memref<24576x128xf32, #tpu.memory_space<hbm>>
    tpu.enqueue_indirect_dma source(%dma_start3A_21 : memref<24576x128xf32, #tpu.memory_space<hbm>>) target(%arg9 : memref<128x128xf32, #tpu.memory_space<vmem>>) offsets(%dma_start3A_18 : memref<128xi32, #tpu.memory_space<vmem>>) semaphore(%arg15 : memref<!tpu.dma_semaphore, #tpu.memory_space<semaphore_mem>>)
    %dma_wait3A = arith.constant 0 : i32
    %dma_wait3A_22 = tpu.memref_slice %arg5[%dma_wait3A] : memref<3072xi32, #tpu.memory_space<vmem>> -> memref<128xi32, #tpu.memory_space<vmem>>
    %dma_wait3A_23 = arith.constant 0 : i32
    %dma_wait3A_24 = arith.constant 0 : i32
    %dma_wait3A_25 = tpu.memref_slice %arg2[%dma_wait3A_23, %dma_wait3A_24] : memref<24576x128xf32, #tpu.memory_space<hbm>> -> memref<24576x128xf32, #tpu.memory_space<hbm>>
    tpu.wait_indirect_dma semaphore(%arg12 : memref<!tpu.dma_semaphore, #tpu.memory_space<semaphore_mem>>) src(%dma_wait3A_25 : memref<24576x128xf32, #tpu.memory_space<hbm>>) dst(%arg6 : memref<128x128xf32, #tpu.memory_space<vmem>>)
    %add3A_26 = arith.constant 0 : i32
    %add3A_27 = arith.addi %mul3A_2, %add3A_26 : i32
    %dma_start3A_28 = arith.constant 0 : i32
    %dma_start3A_29 = tpu.memref_slice %arg4[%add3A_27, %dma_start3A_28] : memref<98304x128xf32, #tpu.memory_space<hbm>> -> memref<128x128xf32, #tpu.memory_space<hbm>>
    %dma_start3A_30 = arith.constant 0 : i32
    %dma_start3A_31 = tpu.memref_slice %arg4[%add3A_27, %dma_start3A_30] : memref<98304x128xf32, #tpu.memory_space<hbm>> -> memref<128x128xf32, #tpu.memory_space<hbm>>
    tpu.enqueue_dma source(%arg6 : memref<128x128xf32, #tpu.memory_space<vmem>>) target(%dma_start3A_31 : memref<128x128xf32, #tpu.memory_space<hbm>>) target_semaphore(%arg18 : memref<!tpu.dma_semaphore, #tpu.memory_space<semaphore_mem>>)
    %dma_start3A_32 = arith.constant 512 : i32
    %dma_start3A_33 = tpu.memref_slice %arg5[%dma_start3A_32] : memref<3072xi32, #tpu.memory_space<vmem>> -> memref<128xi32, #tpu.memory_space<vmem>>
    %dma_start3A_34 = arith.constant 0 : i32
    %dma_start3A_35 = arith.constant 0 : i32
    %dma_start3A_36 = tpu.memref_slice %arg2[%dma_start3A_34, %dma_start3A_35] : memref<24576x128xf32, #tpu.memory_space<hbm>> -> memref<24576x128xf32, #tpu.memory_space<hbm>>
    tpu.enqueue_indirect_dma source(%dma_start3A_36 : memref<24576x128xf32, #tpu.memory_space<hbm>>) target(%arg10 : memref<128x128xf32, #tpu.memory_space<vmem>>) offsets(%dma_start3A_33 : memref<128xi32, #tpu.memory_space<vmem>>) semaphore(%arg16 : memref<!tpu.dma_semaphore, #tpu.memory_space<semaphore_mem>>)
    %dma_wait3A_37 = arith.constant 128 : i32
    %dma_wait3A_38 = tpu.memref_slice %arg5[%dma_wait3A_37] : memref<3072xi32, #tpu.memory_space<vmem>> -> memref<128xi32, #tpu.memory_space<vmem>>
    %dma_wait3A_39 = arith.constant 0 : i32
    %dma_wait3A_40 = arith.constant 0 : i32
    %dma_wait3A_41 = tpu.memref_slice %arg2[%dma_wait3A_39, %dma_wait3A_40] : memref<24576x128xf32, #tpu.memory_space<hbm>> -> memref<24576x128xf32, #tpu.memory_space<hbm>>
    tpu.wait_indirect_dma semaphore(%arg13 : memref<!tpu.dma_semaphore, #tpu.memory_space<semaphore_mem>>) src(%dma_wait3A_41 : memref<24576x128xf32, #tpu.memory_space<hbm>>) dst(%arg7 : memref<128x128xf32, #tpu.memory_space<vmem>>)
    %add3A_42 = arith.constant 128 : i32
    %add3A_43 = arith.addi %mul3A_2, %add3A_42 : i32
    %dma_start3A_44 = arith.constant 0 : i32
    %dma_start3A_45 = tpu.memref_slice %arg4[%add3A_43, %dma_start3A_44] : memref<98304x128xf32, #tpu.memory_space<hbm>> -> memref<128x128xf32, #tpu.memory_space<hbm>>
    %dma_start3A_46 = arith.constant 0 : i32
    %dma_start3A_47 = tpu.memref_slice %arg4[%add3A_43, %dma_start3A_46] : memref<98304x128xf32, #tpu.memory_space<hbm>> -> memref<128x128xf32, #tpu.memory_space<hbm>>
    tpu.enqueue_dma source(%arg7 : memref<128x128xf32, #tpu.memory_space<vmem>>) target(%dma_start3A_47 : memref<128x128xf32, #tpu.memory_space<hbm>>) target_semaphore(%arg19 : memref<!tpu.dma_semaphore, #tpu.memory_space<semaphore_mem>>)
    %dma_start3A_48 = arith.constant 640 : i32
    %dma_start3A_49 = tpu.memref_slice %arg5[%dma_start3A_48] : memref<3072xi32, #tpu.memory_space<vmem>> -> memref<128xi32, #tpu.memory_space<vmem>>
    %dma_start3A_50 = arith.constant 0 : i32
    %dma_start3A_51 = arith.constant 0 : i32
    %dma_start3A_52 = tpu.memref_slice %arg2[%dma_start3A_50, %dma_start3A_51] : memref<24576x128xf32, #tpu.memory_space<hbm>> -> memref<24576x128xf32, #tpu.memory_space<hbm>>
    tpu.enqueue_indirect_dma source(%dma_start3A_52 : memref<24576x128xf32, #tpu.memory_space<hbm>>) target(%arg11 : memref<128x128xf32, #tpu.memory_space<vmem>>) offsets(%dma_start3A_49 : memref<128xi32, #tpu.memory_space<vmem>>) semaphore(%arg17 : memref<!tpu.dma_semaphore, #tpu.memory_space<semaphore_mem>>)
    %dma_wait3A_53 = arith.constant 256 : i32
    %dma_wait3A_54 = tpu.memref_slice %arg5[%dma_wait3A_53] : memref<3072xi32, #tpu.memory_space<vmem>> -> memref<128xi32, #tpu.memory_space<vmem>>
    %dma_wait3A_55 = arith.constant 0 : i32
    %dma_wait3A_56 = arith.constant 0 : i32
    %dma_wait3A_57 = tpu.memref_slice %arg2[%dma_wait3A_55, %dma_wait3A_56] : memref<24576x128xf32, #tpu.memory_space<hbm>> -> memref<24576x128xf32, #tpu.memory_space<hbm>>
    tpu.wait_indirect_dma semaphore(%arg14 : memref<!tpu.dma_semaphore, #tpu.memory_space<semaphore_mem>>) src(%dma_wait3A_57 : memref<24576x128xf32, #tpu.memory_space<hbm>>) dst(%arg8 : memref<128x128xf32, #tpu.memory_space<vmem>>)
    %add3A_58 = arith.constant 256 : i32
    %add3A_59 = arith.addi %mul3A_2, %add3A_58 : i32
    %dma_start3A_60 = arith.constant 0 : i32
    %dma_start3A_61 = tpu.memref_slice %arg4[%add3A_59, %dma_start3A_60] : memref<98304x128xf32, #tpu.memory_space<hbm>> -> memref<128x128xf32, #tpu.memory_space<hbm>>
    %dma_start3A_62 = arith.constant 0 : i32
    %dma_start3A_63 = tpu.memref_slice %arg4[%add3A_59, %dma_start3A_62] : memref<98304x128xf32, #tpu.memory_space<hbm>> -> memref<128x128xf32, #tpu.memory_space<hbm>>
    tpu.enqueue_dma source(%arg8 : memref<128x128xf32, #tpu.memory_space<vmem>>) target(%dma_start3A_63 : memref<128x128xf32, #tpu.memory_space<hbm>>) target_semaphore(%arg20 : memref<!tpu.dma_semaphore, #tpu.memory_space<semaphore_mem>>)
    %dma_wait3A_64 = arith.constant 0 : i32
    %dma_wait3A_65 = tpu.memref_slice %arg4[%add3A_27, %dma_wait3A_64] : memref<98304x128xf32, #tpu.memory_space<hbm>> -> memref<128x128xf32, #tpu.memory_space<hbm>>
    %dma_wait3A_66 = arith.constant 0 : i32
    %dma_wait3A_67 = tpu.memref_slice %arg4[%add3A_27, %dma_wait3A_66] : memref<98304x128xf32, #tpu.memory_space<hbm>> -> memref<128x128xf32, #tpu.memory_space<hbm>>
    tpu.wait_dma2 semaphore(%arg18 : memref<!tpu.dma_semaphore, #tpu.memory_space<semaphore_mem>>) src(%arg6 : memref<128x128xf32, #tpu.memory_space<vmem>>) dst(%dma_wait3A_67 : memref<128x128xf32, #tpu.memory_space<hbm>>)
    %dma_start3A_68 = arith.constant 768 : i32
    %dma_start3A_69 = tpu.memref_slice %arg5[%dma_start3A_68] : memref<3072xi32, #tpu.memory_space<vmem>> -> memref<128xi32, #tpu.memory_space<vmem>>
    %dma_start3A_70 = arith.constant 0 : i32
    %dma_start3A_71 = arith.constant 0 : i32
    %dma_start3A_72 = tpu.memref_slice %arg2[%dma_start3A_70, %dma_start3A_71] : memref<24576x128xf32, #tpu.memory_space<hbm>> -> memref<24576x128xf32, #tpu.memory_space<hbm>>
    tpu.enqueue_indirect_dma source(%dma_start3A_72 : memref<24576x128xf32, #tpu.memory_space<hbm>>) target(%arg6 : memref<128x128xf32, #tpu.memory_space<vmem>>) offsets(%dma_start3A_69 : memref<128xi32, #tpu.memory_space<vmem>>) semaphore(%arg12 : memref<!tpu.dma_semaphore, #tpu.memory_space<semaphore_mem>>)
    %dma_wait3A_73 = arith.constant 384 : i32
    %dma_wait3A_74 = tpu.memref_slice %arg5[%dma_wait3A_73] : memref<3072xi32, #tpu.memory_space<vmem>> -> memref<128xi32, #tpu.memory_space<vmem>>
    %dma_wait3A_75 = arith.constant 0 : i32
    %dma_wait3A_76 = arith.constant 0 : i32
    %dma_wait3A_77 = tpu.memref_slice %arg2[%dma_wait3A_75, %dma_wait3A_76] : memref<24576x128xf32, #tpu.memory_space<hbm>> -> memref<24576x128xf32, #tpu.memory_space<hbm>>
    tpu.wait_indirect_dma semaphore(%arg15 : memref<!tpu.dma_semaphore, #tpu.memory_space<semaphore_mem>>) src(%dma_wait3A_77 : memref<24576x128xf32, #tpu.memory_space<hbm>>) dst(%arg9 : memref<128x128xf32, #tpu.memory_space<vmem>>)
    %add3A_78 = arith.constant 384 : i32
    %add3A_79 = arith.addi %mul3A_2, %add3A_78 : i32
    %dma_start3A_80 = arith.constant 0 : i32
    %dma_start3A_81 = tpu.memref_slice %arg4[%add3A_79, %dma_start3A_80] : memref<98304x128xf32, #tpu.memory_space<hbm>> -> memref<128x128xf32, #tpu.memory_space<hbm>>
    %dma_start3A_82 = arith.constant 0 : i32
    %dma_start3A_83 = tpu.memref_slice %arg4[%add3A_79, %dma_start3A_82] : memref<98304x128xf32, #tpu.memory_space<hbm>> -> memref<128x128xf32, #tpu.memory_space<hbm>>
    tpu.enqueue_dma source(%arg9 : memref<128x128xf32, #tpu.memory_space<vmem>>) target(%dma_start3A_83 : memref<128x128xf32, #tpu.memory_space<hbm>>) target_semaphore(%arg21 : memref<!tpu.dma_semaphore, #tpu.memory_space<semaphore_mem>>)
    %dma_wait3A_84 = arith.constant 0 : i32
    %dma_wait3A_85 = tpu.memref_slice %arg4[%add3A_43, %dma_wait3A_84] : memref<98304x128xf32, #tpu.memory_space<hbm>> -> memref<128x128xf32, #tpu.memory_space<hbm>>
    %dma_wait3A_86 = arith.constant 0 : i32
    %dma_wait3A_87 = tpu.memref_slice %arg4[%add3A_43, %dma_wait3A_86] : memref<98304x128xf32, #tpu.memory_space<hbm>> -> memref<128x128xf32, #tpu.memory_space<hbm>>
    tpu.wait_dma2 semaphore(%arg19 : memref<!tpu.dma_semaphore, #tpu.memory_space<semaphore_mem>>) src(%arg7 : memref<128x128xf32, #tpu.memory_space<vmem>>) dst(%dma_wait3A_87 : memref<128x128xf32, #tpu.memory_space<hbm>>)
    %dma_start3A_88 = arith.constant 896 : i32
    %dma_start3A_89 = tpu.memref_slice %arg5[%dma_start3A_88] : memref<3072xi32, #tpu.memory_space<vmem>> -> memref<128xi32, #tpu.memory_space<vmem>>
    %dma_start3A_90 = arith.constant 0 : i32
    %dma_start3A_91 = arith.constant 0 : i32
    %dma_start3A_92 = tpu.memref_slice %arg2[%dma_start3A_90, %dma_start3A_91] : memref<24576x128xf32, #tpu.memory_space<hbm>> -> memref<24576x128xf32, #tpu.memory_space<hbm>>
    tpu.enqueue_indirect_dma source(%dma_start3A_92 : memref<24576x128xf32, #tpu.memory_space<hbm>>) target(%arg7 : memref<128x128xf32, #tpu.memory_space<vmem>>) offsets(%dma_start3A_89 : memref<128xi32, #tpu.memory_space<vmem>>) semaphore(%arg13 : memref<!tpu.dma_semaphore, #tpu.memory_space<semaphore_mem>>)
    %dma_wait3A_93 = arith.constant 512 : i32
    %dma_wait3A_94 = tpu.memref_slice %arg5[%dma_wait3A_93] : memref<3072xi32, #tpu.memory_space<vmem>> -> memref<128xi32, #tpu.memory_space<vmem>>
    %dma_wait3A_95 = arith.constant 0 : i32
    %dma_wait3A_96 = arith.constant 0 : i32
    %dma_wait3A_97 = tpu.memref_slice %arg2[%dma_wait3A_95, %dma_wait3A_96] : memref<24576x128xf32, #tpu.memory_space<hbm>> -> memref<24576x128xf32, #tpu.memory_space<hbm>>
    tpu.wait_indirect_dma semaphore(%arg16 : memref<!tpu.dma_semaphore, #tpu.memory_space<semaphore_mem>>) src(%dma_wait3A_97 : memref<24576x128xf32, #tpu.memory_space<hbm>>) dst(%arg10 : memref<128x128xf32, #tpu.memory_space<vmem>>)
    %add3A_98 = arith.constant 512 : i32
    %add3A_99 = arith.addi %mul3A_2, %add3A_98 : i32
    %dma_start3A_100 = arith.constant 0 : i32
    %dma_start3A_101 = tpu.memref_slice %arg4[%add3A_99, %dma_start3A_100] : memref<98304x128xf32, #tpu.memory_space<hbm>> -> memref<128x128xf32, #tpu.memory_space<hbm>>
    %dma_start3A_102 = arith.constant 0 : i32
    %dma_start3A_103 = tpu.memref_slice %arg4[%add3A_99, %dma_start3A_102] : memref<98304x128xf32, #tpu.memory_space<hbm>> -> memref<128x128xf32, #tpu.memory_space<hbm>>
    tpu.enqueue_dma source(%arg10 : memref<128x128xf32, #tpu.memory_space<vmem>>) target(%dma_start3A_103 : memref<128x128xf32, #tpu.memory_space<hbm>>) target_semaphore(%arg22 : memref<!tpu.dma_semaphore, #tpu.memory_space<semaphore_mem>>)
    %dma_wait3A_104 = arith.constant 0 : i32
    %dma_wait3A_105 = tpu.memref_slice %arg4[%add3A_59, %dma_wait3A_104] : memref<98304x128xf32, #tpu.memory_space<hbm>> -> memref<128x128xf32, #tpu.memory_space<hbm>>
    %dma_wait3A_106 = arith.constant 0 : i32
    %dma_wait3A_107 = tpu.memref_slice %arg4[%add3A_59, %dma_wait3A_106] : memref<98304x128xf32, #tpu.memory_space<hbm>> -> memref<128x128xf32, #tpu.memory_space<hbm>>
    tpu.wait_dma2 semaphore(%arg20 : memref<!tpu.dma_semaphore, #tpu.memory_space<semaphore_mem>>) src(%arg8 : memref<128x128xf32, #tpu.memory_space<vmem>>) dst(%dma_wait3A_107 : memref<128x128xf32, #tpu.memory_space<hbm>>)
    %dma_start3A_108 = arith.constant 1024 : i32
    %dma_start3A_109 = tpu.memref_slice %arg5[%dma_start3A_108] : memref<3072xi32, #tpu.memory_space<vmem>> -> memref<128xi32, #tpu.memory_space<vmem>>
    %dma_start3A_110 = arith.constant 0 : i32
    %dma_start3A_111 = arith.constant 0 : i32
    %dma_start3A_112 = tpu.memref_slice %arg2[%dma_start3A_110, %dma_start3A_111] : memref<24576x128xf32, #tpu.memory_space<hbm>> -> memref<24576x128xf32, #tpu.memory_space<hbm>>
    tpu.enqueue_indirect_dma source(%dma_start3A_112 : memref<24576x128xf32, #tpu.memory_space<hbm>>) target(%arg8 : memref<128x128xf32, #tpu.memory_space<vmem>>) offsets(%dma_start3A_109 : memref<128xi32, #tpu.memory_space<vmem>>) semaphore(%arg14 : memref<!tpu.dma_semaphore, #tpu.memory_space<semaphore_mem>>)
    %dma_wait3A_113 = arith.constant 640 : i32
    %dma_wait3A_114 = tpu.memref_slice %arg5[%dma_wait3A_113] : memref<3072xi32, #tpu.memory_space<vmem>> -> memref<128xi32, #tpu.memory_space<vmem>>
    %dma_wait3A_115 = arith.constant 0 : i32
    %dma_wait3A_116 = arith.constant 0 : i32
    %dma_wait3A_117 = tpu.memref_slice %arg2[%dma_wait3A_115, %dma_wait3A_116] : memref<24576x128xf32, #tpu.memory_space<hbm>> -> memref<24576x128xf32, #tpu.memory_space<hbm>>
    tpu.wait_indirect_dma semaphore(%arg17 : memref<!tpu.dma_semaphore, #tpu.memory_space<semaphore_mem>>) src(%dma_wait3A_117 : memref<24576x128xf32, #tpu.memory_space<hbm>>) dst(%arg11 : memref<128x128xf32, #tpu.memory_space<vmem>>)
    %add3A_118 = arith.constant 640 : i32
    %add3A_119 = arith.addi %mul3A_2, %add3A_118 : i32
    %dma_start3A_120 = arith.constant 0 : i32
    %dma_start3A_121 = tpu.memref_slice %arg4[%add3A_119, %dma_start3A_120] : memref<98304x128xf32, #tpu.memory_space<hbm>> -> memref<128x128xf32, #tpu.memory_space<hbm>>
    %dma_start3A_122 = arith.constant 0 : i32
    %dma_start3A_123 = tpu.memref_slice %arg4[%add3A_119, %dma_start3A_122] : memref<98304x128xf32, #tpu.memory_space<hbm>> -> memref<128x128xf32, #tpu.memory_space<hbm>>
    tpu.enqueue_dma source(%arg11 : memref<128x128xf32, #tpu.memory_space<vmem>>) target(%dma_start3A_123 : memref<128x128xf32, #tpu.memory_space<hbm>>) target_semaphore(%arg23 : memref<!tpu.dma_semaphore, #tpu.memory_space<semaphore_mem>>)
    %dma_wait3A_124 = arith.constant 0 : i32
    %dma_wait3A_125 = tpu.memref_slice %arg4[%add3A_79, %dma_wait3A_124] : memref<98304x128xf32, #tpu.memory_space<hbm>> -> memref<128x128xf32, #tpu.memory_space<hbm>>
    %dma_wait3A_126 = arith.constant 0 : i32
    %dma_wait3A_127 = tpu.memref_slice %arg4[%add3A_79, %dma_wait3A_126] : memref<98304x128xf32, #tpu.memory_space<hbm>> -> memref<128x128xf32, #tpu.memory_space<hbm>>
    tpu.wait_dma2 semaphore(%arg21 : memref<!tpu.dma_semaphore, #tpu.memory_space<semaphore_mem>>) src(%arg9 : memref<128x128xf32, #tpu.memory_space<vmem>>) dst(%dma_wait3A_127 : memref<128x128xf32, #tpu.memory_space<hbm>>)
    %dma_start3A_128 = arith.constant 1152 : i32
    %dma_start3A_129 = tpu.memref_slice %arg5[%dma_start3A_128] : memref<3072xi32, #tpu.memory_space<vmem>> -> memref<128xi32, #tpu.memory_space<vmem>>
    %dma_start3A_130 = arith.constant 0 : i32
    %dma_start3A_131 = arith.constant 0 : i32
    %dma_start3A_132 = tpu.memref_slice %arg2[%dma_start3A_130, %dma_start3A_131] : memref<24576x128xf32, #tpu.memory_space<hbm>> -> memref<24576x128xf32, #tpu.memory_space<hbm>>
    tpu.enqueue_indirect_dma source(%dma_start3A_132 : memref<24576x128xf32, #tpu.memory_space<hbm>>) target(%arg9 : memref<128x128xf32, #tpu.memory_space<vmem>>) offsets(%dma_start3A_129 : memref<128xi32, #tpu.memory_space<vmem>>) semaphore(%arg15 : memref<!tpu.dma_semaphore, #tpu.memory_space<semaphore_mem>>)
    %dma_wait3A_133 = arith.constant 768 : i32
    %dma_wait3A_134 = tpu.memref_slice %arg5[%dma_wait3A_133] : memref<3072xi32, #tpu.memory_space<vmem>> -> memref<128xi32, #tpu.memory_space<vmem>>
    %dma_wait3A_135 = arith.constant 0 : i32
    %dma_wait3A_136 = arith.constant 0 : i32
    %dma_wait3A_137 = tpu.memref_slice %arg2[%dma_wait3A_135, %dma_wait3A_136] : memref<24576x128xf32, #tpu.memory_space<hbm>> -> memref<24576x128xf32, #tpu.memory_space<hbm>>
    tpu.wait_indirect_dma semaphore(%arg12 : memref<!tpu.dma_semaphore, #tpu.memory_space<semaphore_mem>>) src(%dma_wait3A_137 : memref<24576x128xf32, #tpu.memory_space<hbm>>) dst(%arg6 : memref<128x128xf32, #tpu.memory_space<vmem>>)
    %add3A_138 = arith.constant 768 : i32
    %add3A_139 = arith.addi %mul3A_2, %add3A_138 : i32
    %dma_start3A_140 = arith.constant 0 : i32
    %dma_start3A_141 = tpu.memref_slice %arg4[%add3A_139, %dma_start3A_140] : memref<98304x128xf32, #tpu.memory_space<hbm>> -> memref<128x128xf32, #tpu.memory_space<hbm>>
    %dma_start3A_142 = arith.constant 0 : i32
    %dma_start3A_143 = tpu.memref_slice %arg4[%add3A_139, %dma_start3A_142] : memref<98304x128xf32, #tpu.memory_space<hbm>> -> memref<128x128xf32, #tpu.memory_space<hbm>>
    tpu.enqueue_dma source(%arg6 : memref<128x128xf32, #tpu.memory_space<vmem>>) target(%dma_start3A_143 : memref<128x128xf32, #tpu.memory_space<hbm>>) target_semaphore(%arg18 : memref<!tpu.dma_semaphore, #tpu.memory_space<semaphore_mem>>)
    %dma_wait3A_144 = arith.constant 0 : i32
    %dma_wait3A_145 = tpu.memref_slice %arg4[%add3A_99, %dma_wait3A_144] : memref<98304x128xf32, #tpu.memory_space<hbm>> -> memref<128x128xf32, #tpu.memory_space<hbm>>
    %dma_wait3A_146 = arith.constant 0 : i32
    %dma_wait3A_147 = tpu.memref_slice %arg4[%add3A_99, %dma_wait3A_146] : memref<98304x128xf32, #tpu.memory_space<hbm>> -> memref<128x128xf32, #tpu.memory_space<hbm>>
    tpu.wait_dma2 semaphore(%arg22 : memref<!tpu.dma_semaphore, #tpu.memory_space<semaphore_mem>>) src(%arg10 : memref<128x128xf32, #tpu.memory_space<vmem>>) dst(%dma_wait3A_147 : memref<128x128xf32, #tpu.memory_space<hbm>>)
    %dma_start3A_148 = arith.constant 1280 : i32
    %dma_start3A_149 = tpu.memref_slice %arg5[%dma_start3A_148] : memref<3072xi32, #tpu.memory_space<vmem>> -> memref<128xi32, #tpu.memory_space<vmem>>
    %dma_start3A_150 = arith.constant 0 : i32
    %dma_start3A_151 = arith.constant 0 : i32
    %dma_start3A_152 = tpu.memref_slice %arg2[%dma_start3A_150, %dma_start3A_151] : memref<24576x128xf32, #tpu.memory_space<hbm>> -> memref<24576x128xf32, #tpu.memory_space<hbm>>
    tpu.enqueue_indirect_dma source(%dma_start3A_152 : memref<24576x128xf32, #tpu.memory_space<hbm>>) target(%arg10 : memref<128x128xf32, #tpu.memory_space<vmem>>) offsets(%dma_start3A_149 : memref<128xi32, #tpu.memory_space<vmem>>) semaphore(%arg16 : memref<!tpu.dma_semaphore, #tpu.memory_space<semaphore_mem>>)
    %dma_wait3A_153 = arith.constant 896 : i32
    %dma_wait3A_154 = tpu.memref_slice %arg5[%dma_wait3A_153] : memref<3072xi32, #tpu.memory_space<vmem>> -> memref<128xi32, #tpu.memory_space<vmem>>
    %dma_wait3A_155 = arith.constant 0 : i32
    %dma_wait3A_156 = arith.constant 0 : i32
    %dma_wait3A_157 = tpu.memref_slice %arg2[%dma_wait3A_155, %dma_wait3A_156] : memref<24576x128xf32, #tpu.memory_space<hbm>> -> memref<24576x128xf32, #tpu.memory_space<hbm>>
    tpu.wait_indirect_dma semaphore(%arg13 : memref<!tpu.dma_semaphore, #tpu.memory_space<semaphore_mem>>) src(%dma_wait3A_157 : memref<24576x128xf32, #tpu.memory_space<hbm>>) dst(%arg7 : memref<128x128xf32, #tpu.memory_space<vmem>>)
    %add3A_158 = arith.constant 896 : i32
    %add3A_159 = arith.addi %mul3A_2, %add3A_158 : i32
    %dma_start3A_160 = arith.constant 0 : i32
    %dma_start3A_161 = tpu.memref_slice %arg4[%add3A_159, %dma_start3A_160] : memref<98304x128xf32, #tpu.memory_space<hbm>> -> memref<128x128xf32, #tpu.memory_space<hbm>>
    %dma_start3A_162 = arith.constant 0 : i32
    %dma_start3A_163 = tpu.memref_slice %arg4[%add3A_159, %dma_start3A_162] : memref<98304x128xf32, #tpu.memory_space<hbm>> -> memref<128x128xf32, #tpu.memory_space<hbm>>
    tpu.enqueue_dma source(%arg7 : memref<128x128xf32, #tpu.memory_space<vmem>>) target(%dma_start3A_163 : memref<128x128xf32, #tpu.memory_space<hbm>>) target_semaphore(%arg19 : memref<!tpu.dma_semaphore, #tpu.memory_space<semaphore_mem>>)
    %dma_wait3A_164 = arith.constant 0 : i32
    %dma_wait3A_165 = tpu.memref_slice %arg4[%add3A_119, %dma_wait3A_164] : memref<98304x128xf32, #tpu.memory_space<hbm>> -> memref<128x128xf32, #tpu.memory_space<hbm>>
    %dma_wait3A_166 = arith.constant 0 : i32
    %dma_wait3A_167 = tpu.memref_slice %arg4[%add3A_119, %dma_wait3A_166] : memref<98304x128xf32, #tpu.memory_space<hbm>> -> memref<128x128xf32, #tpu.memory_space<hbm>>
    tpu.wait_dma2 semaphore(%arg23 : memref<!tpu.dma_semaphore, #tpu.memory_space<semaphore_mem>>) src(%arg11 : memref<128x128xf32, #tpu.memory_space<vmem>>) dst(%dma_wait3A_167 : memref<128x128xf32, #tpu.memory_space<hbm>>)
    %dma_start3A_168 = arith.constant 1408 : i32
    %dma_start3A_169 = tpu.memref_slice %arg5[%dma_start3A_168] : memref<3072xi32, #tpu.memory_space<vmem>> -> memref<128xi32, #tpu.memory_space<vmem>>
    %dma_start3A_170 = arith.constant 0 : i32
    %dma_start3A_171 = arith.constant 0 : i32
    %dma_start3A_172 = tpu.memref_slice %arg2[%dma_start3A_170, %dma_start3A_171] : memref<24576x128xf32, #tpu.memory_space<hbm>> -> memref<24576x128xf32, #tpu.memory_space<hbm>>
    tpu.enqueue_indirect_dma source(%dma_start3A_172 : memref<24576x128xf32, #tpu.memory_space<hbm>>) target(%arg11 : memref<128x128xf32, #tpu.memory_space<vmem>>) offsets(%dma_start3A_169 : memref<128xi32, #tpu.memory_space<vmem>>) semaphore(%arg17 : memref<!tpu.dma_semaphore, #tpu.memory_space<semaphore_mem>>)
    %dma_wait3A_173 = arith.constant 1024 : i32
    %dma_wait3A_174 = tpu.memref_slice %arg5[%dma_wait3A_173] : memref<3072xi32, #tpu.memory_space<vmem>> -> memref<128xi32, #tpu.memory_space<vmem>>
    %dma_wait3A_175 = arith.constant 0 : i32
    %dma_wait3A_176 = arith.constant 0 : i32
    %dma_wait3A_177 = tpu.memref_slice %arg2[%dma_wait3A_175, %dma_wait3A_176] : memref<24576x128xf32, #tpu.memory_space<hbm>> -> memref<24576x128xf32, #tpu.memory_space<hbm>>
    tpu.wait_indirect_dma semaphore(%arg14 : memref<!tpu.dma_semaphore, #tpu.memory_space<semaphore_mem>>) src(%dma_wait3A_177 : memref<24576x128xf32, #tpu.memory_space<hbm>>) dst(%arg8 : memref<128x128xf32, #tpu.memory_space<vmem>>)
    %add3A_178 = arith.constant 1024 : i32
    %add3A_179 = arith.addi %mul3A_2, %add3A_178 : i32
    %dma_start3A_180 = arith.constant 0 : i32
    %dma_start3A_181 = tpu.memref_slice %arg4[%add3A_179, %dma_start3A_180] : memref<98304x128xf32, #tpu.memory_space<hbm>> -> memref<128x128xf32, #tpu.memory_space<hbm>>
    %dma_start3A_182 = arith.constant 0 : i32
    %dma_start3A_183 = tpu.memref_slice %arg4[%add3A_179, %dma_start3A_182] : memref<98304x128xf32, #tpu.memory_space<hbm>> -> memref<128x128xf32, #tpu.memory_space<hbm>>
    tpu.enqueue_dma source(%arg8 : memref<128x128xf32, #tpu.memory_space<vmem>>) target(%dma_start3A_183 : memref<128x128xf32, #tpu.memory_space<hbm>>) target_semaphore(%arg20 : memref<!tpu.dma_semaphore, #tpu.memory_space<semaphore_mem>>)
    %dma_wait3A_184 = arith.constant 0 : i32
    %dma_wait3A_185 = tpu.memref_slice %arg4[%add3A_139, %dma_wait3A_184] : memref<98304x128xf32, #tpu.memory_space<hbm>> -> memref<128x128xf32, #tpu.memory_space<hbm>>
    %dma_wait3A_186 = arith.constant 0 : i32
    %dma_wait3A_187 = tpu.memref_slice %arg4[%add3A_139, %dma_wait3A_186] : memref<98304x128xf32, #tpu.memory_space<hbm>> -> memref<128x128xf32, #tpu.memory_space<hbm>>
    tpu.wait_dma2 semaphore(%arg18 : memref<!tpu.dma_semaphore, #tpu.memory_space<semaphore_mem>>) src(%arg6 : memref<128x128xf32, #tpu.memory_space<vmem>>) dst(%dma_wait3A_187 : memref<128x128xf32, #tpu.memory_space<hbm>>)
    %dma_start3A_188 = arith.constant 1536 : i32
    %dma_start3A_189 = tpu.memref_slice %arg5[%dma_start3A_188] : memref<3072xi32, #tpu.memory_space<vmem>> -> memref<128xi32, #tpu.memory_space<vmem>>
    %dma_start3A_190 = arith.constant 0 : i32
    %dma_start3A_191 = arith.constant 0 : i32
    %dma_start3A_192 = tpu.memref_slice %arg2[%dma_start3A_190, %dma_start3A_191] : memref<24576x128xf32, #tpu.memory_space<hbm>> -> memref<24576x128xf32, #tpu.memory_space<hbm>>
    tpu.enqueue_indirect_dma source(%dma_start3A_192 : memref<24576x128xf32, #tpu.memory_space<hbm>>) target(%arg6 : memref<128x128xf32, #tpu.memory_space<vmem>>) offsets(%dma_start3A_189 : memref<128xi32, #tpu.memory_space<vmem>>) semaphore(%arg12 : memref<!tpu.dma_semaphore, #tpu.memory_space<semaphore_mem>>)
    %dma_wait3A_193 = arith.constant 1152 : i32
    %dma_wait3A_194 = tpu.memref_slice %arg5[%dma_wait3A_193] : memref<3072xi32, #tpu.memory_space<vmem>> -> memref<128xi32, #tpu.memory_space<vmem>>
    %dma_wait3A_195 = arith.constant 0 : i32
    %dma_wait3A_196 = arith.constant 0 : i32
    %dma_wait3A_197 = tpu.memref_slice %arg2[%dma_wait3A_195, %dma_wait3A_196] : memref<24576x128xf32, #tpu.memory_space<hbm>> -> memref<24576x128xf32, #tpu.memory_space<hbm>>
    tpu.wait_indirect_dma semaphore(%arg15 : memref<!tpu.dma_semaphore, #tpu.memory_space<semaphore_mem>>) src(%dma_wait3A_197 : memref<24576x128xf32, #tpu.memory_space<hbm>>) dst(%arg9 : memref<128x128xf32, #tpu.memory_space<vmem>>)
    %add3A_198 = arith.constant 1152 : i32
    %add3A_199 = arith.addi %mul3A_2, %add3A_198 : i32
    %dma_start3A_200 = arith.constant 0 : i32
    %dma_start3A_201 = tpu.memref_slice %arg4[%add3A_199, %dma_start3A_200] : memref<98304x128xf32, #tpu.memory_space<hbm>> -> memref<128x128xf32, #tpu.memory_space<hbm>>
    %dma_start3A_202 = arith.constant 0 : i32
    %dma_start3A_203 = tpu.memref_slice %arg4[%add3A_199, %dma_start3A_202] : memref<98304x128xf32, #tpu.memory_space<hbm>> -> memref<128x128xf32, #tpu.memory_space<hbm>>
    tpu.enqueue_dma source(%arg9 : memref<128x128xf32, #tpu.memory_space<vmem>>) target(%dma_start3A_203 : memref<128x128xf32, #tpu.memory_space<hbm>>) target_semaphore(%arg21 : memref<!tpu.dma_semaphore, #tpu.memory_space<semaphore_mem>>)
    %dma_wait3A_204 = arith.constant 0 : i32
    %dma_wait3A_205 = tpu.memref_slice %arg4[%add3A_159, %dma_wait3A_204] : memref<98304x128xf32, #tpu.memory_space<hbm>> -> memref<128x128xf32, #tpu.memory_space<hbm>>
    %dma_wait3A_206 = arith.constant 0 : i32
    %dma_wait3A_207 = tpu.memref_slice %arg4[%add3A_159, %dma_wait3A_206] : memref<98304x128xf32, #tpu.memory_space<hbm>> -> memref<128x128xf32, #tpu.memory_space<hbm>>
    tpu.wait_dma2 semaphore(%arg19 : memref<!tpu.dma_semaphore, #tpu.memory_space<semaphore_mem>>) src(%arg7 : memref<128x128xf32, #tpu.memory_space<vmem>>) dst(%dma_wait3A_207 : memref<128x128xf32, #tpu.memory_space<hbm>>)
    %dma_start3A_208 = arith.constant 1664 : i32
    %dma_start3A_209 = tpu.memref_slice %arg5[%dma_start3A_208] : memref<3072xi32, #tpu.memory_space<vmem>> -> memref<128xi32, #tpu.memory_space<vmem>>
    %dma_start3A_210 = arith.constant 0 : i32
    %dma_start3A_211 = arith.constant 0 : i32
    %dma_start3A_212 = tpu.memref_slice %arg2[%dma_start3A_210, %dma_start3A_211] : memref<24576x128xf32, #tpu.memory_space<hbm>> -> memref<24576x128xf32, #tpu.memory_space<hbm>>
    tpu.enqueue_indirect_dma source(%dma_start3A_212 : memref<24576x128xf32, #tpu.memory_space<hbm>>) target(%arg7 : memref<128x128xf32, #tpu.memory_space<vmem>>) offsets(%dma_start3A_209 : memref<128xi32, #tpu.memory_space<vmem>>) semaphore(%arg13 : memref<!tpu.dma_semaphore, #tpu.memory_space<semaphore_mem>>)
    %dma_wait3A_213 = arith.constant 1280 : i32
    %dma_wait3A_214 = tpu.memref_slice %arg5[%dma_wait3A_213] : memref<3072xi32, #tpu.memory_space<vmem>> -> memref<128xi32, #tpu.memory_space<vmem>>
    %dma_wait3A_215 = arith.constant 0 : i32
    %dma_wait3A_216 = arith.constant 0 : i32
    %dma_wait3A_217 = tpu.memref_slice %arg2[%dma_wait3A_215, %dma_wait3A_216] : memref<24576x128xf32, #tpu.memory_space<hbm>> -> memref<24576x128xf32, #tpu.memory_space<hbm>>
    tpu.wait_indirect_dma semaphore(%arg16 : memref<!tpu.dma_semaphore, #tpu.memory_space<semaphore_mem>>) src(%dma_wait3A_217 : memref<24576x128xf32, #tpu.memory_space<hbm>>) dst(%arg10 : memref<128x128xf32, #tpu.memory_space<vmem>>)
    %add3A_218 = arith.constant 1280 : i32
    %add3A_219 = arith.addi %mul3A_2, %add3A_218 : i32
    %dma_start3A_220 = arith.constant 0 : i32
    %dma_start3A_221 = tpu.memref_slice %arg4[%add3A_219, %dma_start3A_220] : memref<98304x128xf32, #tpu.memory_space<hbm>> -> memref<128x128xf32, #tpu.memory_space<hbm>>
    %dma_start3A_222 = arith.constant 0 : i32
    %dma_start3A_223 = tpu.memref_slice %arg4[%add3A_219, %dma_start3A_222] : memref<98304x128xf32, #tpu.memory_space<hbm>> -> memref<128x128xf32, #tpu.memory_space<hbm>>
    tpu.enqueue_dma source(%arg10 : memref<128x128xf32, #tpu.memory_space<vmem>>) target(%dma_start3A_223 : memref<128x128xf32, #tpu.memory_space<hbm>>) target_semaphore(%arg22 : memref<!tpu.dma_semaphore, #tpu.memory_space<semaphore_mem>>)
    %dma_wait3A_224 = arith.constant 0 : i32
    %dma_wait3A_225 = tpu.memref_slice %arg4[%add3A_179, %dma_wait3A_224] : memref<98304x128xf32, #tpu.memory_space<hbm>> -> memref<128x128xf32, #tpu.memory_space<hbm>>
    %dma_wait3A_226 = arith.constant 0 : i32
    %dma_wait3A_227 = tpu.memref_slice %arg4[%add3A_179, %dma_wait3A_226] : memref<98304x128xf32, #tpu.memory_space<hbm>> -> memref<128x128xf32, #tpu.memory_space<hbm>>
    tpu.wait_dma2 semaphore(%arg20 : memref<!tpu.dma_semaphore, #tpu.memory_space<semaphore_mem>>) src(%arg8 : memref<128x128xf32, #tpu.memory_space<vmem>>) dst(%dma_wait3A_227 : memref<128x128xf32, #tpu.memory_space<hbm>>)
    %dma_start3A_228 = arith.constant 1792 : i32
    %dma_start3A_229 = tpu.memref_slice %arg5[%dma_start3A_228] : memref<3072xi32, #tpu.memory_space<vmem>> -> memref<128xi32, #tpu.memory_space<vmem>>
    %dma_start3A_230 = arith.constant 0 : i32
    %dma_start3A_231 = arith.constant 0 : i32
    %dma_start3A_232 = tpu.memref_slice %arg2[%dma_start3A_230, %dma_start3A_231] : memref<24576x128xf32, #tpu.memory_space<hbm>> -> memref<24576x128xf32, #tpu.memory_space<hbm>>
    tpu.enqueue_indirect_dma source(%dma_start3A_232 : memref<24576x128xf32, #tpu.memory_space<hbm>>) target(%arg8 : memref<128x128xf32, #tpu.memory_space<vmem>>) offsets(%dma_start3A_229 : memref<128xi32, #tpu.memory_space<vmem>>) semaphore(%arg14 : memref<!tpu.dma_semaphore, #tpu.memory_space<semaphore_mem>>)
    %dma_wait3A_233 = arith.constant 1408 : i32
    %dma_wait3A_234 = tpu.memref_slice %arg5[%dma_wait3A_233] : memref<3072xi32, #tpu.memory_space<vmem>> -> memref<128xi32, #tpu.memory_space<vmem>>
    %dma_wait3A_235 = arith.constant 0 : i32
    %dma_wait3A_236 = arith.constant 0 : i32
    %dma_wait3A_237 = tpu.memref_slice %arg2[%dma_wait3A_235, %dma_wait3A_236] : memref<24576x128xf32, #tpu.memory_space<hbm>> -> memref<24576x128xf32, #tpu.memory_space<hbm>>
    tpu.wait_indirect_dma semaphore(%arg17 : memref<!tpu.dma_semaphore, #tpu.memory_space<semaphore_mem>>) src(%dma_wait3A_237 : memref<24576x128xf32, #tpu.memory_space<hbm>>) dst(%arg11 : memref<128x128xf32, #tpu.memory_space<vmem>>)
    %add3A_238 = arith.constant 1408 : i32
    %add3A_239 = arith.addi %mul3A_2, %add3A_238 : i32
    %dma_start3A_240 = arith.constant 0 : i32
    %dma_start3A_241 = tpu.memref_slice %arg4[%add3A_239, %dma_start3A_240] : memref<98304x128xf32, #tpu.memory_space<hbm>> -> memref<128x128xf32, #tpu.memory_space<hbm>>
    %dma_start3A_242 = arith.constant 0 : i32
    %dma_start3A_243 = tpu.memref_slice %arg4[%add3A_239, %dma_start3A_242] : memref<98304x128xf32, #tpu.memory_space<hbm>> -> memref<128x128xf32, #tpu.memory_space<hbm>>
    tpu.enqueue_dma source(%arg11 : memref<128x128xf32, #tpu.memory_space<vmem>>) target(%dma_start3A_243 : memref<128x128xf32, #tpu.memory_space<hbm>>) target_semaphore(%arg23 : memref<!tpu.dma_semaphore, #tpu.memory_space<semaphore_mem>>)
    %dma_wait3A_244 = arith.constant 0 : i32
    %dma_wait3A_245 = tpu.memref_slice %arg4[%add3A_199, %dma_wait3A_244] : memref<98304x128xf32, #tpu.memory_space<hbm>> -> memref<128x128xf32, #tpu.memory_space<hbm>>
    %dma_wait3A_246 = arith.constant 0 : i32
    %dma_wait3A_247 = tpu.memref_slice %arg4[%add3A_199, %dma_wait3A_246] : memref<98304x128xf32, #tpu.memory_space<hbm>> -> memref<128x128xf32, #tpu.memory_space<hbm>>
    tpu.wait_dma2 semaphore(%arg21 : memref<!tpu.dma_semaphore, #tpu.memory_space<semaphore_mem>>) src(%arg9 : memref<128x128xf32, #tpu.memory_space<vmem>>) dst(%dma_wait3A_247 : memref<128x128xf32, #tpu.memory_space<hbm>>)
    %dma_start3A_248 = arith.constant 1920 : i32
    %dma_start3A_249 = tpu.memref_slice %arg5[%dma_start3A_248] : memref<3072xi32, #tpu.memory_space<vmem>> -> memref<128xi32, #tpu.memory_space<vmem>>
    %dma_start3A_250 = arith.constant 0 : i32
    %dma_start3A_251 = arith.constant 0 : i32
    %dma_start3A_252 = tpu.memref_slice %arg2[%dma_start3A_250, %dma_start3A_251] : memref<24576x128xf32, #tpu.memory_space<hbm>> -> memref<24576x128xf32, #tpu.memory_space<hbm>>
    tpu.enqueue_indirect_dma source(%dma_start3A_252 : memref<24576x128xf32, #tpu.memory_space<hbm>>) target(%arg9 : memref<128x128xf32, #tpu.memory_space<vmem>>) offsets(%dma_start3A_249 : memref<128xi32, #tpu.memory_space<vmem>>) semaphore(%arg15 : memref<!tpu.dma_semaphore, #tpu.memory_space<semaphore_mem>>)
    %dma_wait3A_253 = arith.constant 1536 : i32
    %dma_wait3A_254 = tpu.memref_slice %arg5[%dma_wait3A_253] : memref<3072xi32, #tpu.memory_space<vmem>> -> memref<128xi32, #tpu.memory_space<vmem>>
    %dma_wait3A_255 = arith.constant 0 : i32
    %dma_wait3A_256 = arith.constant 0 : i32
    %dma_wait3A_257 = tpu.memref_slice %arg2[%dma_wait3A_255, %dma_wait3A_256] : memref<24576x128xf32, #tpu.memory_space<hbm>> -> memref<24576x128xf32, #tpu.memory_space<hbm>>
    tpu.wait_indirect_dma semaphore(%arg12 : memref<!tpu.dma_semaphore, #tpu.memory_space<semaphore_mem>>) src(%dma_wait3A_257 : memref<24576x128xf32, #tpu.memory_space<hbm>>) dst(%arg6 : memref<128x128xf32, #tpu.memory_space<vmem>>)
    %add3A_258 = arith.constant 1536 : i32
    %add3A_259 = arith.addi %mul3A_2, %add3A_258 : i32
    %dma_start3A_260 = arith.constant 0 : i32
    %dma_start3A_261 = tpu.memref_slice %arg4[%add3A_259, %dma_start3A_260] : memref<98304x128xf32, #tpu.memory_space<hbm>> -> memref<128x128xf32, #tpu.memory_space<hbm>>
    %dma_start3A_262 = arith.constant 0 : i32
    %dma_start3A_263 = tpu.memref_slice %arg4[%add3A_259, %dma_start3A_262] : memref<98304x128xf32, #tpu.memory_space<hbm>> -> memref<128x128xf32, #tpu.memory_space<hbm>>
    tpu.enqueue_dma source(%arg6 : memref<128x128xf32, #tpu.memory_space<vmem>>) target(%dma_start3A_263 : memref<128x128xf32, #tpu.memory_space<hbm>>) target_semaphore(%arg18 : memref<!tpu.dma_semaphore, #tpu.memory_space<semaphore_mem>>)
    %dma_wait3A_264 = arith.constant 0 : i32
    %dma_wait3A_265 = tpu.memref_slice %arg4[%add3A_219, %dma_wait3A_264] : memref<98304x128xf32, #tpu.memory_space<hbm>> -> memref<128x128xf32, #tpu.memory_space<hbm>>
    %dma_wait3A_266 = arith.constant 0 : i32
    %dma_wait3A_267 = tpu.memref_slice %arg4[%add3A_219, %dma_wait3A_266] : memref<98304x128xf32, #tpu.memory_space<hbm>> -> memref<128x128xf32, #tpu.memory_space<hbm>>
    tpu.wait_dma2 semaphore(%arg22 : memref<!tpu.dma_semaphore, #tpu.memory_space<semaphore_mem>>) src(%arg10 : memref<128x128xf32, #tpu.memory_space<vmem>>) dst(%dma_wait3A_267 : memref<128x128xf32, #tpu.memory_space<hbm>>)
    %dma_start3A_268 = arith.constant 2048 : i32
    %dma_start3A_269 = tpu.memref_slice %arg5[%dma_start3A_268] : memref<3072xi32, #tpu.memory_space<vmem>> -> memref<128xi32, #tpu.memory_space<vmem>>
    %dma_start3A_270 = arith.constant 0 : i32
    %dma_start3A_271 = arith.constant 0 : i32
    %dma_start3A_272 = tpu.memref_slice %arg2[%dma_start3A_270, %dma_start3A_271] : memref<24576x128xf32, #tpu.memory_space<hbm>> -> memref<24576x128xf32, #tpu.memory_space<hbm>>
    tpu.enqueue_indirect_dma source(%dma_start3A_272 : memref<24576x128xf32, #tpu.memory_space<hbm>>) target(%arg10 : memref<128x128xf32, #tpu.memory_space<vmem>>) offsets(%dma_start3A_269 : memref<128xi32, #tpu.memory_space<vmem>>) semaphore(%arg16 : memref<!tpu.dma_semaphore, #tpu.memory_space<semaphore_mem>>)
    %dma_wait3A_273 = arith.constant 1664 : i32
    %dma_wait3A_274 = tpu.memref_slice %arg5[%dma_wait3A_273] : memref<3072xi32, #tpu.memory_space<vmem>> -> memref<128xi32, #tpu.memory_space<vmem>>
    %dma_wait3A_275 = arith.constant 0 : i32
    %dma_wait3A_276 = arith.constant 0 : i32
    %dma_wait3A_277 = tpu.memref_slice %arg2[%dma_wait3A_275, %dma_wait3A_276] : memref<24576x128xf32, #tpu.memory_space<hbm>> -> memref<24576x128xf32, #tpu.memory_space<hbm>>
    tpu.wait_indirect_dma semaphore(%arg13 : memref<!tpu.dma_semaphore, #tpu.memory_space<semaphore_mem>>) src(%dma_wait3A_277 : memref<24576x128xf32, #tpu.memory_space<hbm>>) dst(%arg7 : memref<128x128xf32, #tpu.memory_space<vmem>>)
    %add3A_278 = arith.constant 1664 : i32
    %add3A_279 = arith.addi %mul3A_2, %add3A_278 : i32
    %dma_start3A_280 = arith.constant 0 : i32
    %dma_start3A_281 = tpu.memref_slice %arg4[%add3A_279, %dma_start3A_280] : memref<98304x128xf32, #tpu.memory_space<hbm>> -> memref<128x128xf32, #tpu.memory_space<hbm>>
    %dma_start3A_282 = arith.constant 0 : i32
    %dma_start3A_283 = tpu.memref_slice %arg4[%add3A_279, %dma_start3A_282] : memref<98304x128xf32, #tpu.memory_space<hbm>> -> memref<128x128xf32, #tpu.memory_space<hbm>>
    tpu.enqueue_dma source(%arg7 : memref<128x128xf32, #tpu.memory_space<vmem>>) target(%dma_start3A_283 : memref<128x128xf32, #tpu.memory_space<hbm>>) target_semaphore(%arg19 : memref<!tpu.dma_semaphore, #tpu.memory_space<semaphore_mem>>)
    %dma_wait3A_284 = arith.constant 0 : i32
    %dma_wait3A_285 = tpu.memref_slice %arg4[%add3A_239, %dma_wait3A_284] : memref<98304x128xf32, #tpu.memory_space<hbm>> -> memref<128x128xf32, #tpu.memory_space<hbm>>
    %dma_wait3A_286 = arith.constant 0 : i32
    %dma_wait3A_287 = tpu.memref_slice %arg4[%add3A_239, %dma_wait3A_286] : memref<98304x128xf32, #tpu.memory_space<hbm>> -> memref<128x128xf32, #tpu.memory_space<hbm>>
    tpu.wait_dma2 semaphore(%arg23 : memref<!tpu.dma_semaphore, #tpu.memory_space<semaphore_mem>>) src(%arg11 : memref<128x128xf32, #tpu.memory_space<vmem>>) dst(%dma_wait3A_287 : memref<128x128xf32, #tpu.memory_space<hbm>>)
    %dma_start3A_288 = arith.constant 2176 : i32
    %dma_start3A_289 = tpu.memref_slice %arg5[%dma_start3A_288] : memref<3072xi32, #tpu.memory_space<vmem>> -> memref<128xi32, #tpu.memory_space<vmem>>
    %dma_start3A_290 = arith.constant 0 : i32
    %dma_start3A_291 = arith.constant 0 : i32
    %dma_start3A_292 = tpu.memref_slice %arg2[%dma_start3A_290, %dma_start3A_291] : memref<24576x128xf32, #tpu.memory_space<hbm>> -> memref<24576x128xf32, #tpu.memory_space<hbm>>
    tpu.enqueue_indirect_dma source(%dma_start3A_292 : memref<24576x128xf32, #tpu.memory_space<hbm>>) target(%arg11 : memref<128x128xf32, #tpu.memory_space<vmem>>) offsets(%dma_start3A_289 : memref<128xi32, #tpu.memory_space<vmem>>) semaphore(%arg17 : memref<!tpu.dma_semaphore, #tpu.memory_space<semaphore_mem>>)
    %dma_wait3A_293 = arith.constant 1792 : i32
    %dma_wait3A_294 = tpu.memref_slice %arg5[%dma_wait3A_293] : memref<3072xi32, #tpu.memory_space<vmem>> -> memref<128xi32, #tpu.memory_space<vmem>>
    %dma_wait3A_295 = arith.constant 0 : i32
    %dma_wait3A_296 = arith.constant 0 : i32
    %dma_wait3A_297 = tpu.memref_slice %arg2[%dma_wait3A_295, %dma_wait3A_296] : memref<24576x128xf32, #tpu.memory_space<hbm>> -> memref<24576x128xf32, #tpu.memory_space<hbm>>
    tpu.wait_indirect_dma semaphore(%arg14 : memref<!tpu.dma_semaphore, #tpu.memory_space<semaphore_mem>>) src(%dma_wait3A_297 : memref<24576x128xf32, #tpu.memory_space<hbm>>) dst(%arg8 : memref<128x128xf32, #tpu.memory_space<vmem>>)
    %add3A_298 = arith.constant 1792 : i32
    %add3A_299 = arith.addi %mul3A_2, %add3A_298 : i32
    %dma_start3A_300 = arith.constant 0 : i32
    %dma_start3A_301 = tpu.memref_slice %arg4[%add3A_299, %dma_start3A_300] : memref<98304x128xf32, #tpu.memory_space<hbm>> -> memref<128x128xf32, #tpu.memory_space<hbm>>
    %dma_start3A_302 = arith.constant 0 : i32
    %dma_start3A_303 = tpu.memref_slice %arg4[%add3A_299, %dma_start3A_302] : memref<98304x128xf32, #tpu.memory_space<hbm>> -> memref<128x128xf32, #tpu.memory_space<hbm>>
    tpu.enqueue_dma source(%arg8 : memref<128x128xf32, #tpu.memory_space<vmem>>) target(%dma_start3A_303 : memref<128x128xf32, #tpu.memory_space<hbm>>) target_semaphore(%arg20 : memref<!tpu.dma_semaphore, #tpu.memory_space<semaphore_mem>>)
    %dma_wait3A_304 = arith.constant 0 : i32
    %dma_wait3A_305 = tpu.memref_slice %arg4[%add3A_259, %dma_wait3A_304] : memref<98304x128xf32, #tpu.memory_space<hbm>> -> memref<128x128xf32, #tpu.memory_space<hbm>>
    %dma_wait3A_306 = arith.constant 0 : i32
    %dma_wait3A_307 = tpu.memref_slice %arg4[%add3A_259, %dma_wait3A_306] : memref<98304x128xf32, #tpu.memory_space<hbm>> -> memref<128x128xf32, #tpu.memory_space<hbm>>
    tpu.wait_dma2 semaphore(%arg18 : memref<!tpu.dma_semaphore, #tpu.memory_space<semaphore_mem>>) src(%arg6 : memref<128x128xf32, #tpu.memory_space<vmem>>) dst(%dma_wait3A_307 : memref<128x128xf32, #tpu.memory_space<hbm>>)
    %dma_start3A_308 = arith.constant 2304 : i32
    %dma_start3A_309 = tpu.memref_slice %arg5[%dma_start3A_308] : memref<3072xi32, #tpu.memory_space<vmem>> -> memref<128xi32, #tpu.memory_space<vmem>>
    %dma_start3A_310 = arith.constant 0 : i32
    %dma_start3A_311 = arith.constant 0 : i32
    %dma_start3A_312 = tpu.memref_slice %arg2[%dma_start3A_310, %dma_start3A_311] : memref<24576x128xf32, #tpu.memory_space<hbm>> -> memref<24576x128xf32, #tpu.memory_space<hbm>>
    tpu.enqueue_indirect_dma source(%dma_start3A_312 : memref<24576x128xf32, #tpu.memory_space<hbm>>) target(%arg6 : memref<128x128xf32, #tpu.memory_space<vmem>>) offsets(%dma_start3A_309 : memref<128xi32, #tpu.memory_space<vmem>>) semaphore(%arg12 : memref<!tpu.dma_semaphore, #tpu.memory_space<semaphore_mem>>)
    %dma_wait3A_313 = arith.constant 1920 : i32
    %dma_wait3A_314 = tpu.memref_slice %arg5[%dma_wait3A_313] : memref<3072xi32, #tpu.memory_space<vmem>> -> memref<128xi32, #tpu.memory_space<vmem>>
    %dma_wait3A_315 = arith.constant 0 : i32
    %dma_wait3A_316 = arith.constant 0 : i32
    %dma_wait3A_317 = tpu.memref_slice %arg2[%dma_wait3A_315, %dma_wait3A_316] : memref<24576x128xf32, #tpu.memory_space<hbm>> -> memref<24576x128xf32, #tpu.memory_space<hbm>>
    tpu.wait_indirect_dma semaphore(%arg15 : memref<!tpu.dma_semaphore, #tpu.memory_space<semaphore_mem>>) src(%dma_wait3A_317 : memref<24576x128xf32, #tpu.memory_space<hbm>>) dst(%arg9 : memref<128x128xf32, #tpu.memory_space<vmem>>)
    %add3A_318 = arith.constant 1920 : i32
    %add3A_319 = arith.addi %mul3A_2, %add3A_318 : i32
    %dma_start3A_320 = arith.constant 0 : i32
    %dma_start3A_321 = tpu.memref_slice %arg4[%add3A_319, %dma_start3A_320] : memref<98304x128xf32, #tpu.memory_space<hbm>> -> memref<128x128xf32, #tpu.memory_space<hbm>>
    %dma_start3A_322 = arith.constant 0 : i32
    %dma_start3A_323 = tpu.memref_slice %arg4[%add3A_319, %dma_start3A_322] : memref<98304x128xf32, #tpu.memory_space<hbm>> -> memref<128x128xf32, #tpu.memory_space<hbm>>
    tpu.enqueue_dma source(%arg9 : memref<128x128xf32, #tpu.memory_space<vmem>>) target(%dma_start3A_323 : memref<128x128xf32, #tpu.memory_space<hbm>>) target_semaphore(%arg21 : memref<!tpu.dma_semaphore, #tpu.memory_space<semaphore_mem>>)
    %dma_wait3A_324 = arith.constant 0 : i32
    %dma_wait3A_325 = tpu.memref_slice %arg4[%add3A_279, %dma_wait3A_324] : memref<98304x128xf32, #tpu.memory_space<hbm>> -> memref<128x128xf32, #tpu.memory_space<hbm>>
    %dma_wait3A_326 = arith.constant 0 : i32
    %dma_wait3A_327 = tpu.memref_slice %arg4[%add3A_279, %dma_wait3A_326] : memref<98304x128xf32, #tpu.memory_space<hbm>> -> memref<128x128xf32, #tpu.memory_space<hbm>>
    tpu.wait_dma2 semaphore(%arg19 : memref<!tpu.dma_semaphore, #tpu.memory_space<semaphore_mem>>) src(%arg7 : memref<128x128xf32, #tpu.memory_space<vmem>>) dst(%dma_wait3A_327 : memref<128x128xf32, #tpu.memory_space<hbm>>)
    %dma_start3A_328 = arith.constant 2432 : i32
    %dma_start3A_329 = tpu.memref_slice %arg5[%dma_start3A_328] : memref<3072xi32, #tpu.memory_space<vmem>> -> memref<128xi32, #tpu.memory_space<vmem>>
    %dma_start3A_330 = arith.constant 0 : i32
    %dma_start3A_331 = arith.constant 0 : i32
    %dma_start3A_332 = tpu.memref_slice %arg2[%dma_start3A_330, %dma_start3A_331] : memref<24576x128xf32, #tpu.memory_space<hbm>> -> memref<24576x128xf32, #tpu.memory_space<hbm>>
    tpu.enqueue_indirect_dma source(%dma_start3A_332 : memref<24576x128xf32, #tpu.memory_space<hbm>>) target(%arg7 : memref<128x128xf32, #tpu.memory_space<vmem>>) offsets(%dma_start3A_329 : memref<128xi32, #tpu.memory_space<vmem>>) semaphore(%arg13 : memref<!tpu.dma_semaphore, #tpu.memory_space<semaphore_mem>>)
    %dma_wait3A_333 = arith.constant 2048 : i32
    %dma_wait3A_334 = tpu.memref_slice %arg5[%dma_wait3A_333] : memref<3072xi32, #tpu.memory_space<vmem>> -> memref<128xi32, #tpu.memory_space<vmem>>
    %dma_wait3A_335 = arith.constant 0 : i32
    %dma_wait3A_336 = arith.constant 0 : i32
    %dma_wait3A_337 = tpu.memref_slice %arg2[%dma_wait3A_335, %dma_wait3A_336] : memref<24576x128xf32, #tpu.memory_space<hbm>> -> memref<24576x128xf32, #tpu.memory_space<hbm>>
    tpu.wait_indirect_dma semaphore(%arg16 : memref<!tpu.dma_semaphore, #tpu.memory_space<semaphore_mem>>) src(%dma_wait3A_337 : memref<24576x128xf32, #tpu.memory_space<hbm>>) dst(%arg10 : memref<128x128xf32, #tpu.memory_space<vmem>>)
    %add3A_338 = arith.constant 2048 : i32
    %add3A_339 = arith.addi %mul3A_2, %add3A_338 : i32
    %dma_start3A_340 = arith.constant 0 : i32
    %dma_start3A_341 = tpu.memref_slice %arg4[%add3A_339, %dma_start3A_340] : memref<98304x128xf32, #tpu.memory_space<hbm>> -> memref<128x128xf32, #tpu.memory_space<hbm>>
    %dma_start3A_342 = arith.constant 0 : i32
    %dma_start3A_343 = tpu.memref_slice %arg4[%add3A_339, %dma_start3A_342] : memref<98304x128xf32, #tpu.memory_space<hbm>> -> memref<128x128xf32, #tpu.memory_space<hbm>>
    tpu.enqueue_dma source(%arg10 : memref<128x128xf32, #tpu.memory_space<vmem>>) target(%dma_start3A_343 : memref<128x128xf32, #tpu.memory_space<hbm>>) target_semaphore(%arg22 : memref<!tpu.dma_semaphore, #tpu.memory_space<semaphore_mem>>)
    %dma_wait3A_344 = arith.constant 0 : i32
    %dma_wait3A_345 = tpu.memref_slice %arg4[%add3A_299, %dma_wait3A_344] : memref<98304x128xf32, #tpu.memory_space<hbm>> -> memref<128x128xf32, #tpu.memory_space<hbm>>
    %dma_wait3A_346 = arith.constant 0 : i32
    %dma_wait3A_347 = tpu.memref_slice %arg4[%add3A_299, %dma_wait3A_346] : memref<98304x128xf32, #tpu.memory_space<hbm>> -> memref<128x128xf32, #tpu.memory_space<hbm>>
    tpu.wait_dma2 semaphore(%arg20 : memref<!tpu.dma_semaphore, #tpu.memory_space<semaphore_mem>>) src(%arg8 : memref<128x128xf32, #tpu.memory_space<vmem>>) dst(%dma_wait3A_347 : memref<128x128xf32, #tpu.memory_space<hbm>>)
    %dma_start3A_348 = arith.constant 2560 : i32
    %dma_start3A_349 = tpu.memref_slice %arg5[%dma_start3A_348] : memref<3072xi32, #tpu.memory_space<vmem>> -> memref<128xi32, #tpu.memory_space<vmem>>
    %dma_start3A_350 = arith.constant 0 : i32
    %dma_start3A_351 = arith.constant 0 : i32
    %dma_start3A_352 = tpu.memref_slice %arg2[%dma_start3A_350, %dma_start3A_351] : memref<24576x128xf32, #tpu.memory_space<hbm>> -> memref<24576x128xf32, #tpu.memory_space<hbm>>
    tpu.enqueue_indirect_dma source(%dma_start3A_352 : memref<24576x128xf32, #tpu.memory_space<hbm>>) target(%arg8 : memref<128x128xf32, #tpu.memory_space<vmem>>) offsets(%dma_start3A_349 : memref<128xi32, #tpu.memory_space<vmem>>) semaphore(%arg14 : memref<!tpu.dma_semaphore, #tpu.memory_space<semaphore_mem>>)
    %dma_wait3A_353 = arith.constant 2176 : i32
    %dma_wait3A_354 = tpu.memref_slice %arg5[%dma_wait3A_353] : memref<3072xi32, #tpu.memory_space<vmem>> -> memref<128xi32, #tpu.memory_space<vmem>>
    %dma_wait3A_355 = arith.constant 0 : i32
    %dma_wait3A_356 = arith.constant 0 : i32
    %dma_wait3A_357 = tpu.memref_slice %arg2[%dma_wait3A_355, %dma_wait3A_356] : memref<24576x128xf32, #tpu.memory_space<hbm>> -> memref<24576x128xf32, #tpu.memory_space<hbm>>
    tpu.wait_indirect_dma semaphore(%arg17 : memref<!tpu.dma_semaphore, #tpu.memory_space<semaphore_mem>>) src(%dma_wait3A_357 : memref<24576x128xf32, #tpu.memory_space<hbm>>) dst(%arg11 : memref<128x128xf32, #tpu.memory_space<vmem>>)
    %add3A_358 = arith.constant 2176 : i32
    %add3A_359 = arith.addi %mul3A_2, %add3A_358 : i32
    %dma_start3A_360 = arith.constant 0 : i32
    %dma_start3A_361 = tpu.memref_slice %arg4[%add3A_359, %dma_start3A_360] : memref<98304x128xf32, #tpu.memory_space<hbm>> -> memref<128x128xf32, #tpu.memory_space<hbm>>
    %dma_start3A_362 = arith.constant 0 : i32
    %dma_start3A_363 = tpu.memref_slice %arg4[%add3A_359, %dma_start3A_362] : memref<98304x128xf32, #tpu.memory_space<hbm>> -> memref<128x128xf32, #tpu.memory_space<hbm>>
    tpu.enqueue_dma source(%arg11 : memref<128x128xf32, #tpu.memory_space<vmem>>) target(%dma_start3A_363 : memref<128x128xf32, #tpu.memory_space<hbm>>) target_semaphore(%arg23 : memref<!tpu.dma_semaphore, #tpu.memory_space<semaphore_mem>>)
    %dma_wait3A_364 = arith.constant 0 : i32
    %dma_wait3A_365 = tpu.memref_slice %arg4[%add3A_319, %dma_wait3A_364] : memref<98304x128xf32, #tpu.memory_space<hbm>> -> memref<128x128xf32, #tpu.memory_space<hbm>>
    %dma_wait3A_366 = arith.constant 0 : i32
    %dma_wait3A_367 = tpu.memref_slice %arg4[%add3A_319, %dma_wait3A_366] : memref<98304x128xf32, #tpu.memory_space<hbm>> -> memref<128x128xf32, #tpu.memory_space<hbm>>
    tpu.wait_dma2 semaphore(%arg21 : memref<!tpu.dma_semaphore, #tpu.memory_space<semaphore_mem>>) src(%arg9 : memref<128x128xf32, #tpu.memory_space<vmem>>) dst(%dma_wait3A_367 : memref<128x128xf32, #tpu.memory_space<hbm>>)
    %dma_start3A_368 = arith.constant 2688 : i32
    %dma_start3A_369 = tpu.memref_slice %arg5[%dma_start3A_368] : memref<3072xi32, #tpu.memory_space<vmem>> -> memref<128xi32, #tpu.memory_space<vmem>>
    %dma_start3A_370 = arith.constant 0 : i32
    %dma_start3A_371 = arith.constant 0 : i32
    %dma_start3A_372 = tpu.memref_slice %arg2[%dma_start3A_370, %dma_start3A_371] : memref<24576x128xf32, #tpu.memory_space<hbm>> -> memref<24576x128xf32, #tpu.memory_space<hbm>>
    tpu.enqueue_indirect_dma source(%dma_start3A_372 : memref<24576x128xf32, #tpu.memory_space<hbm>>) target(%arg9 : memref<128x128xf32, #tpu.memory_space<vmem>>) offsets(%dma_start3A_369 : memref<128xi32, #tpu.memory_space<vmem>>) semaphore(%arg15 : memref<!tpu.dma_semaphore, #tpu.memory_space<semaphore_mem>>)
    %dma_wait3A_373 = arith.constant 2304 : i32
    %dma_wait3A_374 = tpu.memref_slice %arg5[%dma_wait3A_373] : memref<3072xi32, #tpu.memory_space<vmem>> -> memref<128xi32, #tpu.memory_space<vmem>>
    %dma_wait3A_375 = arith.constant 0 : i32
    %dma_wait3A_376 = arith.constant 0 : i32
    %dma_wait3A_377 = tpu.memref_slice %arg2[%dma_wait3A_375, %dma_wait3A_376] : memref<24576x128xf32, #tpu.memory_space<hbm>> -> memref<24576x128xf32, #tpu.memory_space<hbm>>
    tpu.wait_indirect_dma semaphore(%arg12 : memref<!tpu.dma_semaphore, #tpu.memory_space<semaphore_mem>>) src(%dma_wait3A_377 : memref<24576x128xf32, #tpu.memory_space<hbm>>) dst(%arg6 : memref<128x128xf32, #tpu.memory_space<vmem>>)
    %add3A_378 = arith.constant 2304 : i32
    %add3A_379 = arith.addi %mul3A_2, %add3A_378 : i32
    %dma_start3A_380 = arith.constant 0 : i32
    %dma_start3A_381 = tpu.memref_slice %arg4[%add3A_379, %dma_start3A_380] : memref<98304x128xf32, #tpu.memory_space<hbm>> -> memref<128x128xf32, #tpu.memory_space<hbm>>
    %dma_start3A_382 = arith.constant 0 : i32
    %dma_start3A_383 = tpu.memref_slice %arg4[%add3A_379, %dma_start3A_382] : memref<98304x128xf32, #tpu.memory_space<hbm>> -> memref<128x128xf32, #tpu.memory_space<hbm>>
    tpu.enqueue_dma source(%arg6 : memref<128x128xf32, #tpu.memory_space<vmem>>) target(%dma_start3A_383 : memref<128x128xf32, #tpu.memory_space<hbm>>) target_semaphore(%arg18 : memref<!tpu.dma_semaphore, #tpu.memory_space<semaphore_mem>>)
    %dma_wait3A_384 = arith.constant 0 : i32
    %dma_wait3A_385 = tpu.memref_slice %arg4[%add3A_339, %dma_wait3A_384] : memref<98304x128xf32, #tpu.memory_space<hbm>> -> memref<128x128xf32, #tpu.memory_space<hbm>>
    %dma_wait3A_386 = arith.constant 0 : i32
    %dma_wait3A_387 = tpu.memref_slice %arg4[%add3A_339, %dma_wait3A_386] : memref<98304x128xf32, #tpu.memory_space<hbm>> -> memref<128x128xf32, #tpu.memory_space<hbm>>
    tpu.wait_dma2 semaphore(%arg22 : memref<!tpu.dma_semaphore, #tpu.memory_space<semaphore_mem>>) src(%arg10 : memref<128x128xf32, #tpu.memory_space<vmem>>) dst(%dma_wait3A_387 : memref<128x128xf32, #tpu.memory_space<hbm>>)
    %dma_start3A_388 = arith.constant 2816 : i32
    %dma_start3A_389 = tpu.memref_slice %arg5[%dma_start3A_388] : memref<3072xi32, #tpu.memory_space<vmem>> -> memref<128xi32, #tpu.memory_space<vmem>>
    %dma_start3A_390 = arith.constant 0 : i32
    %dma_start3A_391 = arith.constant 0 : i32
    %dma_start3A_392 = tpu.memref_slice %arg2[%dma_start3A_390, %dma_start3A_391] : memref<24576x128xf32, #tpu.memory_space<hbm>> -> memref<24576x128xf32, #tpu.memory_space<hbm>>
    tpu.enqueue_indirect_dma source(%dma_start3A_392 : memref<24576x128xf32, #tpu.memory_space<hbm>>) target(%arg10 : memref<128x128xf32, #tpu.memory_space<vmem>>) offsets(%dma_start3A_389 : memref<128xi32, #tpu.memory_space<vmem>>) semaphore(%arg16 : memref<!tpu.dma_semaphore, #tpu.memory_space<semaphore_mem>>)
    %dma_wait3A_393 = arith.constant 2432 : i32
    %dma_wait3A_394 = tpu.memref_slice %arg5[%dma_wait3A_393] : memref<3072xi32, #tpu.memory_space<vmem>> -> memref<128xi32, #tpu.memory_space<vmem>>
    %dma_wait3A_395 = arith.constant 0 : i32
    %dma_wait3A_396 = arith.constant 0 : i32
    %dma_wait3A_397 = tpu.memref_slice %arg2[%dma_wait3A_395, %dma_wait3A_396] : memref<24576x128xf32, #tpu.memory_space<hbm>> -> memref<24576x128xf32, #tpu.memory_space<hbm>>
    tpu.wait_indirect_dma semaphore(%arg13 : memref<!tpu.dma_semaphore, #tpu.memory_space<semaphore_mem>>) src(%dma_wait3A_397 : memref<24576x128xf32, #tpu.memory_space<hbm>>) dst(%arg7 : memref<128x128xf32, #tpu.memory_space<vmem>>)
    %add3A_398 = arith.constant 2432 : i32
    %add3A_399 = arith.addi %mul3A_2, %add3A_398 : i32
    %dma_start3A_400 = arith.constant 0 : i32
    %dma_start3A_401 = tpu.memref_slice %arg4[%add3A_399, %dma_start3A_400] : memref<98304x128xf32, #tpu.memory_space<hbm>> -> memref<128x128xf32, #tpu.memory_space<hbm>>
    %dma_start3A_402 = arith.constant 0 : i32
    %dma_start3A_403 = tpu.memref_slice %arg4[%add3A_399, %dma_start3A_402] : memref<98304x128xf32, #tpu.memory_space<hbm>> -> memref<128x128xf32, #tpu.memory_space<hbm>>
    tpu.enqueue_dma source(%arg7 : memref<128x128xf32, #tpu.memory_space<vmem>>) target(%dma_start3A_403 : memref<128x128xf32, #tpu.memory_space<hbm>>) target_semaphore(%arg19 : memref<!tpu.dma_semaphore, #tpu.memory_space<semaphore_mem>>)
    %dma_wait3A_404 = arith.constant 0 : i32
    %dma_wait3A_405 = tpu.memref_slice %arg4[%add3A_359, %dma_wait3A_404] : memref<98304x128xf32, #tpu.memory_space<hbm>> -> memref<128x128xf32, #tpu.memory_space<hbm>>
    %dma_wait3A_406 = arith.constant 0 : i32
    %dma_wait3A_407 = tpu.memref_slice %arg4[%add3A_359, %dma_wait3A_406] : memref<98304x128xf32, #tpu.memory_space<hbm>> -> memref<128x128xf32, #tpu.memory_space<hbm>>
    tpu.wait_dma2 semaphore(%arg23 : memref<!tpu.dma_semaphore, #tpu.memory_space<semaphore_mem>>) src(%arg11 : memref<128x128xf32, #tpu.memory_space<vmem>>) dst(%dma_wait3A_407 : memref<128x128xf32, #tpu.memory_space<hbm>>)
    %dma_start3A_408 = arith.constant 2944 : i32
    %dma_start3A_409 = tpu.memref_slice %arg5[%dma_start3A_408] : memref<3072xi32, #tpu.memory_space<vmem>> -> memref<128xi32, #tpu.memory_space<vmem>>
    %dma_start3A_410 = arith.constant 0 : i32
    %dma_start3A_411 = arith.constant 0 : i32
    %dma_start3A_412 = tpu.memref_slice %arg2[%dma_start3A_410, %dma_start3A_411] : memref<24576x128xf32, #tpu.memory_space<hbm>> -> memref<24576x128xf32, #tpu.memory_space<hbm>>
    tpu.enqueue_indirect_dma source(%dma_start3A_412 : memref<24576x128xf32, #tpu.memory_space<hbm>>) target(%arg11 : memref<128x128xf32, #tpu.memory_space<vmem>>) offsets(%dma_start3A_409 : memref<128xi32, #tpu.memory_space<vmem>>) semaphore(%arg17 : memref<!tpu.dma_semaphore, #tpu.memory_space<semaphore_mem>>)
    %dma_wait3A_413 = arith.constant 2560 : i32
    %dma_wait3A_414 = tpu.memref_slice %arg5[%dma_wait3A_413] : memref<3072xi32, #tpu.memory_space<vmem>> -> memref<128xi32, #tpu.memory_space<vmem>>
    %dma_wait3A_415 = arith.constant 0 : i32
    %dma_wait3A_416 = arith.constant 0 : i32
    %dma_wait3A_417 = tpu.memref_slice %arg2[%dma_wait3A_415, %dma_wait3A_416] : memref<24576x128xf32, #tpu.memory_space<hbm>> -> memref<24576x128xf32, #tpu.memory_space<hbm>>
    tpu.wait_indirect_dma semaphore(%arg14 : memref<!tpu.dma_semaphore, #tpu.memory_space<semaphore_mem>>) src(%dma_wait3A_417 : memref<24576x128xf32, #tpu.memory_space<hbm>>) dst(%arg8 : memref<128x128xf32, #tpu.memory_space<vmem>>)
    %add3A_418 = arith.constant 2560 : i32
    %add3A_419 = arith.addi %mul3A_2, %add3A_418 : i32
    %dma_start3A_420 = arith.constant 0 : i32
    %dma_start3A_421 = tpu.memref_slice %arg4[%add3A_419, %dma_start3A_420] : memref<98304x128xf32, #tpu.memory_space<hbm>> -> memref<128x128xf32, #tpu.memory_space<hbm>>
    %dma_start3A_422 = arith.constant 0 : i32
    %dma_start3A_423 = tpu.memref_slice %arg4[%add3A_419, %dma_start3A_422] : memref<98304x128xf32, #tpu.memory_space<hbm>> -> memref<128x128xf32, #tpu.memory_space<hbm>>
    tpu.enqueue_dma source(%arg8 : memref<128x128xf32, #tpu.memory_space<vmem>>) target(%dma_start3A_423 : memref<128x128xf32, #tpu.memory_space<hbm>>) target_semaphore(%arg20 : memref<!tpu.dma_semaphore, #tpu.memory_space<semaphore_mem>>)
    %dma_wait3A_424 = arith.constant 2688 : i32
    %dma_wait3A_425 = tpu.memref_slice %arg5[%dma_wait3A_424] : memref<3072xi32, #tpu.memory_space<vmem>> -> memref<128xi32, #tpu.memory_space<vmem>>
    %dma_wait3A_426 = arith.constant 0 : i32
    %dma_wait3A_427 = arith.constant 0 : i32
    %dma_wait3A_428 = tpu.memref_slice %arg2[%dma_wait3A_426, %dma_wait3A_427] : memref<24576x128xf32, #tpu.memory_space<hbm>> -> memref<24576x128xf32, #tpu.memory_space<hbm>>
    tpu.wait_indirect_dma semaphore(%arg15 : memref<!tpu.dma_semaphore, #tpu.memory_space<semaphore_mem>>) src(%dma_wait3A_428 : memref<24576x128xf32, #tpu.memory_space<hbm>>) dst(%arg9 : memref<128x128xf32, #tpu.memory_space<vmem>>)
    %add3A_429 = arith.constant 2688 : i32
    %add3A_430 = arith.addi %mul3A_2, %add3A_429 : i32
    %dma_start3A_431 = arith.constant 0 : i32
    %dma_start3A_432 = tpu.memref_slice %arg4[%add3A_430, %dma_start3A_431] : memref<98304x128xf32, #tpu.memory_space<hbm>> -> memref<128x128xf32, #tpu.memory_space<hbm>>
    %dma_start3A_433 = arith.constant 0 : i32
    %dma_start3A_434 = tpu.memref_slice %arg4[%add3A_430, %dma_start3A_433] : memref<98304x128xf32, #tpu.memory_space<hbm>> -> memref<128x128xf32, #tpu.memory_space<hbm>>
    tpu.enqueue_dma source(%arg9 : memref<128x128xf32, #tpu.memory_space<vmem>>) target(%dma_start3A_434 : memref<128x128xf32, #tpu.memory_space<hbm>>) target_semaphore(%arg21 : memref<!tpu.dma_semaphore, #tpu.memory_space<semaphore_mem>>)
    %dma_wait3A_435 = arith.constant 2816 : i32
    %dma_wait3A_436 = tpu.memref_slice %arg5[%dma_wait3A_435] : memref<3072xi32, #tpu.memory_space<vmem>> -> memref<128xi32, #tpu.memory_space<vmem>>
    %dma_wait3A_437 = arith.constant 0 : i32
    %dma_wait3A_438 = arith.constant 0 : i32
    %dma_wait3A_439 = tpu.memref_slice %arg2[%dma_wait3A_437, %dma_wait3A_438] : memref<24576x128xf32, #tpu.memory_space<hbm>> -> memref<24576x128xf32, #tpu.memory_space<hbm>>
    tpu.wait_indirect_dma semaphore(%arg16 : memref<!tpu.dma_semaphore, #tpu.memory_space<semaphore_mem>>) src(%dma_wait3A_439 : memref<24576x128xf32, #tpu.memory_space<hbm>>) dst(%arg10 : memref<128x128xf32, #tpu.memory_space<vmem>>)
    %add3A_440 = arith.constant 2816 : i32
    %add3A_441 = arith.addi %mul3A_2, %add3A_440 : i32
    %dma_start3A_442 = arith.constant 0 : i32
    %dma_start3A_443 = tpu.memref_slice %arg4[%add3A_441, %dma_start3A_442] : memref<98304x128xf32, #tpu.memory_space<hbm>> -> memref<128x128xf32, #tpu.memory_space<hbm>>
    %dma_start3A_444 = arith.constant 0 : i32
    %dma_start3A_445 = tpu.memref_slice %arg4[%add3A_441, %dma_start3A_444] : memref<98304x128xf32, #tpu.memory_space<hbm>> -> memref<128x128xf32, #tpu.memory_space<hbm>>
    tpu.enqueue_dma source(%arg10 : memref<128x128xf32, #tpu.memory_space<vmem>>) target(%dma_start3A_445 : memref<128x128xf32, #tpu.memory_space<hbm>>) target_semaphore(%arg22 : memref<!tpu.dma_semaphore, #tpu.memory_space<semaphore_mem>>)
    %dma_wait3A_446 = arith.constant 2944 : i32
    %dma_wait3A_447 = tpu.memref_slice %arg5[%dma_wait3A_446] : memref<3072xi32, #tpu.memory_space<vmem>> -> memref<128xi32, #tpu.memory_space<vmem>>
    %dma_wait3A_448 = arith.constant 0 : i32
    %dma_wait3A_449 = arith.constant 0 : i32
    %dma_wait3A_450 = tpu.memref_slice %arg2[%dma_wait3A_448, %dma_wait3A_449] : memref<24576x128xf32, #tpu.memory_space<hbm>> -> memref<24576x128xf32, #tpu.memory_space<hbm>>
    tpu.wait_indirect_dma semaphore(%arg17 : memref<!tpu.dma_semaphore, #tpu.memory_space<semaphore_mem>>) src(%dma_wait3A_450 : memref<24576x128xf32, #tpu.memory_space<hbm>>) dst(%arg11 : memref<128x128xf32, #tpu.memory_space<vmem>>)
    %add3A_451 = arith.constant 2944 : i32
    %add3A_452 = arith.addi %mul3A_2, %add3A_451 : i32
    %dma_start3A_453 = arith.constant 0 : i32
    %dma_start3A_454 = tpu.memref_slice %arg4[%add3A_452, %dma_start3A_453] : memref<98304x128xf32, #tpu.memory_space<hbm>> -> memref<128x128xf32, #tpu.memory_space<hbm>>
    %dma_start3A_455 = arith.constant 0 : i32
    %dma_start3A_456 = tpu.memref_slice %arg4[%add3A_452, %dma_start3A_455] : memref<98304x128xf32, #tpu.memory_space<hbm>> -> memref<128x128xf32, #tpu.memory_space<hbm>>
    tpu.enqueue_dma source(%arg11 : memref<128x128xf32, #tpu.memory_space<vmem>>) target(%dma_start3A_456 : memref<128x128xf32, #tpu.memory_space<hbm>>) target_semaphore(%arg23 : memref<!tpu.dma_semaphore, #tpu.memory_space<semaphore_mem>>)
    %dma_wait3A_457 = arith.constant 0 : i32
    %dma_wait3A_458 = tpu.memref_slice %arg4[%add3A_379, %dma_wait3A_457] : memref<98304x128xf32, #tpu.memory_space<hbm>> -> memref<128x128xf32, #tpu.memory_space<hbm>>
    %dma_wait3A_459 = arith.constant 0 : i32
    %dma_wait3A_460 = tpu.memref_slice %arg4[%add3A_379, %dma_wait3A_459] : memref<98304x128xf32, #tpu.memory_space<hbm>> -> memref<128x128xf32, #tpu.memory_space<hbm>>
    tpu.wait_dma2 semaphore(%arg18 : memref<!tpu.dma_semaphore, #tpu.memory_space<semaphore_mem>>) src(%arg6 : memref<128x128xf32, #tpu.memory_space<vmem>>) dst(%dma_wait3A_460 : memref<128x128xf32, #tpu.memory_space<hbm>>)
    %dma_wait3A_461 = arith.constant 0 : i32
    %dma_wait3A_462 = tpu.memref_slice %arg4[%add3A_399, %dma_wait3A_461] : memref<98304x128xf32, #tpu.memory_space<hbm>> -> memref<128x128xf32, #tpu.memory_space<hbm>>
    %dma_wait3A_463 = arith.constant 0 : i32
    %dma_wait3A_464 = tpu.memref_slice %arg4[%add3A_399, %dma_wait3A_463] : memref<98304x128xf32, #tpu.memory_space<hbm>> -> memref<128x128xf32, #tpu.memory_space<hbm>>
    tpu.wait_dma2 semaphore(%arg19 : memref<!tpu.dma_semaphore, #tpu.memory_space<semaphore_mem>>) src(%arg7 : memref<128x128xf32, #tpu.memory_space<vmem>>) dst(%dma_wait3A_464 : memref<128x128xf32, #tpu.memory_space<hbm>>)
    %dma_wait3A_465 = arith.constant 0 : i32
    %dma_wait3A_466 = tpu.memref_slice %arg4[%add3A_419, %dma_wait3A_465] : memref<98304x128xf32, #tpu.memory_space<hbm>> -> memref<128x128xf32, #tpu.memory_space<hbm>>
    %dma_wait3A_467 = arith.constant 0 : i32
    %dma_wait3A_468 = tpu.memref_slice %arg4[%add3A_419, %dma_wait3A_467] : memref<98304x128xf32, #tpu.memory_space<hbm>> -> memref<128x128xf32, #tpu.memory_space<hbm>>
    tpu.wait_dma2 semaphore(%arg20 : memref<!tpu.dma_semaphore, #tpu.memory_space<semaphore_mem>>) src(%arg8 : memref<128x128xf32, #tpu.memory_space<vmem>>) dst(%dma_wait3A_468 : memref<128x128xf32, #tpu.memory_space<hbm>>)
    %dma_wait3A_469 = arith.constant 0 : i32
    %dma_wait3A_470 = tpu.memref_slice %arg4[%add3A_430, %dma_wait3A_469] : memref<98304x128xf32, #tpu.memory_space<hbm>> -> memref<128x128xf32, #tpu.memory_space<hbm>>
    %dma_wait3A_471 = arith.constant 0 : i32
    %dma_wait3A_472 = tpu.memref_slice %arg4[%add3A_430, %dma_wait3A_471] : memref<98304x128xf32, #tpu.memory_space<hbm>> -> memref<128x128xf32, #tpu.memory_space<hbm>>
    tpu.wait_dma2 semaphore(%arg21 : memref<!tpu.dma_semaphore, #tpu.memory_space<semaphore_mem>>) src(%arg9 : memref<128x128xf32, #tpu.memory_space<vmem>>) dst(%dma_wait3A_472 : memref<128x128xf32, #tpu.memory_space<hbm>>)
    %dma_wait3A_473 = arith.constant 0 : i32
    %dma_wait3A_474 = tpu.memref_slice %arg4[%add3A_441, %dma_wait3A_473] : memref<98304x128xf32, #tpu.memory_space<hbm>> -> memref<128x128xf32, #tpu.memory_space<hbm>>
    %dma_wait3A_475 = arith.constant 0 : i32
    %dma_wait3A_476 = tpu.memref_slice %arg4[%add3A_441, %dma_wait3A_475] : memref<98304x128xf32, #tpu.memory_space<hbm>> -> memref<128x128xf32, #tpu.memory_space<hbm>>
    tpu.wait_dma2 semaphore(%arg22 : memref<!tpu.dma_semaphore, #tpu.memory_space<semaphore_mem>>) src(%arg10 : memref<128x128xf32, #tpu.memory_space<vmem>>) dst(%dma_wait3A_476 : memref<128x128xf32, #tpu.memory_space<hbm>>)
    %dma_wait3A_477 = arith.constant 0 : i32
    %dma_wait3A_478 = tpu.memref_slice %arg4[%add3A_452, %dma_wait3A_477] : memref<98304x128xf32, #tpu.memory_space<hbm>> -> memref<128x128xf32, #tpu.memory_space<hbm>>
    %dma_wait3A_479 = arith.constant 0 : i32
    %dma_wait3A_480 = tpu.memref_slice %arg4[%add3A_452, %dma_wait3A_479] : memref<98304x128xf32, #tpu.memory_space<hbm>> -> memref<128x128xf32, #tpu.memory_space<hbm>>
    tpu.wait_dma2 semaphore(%arg23 : memref<!tpu.dma_semaphore, #tpu.memory_space<semaphore_mem>>) src(%arg11 : memref<128x128xf32, #tpu.memory_space<vmem>>) dst(%dma_wait3A_480 : memref<128x128xf32, #tpu.memory_space<hbm>>)
    return
  }
}

#map = affine_map<(d0, d1) -> (0, 0)>
#map1 = affine_map<(d0, d1) -> (0)>
module attributes {stable_mosaic.version = 14 : i64} {
  func.func @gather_kernel(%arg0: i32, %arg1: i32, %arg2: memref<24576x128xf32, #tpu.memory_space<hbm>>, %arg3: memref<98304xi32, #tpu.memory_space<hbm>>, %arg4: memref<98304x128xf32, #tpu.memory_space<hbm>>, %arg5: memref<3072xi32, #tpu.memory_space<vmem>>, %arg6: memref<128x128xf32, #tpu.memory_space<vmem>>, %arg7: memref<128x128xf32, #tpu.memory_space<vmem>>, %arg8: memref<128x128xf32, #tpu.memory_space<vmem>>, %arg9: memref<128x128xf32, #tpu.memory_space<vmem>>, %arg10: memref<128x128xf32, #tpu.memory_space<vmem>>, %arg11: memref<128x128xf32, #tpu.memory_space<vmem>>, %arg12: memref<!tpu.dma_semaphore, #tpu.memory_space<semaphore_mem>>, %arg13: memref<!tpu.dma_semaphore, #tpu.memory_space<semaphore_mem>>, %arg14: memref<!tpu.dma_semaphore, #tpu.memory_space<semaphore_mem>>, %arg15: memref<!tpu.dma_semaphore, #tpu.memory_space<semaphore_mem>>, %arg16: memref<!tpu.dma_semaphore, #tpu.memory_space<semaphore_mem>>, %arg17: memref<!tpu.dma_semaphore, #tpu.memory_space<semaphore_mem>>, %arg18: memref<!tpu.dma_semaphore, #tpu.memory_space<semaphore_mem>>, %arg19: memref<!tpu.dma_semaphore, #tpu.memory_space<semaphore_mem>>, %arg20: memref<!tpu.dma_semaphore, #tpu.memory_space<semaphore_mem>>, %arg21: memref<!tpu.dma_semaphore, #tpu.memory_space<semaphore_mem>>, %arg22: memref<!tpu.dma_semaphore, #tpu.memory_space<semaphore_mem>>, %arg23: memref<!tpu.dma_semaphore, #tpu.memory_space<semaphore_mem>>) attributes {dimension_semantics = [#tpu.dimension_semantics<core_parallel>, #tpu.dimension_semantics<subcore_parallel>], iteration_bounds = array<i64: 2, 16>, scalar_prefetch = 0 : i64, scratch_operands = 19 : i64, tpu.core_type = #tpu.core_type<sc_vector_subcore>, window_params = [{transform_indices = #map}, {transform_indices = #map1}, {transform_indices = #map}]} {
    %mul3A = arith.constant 2 : i32
    %mul3A_0 = arith.muli %arg1, %mul3A : i32
    %add3A = arith.addi %mul3A_0, %arg0 : i32
    %mul3A_1 = arith.constant 3072 : i32
    %mul3A_2 = arith.muli %add3A, %mul3A_1 : i32
    "tpu.region"() ({
      %run_scoped3A = tpu.sem_alloc : memref<!tpu.dma_semaphore, #tpu.memory_space<semaphore_mem>>
      %dma_start3A_481 = tpu.memref_slice %arg3[%mul3A_2] : memref<98304xi32, #tpu.memory_space<hbm>> -> memref<3072xi32, #tpu.memory_space<hbm>>
      %dma_start3A_482 = tpu.memref_slice %arg3[%mul3A_2] : memref<98304xi32, #tpu.memory_space<hbm>> -> memref<3072xi32, #tpu.memory_space<hbm>>
      tpu.enqueue_dma source(%dma_start3A_482 : memref<3072xi32, #tpu.memory_space<hbm>>) target(%arg5 : memref<3072xi32, #tpu.memory_space<vmem>>) target_semaphore(%run_scoped3A : memref<!tpu.dma_semaphore, #tpu.memory_space<semaphore_mem>>)
      %dma_wait3A_483 = tpu.memref_slice %arg3[%mul3A_2] : memref<98304xi32, #tpu.memory_space<hbm>> -> memref<3072xi32, #tpu.memory_space<hbm>>
      %dma_wait3A_484 = tpu.memref_slice %arg3[%mul3A_2] : memref<98304xi32, #tpu.memory_space<hbm>> -> memref<3072xi32, #tpu.memory_space<hbm>>
      tpu.wait_dma2 semaphore(%run_scoped3A : memref<!tpu.dma_semaphore, #tpu.memory_space<semaphore_mem>>) src(%dma_wait3A_484 : memref<3072xi32, #tpu.memory_space<hbm>>) dst(%arg5 : memref<3072xi32, #tpu.memory_space<vmem>>)
      tpu.yield
    }) : () -> ()
    %dma_start3A = arith.constant 0 : i32
    %dma_start3A_3 = tpu.memref_slice %arg5[%dma_start3A] : memref<3072xi32, #tpu.memory_space<vmem>> -> memref<128xi32, #tpu.memory_space<vmem>>
    %dma_start3A_4 = arith.constant 0 : i32
    %dma_start3A_5 = arith.constant 0 : i32
    %dma_start3A_6 = tpu.memref_slice %arg2[%dma_start3A_4, %dma_start3A_5] : memref<24576x128xf32, #tpu.memory_space<hbm>> -> memref<24576x128xf32, #tpu.memory_space<hbm>>
    tpu.enqueue_indirect_dma source(%dma_start3A_6 : memref<24576x128xf32, #tpu.memory_space<hbm>>) target(%arg6 : memref<128x128xf32, #tpu.memory_space<vmem>>) offsets(%dma_start3A_3 : memref<128xi32, #tpu.memory_space<vmem>>) semaphore(%arg12 : memref<!tpu.dma_semaphore, #tpu.memory_space<semaphore_mem>>)
    %dma_start3A_7 = arith.constant 128 : i32
    %dma_start3A_8 = tpu.memref_slice %arg5[%dma_start3A_7] : memref<3072xi32, #tpu.memory_space<vmem>> -> memref<128xi32, #tpu.memory_space<vmem>>
    %dma_start3A_9 = arith.constant 0 : i32
    %dma_start3A_10 = arith.constant 0 : i32
    %dma_start3A_11 = tpu.memref_slice %arg2[%dma_start3A_9, %dma_start3A_10] : memref<24576x128xf32, #tpu.memory_space<hbm>> -> memref<24576x128xf32, #tpu.memory_space<hbm>>
    tpu.enqueue_indirect_dma source(%dma_start3A_11 : memref<24576x128xf32, #tpu.memory_space<hbm>>) target(%arg7 : memref<128x128xf32, #tpu.memory_space<vmem>>) offsets(%dma_start3A_8 : memref<128xi32, #tpu.memory_space<vmem>>) semaphore(%arg13 : memref<!tpu.dma_semaphore, #tpu.memory_space<semaphore_mem>>)
    %dma_start3A_12 = arith.constant 256 : i32
    %dma_start3A_13 = tpu.memref_slice %arg5[%dma_start3A_12] : memref<3072xi32, #tpu.memory_space<vmem>> -> memref<128xi32, #tpu.memory_space<vmem>>
    %dma_start3A_14 = arith.constant 0 : i32
    %dma_start3A_15 = arith.constant 0 : i32
    %dma_start3A_16 = tpu.memref_slice %arg2[%dma_start3A_14, %dma_start3A_15] : memref<24576x128xf32, #tpu.memory_space<hbm>> -> memref<24576x128xf32, #tpu.memory_space<hbm>>
    tpu.enqueue_indirect_dma source(%dma_start3A_16 : memref<24576x128xf32, #tpu.memory_space<hbm>>) target(%arg8 : memref<128x128xf32, #tpu.memory_space<vmem>>) offsets(%dma_start3A_13 : memref<128xi32, #tpu.memory_space<vmem>>) semaphore(%arg14 : memref<!tpu.dma_semaphore, #tpu.memory_space<semaphore_mem>>)
    %dma_start3A_17 = arith.constant 384 : i32
    %dma_start3A_18 = tpu.memref_slice %arg5[%dma_start3A_17] : memref<3072xi32, #tpu.memory_space<vmem>> -> memref<128xi32, #tpu.memory_space<vmem>>
    %dma_start3A_19 = arith.constant 0 : i32
    %dma_start3A_20 = arith.constant 0 : i32
    %dma_start3A_21 = tpu.memref_slice %arg2[%dma_start3A_19, %dma_start3A_20] : memref<24576x128xf32, #tpu.memory_space<hbm>> -> memref<24576x128xf32, #tpu.memory_space<hbm>>
    tpu.enqueue_indirect_dma source(%dma_start3A_21 : memref<24576x128xf32, #tpu.memory_space<hbm>>) target(%arg9 : memref<128x128xf32, #tpu.memory_space<vmem>>) offsets(%dma_start3A_18 : memref<128xi32, #tpu.memory_space<vmem>>) semaphore(%arg15 : memref<!tpu.dma_semaphore, #tpu.memory_space<semaphore_mem>>)
    %dma_wait3A = arith.constant 0 : i32
    %dma_wait3A_22 = tpu.memref_slice %arg5[%dma_wait3A] : memref<3072xi32, #tpu.memory_space<vmem>> -> memref<128xi32, #tpu.memory_space<vmem>>
    %dma_wait3A_23 = arith.constant 0 : i32
    %dma_wait3A_24 = arith.constant 0 : i32
    %dma_wait3A_25 = tpu.memref_slice %arg2[%dma_wait3A_23, %dma_wait3A_24] : memref<24576x128xf32, #tpu.memory_space<hbm>> -> memref<24576x128xf32, #tpu.memory_space<hbm>>
    tpu.wait_indirect_dma semaphore(%arg12 : memref<!tpu.dma_semaphore, #tpu.memory_space<semaphore_mem>>) src(%dma_wait3A_25 : memref<24576x128xf32, #tpu.memory_space<hbm>>) dst(%arg6 : memref<128x128xf32, #tpu.memory_space<vmem>>)
    %add3A_26 = arith.constant 0 : i32
    %add3A_27 = arith.addi %mul3A_2, %add3A_26 : i32
    %dma_start3A_28 = arith.constant 0 : i32
    %dma_start3A_29 = tpu.memref_slice %arg4[%add3A_27, %dma_start3A_28] : memref<98304x128xf32, #tpu.memory_space<hbm>> -> memref<128x128xf32, #tpu.memory_space<hbm>>
    %dma_start3A_30 = arith.constant 0 : i32
    %dma_start3A_31 = tpu.memref_slice %arg4[%add3A_27, %dma_start3A_30] : memref<98304x128xf32, #tpu.memory_space<hbm>> -> memref<128x128xf32, #tpu.memory_space<hbm>>
    tpu.enqueue_dma source(%arg6 : memref<128x128xf32, #tpu.memory_space<vmem>>) target(%dma_start3A_31 : memref<128x128xf32, #tpu.memory_space<hbm>>) target_semaphore(%arg18 : memref<!tpu.dma_semaphore, #tpu.memory_space<semaphore_mem>>)
    %dma_start3A_32 = arith.constant 512 : i32
    %dma_start3A_33 = tpu.memref_slice %arg5[%dma_start3A_32] : memref<3072xi32, #tpu.memory_space<vmem>> -> memref<128xi32, #tpu.memory_space<vmem>>
    %dma_start3A_34 = arith.constant 0 : i32
    %dma_start3A_35 = arith.constant 0 : i32
    %dma_start3A_36 = tpu.memref_slice %arg2[%dma_start3A_34, %dma_start3A_35] : memref<24576x128xf32, #tpu.memory_space<hbm>> -> memref<24576x128xf32, #tpu.memory_space<hbm>>
    tpu.enqueue_indirect_dma source(%dma_start3A_36 : memref<24576x128xf32, #tpu.memory_space<hbm>>) target(%arg10 : memref<128x128xf32, #tpu.memory_space<vmem>>) offsets(%dma_start3A_33 : memref<128xi32, #tpu.memory_space<vmem>>) semaphore(%arg16 : memref<!tpu.dma_semaphore, #tpu.memory_space<semaphore_mem>>)
    %dma_wait3A_37 = arith.constant 128 : i32
    %dma_wait3A_38 = tpu.memref_slice %arg5[%dma_wait3A_37] : memref<3072xi32, #tpu.memory_space<vmem>> -> memref<128xi32, #tpu.memory_space<vmem>>
    %dma_wait3A_39 = arith.constant 0 : i32
    %dma_wait3A_40 = arith.constant 0 : i32
    %dma_wait3A_41 = tpu.memref_slice %arg2[%dma_wait3A_39, %dma_wait3A_40] : memref<24576x128xf32, #tpu.memory_space<hbm>> -> memref<24576x128xf32, #tpu.memory_space<hbm>>
    tpu.wait_indirect_dma semaphore(%arg13 : memref<!tpu.dma_semaphore, #tpu.memory_space<semaphore_mem>>) src(%dma_wait3A_41 : memref<24576x128xf32, #tpu.memory_space<hbm>>) dst(%arg7 : memref<128x128xf32, #tpu.memory_space<vmem>>)
    %add3A_42 = arith.constant 128 : i32
    %add3A_43 = arith.addi %mul3A_2, %add3A_42 : i32
    %dma_start3A_44 = arith.constant 0 : i32
    %dma_start3A_45 = tpu.memref_slice %arg4[%add3A_43, %dma_start3A_44] : memref<98304x128xf32, #tpu.memory_space<hbm>> -> memref<128x128xf32, #tpu.memory_space<hbm>>
    %dma_start3A_46 = arith.constant 0 : i32
    %dma_start3A_47 = tpu.memref_slice %arg4[%add3A_43, %dma_start3A_46] : memref<98304x128xf32, #tpu.memory_space<hbm>> -> memref<128x128xf32, #tpu.memory_space<hbm>>
    tpu.enqueue_dma source(%arg7 : memref<128x128xf32, #tpu.memory_space<vmem>>) target(%dma_start3A_47 : memref<128x128xf32, #tpu.memory_space<hbm>>) target_semaphore(%arg19 : memref<!tpu.dma_semaphore, #tpu.memory_space<semaphore_mem>>)
    %dma_start3A_48 = arith.constant 640 : i32
    %dma_start3A_49 = tpu.memref_slice %arg5[%dma_start3A_48] : memref<3072xi32, #tpu.memory_space<vmem>> -> memref<128xi32, #tpu.memory_space<vmem>>
    %dma_start3A_50 = arith.constant 0 : i32
    %dma_start3A_51 = arith.constant 0 : i32
    %dma_start3A_52 = tpu.memref_slice %arg2[%dma_start3A_50, %dma_start3A_51] : memref<24576x128xf32, #tpu.memory_space<hbm>> -> memref<24576x128xf32, #tpu.memory_space<hbm>>
    tpu.enqueue_indirect_dma source(%dma_start3A_52 : memref<24576x128xf32, #tpu.memory_space<hbm>>) target(%arg11 : memref<128x128xf32, #tpu.memory_space<vmem>>) offsets(%dma_start3A_49 : memref<128xi32, #tpu.memory_space<vmem>>) semaphore(%arg17 : memref<!tpu.dma_semaphore, #tpu.memory_space<semaphore_mem>>)
    %dma_wait3A_53 = arith.constant 256 : i32
    %dma_wait3A_54 = tpu.memref_slice %arg5[%dma_wait3A_53] : memref<3072xi32, #tpu.memory_space<vmem>> -> memref<128xi32, #tpu.memory_space<vmem>>
    %dma_wait3A_55 = arith.constant 0 : i32
    %dma_wait3A_56 = arith.constant 0 : i32
    %dma_wait3A_57 = tpu.memref_slice %arg2[%dma_wait3A_55, %dma_wait3A_56] : memref<24576x128xf32, #tpu.memory_space<hbm>> -> memref<24576x128xf32, #tpu.memory_space<hbm>>
    tpu.wait_indirect_dma semaphore(%arg14 : memref<!tpu.dma_semaphore, #tpu.memory_space<semaphore_mem>>) src(%dma_wait3A_57 : memref<24576x128xf32, #tpu.memory_space<hbm>>) dst(%arg8 : memref<128x128xf32, #tpu.memory_space<vmem>>)
    %add3A_58 = arith.constant 256 : i32
    %add3A_59 = arith.addi %mul3A_2, %add3A_58 : i32
    %dma_start3A_60 = arith.constant 0 : i32
    %dma_start3A_61 = tpu.memref_slice %arg4[%add3A_59, %dma_start3A_60] : memref<98304x128xf32, #tpu.memory_space<hbm>> -> memref<128x128xf32, #tpu.memory_space<hbm>>
    %dma_start3A_62 = arith.constant 0 : i32
    %dma_start3A_63 = tpu.memref_slice %arg4[%add3A_59, %dma_start3A_62] : memref<98304x128xf32, #tpu.memory_space<hbm>> -> memref<128x128xf32, #tpu.memory_space<hbm>>
    tpu.enqueue_dma source(%arg8 : memref<128x128xf32, #tpu.memory_space<vmem>>) target(%dma_start3A_63 : memref<128x128xf32, #tpu.memory_space<hbm>>) target_semaphore(%arg20 : memref<!tpu.dma_semaphore, #tpu.memory_space<semaphore_mem>>)
    %dma_wait3A_64 = arith.constant 0 : i32
    %dma_wait3A_65 = tpu.memref_slice %arg4[%add3A_27, %dma_wait3A_64] : memref<98304x128xf32, #tpu.memory_space<hbm>> -> memref<128x128xf32, #tpu.memory_space<hbm>>
    %dma_wait3A_66 = arith.constant 0 : i32
    %dma_wait3A_67 = tpu.memref_slice %arg4[%add3A_27, %dma_wait3A_66] : memref<98304x128xf32, #tpu.memory_space<hbm>> -> memref<128x128xf32, #tpu.memory_space<hbm>>
    tpu.wait_dma2 semaphore(%arg18 : memref<!tpu.dma_semaphore, #tpu.memory_space<semaphore_mem>>) src(%arg6 : memref<128x128xf32, #tpu.memory_space<vmem>>) dst(%dma_wait3A_67 : memref<128x128xf32, #tpu.memory_space<hbm>>)
    %dma_start3A_68 = arith.constant 768 : i32
    %dma_start3A_69 = tpu.memref_slice %arg5[%dma_start3A_68] : memref<3072xi32, #tpu.memory_space<vmem>> -> memref<128xi32, #tpu.memory_space<vmem>>
    %dma_start3A_70 = arith.constant 0 : i32
    %dma_start3A_71 = arith.constant 0 : i32
    %dma_start3A_72 = tpu.memref_slice %arg2[%dma_start3A_70, %dma_start3A_71] : memref<24576x128xf32, #tpu.memory_space<hbm>> -> memref<24576x128xf32, #tpu.memory_space<hbm>>
    tpu.enqueue_indirect_dma source(%dma_start3A_72 : memref<24576x128xf32, #tpu.memory_space<hbm>>) target(%arg6 : memref<128x128xf32, #tpu.memory_space<vmem>>) offsets(%dma_start3A_69 : memref<128xi32, #tpu.memory_space<vmem>>) semaphore(%arg12 : memref<!tpu.dma_semaphore, #tpu.memory_space<semaphore_mem>>)
    %dma_wait3A_73 = arith.constant 384 : i32
    %dma_wait3A_74 = tpu.memref_slice %arg5[%dma_wait3A_73] : memref<3072xi32, #tpu.memory_space<vmem>> -> memref<128xi32, #tpu.memory_space<vmem>>
    %dma_wait3A_75 = arith.constant 0 : i32
    %dma_wait3A_76 = arith.constant 0 : i32
    %dma_wait3A_77 = tpu.memref_slice %arg2[%dma_wait3A_75, %dma_wait3A_76] : memref<24576x128xf32, #tpu.memory_space<hbm>> -> memref<24576x128xf32, #tpu.memory_space<hbm>>
    tpu.wait_indirect_dma semaphore(%arg15 : memref<!tpu.dma_semaphore, #tpu.memory_space<semaphore_mem>>) src(%dma_wait3A_77 : memref<24576x128xf32, #tpu.memory_space<hbm>>) dst(%arg9 : memref<128x128xf32, #tpu.memory_space<vmem>>)
    %add3A_78 = arith.constant 384 : i32
    %add3A_79 = arith.addi %mul3A_2, %add3A_78 : i32
    %dma_start3A_80 = arith.constant 0 : i32
    %dma_start3A_81 = tpu.memref_slice %arg4[%add3A_79, %dma_start3A_80] : memref<98304x128xf32, #tpu.memory_space<hbm>> -> memref<128x128xf32, #tpu.memory_space<hbm>>
    %dma_start3A_82 = arith.constant 0 : i32
    %dma_start3A_83 = tpu.memref_slice %arg4[%add3A_79, %dma_start3A_82] : memref<98304x128xf32, #tpu.memory_space<hbm>> -> memref<128x128xf32, #tpu.memory_space<hbm>>
    tpu.enqueue_dma source(%arg9 : memref<128x128xf32, #tpu.memory_space<vmem>>) target(%dma_start3A_83 : memref<128x128xf32, #tpu.memory_space<hbm>>) target_semaphore(%arg21 : memref<!tpu.dma_semaphore, #tpu.memory_space<semaphore_mem>>)
    %dma_wait3A_84 = arith.constant 0 : i32
    %dma_wait3A_85 = tpu.memref_slice %arg4[%add3A_43, %dma_wait3A_84] : memref<98304x128xf32, #tpu.memory_space<hbm>> -> memref<128x128xf32, #tpu.memory_space<hbm>>
    %dma_wait3A_86 = arith.constant 0 : i32
    %dma_wait3A_87 = tpu.memref_slice %arg4[%add3A_43, %dma_wait3A_86] : memref<98304x128xf32, #tpu.memory_space<hbm>> -> memref<128x128xf32, #tpu.memory_space<hbm>>
    tpu.wait_dma2 semaphore(%arg19 : memref<!tpu.dma_semaphore, #tpu.memory_space<semaphore_mem>>) src(%arg7 : memref<128x128xf32, #tpu.memory_space<vmem>>) dst(%dma_wait3A_87 : memref<128x128xf32, #tpu.memory_space<hbm>>)
    %dma_start3A_88 = arith.constant 896 : i32
    %dma_start3A_89 = tpu.memref_slice %arg5[%dma_start3A_88] : memref<3072xi32, #tpu.memory_space<vmem>> -> memref<128xi32, #tpu.memory_space<vmem>>
    %dma_start3A_90 = arith.constant 0 : i32
    %dma_start3A_91 = arith.constant 0 : i32
    %dma_start3A_92 = tpu.memref_slice %arg2[%dma_start3A_90, %dma_start3A_91] : memref<24576x128xf32, #tpu.memory_space<hbm>> -> memref<24576x128xf32, #tpu.memory_space<hbm>>
    tpu.enqueue_indirect_dma source(%dma_start3A_92 : memref<24576x128xf32, #tpu.memory_space<hbm>>) target(%arg7 : memref<128x128xf32, #tpu.memory_space<vmem>>) offsets(%dma_start3A_89 : memref<128xi32, #tpu.memory_space<vmem>>) semaphore(%arg13 : memref<!tpu.dma_semaphore, #tpu.memory_space<semaphore_mem>>)
    %dma_wait3A_93 = arith.constant 512 : i32
    %dma_wait3A_94 = tpu.memref_slice %arg5[%dma_wait3A_93] : memref<3072xi32, #tpu.memory_space<vmem>> -> memref<128xi32, #tpu.memory_space<vmem>>
    %dma_wait3A_95 = arith.constant 0 : i32
    %dma_wait3A_96 = arith.constant 0 : i32
    %dma_wait3A_97 = tpu.memref_slice %arg2[%dma_wait3A_95, %dma_wait3A_96] : memref<24576x128xf32, #tpu.memory_space<hbm>> -> memref<24576x128xf32, #tpu.memory_space<hbm>>
    tpu.wait_indirect_dma semaphore(%arg16 : memref<!tpu.dma_semaphore, #tpu.memory_space<semaphore_mem>>) src(%dma_wait3A_97 : memref<24576x128xf32, #tpu.memory_space<hbm>>) dst(%arg10 : memref<128x128xf32, #tpu.memory_space<vmem>>)
    %add3A_98 = arith.constant 512 : i32
    %add3A_99 = arith.addi %mul3A_2, %add3A_98 : i32
    %dma_start3A_100 = arith.constant 0 : i32
    %dma_start3A_101 = tpu.memref_slice %arg4[%add3A_99, %dma_start3A_100] : memref<98304x128xf32, #tpu.memory_space<hbm>> -> memref<128x128xf32, #tpu.memory_space<hbm>>
    %dma_start3A_102 = arith.constant 0 : i32
    %dma_start3A_103 = tpu.memref_slice %arg4[%add3A_99, %dma_start3A_102] : memref<98304x128xf32, #tpu.memory_space<hbm>> -> memref<128x128xf32, #tpu.memory_space<hbm>>
    tpu.enqueue_dma source(%arg10 : memref<128x128xf32, #tpu.memory_space<vmem>>) target(%dma_start3A_103 : memref<128x128xf32, #tpu.memory_space<hbm>>) target_semaphore(%arg22 : memref<!tpu.dma_semaphore, #tpu.memory_space<semaphore_mem>>)
    %dma_wait3A_104 = arith.constant 0 : i32
    %dma_wait3A_105 = tpu.memref_slice %arg4[%add3A_59, %dma_wait3A_104] : memref<98304x128xf32, #tpu.memory_space<hbm>> -> memref<128x128xf32, #tpu.memory_space<hbm>>
    %dma_wait3A_106 = arith.constant 0 : i32
    %dma_wait3A_107 = tpu.memref_slice %arg4[%add3A_59, %dma_wait3A_106] : memref<98304x128xf32, #tpu.memory_space<hbm>> -> memref<128x128xf32, #tpu.memory_space<hbm>>
    tpu.wait_dma2 semaphore(%arg20 : memref<!tpu.dma_semaphore, #tpu.memory_space<semaphore_mem>>) src(%arg8 : memref<128x128xf32, #tpu.memory_space<vmem>>) dst(%dma_wait3A_107 : memref<128x128xf32, #tpu.memory_space<hbm>>)
    %dma_start3A_108 = arith.constant 1024 : i32
    %dma_start3A_109 = tpu.memref_slice %arg5[%dma_start3A_108] : memref<3072xi32, #tpu.memory_space<vmem>> -> memref<128xi32, #tpu.memory_space<vmem>>
    %dma_start3A_110 = arith.constant 0 : i32
    %dma_start3A_111 = arith.constant 0 : i32
    %dma_start3A_112 = tpu.memref_slice %arg2[%dma_start3A_110, %dma_start3A_111] : memref<24576x128xf32, #tpu.memory_space<hbm>> -> memref<24576x128xf32, #tpu.memory_space<hbm>>
    tpu.enqueue_indirect_dma source(%dma_start3A_112 : memref<24576x128xf32, #tpu.memory_space<hbm>>) target(%arg8 : memref<128x128xf32, #tpu.memory_space<vmem>>) offsets(%dma_start3A_109 : memref<128xi32, #tpu.memory_space<vmem>>) semaphore(%arg14 : memref<!tpu.dma_semaphore, #tpu.memory_space<semaphore_mem>>)
    %dma_wait3A_113 = arith.constant 640 : i32
    %dma_wait3A_114 = tpu.memref_slice %arg5[%dma_wait3A_113] : memref<3072xi32, #tpu.memory_space<vmem>> -> memref<128xi32, #tpu.memory_space<vmem>>
    %dma_wait3A_115 = arith.constant 0 : i32
    %dma_wait3A_116 = arith.constant 0 : i32
    %dma_wait3A_117 = tpu.memref_slice %arg2[%dma_wait3A_115, %dma_wait3A_116] : memref<24576x128xf32, #tpu.memory_space<hbm>> -> memref<24576x128xf32, #tpu.memory_space<hbm>>
    tpu.wait_indirect_dma semaphore(%arg17 : memref<!tpu.dma_semaphore, #tpu.memory_space<semaphore_mem>>) src(%dma_wait3A_117 : memref<24576x128xf32, #tpu.memory_space<hbm>>) dst(%arg11 : memref<128x128xf32, #tpu.memory_space<vmem>>)
    %add3A_118 = arith.constant 640 : i32
    %add3A_119 = arith.addi %mul3A_2, %add3A_118 : i32
    %dma_start3A_120 = arith.constant 0 : i32
    %dma_start3A_121 = tpu.memref_slice %arg4[%add3A_119, %dma_start3A_120] : memref<98304x128xf32, #tpu.memory_space<hbm>> -> memref<128x128xf32, #tpu.memory_space<hbm>>
    %dma_start3A_122 = arith.constant 0 : i32
    %dma_start3A_123 = tpu.memref_slice %arg4[%add3A_119, %dma_start3A_122] : memref<98304x128xf32, #tpu.memory_space<hbm>> -> memref<128x128xf32, #tpu.memory_space<hbm>>
    tpu.enqueue_dma source(%arg11 : memref<128x128xf32, #tpu.memory_space<vmem>>) target(%dma_start3A_123 : memref<128x128xf32, #tpu.memory_space<hbm>>) target_semaphore(%arg23 : memref<!tpu.dma_semaphore, #tpu.memory_space<semaphore_mem>>)
    %dma_wait3A_124 = arith.constant 0 : i32
    %dma_wait3A_125 = tpu.memref_slice %arg4[%add3A_79, %dma_wait3A_124] : memref<98304x128xf32, #tpu.memory_space<hbm>> -> memref<128x128xf32, #tpu.memory_space<hbm>>
    %dma_wait3A_126 = arith.constant 0 : i32
    %dma_wait3A_127 = tpu.memref_slice %arg4[%add3A_79, %dma_wait3A_126] : memref<98304x128xf32, #tpu.memory_space<hbm>> -> memref<128x128xf32, #tpu.memory_space<hbm>>
    tpu.wait_dma2 semaphore(%arg21 : memref<!tpu.dma_semaphore, #tpu.memory_space<semaphore_mem>>) src(%arg9 : memref<128x128xf32, #tpu.memory_space<vmem>>) dst(%dma_wait3A_127 : memref<128x128xf32, #tpu.memory_space<hbm>>)
    %dma_start3A_128 = arith.constant 1152 : i32
    %dma_start3A_129 = tpu.memref_slice %arg5[%dma_start3A_128] : memref<3072xi32, #tpu.memory_space<vmem>> -> memref<128xi32, #tpu.memory_space<vmem>>
    %dma_start3A_130 = arith.constant 0 : i32
    %dma_start3A_131 = arith.constant 0 : i32
    %dma_start3A_132 = tpu.memref_slice %arg2[%dma_start3A_130, %dma_start3A_131] : memref<24576x128xf32, #tpu.memory_space<hbm>> -> memref<24576x128xf32, #tpu.memory_space<hbm>>
    tpu.enqueue_indirect_dma source(%dma_start3A_132 : memref<24576x128xf32, #tpu.memory_space<hbm>>) target(%arg9 : memref<128x128xf32, #tpu.memory_space<vmem>>) offsets(%dma_start3A_129 : memref<128xi32, #tpu.memory_space<vmem>>) semaphore(%arg15 : memref<!tpu.dma_semaphore, #tpu.memory_space<semaphore_mem>>)
    %dma_wait3A_133 = arith.constant 768 : i32
    %dma_wait3A_134 = tpu.memref_slice %arg5[%dma_wait3A_133] : memref<3072xi32, #tpu.memory_space<vmem>> -> memref<128xi32, #tpu.memory_space<vmem>>
    %dma_wait3A_135 = arith.constant 0 : i32
    %dma_wait3A_136 = arith.constant 0 : i32
    %dma_wait3A_137 = tpu.memref_slice %arg2[%dma_wait3A_135, %dma_wait3A_136] : memref<24576x128xf32, #tpu.memory_space<hbm>> -> memref<24576x128xf32, #tpu.memory_space<hbm>>
    tpu.wait_indirect_dma semaphore(%arg12 : memref<!tpu.dma_semaphore, #tpu.memory_space<semaphore_mem>>) src(%dma_wait3A_137 : memref<24576x128xf32, #tpu.memory_space<hbm>>) dst(%arg6 : memref<128x128xf32, #tpu.memory_space<vmem>>)
    %add3A_138 = arith.constant 768 : i32
    %add3A_139 = arith.addi %mul3A_2, %add3A_138 : i32
    %dma_start3A_140 = arith.constant 0 : i32
    %dma_start3A_141 = tpu.memref_slice %arg4[%add3A_139, %dma_start3A_140] : memref<98304x128xf32, #tpu.memory_space<hbm>> -> memref<128x128xf32, #tpu.memory_space<hbm>>
    %dma_start3A_142 = arith.constant 0 : i32
    %dma_start3A_143 = tpu.memref_slice %arg4[%add3A_139, %dma_start3A_142] : memref<98304x128xf32, #tpu.memory_space<hbm>> -> memref<128x128xf32, #tpu.memory_space<hbm>>
    tpu.enqueue_dma source(%arg6 : memref<128x128xf32, #tpu.memory_space<vmem>>) target(%dma_start3A_143 : memref<128x128xf32, #tpu.memory_space<hbm>>) target_semaphore(%arg18 : memref<!tpu.dma_semaphore, #tpu.memory_space<semaphore_mem>>)
    %dma_wait3A_144 = arith.constant 0 : i32
    %dma_wait3A_145 = tpu.memref_slice %arg4[%add3A_99, %dma_wait3A_144] : memref<98304x128xf32, #tpu.memory_space<hbm>> -> memref<128x128xf32, #tpu.memory_space<hbm>>
    %dma_wait3A_146 = arith.constant 0 : i32
    %dma_wait3A_147 = tpu.memref_slice %arg4[%add3A_99, %dma_wait3A_146] : memref<98304x128xf32, #tpu.memory_space<hbm>> -> memref<128x128xf32, #tpu.memory_space<hbm>>
    tpu.wait_dma2 semaphore(%arg22 : memref<!tpu.dma_semaphore, #tpu.memory_space<semaphore_mem>>) src(%arg10 : memref<128x128xf32, #tpu.memory_space<vmem>>) dst(%dma_wait3A_147 : memref<128x128xf32, #tpu.memory_space<hbm>>)
    %dma_start3A_148 = arith.constant 1280 : i32
    %dma_start3A_149 = tpu.memref_slice %arg5[%dma_start3A_148] : memref<3072xi32, #tpu.memory_space<vmem>> -> memref<128xi32, #tpu.memory_space<vmem>>
    %dma_start3A_150 = arith.constant 0 : i32
    %dma_start3A_151 = arith.constant 0 : i32
    %dma_start3A_152 = tpu.memref_slice %arg2[%dma_start3A_150, %dma_start3A_151] : memref<24576x128xf32, #tpu.memory_space<hbm>> -> memref<24576x128xf32, #tpu.memory_space<hbm>>
    tpu.enqueue_indirect_dma source(%dma_start3A_152 : memref<24576x128xf32, #tpu.memory_space<hbm>>) target(%arg10 : memref<128x128xf32, #tpu.memory_space<vmem>>) offsets(%dma_start3A_149 : memref<128xi32, #tpu.memory_space<vmem>>) semaphore(%arg16 : memref<!tpu.dma_semaphore, #tpu.memory_space<semaphore_mem>>)
    %dma_wait3A_153 = arith.constant 896 : i32
    %dma_wait3A_154 = tpu.memref_slice %arg5[%dma_wait3A_153] : memref<3072xi32, #tpu.memory_space<vmem>> -> memref<128xi32, #tpu.memory_space<vmem>>
    %dma_wait3A_155 = arith.constant 0 : i32
    %dma_wait3A_156 = arith.constant 0 : i32
    %dma_wait3A_157 = tpu.memref_slice %arg2[%dma_wait3A_155, %dma_wait3A_156] : memref<24576x128xf32, #tpu.memory_space<hbm>> -> memref<24576x128xf32, #tpu.memory_space<hbm>>
    tpu.wait_indirect_dma semaphore(%arg13 : memref<!tpu.dma_semaphore, #tpu.memory_space<semaphore_mem>>) src(%dma_wait3A_157 : memref<24576x128xf32, #tpu.memory_space<hbm>>) dst(%arg7 : memref<128x128xf32, #tpu.memory_space<vmem>>)
    %add3A_158 = arith.constant 896 : i32
    %add3A_159 = arith.addi %mul3A_2, %add3A_158 : i32
    %dma_start3A_160 = arith.constant 0 : i32
    %dma_start3A_161 = tpu.memref_slice %arg4[%add3A_159, %dma_start3A_160] : memref<98304x128xf32, #tpu.memory_space<hbm>> -> memref<128x128xf32, #tpu.memory_space<hbm>>
    %dma_start3A_162 = arith.constant 0 : i32
    %dma_start3A_163 = tpu.memref_slice %arg4[%add3A_159, %dma_start3A_162] : memref<98304x128xf32, #tpu.memory_space<hbm>> -> memref<128x128xf32, #tpu.memory_space<hbm>>
    tpu.enqueue_dma source(%arg7 : memref<128x128xf32, #tpu.memory_space<vmem>>) target(%dma_start3A_163 : memref<128x128xf32, #tpu.memory_space<hbm>>) target_semaphore(%arg19 : memref<!tpu.dma_semaphore, #tpu.memory_space<semaphore_mem>>)
    %dma_wait3A_164 = arith.constant 0 : i32
    %dma_wait3A_165 = tpu.memref_slice %arg4[%add3A_119, %dma_wait3A_164] : memref<98304x128xf32, #tpu.memory_space<hbm>> -> memref<128x128xf32, #tpu.memory_space<hbm>>
    %dma_wait3A_166 = arith.constant 0 : i32
    %dma_wait3A_167 = tpu.memref_slice %arg4[%add3A_119, %dma_wait3A_166] : memref<98304x128xf32, #tpu.memory_space<hbm>> -> memref<128x128xf32, #tpu.memory_space<hbm>>
    tpu.wait_dma2 semaphore(%arg23 : memref<!tpu.dma_semaphore, #tpu.memory_space<semaphore_mem>>) src(%arg11 : memref<128x128xf32, #tpu.memory_space<vmem>>) dst(%dma_wait3A_167 : memref<128x128xf32, #tpu.memory_space<hbm>>)
    %dma_start3A_168 = arith.constant 1408 : i32
    %dma_start3A_169 = tpu.memref_slice %arg5[%dma_start3A_168] : memref<3072xi32, #tpu.memory_space<vmem>> -> memref<128xi32, #tpu.memory_space<vmem>>
    %dma_start3A_170 = arith.constant 0 : i32
    %dma_start3A_171 = arith.constant 0 : i32
    %dma_start3A_172 = tpu.memref_slice %arg2[%dma_start3A_170, %dma_start3A_171] : memref<24576x128xf32, #tpu.memory_space<hbm>> -> memref<24576x128xf32, #tpu.memory_space<hbm>>
    tpu.enqueue_indirect_dma source(%dma_start3A_172 : memref<24576x128xf32, #tpu.memory_space<hbm>>) target(%arg11 : memref<128x128xf32, #tpu.memory_space<vmem>>) offsets(%dma_start3A_169 : memref<128xi32, #tpu.memory_space<vmem>>) semaphore(%arg17 : memref<!tpu.dma_semaphore, #tpu.memory_space<semaphore_mem>>)
    %dma_wait3A_173 = arith.constant 1024 : i32
    %dma_wait3A_174 = tpu.memref_slice %arg5[%dma_wait3A_173] : memref<3072xi32, #tpu.memory_space<vmem>> -> memref<128xi32, #tpu.memory_space<vmem>>
    %dma_wait3A_175 = arith.constant 0 : i32
    %dma_wait3A_176 = arith.constant 0 : i32
    %dma_wait3A_177 = tpu.memref_slice %arg2[%dma_wait3A_175, %dma_wait3A_176] : memref<24576x128xf32, #tpu.memory_space<hbm>> -> memref<24576x128xf32, #tpu.memory_space<hbm>>
    tpu.wait_indirect_dma semaphore(%arg14 : memref<!tpu.dma_semaphore, #tpu.memory_space<semaphore_mem>>) src(%dma_wait3A_177 : memref<24576x128xf32, #tpu.memory_space<hbm>>) dst(%arg8 : memref<128x128xf32, #tpu.memory_space<vmem>>)
    %add3A_178 = arith.constant 1024 : i32
    %add3A_179 = arith.addi %mul3A_2, %add3A_178 : i32
    %dma_start3A_180 = arith.constant 0 : i32
    %dma_start3A_181 = tpu.memref_slice %arg4[%add3A_179, %dma_start3A_180] : memref<98304x128xf32, #tpu.memory_space<hbm>> -> memref<128x128xf32, #tpu.memory_space<hbm>>
    %dma_start3A_182 = arith.constant 0 : i32
    %dma_start3A_183 = tpu.memref_slice %arg4[%add3A_179, %dma_start3A_182] : memref<98304x128xf32, #tpu.memory_space<hbm>> -> memref<128x128xf32, #tpu.memory_space<hbm>>
    tpu.enqueue_dma source(%arg8 : memref<128x128xf32, #tpu.memory_space<vmem>>) target(%dma_start3A_183 : memref<128x128xf32, #tpu.memory_space<hbm>>) target_semaphore(%arg20 : memref<!tpu.dma_semaphore, #tpu.memory_space<semaphore_mem>>)
    %dma_wait3A_184 = arith.constant 0 : i32
    %dma_wait3A_185 = tpu.memref_slice %arg4[%add3A_139, %dma_wait3A_184] : memref<98304x128xf32, #tpu.memory_space<hbm>> -> memref<128x128xf32, #tpu.memory_space<hbm>>
    %dma_wait3A_186 = arith.constant 0 : i32
    %dma_wait3A_187 = tpu.memref_slice %arg4[%add3A_139, %dma_wait3A_186] : memref<98304x128xf32, #tpu.memory_space<hbm>> -> memref<128x128xf32, #tpu.memory_space<hbm>>
    tpu.wait_dma2 semaphore(%arg18 : memref<!tpu.dma_semaphore, #tpu.memory_space<semaphore_mem>>) src(%arg6 : memref<128x128xf32, #tpu.memory_space<vmem>>) dst(%dma_wait3A_187 : memref<128x128xf32, #tpu.memory_space<hbm>>)
    %dma_start3A_188 = arith.constant 1536 : i32
    %dma_start3A_189 = tpu.memref_slice %arg5[%dma_start3A_188] : memref<3072xi32, #tpu.memory_space<vmem>> -> memref<128xi32, #tpu.memory_space<vmem>>
    %dma_start3A_190 = arith.constant 0 : i32
    %dma_start3A_191 = arith.constant 0 : i32
    %dma_start3A_192 = tpu.memref_slice %arg2[%dma_start3A_190, %dma_start3A_191] : memref<24576x128xf32, #tpu.memory_space<hbm>> -> memref<24576x128xf32, #tpu.memory_space<hbm>>
    tpu.enqueue_indirect_dma source(%dma_start3A_192 : memref<24576x128xf32, #tpu.memory_space<hbm>>) target(%arg6 : memref<128x128xf32, #tpu.memory_space<vmem>>) offsets(%dma_start3A_189 : memref<128xi32, #tpu.memory_space<vmem>>) semaphore(%arg12 : memref<!tpu.dma_semaphore, #tpu.memory_space<semaphore_mem>>)
    %dma_wait3A_193 = arith.constant 1152 : i32
    %dma_wait3A_194 = tpu.memref_slice %arg5[%dma_wait3A_193] : memref<3072xi32, #tpu.memory_space<vmem>> -> memref<128xi32, #tpu.memory_space<vmem>>
    %dma_wait3A_195 = arith.constant 0 : i32
    %dma_wait3A_196 = arith.constant 0 : i32
    %dma_wait3A_197 = tpu.memref_slice %arg2[%dma_wait3A_195, %dma_wait3A_196] : memref<24576x128xf32, #tpu.memory_space<hbm>> -> memref<24576x128xf32, #tpu.memory_space<hbm>>
    tpu.wait_indirect_dma semaphore(%arg15 : memref<!tpu.dma_semaphore, #tpu.memory_space<semaphore_mem>>) src(%dma_wait3A_197 : memref<24576x128xf32, #tpu.memory_space<hbm>>) dst(%arg9 : memref<128x128xf32, #tpu.memory_space<vmem>>)
    %add3A_198 = arith.constant 1152 : i32
    %add3A_199 = arith.addi %mul3A_2, %add3A_198 : i32
    %dma_start3A_200 = arith.constant 0 : i32
    %dma_start3A_201 = tpu.memref_slice %arg4[%add3A_199, %dma_start3A_200] : memref<98304x128xf32, #tpu.memory_space<hbm>> -> memref<128x128xf32, #tpu.memory_space<hbm>>
    %dma_start3A_202 = arith.constant 0 : i32
    %dma_start3A_203 = tpu.memref_slice %arg4[%add3A_199, %dma_start3A_202] : memref<98304x128xf32, #tpu.memory_space<hbm>> -> memref<128x128xf32, #tpu.memory_space<hbm>>
    tpu.enqueue_dma source(%arg9 : memref<128x128xf32, #tpu.memory_space<vmem>>) target(%dma_start3A_203 : memref<128x128xf32, #tpu.memory_space<hbm>>) target_semaphore(%arg21 : memref<!tpu.dma_semaphore, #tpu.memory_space<semaphore_mem>>)
    %dma_wait3A_204 = arith.constant 0 : i32
    %dma_wait3A_205 = tpu.memref_slice %arg4[%add3A_159, %dma_wait3A_204] : memref<98304x128xf32, #tpu.memory_space<hbm>> -> memref<128x128xf32, #tpu.memory_space<hbm>>
    %dma_wait3A_206 = arith.constant 0 : i32
    %dma_wait3A_207 = tpu.memref_slice %arg4[%add3A_159, %dma_wait3A_206] : memref<98304x128xf32, #tpu.memory_space<hbm>> -> memref<128x128xf32, #tpu.memory_space<hbm>>
    tpu.wait_dma2 semaphore(%arg19 : memref<!tpu.dma_semaphore, #tpu.memory_space<semaphore_mem>>) src(%arg7 : memref<128x128xf32, #tpu.memory_space<vmem>>) dst(%dma_wait3A_207 : memref<128x128xf32, #tpu.memory_space<hbm>>)
    %dma_start3A_208 = arith.constant 1664 : i32
    %dma_start3A_209 = tpu.memref_slice %arg5[%dma_start3A_208] : memref<3072xi32, #tpu.memory_space<vmem>> -> memref<128xi32, #tpu.memory_space<vmem>>
    %dma_start3A_210 = arith.constant 0 : i32
    %dma_start3A_211 = arith.constant 0 : i32
    %dma_start3A_212 = tpu.memref_slice %arg2[%dma_start3A_210, %dma_start3A_211] : memref<24576x128xf32, #tpu.memory_space<hbm>> -> memref<24576x128xf32, #tpu.memory_space<hbm>>
    tpu.enqueue_indirect_dma source(%dma_start3A_212 : memref<24576x128xf32, #tpu.memory_space<hbm>>) target(%arg7 : memref<128x128xf32, #tpu.memory_space<vmem>>) offsets(%dma_start3A_209 : memref<128xi32, #tpu.memory_space<vmem>>) semaphore(%arg13 : memref<!tpu.dma_semaphore, #tpu.memory_space<semaphore_mem>>)
    %dma_wait3A_213 = arith.constant 1280 : i32
    %dma_wait3A_214 = tpu.memref_slice %arg5[%dma_wait3A_213] : memref<3072xi32, #tpu.memory_space<vmem>> -> memref<128xi32, #tpu.memory_space<vmem>>
    %dma_wait3A_215 = arith.constant 0 : i32
    %dma_wait3A_216 = arith.constant 0 : i32
    %dma_wait3A_217 = tpu.memref_slice %arg2[%dma_wait3A_215, %dma_wait3A_216] : memref<24576x128xf32, #tpu.memory_space<hbm>> -> memref<24576x128xf32, #tpu.memory_space<hbm>>
    tpu.wait_indirect_dma semaphore(%arg16 : memref<!tpu.dma_semaphore, #tpu.memory_space<semaphore_mem>>) src(%dma_wait3A_217 : memref<24576x128xf32, #tpu.memory_space<hbm>>) dst(%arg10 : memref<128x128xf32, #tpu.memory_space<vmem>>)
    %add3A_218 = arith.constant 1280 : i32
    %add3A_219 = arith.addi %mul3A_2, %add3A_218 : i32
    %dma_start3A_220 = arith.constant 0 : i32
    %dma_start3A_221 = tpu.memref_slice %arg4[%add3A_219, %dma_start3A_220] : memref<98304x128xf32, #tpu.memory_space<hbm>> -> memref<128x128xf32, #tpu.memory_space<hbm>>
    %dma_start3A_222 = arith.constant 0 : i32
    %dma_start3A_223 = tpu.memref_slice %arg4[%add3A_219, %dma_start3A_222] : memref<98304x128xf32, #tpu.memory_space<hbm>> -> memref<128x128xf32, #tpu.memory_space<hbm>>
    tpu.enqueue_dma source(%arg10 : memref<128x128xf32, #tpu.memory_space<vmem>>) target(%dma_start3A_223 : memref<128x128xf32, #tpu.memory_space<hbm>>) target_semaphore(%arg22 : memref<!tpu.dma_semaphore, #tpu.memory_space<semaphore_mem>>)
    %dma_wait3A_224 = arith.constant 0 : i32
    %dma_wait3A_225 = tpu.memref_slice %arg4[%add3A_179, %dma_wait3A_224] : memref<98304x128xf32, #tpu.memory_space<hbm>> -> memref<128x128xf32, #tpu.memory_space<hbm>>
    %dma_wait3A_226 = arith.constant 0 : i32
    %dma_wait3A_227 = tpu.memref_slice %arg4[%add3A_179, %dma_wait3A_226] : memref<98304x128xf32, #tpu.memory_space<hbm>> -> memref<128x128xf32, #tpu.memory_space<hbm>>
    tpu.wait_dma2 semaphore(%arg20 : memref<!tpu.dma_semaphore, #tpu.memory_space<semaphore_mem>>) src(%arg8 : memref<128x128xf32, #tpu.memory_space<vmem>>) dst(%dma_wait3A_227 : memref<128x128xf32, #tpu.memory_space<hbm>>)
    %dma_start3A_228 = arith.constant 1792 : i32
    %dma_start3A_229 = tpu.memref_slice %arg5[%dma_start3A_228] : memref<3072xi32, #tpu.memory_space<vmem>> -> memref<128xi32, #tpu.memory_space<vmem>>
    %dma_start3A_230 = arith.constant 0 : i32
    %dma_start3A_231 = arith.constant 0 : i32
    %dma_start3A_232 = tpu.memref_slice %arg2[%dma_start3A_230, %dma_start3A_231] : memref<24576x128xf32, #tpu.memory_space<hbm>> -> memref<24576x128xf32, #tpu.memory_space<hbm>>
    tpu.enqueue_indirect_dma source(%dma_start3A_232 : memref<24576x128xf32, #tpu.memory_space<hbm>>) target(%arg8 : memref<128x128xf32, #tpu.memory_space<vmem>>) offsets(%dma_start3A_229 : memref<128xi32, #tpu.memory_space<vmem>>) semaphore(%arg14 : memref<!tpu.dma_semaphore, #tpu.memory_space<semaphore_mem>>)
    %dma_wait3A_233 = arith.constant 1408 : i32
    %dma_wait3A_234 = tpu.memref_slice %arg5[%dma_wait3A_233] : memref<3072xi32, #tpu.memory_space<vmem>> -> memref<128xi32, #tpu.memory_space<vmem>>
    %dma_wait3A_235 = arith.constant 0 : i32
    %dma_wait3A_236 = arith.constant 0 : i32
    %dma_wait3A_237 = tpu.memref_slice %arg2[%dma_wait3A_235, %dma_wait3A_236] : memref<24576x128xf32, #tpu.memory_space<hbm>> -> memref<24576x128xf32, #tpu.memory_space<hbm>>
    tpu.wait_indirect_dma semaphore(%arg17 : memref<!tpu.dma_semaphore, #tpu.memory_space<semaphore_mem>>) src(%dma_wait3A_237 : memref<24576x128xf32, #tpu.memory_space<hbm>>) dst(%arg11 : memref<128x128xf32, #tpu.memory_space<vmem>>)
    %add3A_238 = arith.constant 1408 : i32
    %add3A_239 = arith.addi %mul3A_2, %add3A_238 : i32
    %dma_start3A_240 = arith.constant 0 : i32
    %dma_start3A_241 = tpu.memref_slice %arg4[%add3A_239, %dma_start3A_240] : memref<98304x128xf32, #tpu.memory_space<hbm>> -> memref<128x128xf32, #tpu.memory_space<hbm>>
    %dma_start3A_242 = arith.constant 0 : i32
    %dma_start3A_243 = tpu.memref_slice %arg4[%add3A_239, %dma_start3A_242] : memref<98304x128xf32, #tpu.memory_space<hbm>> -> memref<128x128xf32, #tpu.memory_space<hbm>>
    tpu.enqueue_dma source(%arg11 : memref<128x128xf32, #tpu.memory_space<vmem>>) target(%dma_start3A_243 : memref<128x128xf32, #tpu.memory_space<hbm>>) target_semaphore(%arg23 : memref<!tpu.dma_semaphore, #tpu.memory_space<semaphore_mem>>)
    %dma_wait3A_244 = arith.constant 0 : i32
    %dma_wait3A_245 = tpu.memref_slice %arg4[%add3A_199, %dma_wait3A_244] : memref<98304x128xf32, #tpu.memory_space<hbm>> -> memref<128x128xf32, #tpu.memory_space<hbm>>
    %dma_wait3A_246 = arith.constant 0 : i32
    %dma_wait3A_247 = tpu.memref_slice %arg4[%add3A_199, %dma_wait3A_246] : memref<98304x128xf32, #tpu.memory_space<hbm>> -> memref<128x128xf32, #tpu.memory_space<hbm>>
    tpu.wait_dma2 semaphore(%arg21 : memref<!tpu.dma_semaphore, #tpu.memory_space<semaphore_mem>>) src(%arg9 : memref<128x128xf32, #tpu.memory_space<vmem>>) dst(%dma_wait3A_247 : memref<128x128xf32, #tpu.memory_space<hbm>>)
    %dma_start3A_248 = arith.constant 1920 : i32
    %dma_start3A_249 = tpu.memref_slice %arg5[%dma_start3A_248] : memref<3072xi32, #tpu.memory_space<vmem>> -> memref<128xi32, #tpu.memory_space<vmem>>
    %dma_start3A_250 = arith.constant 0 : i32
    %dma_start3A_251 = arith.constant 0 : i32
    %dma_start3A_252 = tpu.memref_slice %arg2[%dma_start3A_250, %dma_start3A_251] : memref<24576x128xf32, #tpu.memory_space<hbm>> -> memref<24576x128xf32, #tpu.memory_space<hbm>>
    tpu.enqueue_indirect_dma source(%dma_start3A_252 : memref<24576x128xf32, #tpu.memory_space<hbm>>) target(%arg9 : memref<128x128xf32, #tpu.memory_space<vmem>>) offsets(%dma_start3A_249 : memref<128xi32, #tpu.memory_space<vmem>>) semaphore(%arg15 : memref<!tpu.dma_semaphore, #tpu.memory_space<semaphore_mem>>)
    %dma_wait3A_253 = arith.constant 1536 : i32
    %dma_wait3A_254 = tpu.memref_slice %arg5[%dma_wait3A_253] : memref<3072xi32, #tpu.memory_space<vmem>> -> memref<128xi32, #tpu.memory_space<vmem>>
    %dma_wait3A_255 = arith.constant 0 : i32
    %dma_wait3A_256 = arith.constant 0 : i32
    %dma_wait3A_257 = tpu.memref_slice %arg2[%dma_wait3A_255, %dma_wait3A_256] : memref<24576x128xf32, #tpu.memory_space<hbm>> -> memref<24576x128xf32, #tpu.memory_space<hbm>>
    tpu.wait_indirect_dma semaphore(%arg12 : memref<!tpu.dma_semaphore, #tpu.memory_space<semaphore_mem>>) src(%dma_wait3A_257 : memref<24576x128xf32, #tpu.memory_space<hbm>>) dst(%arg6 : memref<128x128xf32, #tpu.memory_space<vmem>>)
    %add3A_258 = arith.constant 1536 : i32
    %add3A_259 = arith.addi %mul3A_2, %add3A_258 : i32
    %dma_start3A_260 = arith.constant 0 : i32
    %dma_start3A_261 = tpu.memref_slice %arg4[%add3A_259, %dma_start3A_260] : memref<98304x128xf32, #tpu.memory_space<hbm>> -> memref<128x128xf32, #tpu.memory_space<hbm>>
    %dma_start3A_262 = arith.constant 0 : i32
    %dma_start3A_263 = tpu.memref_slice %arg4[%add3A_259, %dma_start3A_262] : memref<98304x128xf32, #tpu.memory_space<hbm>> -> memref<128x128xf32, #tpu.memory_space<hbm>>
    tpu.enqueue_dma source(%arg6 : memref<128x128xf32, #tpu.memory_space<vmem>>) target(%dma_start3A_263 : memref<128x128xf32, #tpu.memory_space<hbm>>) target_semaphore(%arg18 : memref<!tpu.dma_semaphore, #tpu.memory_space<semaphore_mem>>)
    %dma_wait3A_264 = arith.constant 0 : i32
    %dma_wait3A_265 = tpu.memref_slice %arg4[%add3A_219, %dma_wait3A_264] : memref<98304x128xf32, #tpu.memory_space<hbm>> -> memref<128x128xf32, #tpu.memory_space<hbm>>
    %dma_wait3A_266 = arith.constant 0 : i32
    %dma_wait3A_267 = tpu.memref_slice %arg4[%add3A_219, %dma_wait3A_266] : memref<98304x128xf32, #tpu.memory_space<hbm>> -> memref<128x128xf32, #tpu.memory_space<hbm>>
    tpu.wait_dma2 semaphore(%arg22 : memref<!tpu.dma_semaphore, #tpu.memory_space<semaphore_mem>>) src(%arg10 : memref<128x128xf32, #tpu.memory_space<vmem>>) dst(%dma_wait3A_267 : memref<128x128xf32, #tpu.memory_space<hbm>>)
    %dma_start3A_268 = arith.constant 2048 : i32
    %dma_start3A_269 = tpu.memref_slice %arg5[%dma_start3A_268] : memref<3072xi32, #tpu.memory_space<vmem>> -> memref<128xi32, #tpu.memory_space<vmem>>
    %dma_start3A_270 = arith.constant 0 : i32
    %dma_start3A_271 = arith.constant 0 : i32
    %dma_start3A_272 = tpu.memref_slice %arg2[%dma_start3A_270, %dma_start3A_271] : memref<24576x128xf32, #tpu.memory_space<hbm>> -> memref<24576x128xf32, #tpu.memory_space<hbm>>
    tpu.enqueue_indirect_dma source(%dma_start3A_272 : memref<24576x128xf32, #tpu.memory_space<hbm>>) target(%arg10 : memref<128x128xf32, #tpu.memory_space<vmem>>) offsets(%dma_start3A_269 : memref<128xi32, #tpu.memory_space<vmem>>) semaphore(%arg16 : memref<!tpu.dma_semaphore, #tpu.memory_space<semaphore_mem>>)
    %dma_wait3A_273 = arith.constant 1664 : i32
    %dma_wait3A_274 = tpu.memref_slice %arg5[%dma_wait3A_273] : memref<3072xi32, #tpu.memory_space<vmem>> -> memref<128xi32, #tpu.memory_space<vmem>>
    %dma_wait3A_275 = arith.constant 0 : i32
    %dma_wait3A_276 = arith.constant 0 : i32
    %dma_wait3A_277 = tpu.memref_slice %arg2[%dma_wait3A_275, %dma_wait3A_276] : memref<24576x128xf32, #tpu.memory_space<hbm>> -> memref<24576x128xf32, #tpu.memory_space<hbm>>
    tpu.wait_indirect_dma semaphore(%arg13 : memref<!tpu.dma_semaphore, #tpu.memory_space<semaphore_mem>>) src(%dma_wait3A_277 : memref<24576x128xf32, #tpu.memory_space<hbm>>) dst(%arg7 : memref<128x128xf32, #tpu.memory_space<vmem>>)
    %add3A_278 = arith.constant 1664 : i32
    %add3A_279 = arith.addi %mul3A_2, %add3A_278 : i32
    %dma_start3A_280 = arith.constant 0 : i32
    %dma_start3A_281 = tpu.memref_slice %arg4[%add3A_279, %dma_start3A_280] : memref<98304x128xf32, #tpu.memory_space<hbm>> -> memref<128x128xf32, #tpu.memory_space<hbm>>
    %dma_start3A_282 = arith.constant 0 : i32
    %dma_start3A_283 = tpu.memref_slice %arg4[%add3A_279, %dma_start3A_282] : memref<98304x128xf32, #tpu.memory_space<hbm>> -> memref<128x128xf32, #tpu.memory_space<hbm>>
    tpu.enqueue_dma source(%arg7 : memref<128x128xf32, #tpu.memory_space<vmem>>) target(%dma_start3A_283 : memref<128x128xf32, #tpu.memory_space<hbm>>) target_semaphore(%arg19 : memref<!tpu.dma_semaphore, #tpu.memory_space<semaphore_mem>>)
    %dma_wait3A_284 = arith.constant 0 : i32
    %dma_wait3A_285 = tpu.memref_slice %arg4[%add3A_239, %dma_wait3A_284] : memref<98304x128xf32, #tpu.memory_space<hbm>> -> memref<128x128xf32, #tpu.memory_space<hbm>>
    %dma_wait3A_286 = arith.constant 0 : i32
    %dma_wait3A_287 = tpu.memref_slice %arg4[%add3A_239, %dma_wait3A_286] : memref<98304x128xf32, #tpu.memory_space<hbm>> -> memref<128x128xf32, #tpu.memory_space<hbm>>
    tpu.wait_dma2 semaphore(%arg23 : memref<!tpu.dma_semaphore, #tpu.memory_space<semaphore_mem>>) src(%arg11 : memref<128x128xf32, #tpu.memory_space<vmem>>) dst(%dma_wait3A_287 : memref<128x128xf32, #tpu.memory_space<hbm>>)
    %dma_start3A_288 = arith.constant 2176 : i32
    %dma_start3A_289 = tpu.memref_slice %arg5[%dma_start3A_288] : memref<3072xi32, #tpu.memory_space<vmem>> -> memref<128xi32, #tpu.memory_space<vmem>>
    %dma_start3A_290 = arith.constant 0 : i32
    %dma_start3A_291 = arith.constant 0 : i32
    %dma_start3A_292 = tpu.memref_slice %arg2[%dma_start3A_290, %dma_start3A_291] : memref<24576x128xf32, #tpu.memory_space<hbm>> -> memref<24576x128xf32, #tpu.memory_space<hbm>>
    tpu.enqueue_indirect_dma source(%dma_start3A_292 : memref<24576x128xf32, #tpu.memory_space<hbm>>) target(%arg11 : memref<128x128xf32, #tpu.memory_space<vmem>>) offsets(%dma_start3A_289 : memref<128xi32, #tpu.memory_space<vmem>>) semaphore(%arg17 : memref<!tpu.dma_semaphore, #tpu.memory_space<semaphore_mem>>)
    %dma_wait3A_293 = arith.constant 1792 : i32
    %dma_wait3A_294 = tpu.memref_slice %arg5[%dma_wait3A_293] : memref<3072xi32, #tpu.memory_space<vmem>> -> memref<128xi32, #tpu.memory_space<vmem>>
    %dma_wait3A_295 = arith.constant 0 : i32
    %dma_wait3A_296 = arith.constant 0 : i32
    %dma_wait3A_297 = tpu.memref_slice %arg2[%dma_wait3A_295, %dma_wait3A_296] : memref<24576x128xf32, #tpu.memory_space<hbm>> -> memref<24576x128xf32, #tpu.memory_space<hbm>>
    tpu.wait_indirect_dma semaphore(%arg14 : memref<!tpu.dma_semaphore, #tpu.memory_space<semaphore_mem>>) src(%dma_wait3A_297 : memref<24576x128xf32, #tpu.memory_space<hbm>>) dst(%arg8 : memref<128x128xf32, #tpu.memory_space<vmem>>)
    %add3A_298 = arith.constant 1792 : i32
    %add3A_299 = arith.addi %mul3A_2, %add3A_298 : i32
    %dma_start3A_300 = arith.constant 0 : i32
    %dma_start3A_301 = tpu.memref_slice %arg4[%add3A_299, %dma_start3A_300] : memref<98304x128xf32, #tpu.memory_space<hbm>> -> memref<128x128xf32, #tpu.memory_space<hbm>>
    %dma_start3A_302 = arith.constant 0 : i32
    %dma_start3A_303 = tpu.memref_slice %arg4[%add3A_299, %dma_start3A_302] : memref<98304x128xf32, #tpu.memory_space<hbm>> -> memref<128x128xf32, #tpu.memory_space<hbm>>
    tpu.enqueue_dma source(%arg8 : memref<128x128xf32, #tpu.memory_space<vmem>>) target(%dma_start3A_303 : memref<128x128xf32, #tpu.memory_space<hbm>>) target_semaphore(%arg20 : memref<!tpu.dma_semaphore, #tpu.memory_space<semaphore_mem>>)
    %dma_wait3A_304 = arith.constant 0 : i32
    %dma_wait3A_305 = tpu.memref_slice %arg4[%add3A_259, %dma_wait3A_304] : memref<98304x128xf32, #tpu.memory_space<hbm>> -> memref<128x128xf32, #tpu.memory_space<hbm>>
    %dma_wait3A_306 = arith.constant 0 : i32
    %dma_wait3A_307 = tpu.memref_slice %arg4[%add3A_259, %dma_wait3A_306] : memref<98304x128xf32, #tpu.memory_space<hbm>> -> memref<128x128xf32, #tpu.memory_space<hbm>>
    tpu.wait_dma2 semaphore(%arg18 : memref<!tpu.dma_semaphore, #tpu.memory_space<semaphore_mem>>) src(%arg6 : memref<128x128xf32, #tpu.memory_space<vmem>>) dst(%dma_wait3A_307 : memref<128x128xf32, #tpu.memory_space<hbm>>)
    %dma_start3A_308 = arith.constant 2304 : i32
    %dma_start3A_309 = tpu.memref_slice %arg5[%dma_start3A_308] : memref<3072xi32, #tpu.memory_space<vmem>> -> memref<128xi32, #tpu.memory_space<vmem>>
    %dma_start3A_310 = arith.constant 0 : i32
    %dma_start3A_311 = arith.constant 0 : i32
    %dma_start3A_312 = tpu.memref_slice %arg2[%dma_start3A_310, %dma_start3A_311] : memref<24576x128xf32, #tpu.memory_space<hbm>> -> memref<24576x128xf32, #tpu.memory_space<hbm>>
    tpu.enqueue_indirect_dma source(%dma_start3A_312 : memref<24576x128xf32, #tpu.memory_space<hbm>>) target(%arg6 : memref<128x128xf32, #tpu.memory_space<vmem>>) offsets(%dma_start3A_309 : memref<128xi32, #tpu.memory_space<vmem>>) semaphore(%arg12 : memref<!tpu.dma_semaphore, #tpu.memory_space<semaphore_mem>>)
    %dma_wait3A_313 = arith.constant 1920 : i32
    %dma_wait3A_314 = tpu.memref_slice %arg5[%dma_wait3A_313] : memref<3072xi32, #tpu.memory_space<vmem>> -> memref<128xi32, #tpu.memory_space<vmem>>
    %dma_wait3A_315 = arith.constant 0 : i32
    %dma_wait3A_316 = arith.constant 0 : i32
    %dma_wait3A_317 = tpu.memref_slice %arg2[%dma_wait3A_315, %dma_wait3A_316] : memref<24576x128xf32, #tpu.memory_space<hbm>> -> memref<24576x128xf32, #tpu.memory_space<hbm>>
    tpu.wait_indirect_dma semaphore(%arg15 : memref<!tpu.dma_semaphore, #tpu.memory_space<semaphore_mem>>) src(%dma_wait3A_317 : memref<24576x128xf32, #tpu.memory_space<hbm>>) dst(%arg9 : memref<128x128xf32, #tpu.memory_space<vmem>>)
    %add3A_318 = arith.constant 1920 : i32
    %add3A_319 = arith.addi %mul3A_2, %add3A_318 : i32
    %dma_start3A_320 = arith.constant 0 : i32
    %dma_start3A_321 = tpu.memref_slice %arg4[%add3A_319, %dma_start3A_320] : memref<98304x128xf32, #tpu.memory_space<hbm>> -> memref<128x128xf32, #tpu.memory_space<hbm>>
    %dma_start3A_322 = arith.constant 0 : i32
    %dma_start3A_323 = tpu.memref_slice %arg4[%add3A_319, %dma_start3A_322] : memref<98304x128xf32, #tpu.memory_space<hbm>> -> memref<128x128xf32, #tpu.memory_space<hbm>>
    tpu.enqueue_dma source(%arg9 : memref<128x128xf32, #tpu.memory_space<vmem>>) target(%dma_start3A_323 : memref<128x128xf32, #tpu.memory_space<hbm>>) target_semaphore(%arg21 : memref<!tpu.dma_semaphore, #tpu.memory_space<semaphore_mem>>)
    %dma_wait3A_324 = arith.constant 0 : i32
    %dma_wait3A_325 = tpu.memref_slice %arg4[%add3A_279, %dma_wait3A_324] : memref<98304x128xf32, #tpu.memory_space<hbm>> -> memref<128x128xf32, #tpu.memory_space<hbm>>
    %dma_wait3A_326 = arith.constant 0 : i32
    %dma_wait3A_327 = tpu.memref_slice %arg4[%add3A_279, %dma_wait3A_326] : memref<98304x128xf32, #tpu.memory_space<hbm>> -> memref<128x128xf32, #tpu.memory_space<hbm>>
    tpu.wait_dma2 semaphore(%arg19 : memref<!tpu.dma_semaphore, #tpu.memory_space<semaphore_mem>>) src(%arg7 : memref<128x128xf32, #tpu.memory_space<vmem>>) dst(%dma_wait3A_327 : memref<128x128xf32, #tpu.memory_space<hbm>>)
    %dma_start3A_328 = arith.constant 2432 : i32
    %dma_start3A_329 = tpu.memref_slice %arg5[%dma_start3A_328] : memref<3072xi32, #tpu.memory_space<vmem>> -> memref<128xi32, #tpu.memory_space<vmem>>
    %dma_start3A_330 = arith.constant 0 : i32
    %dma_start3A_331 = arith.constant 0 : i32
    %dma_start3A_332 = tpu.memref_slice %arg2[%dma_start3A_330, %dma_start3A_331] : memref<24576x128xf32, #tpu.memory_space<hbm>> -> memref<24576x128xf32, #tpu.memory_space<hbm>>
    tpu.enqueue_indirect_dma source(%dma_start3A_332 : memref<24576x128xf32, #tpu.memory_space<hbm>>) target(%arg7 : memref<128x128xf32, #tpu.memory_space<vmem>>) offsets(%dma_start3A_329 : memref<128xi32, #tpu.memory_space<vmem>>) semaphore(%arg13 : memref<!tpu.dma_semaphore, #tpu.memory_space<semaphore_mem>>)
    %dma_wait3A_333 = arith.constant 2048 : i32
    %dma_wait3A_334 = tpu.memref_slice %arg5[%dma_wait3A_333] : memref<3072xi32, #tpu.memory_space<vmem>> -> memref<128xi32, #tpu.memory_space<vmem>>
    %dma_wait3A_335 = arith.constant 0 : i32
    %dma_wait3A_336 = arith.constant 0 : i32
    %dma_wait3A_337 = tpu.memref_slice %arg2[%dma_wait3A_335, %dma_wait3A_336] : memref<24576x128xf32, #tpu.memory_space<hbm>> -> memref<24576x128xf32, #tpu.memory_space<hbm>>
    tpu.wait_indirect_dma semaphore(%arg16 : memref<!tpu.dma_semaphore, #tpu.memory_space<semaphore_mem>>) src(%dma_wait3A_337 : memref<24576x128xf32, #tpu.memory_space<hbm>>) dst(%arg10 : memref<128x128xf32, #tpu.memory_space<vmem>>)
    %add3A_338 = arith.constant 2048 : i32
    %add3A_339 = arith.addi %mul3A_2, %add3A_338 : i32
    %dma_start3A_340 = arith.constant 0 : i32
    %dma_start3A_341 = tpu.memref_slice %arg4[%add3A_339, %dma_start3A_340] : memref<98304x128xf32, #tpu.memory_space<hbm>> -> memref<128x128xf32, #tpu.memory_space<hbm>>
    %dma_start3A_342 = arith.constant 0 : i32
    %dma_start3A_343 = tpu.memref_slice %arg4[%add3A_339, %dma_start3A_342] : memref<98304x128xf32, #tpu.memory_space<hbm>> -> memref<128x128xf32, #tpu.memory_space<hbm>>
    tpu.enqueue_dma source(%arg10 : memref<128x128xf32, #tpu.memory_space<vmem>>) target(%dma_start3A_343 : memref<128x128xf32, #tpu.memory_space<hbm>>) target_semaphore(%arg22 : memref<!tpu.dma_semaphore, #tpu.memory_space<semaphore_mem>>)
    %dma_wait3A_344 = arith.constant 0 : i32
    %dma_wait3A_345 = tpu.memref_slice %arg4[%add3A_299, %dma_wait3A_344] : memref<98304x128xf32, #tpu.memory_space<hbm>> -> memref<128x128xf32, #tpu.memory_space<hbm>>
    %dma_wait3A_346 = arith.constant 0 : i32
    %dma_wait3A_347 = tpu.memref_slice %arg4[%add3A_299, %dma_wait3A_346] : memref<98304x128xf32, #tpu.memory_space<hbm>> -> memref<128x128xf32, #tpu.memory_space<hbm>>
    tpu.wait_dma2 semaphore(%arg20 : memref<!tpu.dma_semaphore, #tpu.memory_space<semaphore_mem>>) src(%arg8 : memref<128x128xf32, #tpu.memory_space<vmem>>) dst(%dma_wait3A_347 : memref<128x128xf32, #tpu.memory_space<hbm>>)
    %dma_start3A_348 = arith.constant 2560 : i32
    %dma_start3A_349 = tpu.memref_slice %arg5[%dma_start3A_348] : memref<3072xi32, #tpu.memory_space<vmem>> -> memref<128xi32, #tpu.memory_space<vmem>>
    %dma_start3A_350 = arith.constant 0 : i32
    %dma_start3A_351 = arith.constant 0 : i32
    %dma_start3A_352 = tpu.memref_slice %arg2[%dma_start3A_350, %dma_start3A_351] : memref<24576x128xf32, #tpu.memory_space<hbm>> -> memref<24576x128xf32, #tpu.memory_space<hbm>>
    tpu.enqueue_indirect_dma source(%dma_start3A_352 : memref<24576x128xf32, #tpu.memory_space<hbm>>) target(%arg8 : memref<128x128xf32, #tpu.memory_space<vmem>>) offsets(%dma_start3A_349 : memref<128xi32, #tpu.memory_space<vmem>>) semaphore(%arg14 : memref<!tpu.dma_semaphore, #tpu.memory_space<semaphore_mem>>)
    %dma_wait3A_353 = arith.constant 2176 : i32
    %dma_wait3A_354 = tpu.memref_slice %arg5[%dma_wait3A_353] : memref<3072xi32, #tpu.memory_space<vmem>> -> memref<128xi32, #tpu.memory_space<vmem>>
    %dma_wait3A_355 = arith.constant 0 : i32
    %dma_wait3A_356 = arith.constant 0 : i32
    %dma_wait3A_357 = tpu.memref_slice %arg2[%dma_wait3A_355, %dma_wait3A_356] : memref<24576x128xf32, #tpu.memory_space<hbm>> -> memref<24576x128xf32, #tpu.memory_space<hbm>>
    tpu.wait_indirect_dma semaphore(%arg17 : memref<!tpu.dma_semaphore, #tpu.memory_space<semaphore_mem>>) src(%dma_wait3A_357 : memref<24576x128xf32, #tpu.memory_space<hbm>>) dst(%arg11 : memref<128x128xf32, #tpu.memory_space<vmem>>)
    %add3A_358 = arith.constant 2176 : i32
    %add3A_359 = arith.addi %mul3A_2, %add3A_358 : i32
    %dma_start3A_360 = arith.constant 0 : i32
    %dma_start3A_361 = tpu.memref_slice %arg4[%add3A_359, %dma_start3A_360] : memref<98304x128xf32, #tpu.memory_space<hbm>> -> memref<128x128xf32, #tpu.memory_space<hbm>>
    %dma_start3A_362 = arith.constant 0 : i32
    %dma_start3A_363 = tpu.memref_slice %arg4[%add3A_359, %dma_start3A_362] : memref<98304x128xf32, #tpu.memory_space<hbm>> -> memref<128x128xf32, #tpu.memory_space<hbm>>
    tpu.enqueue_dma source(%arg11 : memref<128x128xf32, #tpu.memory_space<vmem>>) target(%dma_start3A_363 : memref<128x128xf32, #tpu.memory_space<hbm>>) target_semaphore(%arg23 : memref<!tpu.dma_semaphore, #tpu.memory_space<semaphore_mem>>)
    %dma_wait3A_364 = arith.constant 0 : i32
    %dma_wait3A_365 = tpu.memref_slice %arg4[%add3A_319, %dma_wait3A_364] : memref<98304x128xf32, #tpu.memory_space<hbm>> -> memref<128x128xf32, #tpu.memory_space<hbm>>
    %dma_wait3A_366 = arith.constant 0 : i32
    %dma_wait3A_367 = tpu.memref_slice %arg4[%add3A_319, %dma_wait3A_366] : memref<98304x128xf32, #tpu.memory_space<hbm>> -> memref<128x128xf32, #tpu.memory_space<hbm>>
    tpu.wait_dma2 semaphore(%arg21 : memref<!tpu.dma_semaphore, #tpu.memory_space<semaphore_mem>>) src(%arg9 : memref<128x128xf32, #tpu.memory_space<vmem>>) dst(%dma_wait3A_367 : memref<128x128xf32, #tpu.memory_space<hbm>>)
    %dma_start3A_368 = arith.constant 2688 : i32
    %dma_start3A_369 = tpu.memref_slice %arg5[%dma_start3A_368] : memref<3072xi32, #tpu.memory_space<vmem>> -> memref<128xi32, #tpu.memory_space<vmem>>
    %dma_start3A_370 = arith.constant 0 : i32
    %dma_start3A_371 = arith.constant 0 : i32
    %dma_start3A_372 = tpu.memref_slice %arg2[%dma_start3A_370, %dma_start3A_371] : memref<24576x128xf32, #tpu.memory_space<hbm>> -> memref<24576x128xf32, #tpu.memory_space<hbm>>
    tpu.enqueue_indirect_dma source(%dma_start3A_372 : memref<24576x128xf32, #tpu.memory_space<hbm>>) target(%arg9 : memref<128x128xf32, #tpu.memory_space<vmem>>) offsets(%dma_start3A_369 : memref<128xi32, #tpu.memory_space<vmem>>) semaphore(%arg15 : memref<!tpu.dma_semaphore, #tpu.memory_space<semaphore_mem>>)
    %dma_wait3A_373 = arith.constant 2304 : i32
    %dma_wait3A_374 = tpu.memref_slice %arg5[%dma_wait3A_373] : memref<3072xi32, #tpu.memory_space<vmem>> -> memref<128xi32, #tpu.memory_space<vmem>>
    %dma_wait3A_375 = arith.constant 0 : i32
    %dma_wait3A_376 = arith.constant 0 : i32
    %dma_wait3A_377 = tpu.memref_slice %arg2[%dma_wait3A_375, %dma_wait3A_376] : memref<24576x128xf32, #tpu.memory_space<hbm>> -> memref<24576x128xf32, #tpu.memory_space<hbm>>
    tpu.wait_indirect_dma semaphore(%arg12 : memref<!tpu.dma_semaphore, #tpu.memory_space<semaphore_mem>>) src(%dma_wait3A_377 : memref<24576x128xf32, #tpu.memory_space<hbm>>) dst(%arg6 : memref<128x128xf32, #tpu.memory_space<vmem>>)
    %add3A_378 = arith.constant 2304 : i32
    %add3A_379 = arith.addi %mul3A_2, %add3A_378 : i32
    %dma_start3A_380 = arith.constant 0 : i32
    %dma_start3A_381 = tpu.memref_slice %arg4[%add3A_379, %dma_start3A_380] : memref<98304x128xf32, #tpu.memory_space<hbm>> -> memref<128x128xf32, #tpu.memory_space<hbm>>
    %dma_start3A_382 = arith.constant 0 : i32
    %dma_start3A_383 = tpu.memref_slice %arg4[%add3A_379, %dma_start3A_382] : memref<98304x128xf32, #tpu.memory_space<hbm>> -> memref<128x128xf32, #tpu.memory_space<hbm>>
    tpu.enqueue_dma source(%arg6 : memref<128x128xf32, #tpu.memory_space<vmem>>) target(%dma_start3A_383 : memref<128x128xf32, #tpu.memory_space<hbm>>) target_semaphore(%arg18 : memref<!tpu.dma_semaphore, #tpu.memory_space<semaphore_mem>>)
    %dma_wait3A_384 = arith.constant 0 : i32
    %dma_wait3A_385 = tpu.memref_slice %arg4[%add3A_339, %dma_wait3A_384] : memref<98304x128xf32, #tpu.memory_space<hbm>> -> memref<128x128xf32, #tpu.memory_space<hbm>>
    %dma_wait3A_386 = arith.constant 0 : i32
    %dma_wait3A_387 = tpu.memref_slice %arg4[%add3A_339, %dma_wait3A_386] : memref<98304x128xf32, #tpu.memory_space<hbm>> -> memref<128x128xf32, #tpu.memory_space<hbm>>
    tpu.wait_dma2 semaphore(%arg22 : memref<!tpu.dma_semaphore, #tpu.memory_space<semaphore_mem>>) src(%arg10 : memref<128x128xf32, #tpu.memory_space<vmem>>) dst(%dma_wait3A_387 : memref<128x128xf32, #tpu.memory_space<hbm>>)
    %dma_start3A_388 = arith.constant 2816 : i32
    %dma_start3A_389 = tpu.memref_slice %arg5[%dma_start3A_388] : memref<3072xi32, #tpu.memory_space<vmem>> -> memref<128xi32, #tpu.memory_space<vmem>>
    %dma_start3A_390 = arith.constant 0 : i32
    %dma_start3A_391 = arith.constant 0 : i32
    %dma_start3A_392 = tpu.memref_slice %arg2[%dma_start3A_390, %dma_start3A_391] : memref<24576x128xf32, #tpu.memory_space<hbm>> -> memref<24576x128xf32, #tpu.memory_space<hbm>>
    tpu.enqueue_indirect_dma source(%dma_start3A_392 : memref<24576x128xf32, #tpu.memory_space<hbm>>) target(%arg10 : memref<128x128xf32, #tpu.memory_space<vmem>>) offsets(%dma_start3A_389 : memref<128xi32, #tpu.memory_space<vmem>>) semaphore(%arg16 : memref<!tpu.dma_semaphore, #tpu.memory_space<semaphore_mem>>)
    %dma_wait3A_393 = arith.constant 2432 : i32
    %dma_wait3A_394 = tpu.memref_slice %arg5[%dma_wait3A_393] : memref<3072xi32, #tpu.memory_space<vmem>> -> memref<128xi32, #tpu.memory_space<vmem>>
    %dma_wait3A_395 = arith.constant 0 : i32
    %dma_wait3A_396 = arith.constant 0 : i32
    %dma_wait3A_397 = tpu.memref_slice %arg2[%dma_wait3A_395, %dma_wait3A_396] : memref<24576x128xf32, #tpu.memory_space<hbm>> -> memref<24576x128xf32, #tpu.memory_space<hbm>>
    tpu.wait_indirect_dma semaphore(%arg13 : memref<!tpu.dma_semaphore, #tpu.memory_space<semaphore_mem>>) src(%dma_wait3A_397 : memref<24576x128xf32, #tpu.memory_space<hbm>>) dst(%arg7 : memref<128x128xf32, #tpu.memory_space<vmem>>)
    %add3A_398 = arith.constant 2432 : i32
    %add3A_399 = arith.addi %mul3A_2, %add3A_398 : i32
    %dma_start3A_400 = arith.constant 0 : i32
    %dma_start3A_401 = tpu.memref_slice %arg4[%add3A_399, %dma_start3A_400] : memref<98304x128xf32, #tpu.memory_space<hbm>> -> memref<128x128xf32, #tpu.memory_space<hbm>>
    %dma_start3A_402 = arith.constant 0 : i32
    %dma_start3A_403 = tpu.memref_slice %arg4[%add3A_399, %dma_start3A_402] : memref<98304x128xf32, #tpu.memory_space<hbm>> -> memref<128x128xf32, #tpu.memory_space<hbm>>
    tpu.enqueue_dma source(%arg7 : memref<128x128xf32, #tpu.memory_space<vmem>>) target(%dma_start3A_403 : memref<128x128xf32, #tpu.memory_space<hbm>>) target_semaphore(%arg19 : memref<!tpu.dma_semaphore, #tpu.memory_space<semaphore_mem>>)
    %dma_wait3A_404 = arith.constant 0 : i32
    %dma_wait3A_405 = tpu.memref_slice %arg4[%add3A_359, %dma_wait3A_404] : memref<98304x128xf32, #tpu.memory_space<hbm>> -> memref<128x128xf32, #tpu.memory_space<hbm>>
    %dma_wait3A_406 = arith.constant 0 : i32
    %dma_wait3A_407 = tpu.memref_slice %arg4[%add3A_359, %dma_wait3A_406] : memref<98304x128xf32, #tpu.memory_space<hbm>> -> memref<128x128xf32, #tpu.memory_space<hbm>>
    tpu.wait_dma2 semaphore(%arg23 : memref<!tpu.dma_semaphore, #tpu.memory_space<semaphore_mem>>) src(%arg11 : memref<128x128xf32, #tpu.memory_space<vmem>>) dst(%dma_wait3A_407 : memref<128x128xf32, #tpu.memory_space<hbm>>)
    %dma_start3A_408 = arith.constant 2944 : i32
    %dma_start3A_409 = tpu.memref_slice %arg5[%dma_start3A_408] : memref<3072xi32, #tpu.memory_space<vmem>> -> memref<128xi32, #tpu.memory_space<vmem>>
    %dma_start3A_410 = arith.constant 0 : i32
    %dma_start3A_411 = arith.constant 0 : i32
    %dma_start3A_412 = tpu.memref_slice %arg2[%dma_start3A_410, %dma_start3A_411] : memref<24576x128xf32, #tpu.memory_space<hbm>> -> memref<24576x128xf32, #tpu.memory_space<hbm>>
    tpu.enqueue_indirect_dma source(%dma_start3A_412 : memref<24576x128xf32, #tpu.memory_space<hbm>>) target(%arg11 : memref<128x128xf32, #tpu.memory_space<vmem>>) offsets(%dma_start3A_409 : memref<128xi32, #tpu.memory_space<vmem>>) semaphore(%arg17 : memref<!tpu.dma_semaphore, #tpu.memory_space<semaphore_mem>>)
    %dma_wait3A_413 = arith.constant 2560 : i32
    %dma_wait3A_414 = tpu.memref_slice %arg5[%dma_wait3A_413] : memref<3072xi32, #tpu.memory_space<vmem>> -> memref<128xi32, #tpu.memory_space<vmem>>
    %dma_wait3A_415 = arith.constant 0 : i32
    %dma_wait3A_416 = arith.constant 0 : i32
    %dma_wait3A_417 = tpu.memref_slice %arg2[%dma_wait3A_415, %dma_wait3A_416] : memref<24576x128xf32, #tpu.memory_space<hbm>> -> memref<24576x128xf32, #tpu.memory_space<hbm>>
    tpu.wait_indirect_dma semaphore(%arg14 : memref<!tpu.dma_semaphore, #tpu.memory_space<semaphore_mem>>) src(%dma_wait3A_417 : memref<24576x128xf32, #tpu.memory_space<hbm>>) dst(%arg8 : memref<128x128xf32, #tpu.memory_space<vmem>>)
    %add3A_418 = arith.constant 2560 : i32
    %add3A_419 = arith.addi %mul3A_2, %add3A_418 : i32
    %dma_start3A_420 = arith.constant 0 : i32
    %dma_start3A_421 = tpu.memref_slice %arg4[%add3A_419, %dma_start3A_420] : memref<98304x128xf32, #tpu.memory_space<hbm>> -> memref<128x128xf32, #tpu.memory_space<hbm>>
    %dma_start3A_422 = arith.constant 0 : i32
    %dma_start3A_423 = tpu.memref_slice %arg4[%add3A_419, %dma_start3A_422] : memref<98304x128xf32, #tpu.memory_space<hbm>> -> memref<128x128xf32, #tpu.memory_space<hbm>>
    tpu.enqueue_dma source(%arg8 : memref<128x128xf32, #tpu.memory_space<vmem>>) target(%dma_start3A_423 : memref<128x128xf32, #tpu.memory_space<hbm>>) target_semaphore(%arg20 : memref<!tpu.dma_semaphore, #tpu.memory_space<semaphore_mem>>)
    %dma_wait3A_424 = arith.constant 2688 : i32
    %dma_wait3A_425 = tpu.memref_slice %arg5[%dma_wait3A_424] : memref<3072xi32, #tpu.memory_space<vmem>> -> memref<128xi32, #tpu.memory_space<vmem>>
    %dma_wait3A_426 = arith.constant 0 : i32
    %dma_wait3A_427 = arith.constant 0 : i32
    %dma_wait3A_428 = tpu.memref_slice %arg2[%dma_wait3A_426, %dma_wait3A_427] : memref<24576x128xf32, #tpu.memory_space<hbm>> -> memref<24576x128xf32, #tpu.memory_space<hbm>>
    tpu.wait_indirect_dma semaphore(%arg15 : memref<!tpu.dma_semaphore, #tpu.memory_space<semaphore_mem>>) src(%dma_wait3A_428 : memref<24576x128xf32, #tpu.memory_space<hbm>>) dst(%arg9 : memref<128x128xf32, #tpu.memory_space<vmem>>)
    %add3A_429 = arith.constant 2688 : i32
    %add3A_430 = arith.addi %mul3A_2, %add3A_429 : i32
    %dma_start3A_431 = arith.constant 0 : i32
    %dma_start3A_432 = tpu.memref_slice %arg4[%add3A_430, %dma_start3A_431] : memref<98304x128xf32, #tpu.memory_space<hbm>> -> memref<128x128xf32, #tpu.memory_space<hbm>>
    %dma_start3A_433 = arith.constant 0 : i32
    %dma_start3A_434 = tpu.memref_slice %arg4[%add3A_430, %dma_start3A_433] : memref<98304x128xf32, #tpu.memory_space<hbm>> -> memref<128x128xf32, #tpu.memory_space<hbm>>
    tpu.enqueue_dma source(%arg9 : memref<128x128xf32, #tpu.memory_space<vmem>>) target(%dma_start3A_434 : memref<128x128xf32, #tpu.memory_space<hbm>>) target_semaphore(%arg21 : memref<!tpu.dma_semaphore, #tpu.memory_space<semaphore_mem>>)
    %dma_wait3A_435 = arith.constant 2816 : i32
    %dma_wait3A_436 = tpu.memref_slice %arg5[%dma_wait3A_435] : memref<3072xi32, #tpu.memory_space<vmem>> -> memref<128xi32, #tpu.memory_space<vmem>>
    %dma_wait3A_437 = arith.constant 0 : i32
    %dma_wait3A_438 = arith.constant 0 : i32
    %dma_wait3A_439 = tpu.memref_slice %arg2[%dma_wait3A_437, %dma_wait3A_438] : memref<24576x128xf32, #tpu.memory_space<hbm>> -> memref<24576x128xf32, #tpu.memory_space<hbm>>
    tpu.wait_indirect_dma semaphore(%arg16 : memref<!tpu.dma_semaphore, #tpu.memory_space<semaphore_mem>>) src(%dma_wait3A_439 : memref<24576x128xf32, #tpu.memory_space<hbm>>) dst(%arg10 : memref<128x128xf32, #tpu.memory_space<vmem>>)
    %add3A_440 = arith.constant 2816 : i32
    %add3A_441 = arith.addi %mul3A_2, %add3A_440 : i32
    %dma_start3A_442 = arith.constant 0 : i32
    %dma_start3A_443 = tpu.memref_slice %arg4[%add3A_441, %dma_start3A_442] : memref<98304x128xf32, #tpu.memory_space<hbm>> -> memref<128x128xf32, #tpu.memory_space<hbm>>
    %dma_start3A_444 = arith.constant 0 : i32
    %dma_start3A_445 = tpu.memref_slice %arg4[%add3A_441, %dma_start3A_444] : memref<98304x128xf32, #tpu.memory_space<hbm>> -> memref<128x128xf32, #tpu.memory_space<hbm>>
    tpu.enqueue_dma source(%arg10 : memref<128x128xf32, #tpu.memory_space<vmem>>) target(%dma_start3A_445 : memref<128x128xf32, #tpu.memory_space<hbm>>) target_semaphore(%arg22 : memref<!tpu.dma_semaphore, #tpu.memory_space<semaphore_mem>>)
    %dma_wait3A_446 = arith.constant 2944 : i32
    %dma_wait3A_447 = tpu.memref_slice %arg5[%dma_wait3A_446] : memref<3072xi32, #tpu.memory_space<vmem>> -> memref<128xi32, #tpu.memory_space<vmem>>
    %dma_wait3A_448 = arith.constant 0 : i32
    %dma_wait3A_449 = arith.constant 0 : i32
    %dma_wait3A_450 = tpu.memref_slice %arg2[%dma_wait3A_448, %dma_wait3A_449] : memref<24576x128xf32, #tpu.memory_space<hbm>> -> memref<24576x128xf32, #tpu.memory_space<hbm>>
    tpu.wait_indirect_dma semaphore(%arg17 : memref<!tpu.dma_semaphore, #tpu.memory_space<semaphore_mem>>) src(%dma_wait3A_450 : memref<24576x128xf32, #tpu.memory_space<hbm>>) dst(%arg11 : memref<128x128xf32, #tpu.memory_space<vmem>>)
    %add3A_451 = arith.constant 2944 : i32
    %add3A_452 = arith.addi %mul3A_2, %add3A_451 : i32
    %dma_start3A_453 = arith.constant 0 : i32
    %dma_start3A_454 = tpu.memref_slice %arg4[%add3A_452, %dma_start3A_453] : memref<98304x128xf32, #tpu.memory_space<hbm>> -> memref<128x128xf32, #tpu.memory_space<hbm>>
    %dma_start3A_455 = arith.constant 0 : i32
    %dma_start3A_456 = tpu.memref_slice %arg4[%add3A_452, %dma_start3A_455] : memref<98304x128xf32, #tpu.memory_space<hbm>> -> memref<128x128xf32, #tpu.memory_space<hbm>>
    tpu.enqueue_dma source(%arg11 : memref<128x128xf32, #tpu.memory_space<vmem>>) target(%dma_start3A_456 : memref<128x128xf32, #tpu.memory_space<hbm>>) target_semaphore(%arg23 : memref<!tpu.dma_semaphore, #tpu.memory_space<semaphore_mem>>)
    %dma_wait3A_457 = arith.constant 0 : i32
    %dma_wait3A_458 = tpu.memref_slice %arg4[%add3A_379, %dma_wait3A_457] : memref<98304x128xf32, #tpu.memory_space<hbm>> -> memref<128x128xf32, #tpu.memory_space<hbm>>
    %dma_wait3A_459 = arith.constant 0 : i32
    %dma_wait3A_460 = tpu.memref_slice %arg4[%add3A_379, %dma_wait3A_459] : memref<98304x128xf32, #tpu.memory_space<hbm>> -> memref<128x128xf32, #tpu.memory_space<hbm>>
    tpu.wait_dma2 semaphore(%arg18 : memref<!tpu.dma_semaphore, #tpu.memory_space<semaphore_mem>>) src(%arg6 : memref<128x128xf32, #tpu.memory_space<vmem>>) dst(%dma_wait3A_460 : memref<128x128xf32, #tpu.memory_space<hbm>>)
    %dma_wait3A_461 = arith.constant 0 : i32
    %dma_wait3A_462 = tpu.memref_slice %arg4[%add3A_399, %dma_wait3A_461] : memref<98304x128xf32, #tpu.memory_space<hbm>> -> memref<128x128xf32, #tpu.memory_space<hbm>>
    %dma_wait3A_463 = arith.constant 0 : i32
    %dma_wait3A_464 = tpu.memref_slice %arg4[%add3A_399, %dma_wait3A_463] : memref<98304x128xf32, #tpu.memory_space<hbm>> -> memref<128x128xf32, #tpu.memory_space<hbm>>
    tpu.wait_dma2 semaphore(%arg19 : memref<!tpu.dma_semaphore, #tpu.memory_space<semaphore_mem>>) src(%arg7 : memref<128x128xf32, #tpu.memory_space<vmem>>) dst(%dma_wait3A_464 : memref<128x128xf32, #tpu.memory_space<hbm>>)
    %dma_wait3A_465 = arith.constant 0 : i32
    %dma_wait3A_466 = tpu.memref_slice %arg4[%add3A_419, %dma_wait3A_465] : memref<98304x128xf32, #tpu.memory_space<hbm>> -> memref<128x128xf32, #tpu.memory_space<hbm>>
    %dma_wait3A_467 = arith.constant 0 : i32
    %dma_wait3A_468 = tpu.memref_slice %arg4[%add3A_419, %dma_wait3A_467] : memref<98304x128xf32, #tpu.memory_space<hbm>> -> memref<128x128xf32, #tpu.memory_space<hbm>>
    tpu.wait_dma2 semaphore(%arg20 : memref<!tpu.dma_semaphore, #tpu.memory_space<semaphore_mem>>) src(%arg8 : memref<128x128xf32, #tpu.memory_space<vmem>>) dst(%dma_wait3A_468 : memref<128x128xf32, #tpu.memory_space<hbm>>)
    %dma_wait3A_469 = arith.constant 0 : i32
    %dma_wait3A_470 = tpu.memref_slice %arg4[%add3A_430, %dma_wait3A_469] : memref<98304x128xf32, #tpu.memory_space<hbm>> -> memref<128x128xf32, #tpu.memory_space<hbm>>
    %dma_wait3A_471 = arith.constant 0 : i32
    %dma_wait3A_472 = tpu.memref_slice %arg4[%add3A_430, %dma_wait3A_471] : memref<98304x128xf32, #tpu.memory_space<hbm>> -> memref<128x128xf32, #tpu.memory_space<hbm>>
    tpu.wait_dma2 semaphore(%arg21 : memref<!tpu.dma_semaphore, #tpu.memory_space<semaphore_mem>>) src(%arg9 : memref<128x128xf32, #tpu.memory_space<vmem>>) dst(%dma_wait3A_472 : memref<128x128xf32, #tpu.memory_space<hbm>>)
    %dma_wait3A_473 = arith.constant 0 : i32
    %dma_wait3A_474 = tpu.memref_slice %arg4[%add3A_441, %dma_wait3A_473] : memref<98304x128xf32, #tpu.memory_space<hbm>> -> memref<128x128xf32, #tpu.memory_space<hbm>>
    %dma_wait3A_475 = arith.constant 0 : i32
    %dma_wait3A_476 = tpu.memref_slice %arg4[%add3A_441, %dma_wait3A_475] : memref<98304x128xf32, #tpu.memory_space<hbm>> -> memref<128x128xf32, #tpu.memory_space<hbm>>
    tpu.wait_dma2 semaphore(%arg22 : memref<!tpu.dma_semaphore, #tpu.memory_space<semaphore_mem>>) src(%arg10 : memref<128x128xf32, #tpu.memory_space<vmem>>) dst(%dma_wait3A_476 : memref<128x128xf32, #tpu.memory_space<hbm>>)
    %dma_wait3A_477 = arith.constant 0 : i32
    %dma_wait3A_478 = tpu.memref_slice %arg4[%add3A_452, %dma_wait3A_477] : memref<98304x128xf32, #tpu.memory_space<hbm>> -> memref<128x128xf32, #tpu.memory_space<hbm>>
    %dma_wait3A_479 = arith.constant 0 : i32
    %dma_wait3A_480 = tpu.memref_slice %arg4[%add3A_452, %dma_wait3A_479] : memref<98304x128xf32, #tpu.memory_space<hbm>> -> memref<128x128xf32, #tpu.memory_space<hbm>>
    tpu.wait_dma2 semaphore(%arg23 : memref<!tpu.dma_semaphore, #tpu.memory_space<semaphore_mem>>) src(%arg11 : memref<128x128xf32, #tpu.memory_space<vmem>>) dst(%dma_wait3A_480 : memref<128x128xf32, #tpu.memory_space<hbm>>)
    return
  }
}

module attributes {stable_mosaic.version = 14 : i64} {
  func.func @_cn_body(%arg0: i32, %arg1: memref<1x128x2048xf32, #tpu.memory_space<vmem>>, %arg2: memref<1x1x2048xf32, #tpu.memory_space<vmem>>) attributes {dimension_semantics = [#tpu.dimension_semantics<arbitrary>], iteration_bounds = array<i64: 12>, scalar_prefetch = 0 : i64, scratch_operands = 0 : i64, tpu.core_type = #tpu.core_type<tc>, window_params = [{transform_indices = @transform_0, window_bounds = array<i64: 1, 128, 2048>}, {transform_indices = @transform_1, window_bounds = array<i64: 1, 1, 2048>}]} {
    %get3A = arith.constant 0 : index
    %get3A_0 = arith.constant 0 : index
    %get3A_1 = arith.constant 0 : index
    %get3A_2 = vector.load %arg1[%get3A, %get3A_0, %get3A_1] : memref<1x128x2048xf32, #tpu.memory_space<vmem>>, vector<1x128x2048xf32>
    %get3A_3 = vector.shape_cast %get3A_2 : vector<1x128x2048xf32> to vector<128x2048xf32>
    %mul3A = arith.mulf %get3A_3, %get3A_3 : vector<128x2048xf32>
    %reduce_sum3A = arith.constant dense<0.000000e+00> : vector<2048xf32>
    %reduce_sum3A_4 = vector.multi_reduction <add>, %mul3A, %reduce_sum3A [0] : vector<128x2048xf32> to vector<2048xf32>
    %broadcast_in_dim3A = vector.shape_cast %reduce_sum3A_4 : vector<2048xf32> to vector<1x2048xf32>
    %swap3A = arith.constant 0 : index
    %swap3A_5 = arith.constant 0 : index
    %swap3A_6 = arith.constant 0 : index
    %swap3A_7 = vector.load %arg2[%swap3A, %swap3A_5, %swap3A_6] : memref<1x1x2048xf32, #tpu.memory_space<vmem>>, vector<1x1x2048xf32>
    %swap3A_8 = vector.shape_cast %swap3A_7 : vector<1x1x2048xf32> to vector<1x2048xf32>
    %swap3A_9 = vector.shape_cast %broadcast_in_dim3A : vector<1x2048xf32> to vector<1x1x2048xf32>
    tpu.vector_store %arg2[%swap3A, %swap3A_5, %swap3A_6], %swap3A_9 {strides = array<i32>} : memref<1x1x2048xf32, #tpu.memory_space<vmem>>, vector<1x1x2048xf32>,
    return
  }
  func.func @transform_0(%arg0: i32) -> (i32, i32, i32) {
    %c0_i32 = arith.constant 0 : i32
    %c0_i32_0 = arith.constant 0 : i32
    %c0_i32_1 = arith.constant 0 : i32
    return %arg0, %c0_i32, %c0_i32_0 : i32, i32, i32
  }
  func.func @transform_1(%arg0: i32) -> (i32, i32, i32) {
    %c0_i32 = arith.constant 0 : i32
    %c0_i32_0 = arith.constant 0 : i32
    %c0_i32_1 = arith.constant 0 : i32
    return %arg0, %c0_i32, %c0_i32_0 : i32, i32, i32
  }
}

module attributes {stable_mosaic.version = 14 : i64} {
  func.func @_vq_codes_body(%arg0: i32, %arg1: memref<512x128xf32, #tpu.memory_space<vmem>>, %arg2: memref<128x4096xbf16, #tpu.memory_space<vmem>>, %arg3: memref<1x4096xf32, #tpu.memory_space<vmem>>, %arg4: memref<4x1024x512xbf16, #tpu.memory_space<vmem>>, %arg5: memref<4x512xf32, #tpu.memory_space<vmem>>, %arg6: memref<4x512x384xbf16, #tpu.memory_space<vmem>>, %arg7: memref<4x384xf32, #tpu.memory_space<vmem>>, %arg8: memref<12x128x2048xbf16, #tpu.memory_space<vmem>>, %arg9: memref<12x1x2048xf32, #tpu.memory_space<vmem>>, %arg10: memref<512x16xi32, #tpu.memory_space<vmem>>) attributes {dimension_semantics = [#tpu.dimension_semantics<arbitrary>], iteration_bounds = array<i64: 16>, scalar_prefetch = 0 : i64, scratch_operands = 0 : i64, tpu.core_type = #tpu.core_type<tc>, window_params = [{transform_indices = @transform_0, window_bounds = array<i64: 512, 128>}, {pipeline_mode = #tpu.pipeline_mode<synchronous>, transform_indices = @transform_1, window_bounds = array<i64: 128, 4096>}, {pipeline_mode = #tpu.pipeline_mode<synchronous>, transform_indices = @transform_2, window_bounds = array<i64: 1, 4096>}, {pipeline_mode = #tpu.pipeline_mode<synchronous>, transform_indices = @transform_3, window_bounds = array<i64: 4, 1024, 512>}, {pipeline_mode = #tpu.pipeline_mode<synchronous>, transform_indices = @transform_4, window_bounds = array<i64: 4, 512>}, {pipeline_mode = #tpu.pipeline_mode<synchronous>, transform_indices = @transform_5, window_bounds = array<i64: 4, 512, 384>}, {pipeline_mode = #tpu.pipeline_mode<synchronous>, transform_indices = @transform_6, window_bounds = array<i64: 4, 384>}, {pipeline_mode = #tpu.pipeline_mode<synchronous>, transform_indices = @transform_7, window_bounds = array<i64: 12, 128, 2048>}, {pipeline_mode = #tpu.pipeline_mode<synchronous>, transform_indices = @transform_8, window_bounds = array<i64: 12, 1, 2048>}, {transform_indices = @transform_9, window_bounds = array<i64: 512, 16>}]} {
    %get3A = arith.constant 0 : index
    %get3A_0 = arith.constant 0 : index
    %get3A_1 = vector.load %arg1[%get3A, %get3A_0] : memref<512x128xf32, #tpu.memory_space<vmem>>, vector<512x128xf32>
    %get3A_2 = arith.constant 0 : index
    %get3A_3 = arith.constant 0 : index
    %get3A_4 = vector.load %arg2[%get3A_2, %get3A_3] : memref<128x4096xbf16, #tpu.memory_space<vmem>>, vector<128x4096xbf16>
    %dot_general3A = arith.constant dense<0.000000e+00> : vector<512x4096xf32>
    %dot_general3A_5 = tpu.matmul %get3A_1, %get3A_4, %dot_general3A {dimension_numbers = #tpu.dot_dimension_numbers<[1], [0], [0], [1], [0, 0, 1, 1], [], []>, transpose_lhs_hint = false} : vector<512x128xf32>, vector<128x4096xbf16>, vector<512x4096xf32> -> vector<512x4096xf32>
    %get3A_6 = arith.constant 0 : index
    %get3A_7 = arith.constant 0 : index
    %get3A_8 = vector.load %arg3[%get3A_6, %get3A_7] : memref<1x4096xf32, #tpu.memory_space<vmem>>, vector<1x4096xf32>
    %add3A = vector.broadcast %get3A_8 : vector<1x4096xf32> to vector<512x4096xf32>
    %add3A_9 = arith.addf %dot_general3A_5, %add3A : vector<512x4096xf32>
    %max3A = arith.constant 0.000000e+00 : f32
    %max3A_10 = vector.broadcast %max3A : f32 to vector<512x4096xf32>
    %max3A_11 = arith.maximumf %add3A_9, %max3A_10 : vector<512x4096xf32>
    %slice3A = vector.extract_strided_slice %max3A_11 {offsets = [0, 0], sizes = [512, 1024], strides = [1, 1]} : vector<512x4096xf32> to vector<512x1024xf32>
    %get3A_12 = arith.constant 0 : index
    %get3A_13 = arith.constant 0 : index
    %get3A_14 = arith.constant 0 : index
    %get3A_15 = vector.load %arg4[%get3A_12, %get3A_13, %get3A_14] : memref<4x1024x512xbf16, #tpu.memory_space<vmem>>, vector<1x1024x512xbf16>
    %get3A_16 = vector.shape_cast %get3A_15 : vector<1x1024x512xbf16> to vector<1024x512xbf16>
    %dot_general3A_17 = arith.constant dense<0.000000e+00> : vector<512x512xf32>
    %dot_general3A_18 = tpu.matmul %slice3A, %get3A_16, %dot_general3A_17 {dimension_numbers = #tpu.dot_dimension_numbers<[1], [0], [0], [1], [0, 0, 1, 1], [], []>, transpose_lhs_hint = false} : vector<512x1024xf32>, vector<1024x512xbf16>, vector<512x512xf32> -> vector<512x512xf32>
    %get3A_19 = arith.constant 0 : index
    %get3A_20 = arith.constant 0 : index
    %get3A_21 = vector.load %arg5[%get3A_19, %get3A_20] : memref<4x512xf32, #tpu.memory_space<vmem>>, vector<1x512xf32>
    %get3A_22 = vector.shape_cast %get3A_21 : vector<1x512xf32> to vector<512xf32>
    %broadcast_in_dim3A = vector.shape_cast %get3A_22 : vector<512xf32> to vector<1x512xf32>
    %add3A_23 = vector.broadcast %broadcast_in_dim3A : vector<1x512xf32> to vector<512x512xf32>
    %add3A_24 = arith.addf %dot_general3A_18, %add3A_23 : vector<512x512xf32>
    %get3A_25 = arith.constant 0 : index
    %get3A_26 = arith.constant 0 : index
    %get3A_27 = arith.constant 0 : index
    %get3A_28 = vector.load %arg6[%get3A_25, %get3A_26, %get3A_27] : memref<4x512x384xbf16, #tpu.memory_space<vmem>>, vector<1x512x384xbf16>
    %get3A_29 = vector.shape_cast %get3A_28 : vector<1x512x384xbf16> to vector<512x384xbf16>
    %dot_general3A_30 = arith.constant dense<0.000000e+00> : vector<512x384xf32>
    %dot_general3A_31 = tpu.matmul %add3A_24, %get3A_29, %dot_general3A_30 {dimension_numbers = #tpu.dot_dimension_numbers<[1], [0], [0], [1], [0, 0, 1, 1], [], []>, transpose_lhs_hint = false} : vector<512x512xf32>, vector<512x384xbf16>, vector<512x384xf32> -> vector<512x384xf32>
    %get3A_32 = arith.constant 0 : index
    %get3A_33 = arith.constant 0 : index
    %get3A_34 = vector.load %arg7[%get3A_32, %get3A_33] : memref<4x384xf32, #tpu.memory_space<vmem>>, vector<1x384xf32>
    %get3A_35 = vector.shape_cast %get3A_34 : vector<1x384xf32> to vector<384xf32>
    %broadcast_in_dim3A_36 = vector.shape_cast %get3A_35 : vector<384xf32> to vector<1x384xf32>
    %add3A_37 = vector.broadcast %broadcast_in_dim3A_36 : vector<1x384xf32> to vector<512x384xf32>
    %add3A_38 = arith.addf %dot_general3A_31, %add3A_37 : vector<512x384xf32>
    %slice3A_39 = vector.extract_strided_slice %add3A_38 {offsets = [0, 0], sizes = [512, 128], strides = [1, 1]} : vector<512x384xf32> to vector<512x128xf32>
    %get3A_40 = arith.constant 0 : index
    %get3A_41 = arith.constant 0 : index
    %get3A_42 = arith.constant 0 : index
    %get3A_43 = vector.load %arg8[%get3A_40, %get3A_41, %get3A_42] : memref<12x128x2048xbf16, #tpu.memory_space<vmem>>, vector<1x128x2048xbf16>
    %get3A_44 = vector.shape_cast %get3A_43 : vector<1x128x2048xbf16> to vector<128x2048xbf16>
    %dot_general3A_45 = arith.constant dense<0.000000e+00> : vector<512x2048xf32>
    %dot_general3A_46 = tpu.matmul %slice3A_39, %get3A_44, %dot_general3A_45 {dimension_numbers = #tpu.dot_dimension_numbers<[1], [0], [0], [1], [0, 0, 1, 1], [], []>, transpose_lhs_hint = false} : vector<512x128xf32>, vector<128x2048xbf16>, vector<512x2048xf32> -> vector<512x2048xf32>
    %get3A_47 = arith.constant 0 : index
    %get3A_48 = arith.constant 0 : index
    %get3A_49 = arith.constant 0 : index
    %get3A_50 = vector.load %arg9[%get3A_47, %get3A_48, %get3A_49] : memref<12x1x2048xf32, #tpu.memory_space<vmem>>, vector<1x1x2048xf32>
    %get3A_51 = vector.shape_cast %get3A_50 : vector<1x1x2048xf32> to vector<1x2048xf32>
    %add3A_52 = vector.broadcast %get3A_51 : vector<1x2048xf32> to vector<512x2048xf32>
    %add3A_53 = arith.addf %dot_general3A_46, %add3A_52 : vector<512x2048xf32>
    %reduce_min3A = arith.constant dense<0x7F800000> : vector<512xf32>
    %reduce_min3A_54 = vector.multi_reduction <minimumf>, %add3A_53, %reduce_min3A [1] : vector<512x2048xf32> to vector<512xf32>
    %broadcast_in_dim3A_55 = vector.shape_cast %reduce_min3A_54 : vector<512xf32> to vector<512x1xf32>
    %iota3A = tpu.iota {dimensions = array<i32: 1>} : vector<512x2048xi32>
    %convert_element_type3A = arith.sitofp %iota3A : vector<512x2048xi32> to vector<512x2048xf32>
    %le3A = vector.broadcast %broadcast_in_dim3A_55 : vector<512x1xf32> to vector<512x2048xf32>
    %le3A_56 = arith.cmpf ole, %add3A_53, %le3A : vector<512x2048xf32>
    %jit3A = arith.constant 2.048000e+03 : f32
    %broadcast_in_dim3A_57 = vector.broadcast %jit3A : f32 to vector<512x2048xf32>
    %select_n3A = arith.select %le3A_56, %convert_element_type3A, %broadcast_in_dim3A_57 : vector<512x2048xi1>, vector<512x2048xf32>
    %reduce_min3A_58 = arith.constant dense<0x7F800000> : vector<512xf32>
    %reduce_min3A_59 = vector.multi_reduction <minimumf>, %select_n3A, %reduce_min3A_58 [1] : vector<512x2048xf32> to vector<512xf32>
    %convert_element_type3A_60 = arith.fptosi %reduce_min3A_59 : vector<512xf32> to vector<512xi32>
    %add3A_61 = arith.constant 0 : i32
    %add3A_62 = vector.broadcast %add3A_61 : i32 to vector<512xi32>
    %add3A_63 = arith.addi %convert_element_type3A_60, %add3A_62 : vector<512xi32>
    %swap3A = arith.constant 0 : index
    %swap3A_64 = arith.constant 0 : index
    %swap3A_65 = vector.load %arg10[%swap3A, %swap3A_64] : memref<512x16xi32, #tpu.memory_space<vmem>>, vector<512x1xi32>
    %swap3A_66 = vector.shape_cast %swap3A_65 : vector<512x1xi32> to vector<512xi32>
    %swap3A_67 = vector.shape_cast %add3A_63 : vector<512xi32> to vector<512x1xi32>
    tpu.vector_store %arg10[%swap3A, %swap3A_64], %swap3A_67 {strides = array<i32>} : memref<512x16xi32, #tpu.memory_space<vmem>>, vector<512x1xi32>,
    %slice3A_68 = vector.extract_strided_slice %add3A_38 {offsets = [0, 128], sizes = [512, 128], strides = [1, 1]} : vector<512x384xf32> to vector<512x128xf32>
    %get3A_69 = arith.constant 1 : index
    %get3A_70 = arith.constant 0 : index
    %get3A_71 = arith.constant 0 : index
    %get3A_72 = vector.load %arg8[%get3A_69, %get3A_70, %get3A_71] : memref<12x128x2048xbf16, #tpu.memory_space<vmem>>, vector<1x128x2048xbf16>
    %get3A_73 = vector.shape_cast %get3A_72 : vector<1x128x2048xbf16> to vector<128x2048xbf16>
    %dot_general3A_74 = arith.constant dense<0.000000e+00> : vector<512x2048xf32>
    %dot_general3A_75 = tpu.matmul %slice3A_68, %get3A_73, %dot_general3A_74 {dimension_numbers = #tpu.dot_dimension_numbers<[1], [0], [0], [1], [0, 0, 1, 1], [], []>, transpose_lhs_hint = false} : vector<512x128xf32>, vector<128x2048xbf16>, vector<512x2048xf32> -> vector<512x2048xf32>
    %get3A_76 = arith.constant 1 : index
    %get3A_77 = arith.constant 0 : index
    %get3A_78 = arith.constant 0 : index
    %get3A_79 = vector.load %arg9[%get3A_76, %get3A_77, %get3A_78] : memref<12x1x2048xf32, #tpu.memory_space<vmem>>, vector<1x1x2048xf32>
    %get3A_80 = vector.shape_cast %get3A_79 : vector<1x1x2048xf32> to vector<1x2048xf32>
    %add3A_81 = vector.broadcast %get3A_80 : vector<1x2048xf32> to vector<512x2048xf32>
    %add3A_82 = arith.addf %dot_general3A_75, %add3A_81 : vector<512x2048xf32>
    %reduce_min3A_83 = arith.constant dense<0x7F800000> : vector<512xf32>
    %reduce_min3A_84 = vector.multi_reduction <minimumf>, %add3A_82, %reduce_min3A_83 [1] : vector<512x2048xf32> to vector<512xf32>
    %broadcast_in_dim3A_85 = vector.shape_cast %reduce_min3A_84 : vector<512xf32> to vector<512x1xf32>
    %iota3A_86 = tpu.iota {dimensions = array<i32: 1>} : vector<512x2048xi32>
    %convert_element_type3A_87 = arith.sitofp %iota3A_86 : vector<512x2048xi32> to vector<512x2048xf32>
    %le3A_88 = vector.broadcast %broadcast_in_dim3A_85 : vector<512x1xf32> to vector<512x2048xf32>
    %le3A_89 = arith.cmpf ole, %add3A_82, %le3A_88 : vector<512x2048xf32>
    %jit3A_90 = arith.constant 2.048000e+03 : f32
    %broadcast_in_dim3A_91 = vector.broadcast %jit3A_90 : f32 to vector<512x2048xf32>
    %select_n3A_92 = arith.select %le3A_89, %convert_element_type3A_87, %broadcast_in_dim3A_91 : vector<512x2048xi1>, vector<512x2048xf32>
    %reduce_min3A_93 = arith.constant dense<0x7F800000> : vector<512xf32>
    %reduce_min3A_94 = vector.multi_reduction <minimumf>, %select_n3A_92, %reduce_min3A_93 [1] : vector<512x2048xf32> to vector<512xf32>
    %convert_element_type3A_95 = arith.fptosi %reduce_min3A_94 : vector<512xf32> to vector<512xi32>
    %add3A_96 = arith.constant 2048 : i32
    %add3A_97 = vector.broadcast %add3A_96 : i32 to vector<512xi32>
    %add3A_98 = arith.addi %convert_element_type3A_95, %add3A_97 : vector<512xi32>
    %swap3A_99 = arith.constant 0 : index
    %swap3A_100 = arith.constant 1 : index
    %swap3A_101 = vector.load %arg10[%swap3A_99, %swap3A_100] : memref<512x16xi32, #tpu.memory_space<vmem>>, vector<512x1xi32>
    %swap3A_102 = vector.shape_cast %swap3A_101 : vector<512x1xi32> to vector<512xi32>
    %swap3A_103 = vector.shape_cast %add3A_98 : vector<512xi32> to vector<512x1xi32>
    tpu.vector_store %arg10[%swap3A_99, %swap3A_100], %swap3A_103 {strides = array<i32>} : memref<512x16xi32, #tpu.memory_space<vmem>>, vector<512x1xi32>,
    %slice3A_104 = vector.extract_strided_slice %add3A_38 {offsets = [0, 256], sizes = [512, 128], strides = [1, 1]} : vector<512x384xf32> to vector<512x128xf32>
    %get3A_105 = arith.constant 2 : index
    %get3A_106 = arith.constant 0 : index
    %get3A_107 = arith.constant 0 : index
    %get3A_108 = vector.load %arg8[%get3A_105, %get3A_106, %get3A_107] : memref<12x128x2048xbf16, #tpu.memory_space<vmem>>, vector<1x128x2048xbf16>
    %get3A_109 = vector.shape_cast %get3A_108 : vector<1x128x2048xbf16> to vector<128x2048xbf16>
    %dot_general3A_110 = arith.constant dense<0.000000e+00> : vector<512x2048xf32>
    %dot_general3A_111 = tpu.matmul %slice3A_104, %get3A_109, %dot_general3A_110 {dimension_numbers = #tpu.dot_dimension_numbers<[1], [0], [0], [1], [0, 0, 1, 1], [], []>, transpose_lhs_hint = false} : vector<512x128xf32>, vector<128x2048xbf16>, vector<512x2048xf32> -> vector<512x2048xf32>
    %get3A_112 = arith.constant 2 : index
    %get3A_113 = arith.constant 0 : index
    %get3A_114 = arith.constant 0 : index
    %get3A_115 = vector.load %arg9[%get3A_112, %get3A_113, %get3A_114] : memref<12x1x2048xf32, #tpu.memory_space<vmem>>, vector<1x1x2048xf32>
    %get3A_116 = vector.shape_cast %get3A_115 : vector<1x1x2048xf32> to vector<1x2048xf32>
    %add3A_117 = vector.broadcast %get3A_116 : vector<1x2048xf32> to vector<512x2048xf32>
    %add3A_118 = arith.addf %dot_general3A_111, %add3A_117 : vector<512x2048xf32>
    %reduce_min3A_119 = arith.constant dense<0x7F800000> : vector<512xf32>
    %reduce_min3A_120 = vector.multi_reduction <minimumf>, %add3A_118, %reduce_min3A_119 [1] : vector<512x2048xf32> to vector<512xf32>
    %broadcast_in_dim3A_121 = vector.shape_cast %reduce_min3A_120 : vector<512xf32> to vector<512x1xf32>
    %iota3A_122 = tpu.iota {dimensions = array<i32: 1>} : vector<512x2048xi32>
    %convert_element_type3A_123 = arith.sitofp %iota3A_122 : vector<512x2048xi32> to vector<512x2048xf32>
    %le3A_124 = vector.broadcast %broadcast_in_dim3A_121 : vector<512x1xf32> to vector<512x2048xf32>
    %le3A_125 = arith.cmpf ole, %add3A_118, %le3A_124 : vector<512x2048xf32>
    %jit3A_126 = arith.constant 2.048000e+03 : f32
    %broadcast_in_dim3A_127 = vector.broadcast %jit3A_126 : f32 to vector<512x2048xf32>
    %select_n3A_128 = arith.select %le3A_125, %convert_element_type3A_123, %broadcast_in_dim3A_127 : vector<512x2048xi1>, vector<512x2048xf32>
    %reduce_min3A_129 = arith.constant dense<0x7F800000> : vector<512xf32>
    %reduce_min3A_130 = vector.multi_reduction <minimumf>, %select_n3A_128, %reduce_min3A_129 [1] : vector<512x2048xf32> to vector<512xf32>
    %convert_element_type3A_131 = arith.fptosi %reduce_min3A_130 : vector<512xf32> to vector<512xi32>
    %add3A_132 = arith.constant 4096 : i32
    %add3A_133 = vector.broadcast %add3A_132 : i32 to vector<512xi32>
    %add3A_134 = arith.addi %convert_element_type3A_131, %add3A_133 : vector<512xi32>
    %swap3A_135 = arith.constant 0 : index
    %swap3A_136 = arith.constant 2 : index
    %swap3A_137 = vector.load %arg10[%swap3A_135, %swap3A_136] : memref<512x16xi32, #tpu.memory_space<vmem>>, vector<512x1xi32>
    %swap3A_138 = vector.shape_cast %swap3A_137 : vector<512x1xi32> to vector<512xi32>
    %swap3A_139 = vector.shape_cast %add3A_134 : vector<512xi32> to vector<512x1xi32>
    tpu.vector_store %arg10[%swap3A_135, %swap3A_136], %swap3A_139 {strides = array<i32>} : memref<512x16xi32, #tpu.memory_space<vmem>>, vector<512x1xi32>,
    %slice3A_140 = vector.extract_strided_slice %max3A_11 {offsets = [0, 1024], sizes = [512, 1024], strides = [1, 1]} : vector<512x4096xf32> to vector<512x1024xf32>
    %get3A_141 = arith.constant 1 : index
    %get3A_142 = arith.constant 0 : index
    %get3A_143 = arith.constant 0 : index
    %get3A_144 = vector.load %arg4[%get3A_141, %get3A_142, %get3A_143] : memref<4x1024x512xbf16, #tpu.memory_space<vmem>>, vector<1x1024x512xbf16>
    %get3A_145 = vector.shape_cast %get3A_144 : vector<1x1024x512xbf16> to vector<1024x512xbf16>
    %dot_general3A_146 = arith.constant dense<0.000000e+00> : vector<512x512xf32>
    %dot_general3A_147 = tpu.matmul %slice3A_140, %get3A_145, %dot_general3A_146 {dimension_numbers = #tpu.dot_dimension_numbers<[1], [0], [0], [1], [0, 0, 1, 1], [], []>, transpose_lhs_hint = false} : vector<512x1024xf32>, vector<1024x512xbf16>, vector<512x512xf32> -> vector<512x512xf32>
    %get3A_148 = arith.constant 1 : index
    %get3A_149 = arith.constant 0 : index
    %get3A_150 = vector.load %arg5[%get3A_148, %get3A_149] : memref<4x512xf32, #tpu.memory_space<vmem>>, vector<1x512xf32>
    %get3A_151 = vector.shape_cast %get3A_150 : vector<1x512xf32> to vector<512xf32>
    %broadcast_in_dim3A_152 = vector.shape_cast %get3A_151 : vector<512xf32> to vector<1x512xf32>
    %add3A_153 = vector.broadcast %broadcast_in_dim3A_152 : vector<1x512xf32> to vector<512x512xf32>
    %add3A_154 = arith.addf %dot_general3A_147, %add3A_153 : vector<512x512xf32>
    %get3A_155 = arith.constant 1 : index
    %get3A_156 = arith.constant 0 : index
    %get3A_157 = arith.constant 0 : index
    %get3A_158 = vector.load %arg6[%get3A_155, %get3A_156, %get3A_157] : memref<4x512x384xbf16, #tpu.memory_space<vmem>>, vector<1x512x384xbf16>
    %get3A_159 = vector.shape_cast %get3A_158 : vector<1x512x384xbf16> to vector<512x384xbf16>
    %dot_general3A_160 = arith.constant dense<0.000000e+00> : vector<512x384xf32>
    %dot_general3A_161 = tpu.matmul %add3A_154, %get3A_159, %dot_general3A_160 {dimension_numbers = #tpu.dot_dimension_numbers<[1], [0], [0], [1], [0, 0, 1, 1], [], []>, transpose_lhs_hint = false} : vector<512x512xf32>, vector<512x384xbf16>, vector<512x384xf32> -> vector<512x384xf32>
    %get3A_162 = arith.constant 1 : index
    %get3A_163 = arith.constant 0 : index
    %get3A_164 = vector.load %arg7[%get3A_162, %get3A_163] : memref<4x384xf32, #tpu.memory_space<vmem>>, vector<1x384xf32>
    %get3A_165 = vector.shape_cast %get3A_164 : vector<1x384xf32> to vector<384xf32>
    %broadcast_in_dim3A_166 = vector.shape_cast %get3A_165 : vector<384xf32> to vector<1x384xf32>
    %add3A_167 = vector.broadcast %broadcast_in_dim3A_166 : vector<1x384xf32> to vector<512x384xf32>
    %add3A_168 = arith.addf %dot_general3A_161, %add3A_167 : vector<512x384xf32>
    %slice3A_169 = vector.extract_strided_slice %add3A_168 {offsets = [0, 0], sizes = [512, 128], strides = [1, 1]} : vector<512x384xf32> to vector<512x128xf32>
    %get3A_170 = arith.constant 3 : index
    %get3A_171 = arith.constant 0 : index
    %get3A_172 = arith.constant 0 : index
    %get3A_173 = vector.load %arg8[%get3A_170, %get3A_171, %get3A_172] : memref<12x128x2048xbf16, #tpu.memory_space<vmem>>, vector<1x128x2048xbf16>
    %get3A_174 = vector.shape_cast %get3A_173 : vector<1x128x2048xbf16> to vector<128x2048xbf16>
    %dot_general3A_175 = arith.constant dense<0.000000e+00> : vector<512x2048xf32>
    %dot_general3A_176 = tpu.matmul %slice3A_169, %get3A_174, %dot_general3A_175 {dimension_numbers = #tpu.dot_dimension_numbers<[1], [0], [0], [1], [0, 0, 1, 1], [], []>, transpose_lhs_hint = false} : vector<512x128xf32>, vector<128x2048xbf16>, vector<512x2048xf32> -> vector<512x2048xf32>
    %get3A_177 = arith.constant 3 : index
    %get3A_178 = arith.constant 0 : index
    %get3A_179 = arith.constant 0 : index
    %get3A_180 = vector.load %arg9[%get3A_177, %get3A_178, %get3A_179] : memref<12x1x2048xf32, #tpu.memory_space<vmem>>, vector<1x1x2048xf32>
    %get3A_181 = vector.shape_cast %get3A_180 : vector<1x1x2048xf32> to vector<1x2048xf32>
    %add3A_182 = vector.broadcast %get3A_181 : vector<1x2048xf32> to vector<512x2048xf32>
    %add3A_183 = arith.addf %dot_general3A_176, %add3A_182 : vector<512x2048xf32>
    %reduce_min3A_184 = arith.constant dense<0x7F800000> : vector<512xf32>
    %reduce_min3A_185 = vector.multi_reduction <minimumf>, %add3A_183, %reduce_min3A_184 [1] : vector<512x2048xf32> to vector<512xf32>
    %broadcast_in_dim3A_186 = vector.shape_cast %reduce_min3A_185 : vector<512xf32> to vector<512x1xf32>
    %iota3A_187 = tpu.iota {dimensions = array<i32: 1>} : vector<512x2048xi32>
    %convert_element_type3A_188 = arith.sitofp %iota3A_187 : vector<512x2048xi32> to vector<512x2048xf32>
    %le3A_189 = vector.broadcast %broadcast_in_dim3A_186 : vector<512x1xf32> to vector<512x2048xf32>
    %le3A_190 = arith.cmpf ole, %add3A_183, %le3A_189 : vector<512x2048xf32>
    %jit3A_191 = arith.constant 2.048000e+03 : f32
    %broadcast_in_dim3A_192 = vector.broadcast %jit3A_191 : f32 to vector<512x2048xf32>
    %select_n3A_193 = arith.select %le3A_190, %convert_element_type3A_188, %broadcast_in_dim3A_192 : vector<512x2048xi1>, vector<512x2048xf32>
    %reduce_min3A_194 = arith.constant dense<0x7F800000> : vector<512xf32>
    %reduce_min3A_195 = vector.multi_reduction <minimumf>, %select_n3A_193, %reduce_min3A_194 [1] : vector<512x2048xf32> to vector<512xf32>
    %convert_element_type3A_196 = arith.fptosi %reduce_min3A_195 : vector<512xf32> to vector<512xi32>
    %add3A_197 = arith.constant 6144 : i32
    %add3A_198 = vector.broadcast %add3A_197 : i32 to vector<512xi32>
    %add3A_199 = arith.addi %convert_element_type3A_196, %add3A_198 : vector<512xi32>
    %swap3A_200 = arith.constant 0 : index
    %swap3A_201 = arith.constant 3 : index
    %swap3A_202 = vector.load %arg10[%swap3A_200, %swap3A_201] : memref<512x16xi32, #tpu.memory_space<vmem>>, vector<512x1xi32>
    %swap3A_203 = vector.shape_cast %swap3A_202 : vector<512x1xi32> to vector<512xi32>
    %swap3A_204 = vector.shape_cast %add3A_199 : vector<512xi32> to vector<512x1xi32>
    tpu.vector_store %arg10[%swap3A_200, %swap3A_201], %swap3A_204 {strides = array<i32>} : memref<512x16xi32, #tpu.memory_space<vmem>>, vector<512x1xi32>,
    %slice3A_205 = vector.extract_strided_slice %add3A_168 {offsets = [0, 128], sizes = [512, 128], strides = [1, 1]} : vector<512x384xf32> to vector<512x128xf32>
    %get3A_206 = arith.constant 4 : index
    %get3A_207 = arith.constant 0 : index
    %get3A_208 = arith.constant 0 : index
    %get3A_209 = vector.load %arg8[%get3A_206, %get3A_207, %get3A_208] : memref<12x128x2048xbf16, #tpu.memory_space<vmem>>, vector<1x128x2048xbf16>
    %get3A_210 = vector.shape_cast %get3A_209 : vector<1x128x2048xbf16> to vector<128x2048xbf16>
    %dot_general3A_211 = arith.constant dense<0.000000e+00> : vector<512x2048xf32>
    %dot_general3A_212 = tpu.matmul %slice3A_205, %get3A_210, %dot_general3A_211 {dimension_numbers = #tpu.dot_dimension_numbers<[1], [0], [0], [1], [0, 0, 1, 1], [], []>, transpose_lhs_hint = false} : vector<512x128xf32>, vector<128x2048xbf16>, vector<512x2048xf32> -> vector<512x2048xf32>
    %get3A_213 = arith.constant 4 : index
    %get3A_214 = arith.constant 0 : index
    %get3A_215 = arith.constant 0 : index
    %get3A_216 = vector.load %arg9[%get3A_213, %get3A_214, %get3A_215] : memref<12x1x2048xf32, #tpu.memory_space<vmem>>, vector<1x1x2048xf32>
    %get3A_217 = vector.shape_cast %get3A_216 : vector<1x1x2048xf32> to vector<1x2048xf32>
    %add3A_218 = vector.broadcast %get3A_217 : vector<1x2048xf32> to vector<512x2048xf32>
    %add3A_219 = arith.addf %dot_general3A_212, %add3A_218 : vector<512x2048xf32>
    %reduce_min3A_220 = arith.constant dense<0x7F800000> : vector<512xf32>
    %reduce_min3A_221 = vector.multi_reduction <minimumf>, %add3A_219, %reduce_min3A_220 [1] : vector<512x2048xf32> to vector<512xf32>
    %broadcast_in_dim3A_222 = vector.shape_cast %reduce_min3A_221 : vector<512xf32> to vector<512x1xf32>
    %iota3A_223 = tpu.iota {dimensions = array<i32: 1>} : vector<512x2048xi32>
    %convert_element_type3A_224 = arith.sitofp %iota3A_223 : vector<512x2048xi32> to vector<512x2048xf32>
    %le3A_225 = vector.broadcast %broadcast_in_dim3A_222 : vector<512x1xf32> to vector<512x2048xf32>
    %le3A_226 = arith.cmpf ole, %add3A_219, %le3A_225 : vector<512x2048xf32>
    %jit3A_227 = arith.constant 2.048000e+03 : f32
    %broadcast_in_dim3A_228 = vector.broadcast %jit3A_227 : f32 to vector<512x2048xf32>
    %select_n3A_229 = arith.select %le3A_226, %convert_element_type3A_224, %broadcast_in_dim3A_228 : vector<512x2048xi1>, vector<512x2048xf32>
    %reduce_min3A_230 = arith.constant dense<0x7F800000> : vector<512xf32>
    %reduce_min3A_231 = vector.multi_reduction <minimumf>, %select_n3A_229, %reduce_min3A_230 [1] : vector<512x2048xf32> to vector<512xf32>
    %convert_element_type3A_232 = arith.fptosi %reduce_min3A_231 : vector<512xf32> to vector<512xi32>
    %add3A_233 = arith.constant 8192 : i32
    %add3A_234 = vector.broadcast %add3A_233 : i32 to vector<512xi32>
    %add3A_235 = arith.addi %convert_element_type3A_232, %add3A_234 : vector<512xi32>
    %swap3A_236 = arith.constant 0 : index
    %swap3A_237 = arith.constant 4 : index
    %swap3A_238 = vector.load %arg10[%swap3A_236, %swap3A_237] : memref<512x16xi32, #tpu.memory_space<vmem>>, vector<512x1xi32>
    %swap3A_239 = vector.shape_cast %swap3A_238 : vector<512x1xi32> to vector<512xi32>
    %swap3A_240 = vector.shape_cast %add3A_235 : vector<512xi32> to vector<512x1xi32>
    tpu.vector_store %arg10[%swap3A_236, %swap3A_237], %swap3A_240 {strides = array<i32>} : memref<512x16xi32, #tpu.memory_space<vmem>>, vector<512x1xi32>,
    %slice3A_241 = vector.extract_strided_slice %add3A_168 {offsets = [0, 256], sizes = [512, 128], strides = [1, 1]} : vector<512x384xf32> to vector<512x128xf32>
    %get3A_242 = arith.constant 5 : index
    %get3A_243 = arith.constant 0 : index
    %get3A_244 = arith.constant 0 : index
    %get3A_245 = vector.load %arg8[%get3A_242, %get3A_243, %get3A_244] : memref<12x128x2048xbf16, #tpu.memory_space<vmem>>, vector<1x128x2048xbf16>
    %get3A_246 = vector.shape_cast %get3A_245 : vector<1x128x2048xbf16> to vector<128x2048xbf16>
    %dot_general3A_247 = arith.constant dense<0.000000e+00> : vector<512x2048xf32>
    %dot_general3A_248 = tpu.matmul %slice3A_241, %get3A_246, %dot_general3A_247 {dimension_numbers = #tpu.dot_dimension_numbers<[1], [0], [0], [1], [0, 0, 1, 1], [], []>, transpose_lhs_hint = false} : vector<512x128xf32>, vector<128x2048xbf16>, vector<512x2048xf32> -> vector<512x2048xf32>
    %get3A_249 = arith.constant 5 : index
    %get3A_250 = arith.constant 0 : index
    %get3A_251 = arith.constant 0 : index
    %get3A_252 = vector.load %arg9[%get3A_249, %get3A_250, %get3A_251] : memref<12x1x2048xf32, #tpu.memory_space<vmem>>, vector<1x1x2048xf32>
    %get3A_253 = vector.shape_cast %get3A_252 : vector<1x1x2048xf32> to vector<1x2048xf32>
    %add3A_254 = vector.broadcast %get3A_253 : vector<1x2048xf32> to vector<512x2048xf32>
    %add3A_255 = arith.addf %dot_general3A_248, %add3A_254 : vector<512x2048xf32>
    %reduce_min3A_256 = arith.constant dense<0x7F800000> : vector<512xf32>
    %reduce_min3A_257 = vector.multi_reduction <minimumf>, %add3A_255, %reduce_min3A_256 [1] : vector<512x2048xf32> to vector<512xf32>
    %broadcast_in_dim3A_258 = vector.shape_cast %reduce_min3A_257 : vector<512xf32> to vector<512x1xf32>
    %iota3A_259 = tpu.iota {dimensions = array<i32: 1>} : vector<512x2048xi32>
    %convert_element_type3A_260 = arith.sitofp %iota3A_259 : vector<512x2048xi32> to vector<512x2048xf32>
    %le3A_261 = vector.broadcast %broadcast_in_dim3A_258 : vector<512x1xf32> to vector<512x2048xf32>
    %le3A_262 = arith.cmpf ole, %add3A_255, %le3A_261 : vector<512x2048xf32>
    %jit3A_263 = arith.constant 2.048000e+03 : f32
    %broadcast_in_dim3A_264 = vector.broadcast %jit3A_263 : f32 to vector<512x2048xf32>
    %select_n3A_265 = arith.select %le3A_262, %convert_element_type3A_260, %broadcast_in_dim3A_264 : vector<512x2048xi1>, vector<512x2048xf32>
    %reduce_min3A_266 = arith.constant dense<0x7F800000> : vector<512xf32>
    %reduce_min3A_267 = vector.multi_reduction <minimumf>, %select_n3A_265, %reduce_min3A_266 [1] : vector<512x2048xf32> to vector<512xf32>
    %convert_element_type3A_268 = arith.fptosi %reduce_min3A_267 : vector<512xf32> to vector<512xi32>
    %add3A_269 = arith.constant 10240 : i32
    %add3A_270 = vector.broadcast %add3A_269 : i32 to vector<512xi32>
    %add3A_271 = arith.addi %convert_element_type3A_268, %add3A_270 : vector<512xi32>
    %swap3A_272 = arith.constant 0 : index
    %swap3A_273 = arith.constant 5 : index
    %swap3A_274 = vector.load %arg10[%swap3A_272, %swap3A_273] : memref<512x16xi32, #tpu.memory_space<vmem>>, vector<512x1xi32>
    %swap3A_275 = vector.shape_cast %swap3A_274 : vector<512x1xi32> to vector<512xi32>
    %swap3A_276 = vector.shape_cast %add3A_271 : vector<512xi32> to vector<512x1xi32>
    tpu.vector_store %arg10[%swap3A_272, %swap3A_273], %swap3A_276 {strides = array<i32>} : memref<512x16xi32, #tpu.memory_space<vmem>>, vector<512x1xi32>,
    %slice3A_277 = vector.extract_strided_slice %max3A_11 {offsets = [0, 2048], sizes = [512, 1024], strides = [1, 1]} : vector<512x4096xf32> to vector<512x1024xf32>
    %get3A_278 = arith.constant 2 : index
    %get3A_279 = arith.constant 0 : index
    %get3A_280 = arith.constant 0 : index
    %get3A_281 = vector.load %arg4[%get3A_278, %get3A_279, %get3A_280] : memref<4x1024x512xbf16, #tpu.memory_space<vmem>>, vector<1x1024x512xbf16>
    %get3A_282 = vector.shape_cast %get3A_281 : vector<1x1024x512xbf16> to vector<1024x512xbf16>
    %dot_general3A_283 = arith.constant dense<0.000000e+00> : vector<512x512xf32>
    %dot_general3A_284 = tpu.matmul %slice3A_277, %get3A_282, %dot_general3A_283 {dimension_numbers = #tpu.dot_dimension_numbers<[1], [0], [0], [1], [0, 0, 1, 1], [], []>, transpose_lhs_hint = false} : vector<512x1024xf32>, vector<1024x512xbf16>, vector<512x512xf32> -> vector<512x512xf32>
    %get3A_285 = arith.constant 2 : index
    %get3A_286 = arith.constant 0 : index
    %get3A_287 = vector.load %arg5[%get3A_285, %get3A_286] : memref<4x512xf32, #tpu.memory_space<vmem>>, vector<1x512xf32>
    %get3A_288 = vector.shape_cast %get3A_287 : vector<1x512xf32> to vector<512xf32>
    %broadcast_in_dim3A_289 = vector.shape_cast %get3A_288 : vector<512xf32> to vector<1x512xf32>
    %add3A_290 = vector.broadcast %broadcast_in_dim3A_289 : vector<1x512xf32> to vector<512x512xf32>
    %add3A_291 = arith.addf %dot_general3A_284, %add3A_290 : vector<512x512xf32>
    %get3A_292 = arith.constant 2 : index
    %get3A_293 = arith.constant 0 : index
    %get3A_294 = arith.constant 0 : index
    %get3A_295 = vector.load %arg6[%get3A_292, %get3A_293, %get3A_294] : memref<4x512x384xbf16, #tpu.memory_space<vmem>>, vector<1x512x384xbf16>
    %get3A_296 = vector.shape_cast %get3A_295 : vector<1x512x384xbf16> to vector<512x384xbf16>
    %dot_general3A_297 = arith.constant dense<0.000000e+00> : vector<512x384xf32>
    %dot_general3A_298 = tpu.matmul %add3A_291, %get3A_296, %dot_general3A_297 {dimension_numbers = #tpu.dot_dimension_numbers<[1], [0], [0], [1], [0, 0, 1, 1], [], []>, transpose_lhs_hint = false} : vector<512x512xf32>, vector<512x384xbf16>, vector<512x384xf32> -> vector<512x384xf32>
    %get3A_299 = arith.constant 2 : index
    %get3A_300 = arith.constant 0 : index
    %get3A_301 = vector.load %arg7[%get3A_299, %get3A_300] : memref<4x384xf32, #tpu.memory_space<vmem>>, vector<1x384xf32>
    %get3A_302 = vector.shape_cast %get3A_301 : vector<1x384xf32> to vector<384xf32>
    %broadcast_in_dim3A_303 = vector.shape_cast %get3A_302 : vector<384xf32> to vector<1x384xf32>
    %add3A_304 = vector.broadcast %broadcast_in_dim3A_303 : vector<1x384xf32> to vector<512x384xf32>
    %add3A_305 = arith.addf %dot_general3A_298, %add3A_304 : vector<512x384xf32>
    %slice3A_306 = vector.extract_strided_slice %add3A_305 {offsets = [0, 0], sizes = [512, 128], strides = [1, 1]} : vector<512x384xf32> to vector<512x128xf32>
    %get3A_307 = arith.constant 6 : index
    %get3A_308 = arith.constant 0 : index
    %get3A_309 = arith.constant 0 : index
    %get3A_310 = vector.load %arg8[%get3A_307, %get3A_308, %get3A_309] : memref<12x128x2048xbf16, #tpu.memory_space<vmem>>, vector<1x128x2048xbf16>
    %get3A_311 = vector.shape_cast %get3A_310 : vector<1x128x2048xbf16> to vector<128x2048xbf16>
    %dot_general3A_312 = arith.constant dense<0.000000e+00> : vector<512x2048xf32>
    %dot_general3A_313 = tpu.matmul %slice3A_306, %get3A_311, %dot_general3A_312 {dimension_numbers = #tpu.dot_dimension_numbers<[1], [0], [0], [1], [0, 0, 1, 1], [], []>, transpose_lhs_hint = false} : vector<512x128xf32>, vector<128x2048xbf16>, vector<512x2048xf32> -> vector<512x2048xf32>
    %get3A_314 = arith.constant 6 : index
    %get3A_315 = arith.constant 0 : index
    %get3A_316 = arith.constant 0 : index
    %get3A_317 = vector.load %arg9[%get3A_314, %get3A_315, %get3A_316] : memref<12x1x2048xf32, #tpu.memory_space<vmem>>, vector<1x1x2048xf32>
    %get3A_318 = vector.shape_cast %get3A_317 : vector<1x1x2048xf32> to vector<1x2048xf32>
    %add3A_319 = vector.broadcast %get3A_318 : vector<1x2048xf32> to vector<512x2048xf32>
    %add3A_320 = arith.addf %dot_general3A_313, %add3A_319 : vector<512x2048xf32>
    %reduce_min3A_321 = arith.constant dense<0x7F800000> : vector<512xf32>
    %reduce_min3A_322 = vector.multi_reduction <minimumf>, %add3A_320, %reduce_min3A_321 [1] : vector<512x2048xf32> to vector<512xf32>
    %broadcast_in_dim3A_323 = vector.shape_cast %reduce_min3A_322 : vector<512xf32> to vector<512x1xf32>
    %iota3A_324 = tpu.iota {dimensions = array<i32: 1>} : vector<512x2048xi32>
    %convert_element_type3A_325 = arith.sitofp %iota3A_324 : vector<512x2048xi32> to vector<512x2048xf32>
    %le3A_326 = vector.broadcast %broadcast_in_dim3A_323 : vector<512x1xf32> to vector<512x2048xf32>
    %le3A_327 = arith.cmpf ole, %add3A_320, %le3A_326 : vector<512x2048xf32>
    %jit3A_328 = arith.constant 2.048000e+03 : f32
    %broadcast_in_dim3A_329 = vector.broadcast %jit3A_328 : f32 to vector<512x2048xf32>
    %select_n3A_330 = arith.select %le3A_327, %convert_element_type3A_325, %broadcast_in_dim3A_329 : vector<512x2048xi1>, vector<512x2048xf32>
    %reduce_min3A_331 = arith.constant dense<0x7F800000> : vector<512xf32>
    %reduce_min3A_332 = vector.multi_reduction <minimumf>, %select_n3A_330, %reduce_min3A_331 [1] : vector<512x2048xf32> to vector<512xf32>
    %convert_element_type3A_333 = arith.fptosi %reduce_min3A_332 : vector<512xf32> to vector<512xi32>
    %add3A_334 = arith.constant 12288 : i32
    %add3A_335 = vector.broadcast %add3A_334 : i32 to vector<512xi32>
    %add3A_336 = arith.addi %convert_element_type3A_333, %add3A_335 : vector<512xi32>
    %swap3A_337 = arith.constant 0 : index
    %swap3A_338 = arith.constant 6 : index
    %swap3A_339 = vector.load %arg10[%swap3A_337, %swap3A_338] : memref<512x16xi32, #tpu.memory_space<vmem>>, vector<512x1xi32>
    %swap3A_340 = vector.shape_cast %swap3A_339 : vector<512x1xi32> to vector<512xi32>
    %swap3A_341 = vector.shape_cast %add3A_336 : vector<512xi32> to vector<512x1xi32>
    tpu.vector_store %arg10[%swap3A_337, %swap3A_338], %swap3A_341 {strides = array<i32>} : memref<512x16xi32, #tpu.memory_space<vmem>>, vector<512x1xi32>,
    %slice3A_342 = vector.extract_strided_slice %add3A_305 {offsets = [0, 128], sizes = [512, 128], strides = [1, 1]} : vector<512x384xf32> to vector<512x128xf32>
    %get3A_343 = arith.constant 7 : index
    %get3A_344 = arith.constant 0 : index
    %get3A_345 = arith.constant 0 : index
    %get3A_346 = vector.load %arg8[%get3A_343, %get3A_344, %get3A_345] : memref<12x128x2048xbf16, #tpu.memory_space<vmem>>, vector<1x128x2048xbf16>
    %get3A_347 = vector.shape_cast %get3A_346 : vector<1x128x2048xbf16> to vector<128x2048xbf16>
    %dot_general3A_348 = arith.constant dense<0.000000e+00> : vector<512x2048xf32>
    %dot_general3A_349 = tpu.matmul %slice3A_342, %get3A_347, %dot_general3A_348 {dimension_numbers = #tpu.dot_dimension_numbers<[1], [0], [0], [1], [0, 0, 1, 1], [], []>, transpose_lhs_hint = false} : vector<512x128xf32>, vector<128x2048xbf16>, vector<512x2048xf32> -> vector<512x2048xf32>
    %get3A_350 = arith.constant 7 : index
    %get3A_351 = arith.constant 0 : index
    %get3A_352 = arith.constant 0 : index
    %get3A_353 = vector.load %arg9[%get3A_350, %get3A_351, %get3A_352] : memref<12x1x2048xf32, #tpu.memory_space<vmem>>, vector<1x1x2048xf32>
    %get3A_354 = vector.shape_cast %get3A_353 : vector<1x1x2048xf32> to vector<1x2048xf32>
    %add3A_355 = vector.broadcast %get3A_354 : vector<1x2048xf32> to vector<512x2048xf32>
    %add3A_356 = arith.addf %dot_general3A_349, %add3A_355 : vector<512x2048xf32>
    %reduce_min3A_357 = arith.constant dense<0x7F800000> : vector<512xf32>
    %reduce_min3A_358 = vector.multi_reduction <minimumf>, %add3A_356, %reduce_min3A_357 [1] : vector<512x2048xf32> to vector<512xf32>
    %broadcast_in_dim3A_359 = vector.shape_cast %reduce_min3A_358 : vector<512xf32> to vector<512x1xf32>
    %iota3A_360 = tpu.iota {dimensions = array<i32: 1>} : vector<512x2048xi32>
    %convert_element_type3A_361 = arith.sitofp %iota3A_360 : vector<512x2048xi32> to vector<512x2048xf32>
    %le3A_362 = vector.broadcast %broadcast_in_dim3A_359 : vector<512x1xf32> to vector<512x2048xf32>
    %le3A_363 = arith.cmpf ole, %add3A_356, %le3A_362 : vector<512x2048xf32>
    %jit3A_364 = arith.constant 2.048000e+03 : f32
    %broadcast_in_dim3A_365 = vector.broadcast %jit3A_364 : f32 to vector<512x2048xf32>
    %select_n3A_366 = arith.select %le3A_363, %convert_element_type3A_361, %broadcast_in_dim3A_365 : vector<512x2048xi1>, vector<512x2048xf32>
    %reduce_min3A_367 = arith.constant dense<0x7F800000> : vector<512xf32>
    %reduce_min3A_368 = vector.multi_reduction <minimumf>, %select_n3A_366, %reduce_min3A_367 [1] : vector<512x2048xf32> to vector<512xf32>
    %convert_element_type3A_369 = arith.fptosi %reduce_min3A_368 : vector<512xf32> to vector<512xi32>
    %add3A_370 = arith.constant 14336 : i32
    %add3A_371 = vector.broadcast %add3A_370 : i32 to vector<512xi32>
    %add3A_372 = arith.addi %convert_element_type3A_369, %add3A_371 : vector<512xi32>
    %swap3A_373 = arith.constant 0 : index
    %swap3A_374 = arith.constant 7 : index
    %swap3A_375 = vector.load %arg10[%swap3A_373, %swap3A_374] : memref<512x16xi32, #tpu.memory_space<vmem>>, vector<512x1xi32>
    %swap3A_376 = vector.shape_cast %swap3A_375 : vector<512x1xi32> to vector<512xi32>
    %swap3A_377 = vector.shape_cast %add3A_372 : vector<512xi32> to vector<512x1xi32>
    tpu.vector_store %arg10[%swap3A_373, %swap3A_374], %swap3A_377 {strides = array<i32>} : memref<512x16xi32, #tpu.memory_space<vmem>>, vector<512x1xi32>,
    %slice3A_378 = vector.extract_strided_slice %add3A_305 {offsets = [0, 256], sizes = [512, 128], strides = [1, 1]} : vector<512x384xf32> to vector<512x128xf32>
    %get3A_379 = arith.constant 8 : index
    %get3A_380 = arith.constant 0 : index
    %get3A_381 = arith.constant 0 : index
    %get3A_382 = vector.load %arg8[%get3A_379, %get3A_380, %get3A_381] : memref<12x128x2048xbf16, #tpu.memory_space<vmem>>, vector<1x128x2048xbf16>
    %get3A_383 = vector.shape_cast %get3A_382 : vector<1x128x2048xbf16> to vector<128x2048xbf16>
    %dot_general3A_384 = arith.constant dense<0.000000e+00> : vector<512x2048xf32>
    %dot_general3A_385 = tpu.matmul %slice3A_378, %get3A_383, %dot_general3A_384 {dimension_numbers = #tpu.dot_dimension_numbers<[1], [0], [0], [1], [0, 0, 1, 1], [], []>, transpose_lhs_hint = false} : vector<512x128xf32>, vector<128x2048xbf16>, vector<512x2048xf32> -> vector<512x2048xf32>
    %get3A_386 = arith.constant 8 : index
    %get3A_387 = arith.constant 0 : index
    %get3A_388 = arith.constant 0 : index
    %get3A_389 = vector.load %arg9[%get3A_386, %get3A_387, %get3A_388] : memref<12x1x2048xf32, #tpu.memory_space<vmem>>, vector<1x1x2048xf32>
    %get3A_390 = vector.shape_cast %get3A_389 : vector<1x1x2048xf32> to vector<1x2048xf32>
    %add3A_391 = vector.broadcast %get3A_390 : vector<1x2048xf32> to vector<512x2048xf32>
    %add3A_392 = arith.addf %dot_general3A_385, %add3A_391 : vector<512x2048xf32>
    %reduce_min3A_393 = arith.constant dense<0x7F800000> : vector<512xf32>
    %reduce_min3A_394 = vector.multi_reduction <minimumf>, %add3A_392, %reduce_min3A_393 [1] : vector<512x2048xf32> to vector<512xf32>
    %broadcast_in_dim3A_395 = vector.shape_cast %reduce_min3A_394 : vector<512xf32> to vector<512x1xf32>
    %iota3A_396 = tpu.iota {dimensions = array<i32: 1>} : vector<512x2048xi32>
    %convert_element_type3A_397 = arith.sitofp %iota3A_396 : vector<512x2048xi32> to vector<512x2048xf32>
    %le3A_398 = vector.broadcast %broadcast_in_dim3A_395 : vector<512x1xf32> to vector<512x2048xf32>
    %le3A_399 = arith.cmpf ole, %add3A_392, %le3A_398 : vector<512x2048xf32>
    %jit3A_400 = arith.constant 2.048000e+03 : f32
    %broadcast_in_dim3A_401 = vector.broadcast %jit3A_400 : f32 to vector<512x2048xf32>
    %select_n3A_402 = arith.select %le3A_399, %convert_element_type3A_397, %broadcast_in_dim3A_401 : vector<512x2048xi1>, vector<512x2048xf32>
    %reduce_min3A_403 = arith.constant dense<0x7F800000> : vector<512xf32>
    %reduce_min3A_404 = vector.multi_reduction <minimumf>, %select_n3A_402, %reduce_min3A_403 [1] : vector<512x2048xf32> to vector<512xf32>
    %convert_element_type3A_405 = arith.fptosi %reduce_min3A_404 : vector<512xf32> to vector<512xi32>
    %add3A_406 = arith.constant 16384 : i32
    %add3A_407 = vector.broadcast %add3A_406 : i32 to vector<512xi32>
    %add3A_408 = arith.addi %convert_element_type3A_405, %add3A_407 : vector<512xi32>
    %swap3A_409 = arith.constant 0 : index
    %swap3A_410 = arith.constant 8 : index
    %swap3A_411 = vector.load %arg10[%swap3A_409, %swap3A_410] : memref<512x16xi32, #tpu.memory_space<vmem>>, vector<512x1xi32>
    %swap3A_412 = vector.shape_cast %swap3A_411 : vector<512x1xi32> to vector<512xi32>
    %swap3A_413 = vector.shape_cast %add3A_408 : vector<512xi32> to vector<512x1xi32>
    tpu.vector_store %arg10[%swap3A_409, %swap3A_410], %swap3A_413 {strides = array<i32>} : memref<512x16xi32, #tpu.memory_space<vmem>>, vector<512x1xi32>,
    %slice3A_414 = vector.extract_strided_slice %max3A_11 {offsets = [0, 3072], sizes = [512, 1024], strides = [1, 1]} : vector<512x4096xf32> to vector<512x1024xf32>
    %get3A_415 = arith.constant 3 : index
    %get3A_416 = arith.constant 0 : index
    %get3A_417 = arith.constant 0 : index
    %get3A_418 = vector.load %arg4[%get3A_415, %get3A_416, %get3A_417] : memref<4x1024x512xbf16, #tpu.memory_space<vmem>>, vector<1x1024x512xbf16>
    %get3A_419 = vector.shape_cast %get3A_418 : vector<1x1024x512xbf16> to vector<1024x512xbf16>
    %dot_general3A_420 = arith.constant dense<0.000000e+00> : vector<512x512xf32>
    %dot_general3A_421 = tpu.matmul %slice3A_414, %get3A_419, %dot_general3A_420 {dimension_numbers = #tpu.dot_dimension_numbers<[1], [0], [0], [1], [0, 0, 1, 1], [], []>, transpose_lhs_hint = false} : vector<512x1024xf32>, vector<1024x512xbf16>, vector<512x512xf32> -> vector<512x512xf32>
    %get3A_422 = arith.constant 3 : index
    %get3A_423 = arith.constant 0 : index
    %get3A_424 = vector.load %arg5[%get3A_422, %get3A_423] : memref<4x512xf32, #tpu.memory_space<vmem>>, vector<1x512xf32>
    %get3A_425 = vector.shape_cast %get3A_424 : vector<1x512xf32> to vector<512xf32>
    %broadcast_in_dim3A_426 = vector.shape_cast %get3A_425 : vector<512xf32> to vector<1x512xf32>
    %add3A_427 = vector.broadcast %broadcast_in_dim3A_426 : vector<1x512xf32> to vector<512x512xf32>
    %add3A_428 = arith.addf %dot_general3A_421, %add3A_427 : vector<512x512xf32>
    %get3A_429 = arith.constant 3 : index
    %get3A_430 = arith.constant 0 : index
    %get3A_431 = arith.constant 0 : index
    %get3A_432 = vector.load %arg6[%get3A_429, %get3A_430, %get3A_431] : memref<4x512x384xbf16, #tpu.memory_space<vmem>>, vector<1x512x384xbf16>
    %get3A_433 = vector.shape_cast %get3A_432 : vector<1x512x384xbf16> to vector<512x384xbf16>
    %dot_general3A_434 = arith.constant dense<0.000000e+00> : vector<512x384xf32>
    %dot_general3A_435 = tpu.matmul %add3A_428, %get3A_433, %dot_general3A_434 {dimension_numbers = #tpu.dot_dimension_numbers<[1], [0], [0], [1], [0, 0, 1, 1], [], []>, transpose_lhs_hint = false} : vector<512x512xf32>, vector<512x384xbf16>, vector<512x384xf32> -> vector<512x384xf32>
    %get3A_436 = arith.constant 3 : index
    %get3A_437 = arith.constant 0 : index
    %get3A_438 = vector.load %arg7[%get3A_436, %get3A_437] : memref<4x384xf32, #tpu.memory_space<vmem>>, vector<1x384xf32>
    %get3A_439 = vector.shape_cast %get3A_438 : vector<1x384xf32> to vector<384xf32>
    %broadcast_in_dim3A_440 = vector.shape_cast %get3A_439 : vector<384xf32> to vector<1x384xf32>
    %add3A_441 = vector.broadcast %broadcast_in_dim3A_440 : vector<1x384xf32> to vector<512x384xf32>
    %add3A_442 = arith.addf %dot_general3A_435, %add3A_441 : vector<512x384xf32>
    %slice3A_443 = vector.extract_strided_slice %add3A_442 {offsets = [0, 0], sizes = [512, 128], strides = [1, 1]} : vector<512x384xf32> to vector<512x128xf32>
    %get3A_444 = arith.constant 9 : index
    %get3A_445 = arith.constant 0 : index
    %get3A_446 = arith.constant 0 : index
    %get3A_447 = vector.load %arg8[%get3A_444, %get3A_445, %get3A_446] : memref<12x128x2048xbf16, #tpu.memory_space<vmem>>, vector<1x128x2048xbf16>
    %get3A_448 = vector.shape_cast %get3A_447 : vector<1x128x2048xbf16> to vector<128x2048xbf16>
    %dot_general3A_449 = arith.constant dense<0.000000e+00> : vector<512x2048xf32>
    %dot_general3A_450 = tpu.matmul %slice3A_443, %get3A_448, %dot_general3A_449 {dimension_numbers = #tpu.dot_dimension_numbers<[1], [0], [0], [1], [0, 0, 1, 1], [], []>, transpose_lhs_hint = false} : vector<512x128xf32>, vector<128x2048xbf16>, vector<512x2048xf32> -> vector<512x2048xf32>
    %get3A_451 = arith.constant 9 : index
    %get3A_452 = arith.constant 0 : index
    %get3A_453 = arith.constant 0 : index
    %get3A_454 = vector.load %arg9[%get3A_451, %get3A_452, %get3A_453] : memref<12x1x2048xf32, #tpu.memory_space<vmem>>, vector<1x1x2048xf32>
    %get3A_455 = vector.shape_cast %get3A_454 : vector<1x1x2048xf32> to vector<1x2048xf32>
    %add3A_456 = vector.broadcast %get3A_455 : vector<1x2048xf32> to vector<512x2048xf32>
    %add3A_457 = arith.addf %dot_general3A_450, %add3A_456 : vector<512x2048xf32>
    %reduce_min3A_458 = arith.constant dense<0x7F800000> : vector<512xf32>
    %reduce_min3A_459 = vector.multi_reduction <minimumf>, %add3A_457, %reduce_min3A_458 [1] : vector<512x2048xf32> to vector<512xf32>
    %broadcast_in_dim3A_460 = vector.shape_cast %reduce_min3A_459 : vector<512xf32> to vector<512x1xf32>
    %iota3A_461 = tpu.iota {dimensions = array<i32: 1>} : vector<512x2048xi32>
    %convert_element_type3A_462 = arith.sitofp %iota3A_461 : vector<512x2048xi32> to vector<512x2048xf32>
    %le3A_463 = vector.broadcast %broadcast_in_dim3A_460 : vector<512x1xf32> to vector<512x2048xf32>
    %le3A_464 = arith.cmpf ole, %add3A_457, %le3A_463 : vector<512x2048xf32>
    %jit3A_465 = arith.constant 2.048000e+03 : f32
    %broadcast_in_dim3A_466 = vector.broadcast %jit3A_465 : f32 to vector<512x2048xf32>
    %select_n3A_467 = arith.select %le3A_464, %convert_element_type3A_462, %broadcast_in_dim3A_466 : vector<512x2048xi1>, vector<512x2048xf32>
    %reduce_min3A_468 = arith.constant dense<0x7F800000> : vector<512xf32>
    %reduce_min3A_469 = vector.multi_reduction <minimumf>, %select_n3A_467, %reduce_min3A_468 [1] : vector<512x2048xf32> to vector<512xf32>
    %convert_element_type3A_470 = arith.fptosi %reduce_min3A_469 : vector<512xf32> to vector<512xi32>
    %add3A_471 = arith.constant 18432 : i32
    %add3A_472 = vector.broadcast %add3A_471 : i32 to vector<512xi32>
    %add3A_473 = arith.addi %convert_element_type3A_470, %add3A_472 : vector<512xi32>
    %swap3A_474 = arith.constant 0 : index
    %swap3A_475 = arith.constant 9 : index
    %swap3A_476 = vector.load %arg10[%swap3A_474, %swap3A_475] : memref<512x16xi32, #tpu.memory_space<vmem>>, vector<512x1xi32>
    %swap3A_477 = vector.shape_cast %swap3A_476 : vector<512x1xi32> to vector<512xi32>
    %swap3A_478 = vector.shape_cast %add3A_473 : vector<512xi32> to vector<512x1xi32>
    tpu.vector_store %arg10[%swap3A_474, %swap3A_475], %swap3A_478 {strides = array<i32>} : memref<512x16xi32, #tpu.memory_space<vmem>>, vector<512x1xi32>,
    %slice3A_479 = vector.extract_strided_slice %add3A_442 {offsets = [0, 128], sizes = [512, 128], strides = [1, 1]} : vector<512x384xf32> to vector<512x128xf32>
    %get3A_480 = arith.constant 10 : index
    %get3A_481 = arith.constant 0 : index
    %get3A_482 = arith.constant 0 : index
    %get3A_483 = vector.load %arg8[%get3A_480, %get3A_481, %get3A_482] : memref<12x128x2048xbf16, #tpu.memory_space<vmem>>, vector<1x128x2048xbf16>
    %get3A_484 = vector.shape_cast %get3A_483 : vector<1x128x2048xbf16> to vector<128x2048xbf16>
    %dot_general3A_485 = arith.constant dense<0.000000e+00> : vector<512x2048xf32>
    %dot_general3A_486 = tpu.matmul %slice3A_479, %get3A_484, %dot_general3A_485 {dimension_numbers = #tpu.dot_dimension_numbers<[1], [0], [0], [1], [0, 0, 1, 1], [], []>, transpose_lhs_hint = false} : vector<512x128xf32>, vector<128x2048xbf16>, vector<512x2048xf32> -> vector<512x2048xf32>
    %get3A_487 = arith.constant 10 : index
    %get3A_488 = arith.constant 0 : index
    %get3A_489 = arith.constant 0 : index
    %get3A_490 = vector.load %arg9[%get3A_487, %get3A_488, %get3A_489] : memref<12x1x2048xf32, #tpu.memory_space<vmem>>, vector<1x1x2048xf32>
    %get3A_491 = vector.shape_cast %get3A_490 : vector<1x1x2048xf32> to vector<1x2048xf32>
    %add3A_492 = vector.broadcast %get3A_491 : vector<1x2048xf32> to vector<512x2048xf32>
    %add3A_493 = arith.addf %dot_general3A_486, %add3A_492 : vector<512x2048xf32>
    %reduce_min3A_494 = arith.constant dense<0x7F800000> : vector<512xf32>
    %reduce_min3A_495 = vector.multi_reduction <minimumf>, %add3A_493, %reduce_min3A_494 [1] : vector<512x2048xf32> to vector<512xf32>
    %broadcast_in_dim3A_496 = vector.shape_cast %reduce_min3A_495 : vector<512xf32> to vector<512x1xf32>
    %iota3A_497 = tpu.iota {dimensions = array<i32: 1>} : vector<512x2048xi32>
    %convert_element_type3A_498 = arith.sitofp %iota3A_497 : vector<512x2048xi32> to vector<512x2048xf32>
    %le3A_499 = vector.broadcast %broadcast_in_dim3A_496 : vector<512x1xf32> to vector<512x2048xf32>
    %le3A_500 = arith.cmpf ole, %add3A_493, %le3A_499 : vector<512x2048xf32>
    %jit3A_501 = arith.constant 2.048000e+03 : f32
    %broadcast_in_dim3A_502 = vector.broadcast %jit3A_501 : f32 to vector<512x2048xf32>
    %select_n3A_503 = arith.select %le3A_500, %convert_element_type3A_498, %broadcast_in_dim3A_502 : vector<512x2048xi1>, vector<512x2048xf32>
    %reduce_min3A_504 = arith.constant dense<0x7F800000> : vector<512xf32>
    %reduce_min3A_505 = vector.multi_reduction <minimumf>, %select_n3A_503, %reduce_min3A_504 [1] : vector<512x2048xf32> to vector<512xf32>
    %convert_element_type3A_506 = arith.fptosi %reduce_min3A_505 : vector<512xf32> to vector<512xi32>
    %add3A_507 = arith.constant 20480 : i32
    %add3A_508 = vector.broadcast %add3A_507 : i32 to vector<512xi32>
    %add3A_509 = arith.addi %convert_element_type3A_506, %add3A_508 : vector<512xi32>
    %swap3A_510 = arith.constant 0 : index
    %swap3A_511 = arith.constant 10 : index
    %swap3A_512 = vector.load %arg10[%swap3A_510, %swap3A_511] : memref<512x16xi32, #tpu.memory_space<vmem>>, vector<512x1xi32>
    %swap3A_513 = vector.shape_cast %swap3A_512 : vector<512x1xi32> to vector<512xi32>
    %swap3A_514 = vector.shape_cast %add3A_509 : vector<512xi32> to vector<512x1xi32>
    tpu.vector_store %arg10[%swap3A_510, %swap3A_511], %swap3A_514 {strides = array<i32>} : memref<512x16xi32, #tpu.memory_space<vmem>>, vector<512x1xi32>,
    %slice3A_515 = vector.extract_strided_slice %add3A_442 {offsets = [0, 256], sizes = [512, 128], strides = [1, 1]} : vector<512x384xf32> to vector<512x128xf32>
    %get3A_516 = arith.constant 11 : index
    %get3A_517 = arith.constant 0 : index
    %get3A_518 = arith.constant 0 : index
    %get3A_519 = vector.load %arg8[%get3A_516, %get3A_517, %get3A_518] : memref<12x128x2048xbf16, #tpu.memory_space<vmem>>, vector<1x128x2048xbf16>
    %get3A_520 = vector.shape_cast %get3A_519 : vector<1x128x2048xbf16> to vector<128x2048xbf16>
    %dot_general3A_521 = arith.constant dense<0.000000e+00> : vector<512x2048xf32>
    %dot_general3A_522 = tpu.matmul %slice3A_515, %get3A_520, %dot_general3A_521 {dimension_numbers = #tpu.dot_dimension_numbers<[1], [0], [0], [1], [0, 0, 1, 1], [], []>, transpose_lhs_hint = false} : vector<512x128xf32>, vector<128x2048xbf16>, vector<512x2048xf32> -> vector<512x2048xf32>
    %get3A_523 = arith.constant 11 : index
    %get3A_524 = arith.constant 0 : index
    %get3A_525 = arith.constant 0 : index
    %get3A_526 = vector.load %arg9[%get3A_523, %get3A_524, %get3A_525] : memref<12x1x2048xf32, #tpu.memory_space<vmem>>, vector<1x1x2048xf32>
    %get3A_527 = vector.shape_cast %get3A_526 : vector<1x1x2048xf32> to vector<1x2048xf32>
    %add3A_528 = vector.broadcast %get3A_527 : vector<1x2048xf32> to vector<512x2048xf32>
    %add3A_529 = arith.addf %dot_general3A_522, %add3A_528 : vector<512x2048xf32>
    %reduce_min3A_530 = arith.constant dense<0x7F800000> : vector<512xf32>
    %reduce_min3A_531 = vector.multi_reduction <minimumf>, %add3A_529, %reduce_min3A_530 [1] : vector<512x2048xf32> to vector<512xf32>
    %broadcast_in_dim3A_532 = vector.shape_cast %reduce_min3A_531 : vector<512xf32> to vector<512x1xf32>
    %iota3A_533 = tpu.iota {dimensions = array<i32: 1>} : vector<512x2048xi32>
    %convert_element_type3A_534 = arith.sitofp %iota3A_533 : vector<512x2048xi32> to vector<512x2048xf32>
    %le3A_535 = vector.broadcast %broadcast_in_dim3A_532 : vector<512x1xf32> to vector<512x2048xf32>
    %le3A_536 = arith.cmpf ole, %add3A_529, %le3A_535 : vector<512x2048xf32>
    %jit3A_537 = arith.constant 2.048000e+03 : f32
    %broadcast_in_dim3A_538 = vector.broadcast %jit3A_537 : f32 to vector<512x2048xf32>
    %select_n3A_539 = arith.select %le3A_536, %convert_element_type3A_534, %broadcast_in_dim3A_538 : vector<512x2048xi1>, vector<512x2048xf32>
    %reduce_min3A_540 = arith.constant dense<0x7F800000> : vector<512xf32>
    %reduce_min3A_541 = vector.multi_reduction <minimumf>, %select_n3A_539, %reduce_min3A_540 [1] : vector<512x2048xf32> to vector<512xf32>
    %convert_element_type3A_542 = arith.fptosi %reduce_min3A_541 : vector<512xf32> to vector<512xi32>
    %add3A_543 = arith.constant 22528 : i32
    %add3A_544 = vector.broadcast %add3A_543 : i32 to vector<512xi32>
    %add3A_545 = arith.addi %convert_element_type3A_542, %add3A_544 : vector<512xi32>
    %swap3A_546 = arith.constant 0 : index
    %swap3A_547 = arith.constant 11 : index
    %swap3A_548 = vector.load %arg10[%swap3A_546, %swap3A_547] : memref<512x16xi32, #tpu.memory_space<vmem>>, vector<512x1xi32>
    %swap3A_549 = vector.shape_cast %swap3A_548 : vector<512x1xi32> to vector<512xi32>
    %swap3A_550 = vector.shape_cast %add3A_545 : vector<512xi32> to vector<512x1xi32>
    tpu.vector_store %arg10[%swap3A_546, %swap3A_547], %swap3A_550 {strides = array<i32>} : memref<512x16xi32, #tpu.memory_space<vmem>>, vector<512x1xi32>,
    %broadcast_in_dim3A_551 = arith.constant 0 : i32
    %broadcast_in_dim3A_552 = vector.broadcast %broadcast_in_dim3A_551 : i32 to vector<512xi32>
    %swap3A_553 = arith.constant 0 : index
    %swap3A_554 = arith.constant 12 : index
    %swap3A_555 = vector.load %arg10[%swap3A_553, %swap3A_554] : memref<512x16xi32, #tpu.memory_space<vmem>>, vector<512x1xi32>
    %swap3A_556 = vector.shape_cast %swap3A_555 : vector<512x1xi32> to vector<512xi32>
    %swap3A_557 = vector.shape_cast %broadcast_in_dim3A_552 : vector<512xi32> to vector<512x1xi32>
    tpu.vector_store %arg10[%swap3A_553, %swap3A_554], %swap3A_557 {strides = array<i32>} : memref<512x16xi32, #tpu.memory_space<vmem>>, vector<512x1xi32>,
    %broadcast_in_dim3A_558 = arith.constant 0 : i32
    %broadcast_in_dim3A_559 = vector.broadcast %broadcast_in_dim3A_558 : i32 to vector<512xi32>
    %swap3A_560 = arith.constant 0 : index
    %swap3A_561 = arith.constant 13 : index
    %swap3A_562 = vector.load %arg10[%swap3A_560, %swap3A_561] : memref<512x16xi32, #tpu.memory_space<vmem>>, vector<512x1xi32>
    %swap3A_563 = vector.shape_cast %swap3A_562 : vector<512x1xi32> to vector<512xi32>
    %swap3A_564 = vector.shape_cast %broadcast_in_dim3A_559 : vector<512xi32> to vector<512x1xi32>
    tpu.vector_store %arg10[%swap3A_560, %swap3A_561], %swap3A_564 {strides = array<i32>} : memref<512x16xi32, #tpu.memory_space<vmem>>, vector<512x1xi32>,
    %broadcast_in_dim3A_565 = arith.constant 0 : i32
    %broadcast_in_dim3A_566 = vector.broadcast %broadcast_in_dim3A_565 : i32 to vector<512xi32>
    %swap3A_567 = arith.constant 0 : index
    %swap3A_568 = arith.constant 14 : index
    %swap3A_569 = vector.load %arg10[%swap3A_567, %swap3A_568] : memref<512x16xi32, #tpu.memory_space<vmem>>, vector<512x1xi32>
    %swap3A_570 = vector.shape_cast %swap3A_569 : vector<512x1xi32> to vector<512xi32>
    %swap3A_571 = vector.shape_cast %broadcast_in_dim3A_566 : vector<512xi32> to vector<512x1xi32>
    tpu.vector_store %arg10[%swap3A_567, %swap3A_568], %swap3A_571 {strides = array<i32>} : memref<512x16xi32, #tpu.memory_space<vmem>>, vector<512x1xi32>,
    %broadcast_in_dim3A_572 = arith.constant 0 : i32
    %broadcast_in_dim3A_573 = vector.broadcast %broadcast_in_dim3A_572 : i32 to vector<512xi32>
    %swap3A_574 = arith.constant 0 : index
    %swap3A_575 = arith.constant 15 : index
    %swap3A_576 = vector.load %arg10[%swap3A_574, %swap3A_575] : memref<512x16xi32, #tpu.memory_space<vmem>>, vector<512x1xi32>
    %swap3A_577 = vector.shape_cast %swap3A_576 : vector<512x1xi32> to vector<512xi32>
    %swap3A_578 = vector.shape_cast %broadcast_in_dim3A_573 : vector<512xi32> to vector<512x1xi32>
    tpu.vector_store %arg10[%swap3A_574, %swap3A_575], %swap3A_578 {strides = array<i32>} : memref<512x16xi32, #tpu.memory_space<vmem>>, vector<512x1xi32>,
    return
  }
  func.func @transform_0(%arg0: i32) -> (i32, i32) {
    %c0_i32 = arith.constant 0 : i32
    %c0_i32_0 = arith.constant 0 : i32
    return %arg0, %c0_i32 : i32, i32
  }
  func.func @transform_1(%arg0: i32) -> (i32, i32) {
    %c0_i32 = arith.constant 0 : i32
    %c0_i32_0 = arith.constant 0 : i32
    %c0_i32_1 = arith.constant 0 : i32
    return %c0_i32, %c0_i32_0 : i32, i32
  }
  func.func @transform_2(%arg0: i32) -> (i32, i32) {
    %c0_i32 = arith.constant 0 : i32
    %c0_i32_0 = arith.constant 0 : i32
    %c0_i32_1 = arith.constant 0 : i32
    return %c0_i32, %c0_i32_0 : i32, i32
  }
  func.func @transform_3(%arg0: i32) -> (i32, i32, i32) {
    %c0_i32 = arith.constant 0 : i32
    %c0_i32_0 = arith.constant 0 : i32
    %c0_i32_1 = arith.constant 0 : i32
    %c0_i32_2 = arith.constant 0 : i32
    return %c0_i32, %c0_i32_0, %c0_i32_1 : i32, i32, i32
  }
  func.func @transform_4(%arg0: i32) -> (i32, i32) {
    %c0_i32 = arith.constant 0 : i32
    %c0_i32_0 = arith.constant 0 : i32
    %c0_i32_1 = arith.constant 0 : i32
    return %c0_i32, %c0_i32_0 : i32, i32
  }
  func.func @transform_5(%arg0: i32) -> (i32, i32, i32) {
    %c0_i32 = arith.constant 0 : i32
    %c0_i32_0 = arith.constant 0 : i32
    %c0_i32_1 = arith.constant 0 : i32
    %c0_i32_2 = arith.constant 0 : i32
    return %c0_i32, %c0_i32_0, %c0_i32_1 : i32, i32, i32
  }
  func.func @transform_6(%arg0: i32) -> (i32, i32) {
    %c0_i32 = arith.constant 0 : i32
    %c0_i32_0 = arith.constant 0 : i32
    %c0_i32_1 = arith.constant 0 : i32
    return %c0_i32, %c0_i32_0 : i32, i32
  }
  func.func @transform_7(%arg0: i32) -> (i32, i32, i32) {
    %c0_i32 = arith.constant 0 : i32
    %c0_i32_0 = arith.constant 0 : i32
    %c0_i32_1 = arith.constant 0 : i32
    %c0_i32_2 = arith.constant 0 : i32
    return %c0_i32, %c0_i32_0, %c0_i32_1 : i32, i32, i32
  }
  func.func @transform_8(%arg0: i32) -> (i32, i32, i32) {
    %c0_i32 = arith.constant 0 : i32
    %c0_i32_0 = arith.constant 0 : i32
    %c0_i32_1 = arith.constant 0 : i32
    %c0_i32_2 = arith.constant 0 : i32
    return %c0_i32, %c0_i32_0, %c0_i32_1 : i32, i32, i32
  }
  func.func @transform_9(%arg0: i32) -> (i32, i32) {
    %c0_i32 = arith.constant 0 : i32
    %c0_i32_0 = arith.constant 0 : i32
    return %arg0, %c0_i32 : i32, i32
  }
}

module attributes {stable_mosaic.version = 14 : i64} {
  func.func @_decoder_body(%arg0: i32, %arg1: memref<12x1024x128xf32, #tpu.memory_space<vmem>>, %arg2: memref<12x128x256xbf16, #tpu.memory_space<vmem>>, %arg3: memref<1x256xf32, #tpu.memory_space<vmem>>, %arg4: memref<256x128xf32, #tpu.memory_space<vmem>>, %arg5: memref<1x128xf32, #tpu.memory_space<vmem>>, %arg6: memref<1024x128xf32, #tpu.memory_space<vmem>>) attributes {dimension_semantics = [#tpu.dimension_semantics<arbitrary>], iteration_bounds = array<i64: 8>, scalar_prefetch = 0 : i64, scratch_operands = 0 : i64, tpu.core_type = #tpu.core_type<tc>, window_params = [{transform_indices = @transform_0, window_bounds = array<i64: 12, 1024, 128>}, {pipeline_mode = #tpu.pipeline_mode<synchronous>, transform_indices = @transform_1, window_bounds = array<i64: 12, 128, 256>}, {pipeline_mode = #tpu.pipeline_mode<synchronous>, transform_indices = @transform_2, window_bounds = array<i64: 1, 256>}, {pipeline_mode = #tpu.pipeline_mode<synchronous>, transform_indices = @transform_3, window_bounds = array<i64: 256, 128>}, {pipeline_mode = #tpu.pipeline_mode<synchronous>, transform_indices = @transform_4, window_bounds = array<i64: 1, 128>}, {transform_indices = @transform_5, window_bounds = array<i64: 1024, 128>}]} {
    %get3A = arith.constant 0 : index
    %get3A_0 = arith.constant 0 : index
    %get3A_1 = arith.constant 0 : index
    %get3A_2 = vector.load %arg1[%get3A, %get3A_0, %get3A_1] : memref<12x1024x128xf32, #tpu.memory_space<vmem>>, vector<1x1024x128xf32>
    %get3A_3 = vector.shape_cast %get3A_2 : vector<1x1024x128xf32> to vector<1024x128xf32>
    %get3A_4 = arith.constant 0 : index
    %get3A_5 = arith.constant 0 : index
    %get3A_6 = arith.constant 0 : index
    %get3A_7 = vector.load %arg2[%get3A_4, %get3A_5, %get3A_6] : memref<12x128x256xbf16, #tpu.memory_space<vmem>>, vector<1x128x256xbf16>
    %get3A_8 = vector.shape_cast %get3A_7 : vector<1x128x256xbf16> to vector<128x256xbf16>
    %dot_general3A = arith.constant dense<0.000000e+00> : vector<1024x256xf32>
    %dot_general3A_9 = tpu.matmul %get3A_3, %get3A_8, %dot_general3A {dimension_numbers = #tpu.dot_dimension_numbers<[1], [0], [0], [1], [0, 0, 1, 1], [], []>, transpose_lhs_hint = false} : vector<1024x128xf32>, vector<128x256xbf16>, vector<1024x256xf32> -> vector<1024x256xf32>
    %get3A_10 = arith.constant 1 : index
    %get3A_11 = arith.constant 0 : index
    %get3A_12 = arith.constant 0 : index
    %get3A_13 = vector.load %arg1[%get3A_10, %get3A_11, %get3A_12] : memref<12x1024x128xf32, #tpu.memory_space<vmem>>, vector<1x1024x128xf32>
    %get3A_14 = vector.shape_cast %get3A_13 : vector<1x1024x128xf32> to vector<1024x128xf32>
    %get3A_15 = arith.constant 1 : index
    %get3A_16 = arith.constant 0 : index
    %get3A_17 = arith.constant 0 : index
    %get3A_18 = vector.load %arg2[%get3A_15, %get3A_16, %get3A_17] : memref<12x128x256xbf16, #tpu.memory_space<vmem>>, vector<1x128x256xbf16>
    %get3A_19 = vector.shape_cast %get3A_18 : vector<1x128x256xbf16> to vector<128x256xbf16>
    %dot_general3A_20 = arith.constant dense<0.000000e+00> : vector<1024x256xf32>
    %dot_general3A_21 = tpu.matmul %get3A_14, %get3A_19, %dot_general3A_20 {dimension_numbers = #tpu.dot_dimension_numbers<[1], [0], [0], [1], [0, 0, 1, 1], [], []>, transpose_lhs_hint = false} : vector<1024x128xf32>, vector<128x256xbf16>, vector<1024x256xf32> -> vector<1024x256xf32>
    %add3A = arith.addf %dot_general3A_9, %dot_general3A_21 : vector<1024x256xf32>
    %get3A_22 = arith.constant 2 : index
    %get3A_23 = arith.constant 0 : index
    %get3A_24 = arith.constant 0 : index
    %get3A_25 = vector.load %arg1[%get3A_22, %get3A_23, %get3A_24] : memref<12x1024x128xf32, #tpu.memory_space<vmem>>, vector<1x1024x128xf32>
    %get3A_26 = vector.shape_cast %get3A_25 : vector<1x1024x128xf32> to vector<1024x128xf32>
    %get3A_27 = arith.constant 2 : index
    %get3A_28 = arith.constant 0 : index
    %get3A_29 = arith.constant 0 : index
    %get3A_30 = vector.load %arg2[%get3A_27, %get3A_28, %get3A_29] : memref<12x128x256xbf16, #tpu.memory_space<vmem>>, vector<1x128x256xbf16>
    %get3A_31 = vector.shape_cast %get3A_30 : vector<1x128x256xbf16> to vector<128x256xbf16>
    %dot_general3A_32 = arith.constant dense<0.000000e+00> : vector<1024x256xf32>
    %dot_general3A_33 = tpu.matmul %get3A_26, %get3A_31, %dot_general3A_32 {dimension_numbers = #tpu.dot_dimension_numbers<[1], [0], [0], [1], [0, 0, 1, 1], [], []>, transpose_lhs_hint = false} : vector<1024x128xf32>, vector<128x256xbf16>, vector<1024x256xf32> -> vector<1024x256xf32>
    %add3A_34 = arith.addf %add3A, %dot_general3A_33 : vector<1024x256xf32>
    %get3A_35 = arith.constant 3 : index
    %get3A_36 = arith.constant 0 : index
    %get3A_37 = arith.constant 0 : index
    %get3A_38 = vector.load %arg1[%get3A_35, %get3A_36, %get3A_37] : memref<12x1024x128xf32, #tpu.memory_space<vmem>>, vector<1x1024x128xf32>
    %get3A_39 = vector.shape_cast %get3A_38 : vector<1x1024x128xf32> to vector<1024x128xf32>
    %get3A_40 = arith.constant 3 : index
    %get3A_41 = arith.constant 0 : index
    %get3A_42 = arith.constant 0 : index
    %get3A_43 = vector.load %arg2[%get3A_40, %get3A_41, %get3A_42] : memref<12x128x256xbf16, #tpu.memory_space<vmem>>, vector<1x128x256xbf16>
    %get3A_44 = vector.shape_cast %get3A_43 : vector<1x128x256xbf16> to vector<128x256xbf16>
    %dot_general3A_45 = arith.constant dense<0.000000e+00> : vector<1024x256xf32>
    %dot_general3A_46 = tpu.matmul %get3A_39, %get3A_44, %dot_general3A_45 {dimension_numbers = #tpu.dot_dimension_numbers<[1], [0], [0], [1], [0, 0, 1, 1], [], []>, transpose_lhs_hint = false} : vector<1024x128xf32>, vector<128x256xbf16>, vector<1024x256xf32> -> vector<1024x256xf32>
    %add3A_47 = arith.addf %add3A_34, %dot_general3A_46 : vector<1024x256xf32>
    %get3A_48 = arith.constant 4 : index
    %get3A_49 = arith.constant 0 : index
    %get3A_50 = arith.constant 0 : index
    %get3A_51 = vector.load %arg1[%get3A_48, %get3A_49, %get3A_50] : memref<12x1024x128xf32, #tpu.memory_space<vmem>>, vector<1x1024x128xf32>
    %get3A_52 = vector.shape_cast %get3A_51 : vector<1x1024x128xf32> to vector<1024x128xf32>
    %get3A_53 = arith.constant 4 : index
    %get3A_54 = arith.constant 0 : index
    %get3A_55 = arith.constant 0 : index
    %get3A_56 = vector.load %arg2[%get3A_53, %get3A_54, %get3A_55] : memref<12x128x256xbf16, #tpu.memory_space<vmem>>, vector<1x128x256xbf16>
    %get3A_57 = vector.shape_cast %get3A_56 : vector<1x128x256xbf16> to vector<128x256xbf16>
    %dot_general3A_58 = arith.constant dense<0.000000e+00> : vector<1024x256xf32>
    %dot_general3A_59 = tpu.matmul %get3A_52, %get3A_57, %dot_general3A_58 {dimension_numbers = #tpu.dot_dimension_numbers<[1], [0], [0], [1], [0, 0, 1, 1], [], []>, transpose_lhs_hint = false} : vector<1024x128xf32>, vector<128x256xbf16>, vector<1024x256xf32> -> vector<1024x256xf32>
    %add3A_60 = arith.addf %add3A_47, %dot_general3A_59 : vector<1024x256xf32>
    %get3A_61 = arith.constant 5 : index
    %get3A_62 = arith.constant 0 : index
    %get3A_63 = arith.constant 0 : index
    %get3A_64 = vector.load %arg1[%get3A_61, %get3A_62, %get3A_63] : memref<12x1024x128xf32, #tpu.memory_space<vmem>>, vector<1x1024x128xf32>
    %get3A_65 = vector.shape_cast %get3A_64 : vector<1x1024x128xf32> to vector<1024x128xf32>
    %get3A_66 = arith.constant 5 : index
    %get3A_67 = arith.constant 0 : index
    %get3A_68 = arith.constant 0 : index
    %get3A_69 = vector.load %arg2[%get3A_66, %get3A_67, %get3A_68] : memref<12x128x256xbf16, #tpu.memory_space<vmem>>, vector<1x128x256xbf16>
    %get3A_70 = vector.shape_cast %get3A_69 : vector<1x128x256xbf16> to vector<128x256xbf16>
    %dot_general3A_71 = arith.constant dense<0.000000e+00> : vector<1024x256xf32>
    %dot_general3A_72 = tpu.matmul %get3A_65, %get3A_70, %dot_general3A_71 {dimension_numbers = #tpu.dot_dimension_numbers<[1], [0], [0], [1], [0, 0, 1, 1], [], []>, transpose_lhs_hint = false} : vector<1024x128xf32>, vector<128x256xbf16>, vector<1024x256xf32> -> vector<1024x256xf32>
    %add3A_73 = arith.addf %add3A_60, %dot_general3A_72 : vector<1024x256xf32>
    %get3A_74 = arith.constant 6 : index
    %get3A_75 = arith.constant 0 : index
    %get3A_76 = arith.constant 0 : index
    %get3A_77 = vector.load %arg1[%get3A_74, %get3A_75, %get3A_76] : memref<12x1024x128xf32, #tpu.memory_space<vmem>>, vector<1x1024x128xf32>
    %get3A_78 = vector.shape_cast %get3A_77 : vector<1x1024x128xf32> to vector<1024x128xf32>
    %get3A_79 = arith.constant 6 : index
    %get3A_80 = arith.constant 0 : index
    %get3A_81 = arith.constant 0 : index
    %get3A_82 = vector.load %arg2[%get3A_79, %get3A_80, %get3A_81] : memref<12x128x256xbf16, #tpu.memory_space<vmem>>, vector<1x128x256xbf16>
    %get3A_83 = vector.shape_cast %get3A_82 : vector<1x128x256xbf16> to vector<128x256xbf16>
    %dot_general3A_84 = arith.constant dense<0.000000e+00> : vector<1024x256xf32>
    %dot_general3A_85 = tpu.matmul %get3A_78, %get3A_83, %dot_general3A_84 {dimension_numbers = #tpu.dot_dimension_numbers<[1], [0], [0], [1], [0, 0, 1, 1], [], []>, transpose_lhs_hint = false} : vector<1024x128xf32>, vector<128x256xbf16>, vector<1024x256xf32> -> vector<1024x256xf32>
    %add3A_86 = arith.addf %add3A_73, %dot_general3A_85 : vector<1024x256xf32>
    %get3A_87 = arith.constant 7 : index
    %get3A_88 = arith.constant 0 : index
    %get3A_89 = arith.constant 0 : index
    %get3A_90 = vector.load %arg1[%get3A_87, %get3A_88, %get3A_89] : memref<12x1024x128xf32, #tpu.memory_space<vmem>>, vector<1x1024x128xf32>
    %get3A_91 = vector.shape_cast %get3A_90 : vector<1x1024x128xf32> to vector<1024x128xf32>
    %get3A_92 = arith.constant 7 : index
    %get3A_93 = arith.constant 0 : index
    %get3A_94 = arith.constant 0 : index
    %get3A_95 = vector.load %arg2[%get3A_92, %get3A_93, %get3A_94] : memref<12x128x256xbf16, #tpu.memory_space<vmem>>, vector<1x128x256xbf16>
    %get3A_96 = vector.shape_cast %get3A_95 : vector<1x128x256xbf16> to vector<128x256xbf16>
    %dot_general3A_97 = arith.constant dense<0.000000e+00> : vector<1024x256xf32>
    %dot_general3A_98 = tpu.matmul %get3A_91, %get3A_96, %dot_general3A_97 {dimension_numbers = #tpu.dot_dimension_numbers<[1], [0], [0], [1], [0, 0, 1, 1], [], []>, transpose_lhs_hint = false} : vector<1024x128xf32>, vector<128x256xbf16>, vector<1024x256xf32> -> vector<1024x256xf32>
    %add3A_99 = arith.addf %add3A_86, %dot_general3A_98 : vector<1024x256xf32>
    %get3A_100 = arith.constant 8 : index
    %get3A_101 = arith.constant 0 : index
    %get3A_102 = arith.constant 0 : index
    %get3A_103 = vector.load %arg1[%get3A_100, %get3A_101, %get3A_102] : memref<12x1024x128xf32, #tpu.memory_space<vmem>>, vector<1x1024x128xf32>
    %get3A_104 = vector.shape_cast %get3A_103 : vector<1x1024x128xf32> to vector<1024x128xf32>
    %get3A_105 = arith.constant 8 : index
    %get3A_106 = arith.constant 0 : index
    %get3A_107 = arith.constant 0 : index
    %get3A_108 = vector.load %arg2[%get3A_105, %get3A_106, %get3A_107] : memref<12x128x256xbf16, #tpu.memory_space<vmem>>, vector<1x128x256xbf16>
    %get3A_109 = vector.shape_cast %get3A_108 : vector<1x128x256xbf16> to vector<128x256xbf16>
    %dot_general3A_110 = arith.constant dense<0.000000e+00> : vector<1024x256xf32>
    %dot_general3A_111 = tpu.matmul %get3A_104, %get3A_109, %dot_general3A_110 {dimension_numbers = #tpu.dot_dimension_numbers<[1], [0], [0], [1], [0, 0, 1, 1], [], []>, transpose_lhs_hint = false} : vector<1024x128xf32>, vector<128x256xbf16>, vector<1024x256xf32> -> vector<1024x256xf32>
    %add3A_112 = arith.addf %add3A_99, %dot_general3A_111 : vector<1024x256xf32>
    %get3A_113 = arith.constant 9 : index
    %get3A_114 = arith.constant 0 : index
    %get3A_115 = arith.constant 0 : index
    %get3A_116 = vector.load %arg1[%get3A_113, %get3A_114, %get3A_115] : memref<12x1024x128xf32, #tpu.memory_space<vmem>>, vector<1x1024x128xf32>
    %get3A_117 = vector.shape_cast %get3A_116 : vector<1x1024x128xf32> to vector<1024x128xf32>
    %get3A_118 = arith.constant 9 : index
    %get3A_119 = arith.constant 0 : index
    %get3A_120 = arith.constant 0 : index
    %get3A_121 = vector.load %arg2[%get3A_118, %get3A_119, %get3A_120] : memref<12x128x256xbf16, #tpu.memory_space<vmem>>, vector<1x128x256xbf16>
    %get3A_122 = vector.shape_cast %get3A_121 : vector<1x128x256xbf16> to vector<128x256xbf16>
    %dot_general3A_123 = arith.constant dense<0.000000e+00> : vector<1024x256xf32>
    %dot_general3A_124 = tpu.matmul %get3A_117, %get3A_122, %dot_general3A_123 {dimension_numbers = #tpu.dot_dimension_numbers<[1], [0], [0], [1], [0, 0, 1, 1], [], []>, transpose_lhs_hint = false} : vector<1024x128xf32>, vector<128x256xbf16>, vector<1024x256xf32> -> vector<1024x256xf32>
    %add3A_125 = arith.addf %add3A_112, %dot_general3A_124 : vector<1024x256xf32>
    %get3A_126 = arith.constant 10 : index
    %get3A_127 = arith.constant 0 : index
    %get3A_128 = arith.constant 0 : index
    %get3A_129 = vector.load %arg1[%get3A_126, %get3A_127, %get3A_128] : memref<12x1024x128xf32, #tpu.memory_space<vmem>>, vector<1x1024x128xf32>
    %get3A_130 = vector.shape_cast %get3A_129 : vector<1x1024x128xf32> to vector<1024x128xf32>
    %get3A_131 = arith.constant 10 : index
    %get3A_132 = arith.constant 0 : index
    %get3A_133 = arith.constant 0 : index
    %get3A_134 = vector.load %arg2[%get3A_131, %get3A_132, %get3A_133] : memref<12x128x256xbf16, #tpu.memory_space<vmem>>, vector<1x128x256xbf16>
    %get3A_135 = vector.shape_cast %get3A_134 : vector<1x128x256xbf16> to vector<128x256xbf16>
    %dot_general3A_136 = arith.constant dense<0.000000e+00> : vector<1024x256xf32>
    %dot_general3A_137 = tpu.matmul %get3A_130, %get3A_135, %dot_general3A_136 {dimension_numbers = #tpu.dot_dimension_numbers<[1], [0], [0], [1], [0, 0, 1, 1], [], []>, transpose_lhs_hint = false} : vector<1024x128xf32>, vector<128x256xbf16>, vector<1024x256xf32> -> vector<1024x256xf32>
    %add3A_138 = arith.addf %add3A_125, %dot_general3A_137 : vector<1024x256xf32>
    %get3A_139 = arith.constant 11 : index
    %get3A_140 = arith.constant 0 : index
    %get3A_141 = arith.constant 0 : index
    %get3A_142 = vector.load %arg1[%get3A_139, %get3A_140, %get3A_141] : memref<12x1024x128xf32, #tpu.memory_space<vmem>>, vector<1x1024x128xf32>
    %get3A_143 = vector.shape_cast %get3A_142 : vector<1x1024x128xf32> to vector<1024x128xf32>
    %get3A_144 = arith.constant 11 : index
    %get3A_145 = arith.constant 0 : index
    %get3A_146 = arith.constant 0 : index
    %get3A_147 = vector.load %arg2[%get3A_144, %get3A_145, %get3A_146] : memref<12x128x256xbf16, #tpu.memory_space<vmem>>, vector<1x128x256xbf16>
    %get3A_148 = vector.shape_cast %get3A_147 : vector<1x128x256xbf16> to vector<128x256xbf16>
    %dot_general3A_149 = arith.constant dense<0.000000e+00> : vector<1024x256xf32>
    %dot_general3A_150 = tpu.matmul %get3A_143, %get3A_148, %dot_general3A_149 {dimension_numbers = #tpu.dot_dimension_numbers<[1], [0], [0], [1], [0, 0, 1, 1], [], []>, transpose_lhs_hint = false} : vector<1024x128xf32>, vector<128x256xbf16>, vector<1024x256xf32> -> vector<1024x256xf32>
    %add3A_151 = arith.addf %add3A_138, %dot_general3A_150 : vector<1024x256xf32>
    %get3A_152 = arith.constant 0 : index
    %get3A_153 = arith.constant 0 : index
    %get3A_154 = vector.load %arg3[%get3A_152, %get3A_153] : memref<1x256xf32, #tpu.memory_space<vmem>>, vector<1x256xf32>
    %add3A_155 = vector.broadcast %get3A_154 : vector<1x256xf32> to vector<1024x256xf32>
    %add3A_156 = arith.addf %add3A_151, %add3A_155 : vector<1024x256xf32>
    %max3A = arith.constant 0.000000e+00 : f32
    %max3A_157 = vector.broadcast %max3A : f32 to vector<1024x256xf32>
    %max3A_158 = arith.maximumf %add3A_156, %max3A_157 : vector<1024x256xf32>
    %get3A_159 = arith.constant 0 : index
    %get3A_160 = arith.constant 0 : index
    %get3A_161 = vector.load %arg4[%get3A_159, %get3A_160] : memref<256x128xf32, #tpu.memory_space<vmem>>, vector<256x128xf32>
    %dot_general3A_162 = arith.constant dense<0.000000e+00> : vector<1024x128xf32>
    %dot_general3A_163 = tpu.matmul %max3A_158, %get3A_161, %dot_general3A_162 {dimension_numbers = #tpu.dot_dimension_numbers<[1], [0], [0], [1], [0, 0, 1, 1], [], []>, transpose_lhs_hint = false} : vector<1024x256xf32>, vector<256x128xf32>, vector<1024x128xf32> -> vector<1024x128xf32>
    %get3A_164 = arith.constant 0 : index
    %get3A_165 = arith.constant 0 : index
    %get3A_166 = vector.load %arg5[%get3A_164, %get3A_165] : memref<1x128xf32, #tpu.memory_space<vmem>>, vector<1x128xf32>
    %add3A_167 = vector.broadcast %get3A_166 : vector<1x128xf32> to vector<1024x128xf32>
    %add3A_168 = arith.addf %dot_general3A_163, %add3A_167 : vector<1024x128xf32>
    %swap3A = arith.constant 0 : index
    %swap3A_169 = arith.constant 0 : index
    %swap3A_170 = vector.load %arg6[%swap3A, %swap3A_169] : memref<1024x128xf32, #tpu.memory_space<vmem>>, vector<1024x128xf32>
    tpu.vector_store %arg6[%swap3A, %swap3A_169], %add3A_168 {strides = array<i32>} : memref<1024x128xf32, #tpu.memory_space<vmem>>, vector<1024x128xf32>,
    return
  }
  func.func @transform_0(%arg0: i32) -> (i32, i32, i32) {
    %c0_i32 = arith.constant 0 : i32
    %c0_i32_0 = arith.constant 0 : i32
    %c0_i32_1 = arith.constant 0 : i32
    return %c0_i32, %arg0, %c0_i32_0 : i32, i32, i32
  }
  func.func @transform_1(%arg0: i32) -> (i32, i32, i32) {
    %c0_i32 = arith.constant 0 : i32
    %c0_i32_0 = arith.constant 0 : i32
    %c0_i32_1 = arith.constant 0 : i32
    %c0_i32_2 = arith.constant 0 : i32
    return %c0_i32, %c0_i32_0, %c0_i32_1 : i32, i32, i32
  }
  func.func @transform_2(%arg0: i32) -> (i32, i32) {
    %c0_i32 = arith.constant 0 : i32
    %c0_i32_0 = arith.constant 0 : i32
    %c0_i32_1 = arith.constant 0 : i32
    return %c0_i32, %c0_i32_0 : i32, i32
  }
  func.func @transform_3(%arg0: i32) -> (i32, i32) {
    %c0_i32 = arith.constant 0 : i32
    %c0_i32_0 = arith.constant 0 : i32
    %c0_i32_1 = arith.constant 0 : i32
    return %c0_i32, %c0_i32_0 : i32, i32
  }
  func.func @transform_4(%arg0: i32) -> (i32, i32) {
    %c0_i32 = arith.constant 0 : i32
    %c0_i32_0 = arith.constant 0 : i32
    %c0_i32_1 = arith.constant 0 : i32
    return %c0_i32, %c0_i32_0 : i32, i32
  }
  func.func @transform_5(%arg0: i32) -> (i32, i32) {
    %c0_i32 = arith.constant 0 : i32
    %c0_i32_0 = arith.constant 0 : i32
    return %arg0, %c0_i32 : i32, i32
  }
}

</mosaic_0001>

<sc_bundles>
// kernel: kernel.12.cloned.1.call-start
scs
__scs_entry_jumppad:
0x0: {  	(pc) =	sbr.rel $0x88, $3  }
0x1: {  	(tag) =	ssettag $0x0;
	lr =	simm.s32 $0x1  }
0x2: {  	[smem:$0x3F95] =	sst lr;
	_ =	strace $0xD0000000  }
0x3: {  	_ = 	snop  }
0x4: {  	_ = 	snop  }
0x5: {  	_ = 	snop  }
0x6: {  	_ = 	snop  }
0x7: {  	_ = 	snop  }
__scs_overlays_trampoline_lowered:
0x8: {  	[smem:$0x3FA4] =	sst s0  }
0x9: {  	[smem:$0x3FA5] =	sst s1  }
0xa: {  	[smem:$0x3FA6] =	sst s2  }
0xb: {  	[smem:$0x3FA7] =	sst s3  }
0xc: {  	[smem:$0x3FA8] =	sst s4  }
0xd: {  	[smem:$0x3FA9] =	sst s5  }
0xe: {  	[smem:$0x3FAA] =	sst s6  }
0xf: {  	[smem:$0x3FAB] =	sst s7  }
0x10: {  	[smem:$0x3FAC] =	sst s8  }
0x11: {  	[smem:$0x3FAD] =	sst s9;
	s0 =	simm.s32 @!p0 $0x0  }
0x12: {  	s1 =	sld [smem:$0x3F93];
	s0 =	simm.s32 @p0 $0x1  }
0x13: {  	[smem:$0x3FAE] =	sst s0;
	s0 =	simm.s32 @!p1 $0x0  }
0x14: {  	s2 =	sld [smem:$0x3F92];
	s0 =	simm.s32 @p1 $0x1  }
0x15: {  	[smem:$0x3FAF] =	sst s0;
	s0 =	simm.s32 @!p2 $0x0  }
0x16: {  	s3 =	sld [smem:$0x3FDB];
	s0 =	simm.s32 @p2 $0x1  }
0x17: {  	s4 =	simm.s32 $0x1BF5;
	[smem:$0x3FB1] =	sst s0  }
0x18: {  	s0 =	sld [smem:$0x3F94];
	_ =	swait.ge [sflag:s4], $0x0  }
0x19: {  	s7 =	sld [smem:$0x3F95]  }
0x1a: {  	s8 =	sadd.s32 $0xFFFFE003, lr  }
0x1b: {  	s9 =	sadd.s32 $0xFFFFFEF7, lr;
	s5 =	simm.s32 $0xFFFFFFFF;
	p2 =	slt.u32 s8, $0xFFFFF086  }
0x1c: {  	p1 =	slt.u32 s9, $0xF7A;
	s5 =	simm.s32 @!p2 $0x0  }
0x1d: {  	s5 =	simm.s32 @p1 $0x1;
	p0 =	seq.s32 s7, s2  }
0x1e: {  	s7 =	smul.u32 @!p0 $0xF7A, s2;
	p2 =	seq.s32 @!p0 s5, $0x0  }
0x1f: {  	s9 =	smul.u32 $0xF7A, s1;
	s8 =	simm.s32 @!p0 $0x1BF5;
	p2 =	por !p2, p0  }
0x20: {  	[sflag:s8] =	ssyncset.s32 @!p0 $0xFFFFF086;
	s6 =	sadd.s32 @!p0 s3, s7;
	s7 =	simm.s32 @!p0 $0x108  }
0x21: {  	s3 =	sadd.s32 s3, s9;
	s6 =	sadd.s32 @!p0 $0x88, s6;
	s7 =	simm.s32 @p2 $0x1082  }
0x22: {  	[simem:s7], [sflag:s8] =	dma.local @!p0 [hbm:s6], $0xF7A  }
0x23: {  	s9 =	sor.u32 $0xD0000000, s2;
	s6 =	simm.s32 $0x108;
	_ =	swait.ge @!p0 [sflag:s8], $0x0  }
0x24: {  	s3 =	sadd.s32 $0x88, s3;
	s6 =	simm.s32 @!p1 $0x1082;
	[sflag:s4] =	ssyncset.s32 $0xFFFFF086  }
0x25: {  	[simem:s6], [sflag:s4] =	dma.local [hbm:s3], $0xF7A  }
0x26: {  	[smem:$0x3F95] =	sst s1;
	(tag) =	ssettag s2;
	_ =	strace s9  }
0x27: {  	s1 =	sld [smem:$0x3FA5]  }
0x28: {  	s2 =	sld [smem:$0x3FA6]  }
0x29: {  	s4 =	sld [smem:$0x3FA8]  }
0x2a: {  	p0 =	seq.s32 s5, $0x0;
	s5 =	sld [smem:$0x3FA9]  }
0x2b: {  	s6 =	sld [smem:$0x3FAA]  }
0x2c: {  	s7 =	sld [smem:$0x3FAB]  }
0x2d: {  	s3 =	simm.s32 $0x108;
	s8 =	sld [smem:$0x3FAC]  }
0x2e: {  	s3 =	simm.s32 @!p0 $0x1082;
	s9 =	sld [smem:$0x3FAD]  }
0x2f: {  	lr =	sadd.s32 s0, s3;
	s0 =	sld [smem:$0x3FA4]  }
0x30: {  	s3 =	sld [smem:$0x3FA7]  }
0x31: {  	[smem:$0x3FB0] =	sst s10  }
0x32: {  	s10 =	sld [smem:$0x3FAE];
	_ =	sdelay $0x3  }
0x33: {  	p0 =	seq.s32 s10, $0x1;
	s10 =	sld [smem:$0x3FB0];
	_ =	sdelay $0x3  }
0x34: {  	[smem:$0x3FB0] =	sst s10  }
0x35: {  	s10 =	sld [smem:$0x3FAF];
	_ =	sdelay $0x3  }
0x36: {  	p1 =	seq.s32 s10, $0x1;
	s10 =	sld [smem:$0x3FB0];
	_ =	sdelay $0x3  }
0x37: {  	[smem:$0x3FB0] =	sst s10  }
0x38: {  	s10 =	sld [smem:$0x3FB1]  }
0x39: {  	_ = 	snop;
	(pc) =	sbr.ind lr, $3  }
0x3a: {  	_ = 	snop  }
0x3b: {  	_ = 	snop  }
0x3c: {  	p2 =	seq.s32 s10, $0x1;
	s10 =	sld [smem:$0x3FB0]  }
0x3d: {  	_ =	shalt  }
0x3e: {  	_ =	shalt  }
0x3f: {  	_ =	shalt  }
0x40: {  	_ =	shalt  }
0x41: {  	_ =	shalt  }
0x42: {  	_ =	shalt  }
0x43: {  	_ =	shalt  }
0x44: {  	_ =	shalt  }
0x45: {  	_ =	shalt  }
0x46: {  	_ =	shalt  }
0x47: {  	_ =	shalt  }
0x48: {  	_ =	shalt  }
0x49: {  	_ =	shalt  }
0x4a: {  	_ =	shalt  }
0x4b: {  	_ =	shalt  }
0x4c: {  	_ =	shalt  }
0x4d: {  	_ =	shalt  }
0x4e: {  	_ =	shalt  }
0x4f: {  	_ =	shalt  }
0x50: {  	_ =	shalt  }
0x51: {  	_ =	shalt  }
0x52: {  	_ =	shalt  }
0x53: {  	_ =	shalt  }
0x54: {  	_ =	shalt  }
0x55: {  	_ =	shalt  }
0x56: {  	_ =	shalt  }
0x57: {  	_ =	shalt  }
0x58: {  	_ =	shalt  }
0x59: {  	_ =	shalt  }
0x5a: {  	_ =	shalt  }
0x5b: {  	_ =	shalt  }
0x5c: {  	_ =	shalt  }
0x5d: {  	_ =	shalt  }
0x5e: {  	_ =	shalt  }
0x5f: {  	_ =	shalt  }
0x60: {  	_ =	shalt  }
0x61: {  	_ =	shalt  }
0x62: {  	_ =	shalt  }
0x63: {  	_ =	shalt  }
0x64: {  	_ =	shalt  }
0x65: {  	_ =	shalt  }
0x66: {  	_ =	shalt  }
0x67: {  	_ =	shalt  }
0x68: {  	_ =	shalt  }
0x69: {  	_ =	shalt  }
0x6a: {  	_ =	shalt  }
0x6b: {  	_ =	shalt  }
0x6c: {  	_ =	shalt  }
0x6d: {  	_ =	shalt  }
0x6e: {  	_ =	shalt  }
0x6f: {  	_ =	shalt  }
0x70: {  	_ =	shalt  }
0x71: {  	_ =	shalt  }
0x72: {  	_ =	shalt  }
0x73: {  	_ =	shalt  }
0x74: {  	_ =	shalt  }
0x75: {  	_ =	shalt  }
0x76: {  	_ =	shalt  }
0x77: {  	_ =	shalt  }
0x78: {  	_ =	shalt  }
0x79: {  	_ =	shalt  }
0x7a: {  	_ =	shalt  }
0x7b: {  	_ =	shalt  }
0x7c: {  	_ =	shalt  }
0x7d: {  	_ =	shalt  }
0x7e: {  	_ =	shalt  }
0x7f: {  	_ =	shalt  }
0x80: {  	_ =	shalt  }
0x81: {  	_ =	shalt  }
0x82: {  	_ =	shalt  }
0x83: {  	_ =	shalt  }
0x84: {  	_ =	shalt  }
0x85: {  	_ =	shalt  }
0x86: {  	_ =	shalt  }
0x87: {  	_ =	shalt  }
.Lfunc_end0:
.L_simem_size_0:
called_computation.1_lowered:
.L_overlay_start_0:
0x88: {  	s2 =	sld [smem:$0x3FD9]  }
0x89: {  	s3 =	sld [smem:$0x3FFE];
	_ =	sdelay $0x1  }
0x8a: {  	s1 =	srdreg.scid  }
0x8b: {  	s0 =	sand.u32 $0x1, s1  }
0x8c: {  	s17 =	sshll.u32 s0, $0xA;
	s2 =	sadd.s32 s3, s2  }
0x8d: {  	s2 =	sadd.s32 s2, s17  }
0x8e: {  	[smem:$0x3FBC] =	sst s2  }
0x8f: {  	_ = 	snop  }
0x90: {  	s2 =	sld [smem:$0x3FC2];
	(tm) =	ssettm $0x1  }
0x91: {  	s18 =	sld [smem:$0x3FFB];
	_ =	sdelay $0x3  }
0x92: {  	_ =	strace s18  }
0x93: {  	s3 =	sld [smem:$0x3FFC];
	_ =	sdelay $0x3  }
0x94: {  	_ =	strace s3  }
0x95: {  	s3 =	sld [smem:$0x3FFD];
	_ =	sdelay $0x3  }
0x96: {  	_ =	strace s3  }
0x97: {  	_ =	strace $0x8FFFFFFF  }
0x98: {  	s19 =	sld [smem:$0x3FDB];
	_ =	sdelay $0x1  }
0x99: {  	s4 =	simm.s32 $_scs_section_size  }
0x9a: {  	s5 =	simm.s32 $_size__tile_overlayer_lowered;
	s6 =	simm.s32 $_tile_overlayer_lowered  }
0x9b: {  	s22 =	simm.s32 $0x1BFF;
	s21 =	sshll.u32 s6, $0x1;
	s3 =	sadd.s32 s4, s19  }
0x9c: {  	s7 =	simm.s32 $0x0;
	s20 =	sshll.u32 s5, $0x1;
	s5 =	sadd.s32 s21, s3  }
0x9d: {  	[timem:s7], [sflag:s22] =	dma.local [hbm:s5], s20  }
0x9e: {  	_ =	swait.ge [sflag:s22], s20  }
0x9f: {  	s4 =	ssub.s32 $0x0, s20;
	[sflag:s22] =	ssyncset.done $0x0  }
0xa0: {  	[sflag:s22] =	ssyncadd.s32 s4;
	_ =	sdelay $0x1  }
0xa1: {  	s23 =	simm.s32 $0x1B8B  }
0xa2: {  	_ =	swait.ge [sflag:s23], $0x1  }
0xa3: {  	[sflag:s23] =	ssyncset.done $0x0  }
0xa4: {  	s25 =	simm.s32 $0x1B8E;
	s24 =	sld [smem:$0x3FFE];
	[sflag:s23] =	ssyncadd.s32 $0xFFFFFFFF  }
0xa5: {  	s26 =	simm.s32 $execute0_lowered;
	[smem:$0x3FD2] =	sst s25  }
0xa6: {  	s5 =	sshll.u32 s26, $0x1;
	_ =	strace $0x80000046;
	[dreg:$0x1] =	wrdreg $0xFFFFFFFF  }
0xa7: {  	s28 =	simm.s32 $_size_execute0_lowered;
	s3 =	sadd.s32 s3, s5;
	[dreg:$0x0] =	wrdreg $0x0  }
0xa8: {  	s5 =	sshll.u32 s28, $0x1;
	[dreg:$0x2] =	wrdreg s3  }
0xa9: {  	[dreg:$0x3] =	wrdreg s5  }
0xaa: {  	[dreg:$0x4] =	wrdreg $0xC0  }
0xab: {  	_ =	task [dreg:s7], $0x5FFFF  }
0xac: {  	[dreg:$0x1] =	wrdreg $0xFFFFFFFF  }
0xad: {  	[dreg:$0x0] =	wrdreg $0x60  }
0xae: {  	[dreg:$0x2] =	wrdreg s2  }
0xaf: {  	[dreg:$0x3] =	wrdreg s24  }
0xb0: {  	[dreg:$0x4] =	wrdreg $0xA  }
0xb1: {  	_ =	task.clear_ibuf [dreg:s7], $0x5FFFF;
	_ =	strace $0x90000046  }
0xb2: {  	s29 =	simm.s32 $0xA;
	_ =	strace $0x80000048  }
0xb3: {  	_ =	swait.ge [sflag:s29], $0x1  }
0xb4: {  	[sflag:s29] =	ssyncadd.s32 $0xFFFFFFFF  }
0xb5: {  	_ =	strace $0x90000048  }
0xb6: {  	_ =	sfence  }
0xb7: {  	s30 =	sld [smem:$0x0];
	_ =	sdelay $0x2  }
0xb8: {  	s31 =	sshll.u32 s1, $0xD;
	s1 =	sshrl.u32 s1, $0x2  }
0xb9: {  	s3 =	sand.u32 $0x4000, s31;
	s1 =	sadd.s32 s1, s30  }
0xba: {  	s0 =	sor.u32 s3, s0;
	s1 =	sshll.u32 s1, $0x11  }
0xbb: {  	s0 =	sor.u32 s1, s0  }
0xbc: {  	s0 =	sadd.s32 $0x8F2B, s0  }
0xbd: {  	[sflag:s0] =	ssyncadd.remote.s32 $0x1  }
0xbe: {  	_ =	sfence.sel $0xFFFF  }
0xbf: {  	[dreg:$0x0] =	wrdreg $0xFFFFFFFF;
	(pc) =	sbr.abs _section_cstart, $3  }
0xc0: {  	[dreg:$0x1] =	wrdreg $0xFFFFFFFF  }
0xc1: {  	_ =	task.clear_ibuf [dreg:s7], $0x2FFFF;
	_ =	strace $0x9FFFFFFF  }
0xc2: {  	(tm) =	ssettm $0x7FFFFFFF  }
0xc3: {  	_ =	shalt  }
tec
execute0_lowered:
.L_overlay_start_1:
0x0: {  	(tag) =	ssettag $0x1  }
0x1: {  	s0 =	srdreg.scid;
	s23 =	stileid.u32  }
0x2: {  	s0 =	sand.u32 $0x1, s0;
	s1 =	sshll.u32 s23, $0x1  }
0x3: {  	s1 =	sor.u32 s0, s1  }
0x4: {  	s3 =	rddreg [dreg:$0x0];
	s5 =	smul.u32 $0x180, s1  }
0x5: {  	s4 =	rddreg [dreg:$0x1];
	s6 =	smul.u32 $0xC000, s1  }
0x6: {  	s2 =	simm.s32 $0x0;
	s5 =	sadd.s32 s5, s4;
	s4 =	sadd.s32 $0x2D800, s4  }
0x7: {  	[smem:$0x7FF] =	sst s2;
	s5 =	sadd.s32 $0x2A800, s5;
	s30 =	sadd.s32 s4, s6  }
0x8: {  	_ =	strace $0x80000047;
	[dreg:$0x3] =	wrdreg s5;
	s16 =	sadd.s32 $0x800, s30  }
0x9: {  	s17 =	sadd.s32 $0x1000, s30;
	[dreg:$0x4] =	wrdreg s16  }
0xa: {  	s18 =	sadd.s32 $0x1800, s30;
	[dreg:$0x5] =	wrdreg s17  }
0xb: {  	s1 =	smul.u32 $0x60000, s1;
	s19 =	sadd.s32 $0x2000, s30;
	[dreg:$0x6] =	wrdreg s18  }
0xc: {  	s20 =	sadd.s32 $0x2800, s30;
	[dreg:$0x7] =	wrdreg s19  }
0xd: {  	s1 =	sshrl.u32 s1, $0x3;
	s21 =	sadd.s32 $0x3000, s30;
	[dreg:$0x8] =	wrdreg s20  }
0xe: {  	s1 =	sadd.s32 s4, s1;
	s22 =	sadd.s32 $0x3800, s30;
	[dreg:$0x9] =	wrdreg s21  }
0xf: {  	s4 =	sadd.s32 $0x4000, s1;
	[dreg:$0xa] =	wrdreg s22  }
0x10: {  	s24 =	sadd.s32 $0x4800, s1;
	[dreg:$0xb] =	wrdreg s4  }
0x11: {  	s25 =	sadd.s32 $0x5000, s1;
	[dreg:$0xc] =	wrdreg s24  }
0x12: {  	s26 =	sadd.s32 $0x5800, s1;
	[dreg:$0xd] =	wrdreg s25  }
0x13: {  	s5 =	sadd.s32 $0x6000, s1;
	[dreg:$0xe] =	wrdreg s26  }
0x14: {  	s6 =	sadd.s32 $0x6800, s1;
	[dreg:$0xf] =	wrdreg s5  }
0x15: {  	s7 =	sadd.s32 $0x7000, s1;
	[dreg:$0x10] =	wrdreg s6  }
0x16: {  	s8 =	sadd.s32 $0x7800, s1;
	[dreg:$0x11] =	wrdreg s7  }
0x17: {  	s9 =	sadd.s32 $0x8000, s1;
	[dreg:$0x12] =	wrdreg s8  }
0x18: {  	s10 =	sadd.s32 $0x8800, s1;
	[dreg:$0x13] =	wrdreg s9  }
0x19: {  	s11 =	sadd.s32 $0x9000, s1;
	[dreg:$0x14] =	wrdreg s10  }
0x1a: {  	s12 =	sadd.s32 $0x9800, s1;
	[dreg:$0x15] =	wrdreg s11  }
0x1b: {  	s31 =	simm.s32 $0xD;
	s13 =	sadd.s32 $0xA000, s1;
	[dreg:$0x16] =	wrdreg s12  }
0x1c: {  	p0 =	por $0x0, $0x0;
	s14 =	sadd.s32 $0xA800, s1;
	[dreg:$0x17] =	wrdreg s13  }
0x1d: {  	s29 =	simm.s32 $0x980;
	s15 =	sadd.s32 $0xB000, s1;
	[dreg:$0x18] =	wrdreg s14  }
0x1e: {  	s0 =	ssub.s32 $0x2, s0;
	s1 =	sadd.s32 $0xB800, s1;
	[dreg:$0x19] =	wrdreg s15  }
0x1f: {  	s28 =	simm.s32 $0xA00;
	s16 =	sshrl.u32 s0, $0x1;
	[dreg:$0x1a] =	wrdreg s1  }
0x20: {  	s7 =	simm.s32 $0x80;
	s11 =	simm.s32 $0x4C00;
	s17 =	simm.s32 $0x100  }
0x21: {  	s8 =	simm.s32 $0x8C00;
	s18 =	simm.s32 $0x180;
	s4 =	simm.s32 $0xCC00  }
0x22: {  	s19 =	simm.s32 $0x200;
	s22 =	simm.s32 $0x1;
	[dreg:$0x1b] =	wrdreg s17  }
0x23: {  	s20 =	simm.s32 $0x280;
	s5 =	simm.s32 $0x10C00;
	[dreg:$0x1c] =	wrdreg s18  }
0x24: {  	s21 =	simm.s32 $0x300;
	s24 =	simm.s32 $0x380;
	[dreg:$0x1d] =	wrdreg s19  }
0x25: {  	s6 =	simm.s32 $0x14C00;
	s25 =	simm.s32 $0x400;
	[dreg:$0x1e] =	wrdreg s20  }
0x26: {  	s26 =	simm.s32 $0x480;
	s9 =	simm.s32 $0x7;
	[dreg:$0x1f] =	wrdreg s21  }
0x27: {  	s10 =	simm.s32 $0x500;
	s12 =	simm.s32 $0x580;
	[smem:$0x7F3] =	sst s24  }
0x28: {  	s13 =	simm.s32 $0x600;
	s14 =	simm.s32 $0x680;
	[smem:$0x7F4] =	sst s25  }
0x29: {  	s15 =	simm.s32 $0x700;
	s0 =	ssub.s32 s0, s16;
	[smem:$0x7F5] =	sst s26  }
0x2a: {  	s16 =	simm.s32 $0xC00;
	s20 =	simm.s32 $0x2;
	[smem:$0x7F6] =	sst s10  }
0x2b: {  	s17 =	simm.s32 $0x3;
	s18 =	simm.s32 $0x4;
	[smem:$0x7F7] =	sst s12  }
0x2c: {  	s10 =	simm.s32 $0x8;
	s19 =	simm.s32 $0x5;
	[smem:$0x7F8] =	sst s13  }
0x2d: {  	s12 =	simm.s32 $0x9;
	[smem:$0x7F9] =	sst s14;
	s0 =	smax.u32 s0, $0x1  }
0x2e: {  	s21 =	simm.s32 $0x6;
	[smem:$0x7FA] =	sst s15;
	p1 =	sne.s32 s0, $0x1  }
.Ltmp0:
0x2f: {  	s24 =	simm.s32 $0x780;
	s13 =	simm.s32 $0xA;
	(pc) =	sbr.rel @!p1 .LBB2_1-.Ltmp0, $4  }
0x30: {  	s25 =	simm.s32 $0x800;
	s14 =	simm.s32 $0xB;
	[smem:$0x7FB] =	sst s24  }
0x31: {  	s26 =	simm.s32 $0x880;
	s15 =	simm.s32 $0xC;
	[smem:$0x7FC] =	sst s25  }
0x32: {  	[smem:$0x7FD] =	sst s26;
	s26 =	simm.s32 $0xA80;
	s25 =	simm.s32 $0xB00  }
0x33: {  	s24 =	simm.s32 $0xB80;
	s1 =	sadd.s32 $0xFFFFFFFF, s0;
	s0 =	rddreg [dreg:$0x3]  }
0x34: {  	[tilespmem:s2], [sflag:$0xD] =	stream.linear.gather [hbm4b:s0+s2], $0xC00, $0x38;
	[tilespmem:$0x18C00] =	vst v63  }
0x35: {  	_ =	swait.ge [sflag:s31], $0xC00  }
0x36: {  	[sflag:s31] =	ssyncset.done $0x0  }
0x37: {  	[sflag:s31] =	ssyncadd.s32 $0xFFFFF400  }
0x38: {  	[tilespmem:s16], [sflag:$0x1] =	stream.indirect.gather [hbm4b:s3+s7], $0x80, s2, s7, $0xb8;
	[tilespmem:$0x18C00] =	vst v63  }
0x39: {  	_ = 	snop  }
0x3a: {  	[tilespmem:s11], [sflag:$0x2] =	stream.indirect.gather [hbm4b:s3+s7], $0x80, s7, s7, $0xb8;
	[tilespmem:$0x18C00] =	vst v63  }
0x3b: {  	s0 =	rddreg [dreg:$0x1b]  }
0x3c: {  	[tilespmem:s8], [sflag:$0x3] =	stream.indirect.gather [hbm4b:s3+s7], $0x80, s0, s7, $0xb8;
	[tilespmem:$0x18C00] =	vst v63  }
0x3d: {  	s23 =	smov.u32 s1;
	s1 =	rddreg [dreg:$0x1c]  }
0x3e: {  	[tilespmem:s4], [sflag:$0x4] =	stream.indirect.gather [hbm4b:s3+s7], $0x80, s1, s7, $0xb8;
	[tilespmem:$0x18C00] =	vst v63  }
0x3f: {  	_ =	swait.ge [sflag:s22], $0x4000  }
0x40: {  	[sflag:s22] =	ssyncset.done $0x0  }
0x41: {  	[sflag:s22] =	ssyncadd.s32 $0xFFFFC000  }
0x42: {  	[hbm4b:s30+s2] =	stream.linear.scatter [tilespmem:s16], [sflag:$0x7], $0x4000, $0x38;
	[tilespmem:$0x18C00] =	vst v63  }
0x43: {  	s1 =	rddreg [dreg:$0x1d]  }
0x44: {  	[tilespmem:s5], [sflag:$0x5] =	stream.indirect.gather [hbm4b:s3+s7], $0x80, s1, s7, $0xb8;
	[tilespmem:$0x18C00] =	vst v63  }
0x45: {  	_ =	swait.ge [sflag:s20], $0x4000  }
0x46: {  	[sflag:s20] =	ssyncset.done $0x0  }
0x47: {  	s0 =	rddreg [dreg:$0x4];
	[sflag:s20] =	ssyncadd.s32 $0xFFFFC000  }
0x48: {  	[hbm4b:s0+s2] =	stream.linear.scatter [tilespmem:s11], [sflag:$0x8], $0x4000, $0x38;
	[tilespmem:$0x18C00] =	vst v63  }
0x49: {  	s1 =	rddreg [dreg:$0x1e]  }
0x4a: {  	[tilespmem:s6], [sflag:$0x6] =	stream.indirect.gather [hbm4b:s3+s7], $0x80, s1, s7, $0xb8;
	[tilespmem:$0x18C00] =	vst v63  }
0x4b: {  	_ =	swait.ge [sflag:s17], $0x4000  }
0x4c: {  	[sflag:s17] =	ssyncset.done $0x0  }
0x4d: {  	s1 =	rddreg [dreg:$0x5];
	[sflag:s17] =	ssyncadd.s32 $0xFFFFC000  }
0x4e: {  	[hbm4b:s1+s2] =	stream.linear.scatter [tilespmem:s8], [sflag:$0x9], $0x4000, $0x38;
	[tilespmem:$0x18C00] =	vst v63  }
0x4f: {  	_ =	swait.ge [sflag:s9], $0x4000  }
0x50: {  	[sflag:s9] =	ssyncset.done $0x0  }
0x51: {  	s1 =	rddreg [dreg:$0x1f];
	[sflag:s9] =	ssyncadd.s32 $0xFFFFC000  }
0x52: {  	[tilespmem:s16], [sflag:$0x1] =	stream.indirect.gather [hbm4b:s3+s7], $0x80, s1, s7, $0xb8;
	[tilespmem:$0x18C00] =	vst v63  }
0x53: {  	_ =	swait.ge [sflag:s18], $0x4000  }
0x54: {  	[sflag:s18] =	ssyncset.done $0x0  }
0x55: {  	s1 =	rddreg [dreg:$0x6];
	[sflag:s18] =	ssyncadd.s32 $0xFFFFC000  }
0x56: {  	[hbm4b:s1+s2] =	stream.linear.scatter [tilespmem:s4], [sflag:$0xA], $0x4000, $0x38;
	[tilespmem:$0x18C00] =	vst v63  }
0x57: {  	_ =	swait.ge [sflag:s10], $0x4000  }
0x58: {  	s1 =	sld [smem:$0x7F3]  }
0x59: {  	[sflag:s10] =	ssyncset.done $0x0  }
0x5a: {  	[sflag:s10] =	ssyncadd.s32 $0xFFFFC000  }
0x5b: {  	[tilespmem:s11], [sflag:$0x2] =	stream.indirect.gather [hbm4b:s3+s7], $0x80, s1, s7, $0xb8;
	[tilespmem:$0x18C00] =	vst v63  }
0x5c: {  	_ =	swait.ge [sflag:s19], $0x4000  }
0x5d: {  	[sflag:s19] =	ssyncset.done $0x0  }
0x5e: {  	s1 =	rddreg [dreg:$0x7];
	[sflag:s19] =	ssyncadd.s32 $0xFFFFC000  }
0x5f: {  	[hbm4b:s1+s2] =	stream.linear.scatter [tilespmem:s5], [sflag:$0xB], $0x4000, $0x38;
	[tilespmem:$0x18C00] =	vst v63  }
0x60: {  	_ =	swait.ge [sflag:s12], $0x4000  }
0x61: {  	s1 =	sld [smem:$0x7F4]  }
0x62: {  	[sflag:s12] =	ssyncset.done $0x0  }
0x63: {  	[sflag:s12] =	ssyncadd.s32 $0xFFFFC000  }
0x64: {  	[tilespmem:s8], [sflag:$0x3] =	stream.indirect.gather [hbm4b:s3+s7], $0x80, s1, s7, $0xb8;
	[tilespmem:$0x18C00] =	vst v63  }
0x65: {  	_ =	swait.ge [sflag:s21], $0x4000  }
0x66: {  	[sflag:s21] =	ssyncset.done $0x0  }
0x67: {  	s1 =	rddreg [dreg:$0x8];
	[sflag:s21] =	ssyncadd.s32 $0xFFFFC000  }
0x68: {  	[hbm4b:s1+s2] =	stream.linear.scatter [tilespmem:s6], [sflag:$0xC], $0x4000, $0x38;
	[tilespmem:$0x18C00] =	vst v63  }
0x69: {  	_ =	swait.ge [sflag:s13], $0x4000  }
0x6a: {  	s1 =	sld [smem:$0x7F5]  }
0x6b: {  	[sflag:s13] =	ssyncset.done $0x0  }
0x6c: {  	[sflag:s13] =	ssyncadd.s32 $0xFFFFC000  }
0x6d: {  	[tilespmem:s4], [sflag:$0x4] =	stream.indirect.gather [hbm4b:s3+s7], $0x80, s1, s7, $0xb8;
	[tilespmem:$0x18C00] =	vst v63  }
0x6e: {  	_ =	swait.ge [sflag:s22], $0x4000  }
0x6f: {  	[sflag:s22] =	ssyncset.done $0x0  }
0x70: {  	s1 =	rddreg [dreg:$0x9];
	[sflag:s22] =	ssyncadd.s32 $0xFFFFC000  }
0x71: {  	[hbm4b:s1+s2] =	stream.linear.scatter [tilespmem:s16], [sflag:$0x7], $0x4000, $0x38;
	[tilespmem:$0x18C00] =	vst v63  }
0x72: {  	_ =	swait.ge [sflag:s14], $0x4000  }
0x73: {  	s1 =	sld [smem:$0x7F6]  }
0x74: {  	[sflag:s14] =	ssyncset.done $0x0  }
0x75: {  	[sflag:s14] =	ssyncadd.s32 $0xFFFFC000  }
0x76: {  	[tilespmem:s5], [sflag:$0x5] =	stream.indirect.gather [hbm4b:s3+s7], $0x80, s1, s7, $0xb8;
	[tilespmem:$0x18C00] =	vst v63  }
0x77: {  	_ =	swait.ge [sflag:s20], $0x4000  }
0x78: {  	[sflag:s20] =	ssyncset.done $0x0  }
0x79: {  	s1 =	rddreg [dreg:$0xa];
	[sflag:s20] =	ssyncadd.s32 $0xFFFFC000  }
0x7a: {  	[hbm4b:s1+s2] =	stream.linear.scatter [tilespmem:s11], [sflag:$0x8], $0x4000, $0x38;
	[tilespmem:$0x18C00] =	vst v63  }
0x7b: {  	_ =	swait.ge [sflag:s15], $0x4000  }
0x7c: {  	s1 =	sld [smem:$0x7F7]  }
0x7d: {  	[sflag:s15] =	ssyncset.done $0x0  }
0x7e: {  	[sflag:s15] =	ssyncadd.s32 $0xFFFFC000  }
0x7f: {  	[tilespmem:s6], [sflag:$0x6] =	stream.indirect.gather [hbm4b:s3+s7], $0x80, s1, s7, $0xb8;
	[tilespmem:$0x18C00] =	vst v63  }
0x80: {  	_ =	swait.ge [sflag:s17], $0x4000  }
0x81: {  	[sflag:s17] =	ssyncset.done $0x0  }
0x82: {  	s1 =	rddreg [dreg:$0xb];
	[sflag:s17] =	ssyncadd.s32 $0xFFFFC000  }
0x83: {  	[hbm4b:s1+s2] =	stream.linear.scatter [tilespmem:s8], [sflag:$0x9], $0x4000, $0x38;
	[tilespmem:$0x18C00] =	vst v63  }
0x84: {  	_ =	swait.ge [sflag:s9], $0x4000  }
0x85: {  	s1 =	sld [smem:$0x7F8]  }
0x86: {  	[sflag:s9] =	ssyncset.done $0x0  }
0x87: {  	[sflag:s9] =	ssyncadd.s32 $0xFFFFC000  }
0x88: {  	[tilespmem:s16], [sflag:$0x1] =	stream.indirect.gather [hbm4b:s3+s7], $0x80, s1, s7, $0xb8;
	[tilespmem:$0x18C00] =	vst v63  }
0x89: {  	_ =	swait.ge [sflag:s18], $0x4000  }
0x8a: {  	[sflag:s18] =	ssyncset.done $0x0  }
0x8b: {  	s1 =	rddreg [dreg:$0xc];
	[sflag:s18] =	ssyncadd.s32 $0xFFFFC000  }
0x8c: {  	[hbm4b:s1+s2] =	stream.linear.scatter [tilespmem:s4], [sflag:$0xA], $0x4000, $0x38;
	[tilespmem:$0x18C00] =	vst v63  }
0x8d: {  	_ =	swait.ge [sflag:s10], $0x4000  }
0x8e: {  	s1 =	sld [smem:$0x7F9]  }
0x8f: {  	[sflag:s10] =	ssyncset.done $0x0  }
0x90: {  	[sflag:s10] =	ssyncadd.s32 $0xFFFFC000  }
0x91: {  	[tilespmem:s11], [sflag:$0x2] =	stream.indirect.gather [hbm4b:s3+s7], $0x80, s1, s7, $0xb8;
	[tilespmem:$0x18C00] =	vst v63  }
0x92: {  	_ =	swait.ge [sflag:s19], $0x4000  }
0x93: {  	[sflag:s19] =	ssyncset.done $0x0  }
0x94: {  	s1 =	rddreg [dreg:$0xd];
	[sflag:s19] =	ssyncadd.s32 $0xFFFFC000  }
0x95: {  	[hbm4b:s1+s2] =	stream.linear.scatter [tilespmem:s5], [sflag:$0xB], $0x4000, $0x38;
	[tilespmem:$0x18C00] =	vst v63  }
0x96: {  	_ =	swait.ge [sflag:s12], $0x4000  }
0x97: {  	s1 =	sld [smem:$0x7FA]  }
0x98: {  	[sflag:s12] =	ssyncset.done $0x0  }
0x99: {  	[sflag:s12] =	ssyncadd.s32 $0xFFFFC000  }
0x9a: {  	[tilespmem:s8], [sflag:$0x3] =	stream.indirect.gather [hbm4b:s3+s7], $0x80, s1, s7, $0xb8;
	[tilespmem:$0x18C00] =	vst v63  }
0x9b: {  	_ =	swait.ge [sflag:s21], $0x4000  }
0x9c: {  	[sflag:s21] =	ssyncset.done $0x0  }
0x9d: {  	s1 =	rddreg [dreg:$0xe];
	[sflag:s21] =	ssyncadd.s32 $0xFFFFC000  }
0x9e: {  	[hbm4b:s1+s2] =	stream.linear.scatter [tilespmem:s6], [sflag:$0xC], $0x4000, $0x38;
	[tilespmem:$0x18C00] =	vst v63  }
0x9f: {  	_ =	swait.ge [sflag:s13], $0x4000  }
0xa0: {  	s1 =	sld [smem:$0x7FB]  }
0xa1: {  	[sflag:s13] =	ssyncset.done $0x0  }
0xa2: {  	[sflag:s13] =	ssyncadd.s32 $0xFFFFC000  }
0xa3: {  	[tilespmem:s4], [sflag:$0x4] =	stream.indirect.gather [hbm4b:s3+s7], $0x80, s1, s7, $0xb8;
	[tilespmem:$0x18C00] =	vst v63  }
0xa4: {  	_ =	swait.ge [sflag:s22], $0x4000  }
0xa5: {  	[sflag:s22] =	ssyncset.done $0x0  }
0xa6: {  	s1 =	rddreg [dreg:$0xf];
	[sflag:s22] =	ssyncadd.s32 $0xFFFFC000  }
0xa7: {  	[hbm4b:s1+s2] =	stream.linear.scatter [tilespmem:s16], [sflag:$0x7], $0x4000, $0x38;
	[tilespmem:$0x18C00] =	vst v63  }
0xa8: {  	_ =	swait.ge [sflag:s14], $0x4000  }
0xa9: {  	s1 =	sld [smem:$0x7FC]  }
0xaa: {  	[sflag:s14] =	ssyncset.done $0x0  }
0xab: {  	[sflag:s14] =	ssyncadd.s32 $0xFFFFC000  }
0xac: {  	[tilespmem:s5], [sflag:$0x5] =	stream.indirect.gather [hbm4b:s3+s7], $0x80, s1, s7, $0xb8;
	[tilespmem:$0x18C00] =	vst v63  }
0xad: {  	_ =	swait.ge [sflag:s20], $0x4000  }
0xae: {  	[sflag:s20] =	ssyncset.done $0x0  }
0xaf: {  	s1 =	rddreg [dreg:$0x10];
	[sflag:s20] =	ssyncadd.s32 $0xFFFFC000  }
0xb0: {  	[hbm4b:s1+s2] =	stream.linear.scatter [tilespmem:s11], [sflag:$0x8], $0x4000, $0x38;
	[tilespmem:$0x18C00] =	vst v63  }
0xb1: {  	_ =	swait.ge [sflag:s15], $0x4000  }
0xb2: {  	s1 =	sld [smem:$0x7FD]  }
0xb3: {  	[sflag:s15] =	ssyncset.done $0x0  }
0xb4: {  	[sflag:s15] =	ssyncadd.s32 $0xFFFFC000  }
0xb5: {  	[tilespmem:s6], [sflag:$0x6] =	stream.indirect.gather [hbm4b:s3+s7], $0x80, s1, s7, $0xb8;
	[tilespmem:$0x18C00] =	vst v63  }
0xb6: {  	_ =	swait.ge [sflag:s17], $0x4000  }
0xb7: {  	[sflag:s17] =	ssyncset.done $0x0  }
0xb8: {  	s1 =	rddreg [dreg:$0x11];
	[sflag:s17] =	ssyncadd.s32 $0xFFFFC000  }
0xb9: {  	[hbm4b:s1+s2] =	stream.linear.scatter [tilespmem:s8], [sflag:$0x9], $0x4000, $0x38;
	[tilespmem:$0x18C00] =	vst v63  }
0xba: {  	_ =	swait.ge [sflag:s9], $0x4000  }
0xbb: {  	[sflag:s9] =	ssyncset.done $0x0  }
0xbc: {  	s1 =	simm.s32 $0x900;
	[sflag:s9] =	ssyncadd.s32 $0xFFFFC000  }
0xbd: {  	[tilespmem:s16], [sflag:$0x1] =	stream.indirect.gather [hbm4b:s3+s7], $0x80, s1, s7, $0xb8;
	[tilespmem:$0x18C00] =	vst v63  }
0xbe: {  	_ =	swait.ge [sflag:s18], $0x4000  }
0xbf: {  	[sflag:s18] =	ssyncset.done $0x0  }
0xc0: {  	s1 =	rddreg [dreg:$0x12];
	[sflag:s18] =	ssyncadd.s32 $0xFFFFC000  }
0xc1: {  	[hbm4b:s1+s2] =	stream.linear.scatter [tilespmem:s4], [sflag:$0xA], $0x4000, $0x38;
	[tilespmem:$0x18C00] =	vst v63  }
0xc2: {  	_ =	swait.ge [sflag:s10], $0x4000  }
0xc3: {  	[sflag:s10] =	ssyncset.done $0x0  }
0xc4: {  	[sflag:s10] =	ssyncadd.s32 $0xFFFFC000  }
0xc5: {  	[tilespmem:s11], [sflag:$0x2] =	stream.indirect.gather [hbm4b:s3+s7], $0x80, s29, s7, $0xb8;
	[tilespmem:$0x18C00] =	vst v63  }
0xc6: {  	_ =	swait.ge [sflag:s19], $0x4000  }
0xc7: {  	[sflag:s19] =	ssyncset.done $0x0  }
0xc8: {  	s1 =	rddreg [dreg:$0x13];
	[sflag:s19] =	ssyncadd.s32 $0xFFFFC000  }
0xc9: {  	[hbm4b:s1+s2] =	stream.linear.scatter [tilespmem:s5], [sflag:$0xB], $0x4000, $0x38;
	[tilespmem:$0x18C00] =	vst v63  }
0xca: {  	_ =	swait.ge [sflag:s12], $0x4000  }
0xcb: {  	[sflag:s12] =	ssyncset.done $0x0  }
0xcc: {  	[sflag:s12] =	ssyncadd.s32 $0xFFFFC000  }
0xcd: {  	[tilespmem:s8], [sflag:$0x3] =	stream.indirect.gather [hbm4b:s3+s7], $0x80, s28, s7, $0xb8;
	[tilespmem:$0x18C00] =	vst v63  }
0xce: {  	_ =	swait.ge [sflag:s21], $0x4000  }
0xcf: {  	[sflag:s21] =	ssyncset.done $0x0  }
0xd0: {  	s1 =	rddreg [dreg:$0x14];
	[sflag:s21] =	ssyncadd.s32 $0xFFFFC000  }
0xd1: {  	[hbm4b:s1+s2] =	stream.linear.scatter [tilespmem:s6], [sflag:$0xC], $0x4000, $0x38;
	[tilespmem:$0x18C00] =	vst v63  }
0xd2: {  	_ =	swait.ge [sflag:s13], $0x4000  }
0xd3: {  	[sflag:s13] =	ssyncset.done $0x0  }
0xd4: {  	[sflag:s13] =	ssyncadd.s32 $0xFFFFC000  }
0xd5: {  	[tilespmem:s4], [sflag:$0x4] =	stream.indirect.gather [hbm4b:s3+s7], $0x80, s26, s7, $0xb8;
	[tilespmem:$0x18C00] =	vst v63  }
0xd6: {  	_ =	swait.ge [sflag:s22], $0x4000  }
0xd7: {  	[sflag:s22] =	ssyncset.done $0x0  }
0xd8: {  	s1 =	rddreg [dreg:$0x15];
	[sflag:s22] =	ssyncadd.s32 $0xFFFFC000  }
0xd9: {  	[hbm4b:s1+s2] =	stream.linear.scatter [tilespmem:s16], [sflag:$0x7], $0x4000, $0x38;
	[tilespmem:$0x18C00] =	vst v63  }
0xda: {  	_ =	swait.ge [sflag:s14], $0x4000  }
0xdb: {  	[sflag:s14] =	ssyncset.done $0x0  }
0xdc: {  	[sflag:s14] =	ssyncadd.s32 $0xFFFFC000  }
0xdd: {  	[tilespmem:s5], [sflag:$0x5] =	stream.indirect.gather [hbm4b:s3+s7], $0x80, s25, s7, $0xb8;
	[tilespmem:$0x18C00] =	vst v63  }
0xde: {  	_ =	swait.ge [sflag:s20], $0x4000  }
0xdf: {  	[sflag:s20] =	ssyncset.done $0x0  }
0xe0: {  	s1 =	rddreg [dreg:$0x16];
	[sflag:s20] =	ssyncadd.s32 $0xFFFFC000  }
0xe1: {  	[hbm4b:s1+s2] =	stream.linear.scatter [tilespmem:s11], [sflag:$0x8], $0x4000, $0x38;
	[tilespmem:$0x18C00] =	vst v63  }
0xe2: {  	_ =	swait.ge [sflag:s15], $0x4000  }
0xe3: {  	[sflag:s15] =	ssyncset.done $0x0  }
0xe4: {  	[sflag:s15] =	ssyncadd.s32 $0xFFFFC000  }
0xe5: {  	[tilespmem:s6], [sflag:$0x6] =	stream.indirect.gather [hbm4b:s3+s7], $0x80, s24, s7, $0xb8;
	[tilespmem:$0x18C00] =	vst v63  }
0xe6: {  	_ =	swait.ge [sflag:s17], $0x4000  }
0xe7: {  	[sflag:s17] =	ssyncset.done $0x0  }
0xe8: {  	s1 =	rddreg [dreg:$0x17];
	[sflag:s17] =	ssyncadd.s32 $0xFFFFC000  }
0xe9: {  	[hbm4b:s1+s2] =	stream.linear.scatter [tilespmem:s8], [sflag:$0x9], $0x4000, $0x38;
	[tilespmem:$0x18C00] =	vst v63  }
0xea: {  	_ =	swait.ge [sflag:s18], $0x4000  }
0xeb: {  	[sflag:s18] =	ssyncset.done $0x0  }
0xec: {  	s1 =	rddreg [dreg:$0x18];
	[sflag:s18] =	ssyncadd.s32 $0xFFFFC000  }
0xed: {  	[hbm4b:s1+s2] =	stream.linear.scatter [tilespmem:s4], [sflag:$0xA], $0x4000, $0x38;
	[tilespmem:$0x18C00] =	vst v63  }
0xee: {  	_ =	swait.ge [sflag:s19], $0x4000  }
0xef: {  	[sflag:s19] =	ssyncset.done $0x0  }
0xf0: {  	s1 =	rddreg [dreg:$0x19];
	[sflag:s19] =	ssyncadd.s32 $0xFFFFC000  }
0xf1: {  	[hbm4b:s1+s2] =	stream.linear.scatter [tilespmem:s5], [sflag:$0xB], $0x4000, $0x38;
	[tilespmem:$0x18C00] =	vst v63  }
0xf2: {  	_ =	swait.ge [sflag:s21], $0x4000  }
0xf3: {  	[sflag:s21] =	ssyncset.done $0x0  }
0xf4: {  	s1 =	rddreg [dreg:$0x1a];
	[sflag:s21] =	ssyncadd.s32 $0xFFFFC000  }
0xf5: {  	[hbm4b:s1+s2] =	stream.linear.scatter [tilespmem:s6], [sflag:$0xC], $0x4000, $0x38;
	[tilespmem:$0x18C00] =	vst v63  }
0xf6: {  	_ =	swait.ge [sflag:s9], $0x4000  }
0xf7: {  	[sflag:s9] =	ssyncset.done $0x0  }
0xf8: {  	[sflag:s9] =	ssyncadd.s32 $0xFFFFC000  }
0xf9: {  	_ =	swait.ge [sflag:s10], $0x4000  }
0xfa: {  	[sflag:s10] =	ssyncset.done $0x0  }
0xfb: {  	[sflag:s10] =	ssyncadd.s32 $0xFFFFC000  }
0xfc: {  	_ =	swait.ge [sflag:s12], $0x4000  }
0xfd: {  	[sflag:s12] =	ssyncset.done $0x0  }
0xfe: {  	[sflag:s12] =	ssyncadd.s32 $0xFFFFC000  }
0xff: {  	_ =	swait.ge [sflag:s13], $0x4000  }
0x100: {  	[sflag:s13] =	ssyncset.done $0x0  }
0x101: {  	p1 =	sne.s32 s23, $0x1;
	[sflag:s13] =	ssyncadd.s32 $0xFFFFC000  }
.Ltmp1:
0x102: {  	_ =	swait.ge [sflag:s14], $0x4000;
	(pc) =	sbr.rel @!p1 .LBB2_3-.Ltmp1, $4  }
0x103: {  	[sflag:s14] =	ssyncset.done $0x0  }
0x104: {  	[sflag:s14] =	ssyncadd.s32 $0xFFFFC000  }
0x105: {  	p0 =	por $0x1, $0x1;
	_ =	swait.ge [sflag:s15], $0x4000  }
0x106: {  	s1 =	sadd.s32 $0xFFFFFFFF, s23;
	s0 =	rddreg [dreg:$0x3];
	[sflag:s15] =	ssyncset.done $0x0  }
.LBB2_4:
0x107: {  	[sflag:s15] =	ssyncadd.s32 $0xFFFFC000  }
0x108: {  	[tilespmem:s2], [sflag:$0xD] =	stream.linear.gather [hbm4b:s0+s2], $0xC00, $0x38;
	[tilespmem:$0x18C00] =	vst v63  }
0x109: {  	_ =	swait.ge [sflag:s31], $0xC00  }
0x10a: {  	[sflag:s31] =	ssyncset.done $0x0  }
0x10b: {  	[sflag:s31] =	ssyncadd.s32 $0xFFFFF400  }
0x10c: {  	[tilespmem:s16], [sflag:$0x1] =	stream.indirect.gather [hbm4b:s3+s7], $0x80, s2, s7, $0xb8;
	[tilespmem:$0x18C00] =	vst v63  }
0x10d: {  	_ = 	snop  }
0x10e: {  	[tilespmem:s11], [sflag:$0x2] =	stream.indirect.gather [hbm4b:s3+s7], $0x80, s7, s7, $0xb8;
	[tilespmem:$0x18C00] =	vst v63  }
0x10f: {  	s0 =	rddreg [dreg:$0x1b]  }
0x110: {  	[tilespmem:s8], [sflag:$0x3] =	stream.indirect.gather [hbm4b:s3+s7], $0x80, s0, s7, $0xb8;
	[tilespmem:$0x18C00] =	vst v63  }
0x111: {  	s23 =	rddreg [dreg:$0x1c]  }
0x112: {  	[tilespmem:s4], [sflag:$0x4] =	stream.indirect.gather [hbm4b:s3+s7], $0x80, s23, s7, $0xb8;
	[tilespmem:$0x18C00] =	vst v63  }
0x113: {  	_ =	swait.ge [sflag:s22], $0x4000  }
0x114: {  	[sflag:s22] =	ssyncset.done $0x0  }
0x115: {  	[sflag:s22] =	ssyncadd.s32 $0xFFFFC000  }
0x116: {  	[hbm4b:s30+s2] =	stream.linear.scatter [tilespmem:s16], [sflag:$0x7], $0x4000, $0x38;
	[tilespmem:$0x18C00] =	vst v63  }
0x117: {  	s23 =	rddreg [dreg:$0x1d]  }
0x118: {  	[tilespmem:s5], [sflag:$0x5] =	stream.indirect.gather [hbm4b:s3+s7], $0x80, s23, s7, $0xb8;
	[tilespmem:$0x18C00] =	vst v63  }
0x119: {  	_ =	swait.ge [sflag:s20], $0x4000  }
0x11a: {  	[sflag:s20] =	ssyncset.done $0x0  }
0x11b: {  	s0 =	rddreg [dreg:$0x4];
	[sflag:s20] =	ssyncadd.s32 $0xFFFFC000  }
0x11c: {  	[hbm4b:s0+s2] =	stream.linear.scatter [tilespmem:s11], [sflag:$0x8], $0x4000, $0x38;
	[tilespmem:$0x18C00] =	vst v63  }
0x11d: {  	s23 =	rddreg [dreg:$0x1e]  }
0x11e: {  	[tilespmem:s6], [sflag:$0x6] =	stream.indirect.gather [hbm4b:s3+s7], $0x80, s23, s7, $0xb8;
	[tilespmem:$0x18C00] =	vst v63  }
0x11f: {  	_ =	swait.ge [sflag:s17], $0x4000  }
0x120: {  	[sflag:s17] =	ssyncset.done $0x0  }
0x121: {  	s23 =	rddreg [dreg:$0x5];
	[sflag:s17] =	ssyncadd.s32 $0xFFFFC000  }
0x122: {  	[hbm4b:s23+s2] =	stream.linear.scatter [tilespmem:s8], [sflag:$0x9], $0x4000, $0x38;
	[tilespmem:$0x18C00] =	vst v63  }
0x123: {  	_ =	swait.ge [sflag:s9], $0x4000  }
0x124: {  	[sflag:s9] =	ssyncset.done $0x0  }
0x125: {  	s23 =	rddreg [dreg:$0x1f];
	[sflag:s9] =	ssyncadd.s32 $0xFFFFC000  }
0x126: {  	[tilespmem:s16], [sflag:$0x1] =	stream.indirect.gather [hbm4b:s3+s7], $0x80, s23, s7, $0xb8;
	[tilespmem:$0x18C00] =	vst v63  }
0x127: {  	_ =	swait.ge [sflag:s18], $0x4000  }
0x128: {  	[sflag:s18] =	ssyncset.done $0x0  }
0x129: {  	s23 =	rddreg [dreg:$0x6];
	[sflag:s18] =	ssyncadd.s32 $0xFFFFC000  }
0x12a: {  	[hbm4b:s23+s2] =	stream.linear.scatter [tilespmem:s4], [sflag:$0xA], $0x4000, $0x38;
	[tilespmem:$0x18C00] =	vst v63  }
0x12b: {  	_ =	swait.ge [sflag:s10], $0x4000  }
0x12c: {  	s23 =	sld [smem:$0x7F3]  }
0x12d: {  	[sflag:s10] =	ssyncset.done $0x0  }
0x12e: {  	[sflag:s10] =	ssyncadd.s32 $0xFFFFC000  }
0x12f: {  	[tilespmem:s11], [sflag:$0x2] =	stream.indirect.gather [hbm4b:s3+s7], $0x80, s23, s7, $0xb8;
	[tilespmem:$0x18C00] =	vst v63  }
0x130: {  	_ =	swait.ge [sflag:s19], $0x4000  }
0x131: {  	[sflag:s19] =	ssyncset.done $0x0  }
0x132: {  	s23 =	rddreg [dreg:$0x7];
	[sflag:s19] =	ssyncadd.s32 $0xFFFFC000  }
0x133: {  	[hbm4b:s23+s2] =	stream.linear.scatter [tilespmem:s5], [sflag:$0xB], $0x4000, $0x38;
	[tilespmem:$0x18C00] =	vst v63  }
0x134: {  	_ =	swait.ge [sflag:s12], $0x4000  }
0x135: {  	s23 =	sld [smem:$0x7F4]  }
0x136: {  	[sflag:s12] =	ssyncset.done $0x0  }
0x137: {  	[sflag:s12] =	ssyncadd.s32 $0xFFFFC000  }
0x138: {  	[tilespmem:s8], [sflag:$0x3] =	stream.indirect.gather [hbm4b:s3+s7], $0x80, s23, s7, $0xb8;
	[tilespmem:$0x18C00] =	vst v63  }
0x139: {  	_ =	swait.ge [sflag:s21], $0x4000  }
0x13a: {  	[sflag:s21] =	ssyncset.done $0x0  }
0x13b: {  	s23 =	rddreg [dreg:$0x8];
	[sflag:s21] =	ssyncadd.s32 $0xFFFFC000  }
0x13c: {  	[hbm4b:s23+s2] =	stream.linear.scatter [tilespmem:s6], [sflag:$0xC], $0x4000, $0x38;
	[tilespmem:$0x18C00] =	vst v63  }
0x13d: {  	_ =	swait.ge [sflag:s13], $0x4000  }
0x13e: {  	s23 =	sld [smem:$0x7F5]  }
0x13f: {  	[sflag:s13] =	ssyncset.done $0x0  }
0x140: {  	[sflag:s13] =	ssyncadd.s32 $0xFFFFC000  }
0x141: {  	[tilespmem:s4], [sflag:$0x4] =	stream.indirect.gather [hbm4b:s3+s7], $0x80, s23, s7, $0xb8;
	[tilespmem:$0x18C00] =	vst v63  }
0x142: {  	_ =	swait.ge [sflag:s22], $0x4000  }
0x143: {  	[sflag:s22] =	ssyncset.done $0x0  }
0x144: {  	s23 =	rddreg [dreg:$0x9];
	[sflag:s22] =	ssyncadd.s32 $0xFFFFC000  }
0x145: {  	[hbm4b:s23+s2] =	stream.linear.scatter [tilespmem:s16], [sflag:$0x7], $0x4000, $0x38;
	[tilespmem:$0x18C00] =	vst v63  }
0x146: {  	_ =	swait.ge [sflag:s14], $0x4000  }
0x147: {  	s23 =	sld [smem:$0x7F6]  }
0x148: {  	[sflag:s14] =	ssyncset.done $0x0  }
0x149: {  	[sflag:s14] =	ssyncadd.s32 $0xFFFFC000  }
0x14a: {  	[tilespmem:s5], [sflag:$0x5] =	stream.indirect.gather [hbm4b:s3+s7], $0x80, s23, s7, $0xb8;
	[tilespmem:$0x18C00] =	vst v63  }
0x14b: {  	_ =	swait.ge [sflag:s20], $0x4000  }
0x14c: {  	[sflag:s20] =	ssyncset.done $0x0  }
0x14d: {  	s23 =	rddreg [dreg:$0xa];
	[sflag:s20] =	ssyncadd.s32 $0xFFFFC000  }
0x14e: {  	[hbm4b:s23+s2] =	stream.linear.scatter [tilespmem:s11], [sflag:$0x8], $0x4000, $0x38;
	[tilespmem:$0x18C00] =	vst v63  }
0x14f: {  	_ =	swait.ge [sflag:s15], $0x4000  }
0x150: {  	s23 =	sld [smem:$0x7F7]  }
0x151: {  	[sflag:s15] =	ssyncset.done $0x0  }
0x152: {  	[sflag:s15] =	ssyncadd.s32 $0xFFFFC000  }
0x153: {  	[tilespmem:s6], [sflag:$0x6] =	stream.indirect.gather [hbm4b:s3+s7], $0x80, s23, s7, $0xb8;
	[tilespmem:$0x18C00] =	vst v63  }
0x154: {  	_ =	swait.ge [sflag:s17], $0x4000  }
0x155: {  	[sflag:s17] =	ssyncset.done $0x0  }
0x156: {  	s23 =	rddreg [dreg:$0xb];
	[sflag:s17] =	ssyncadd.s32 $0xFFFFC000  }
0x157: {  	[hbm4b:s23+s2] =	stream.linear.scatter [tilespmem:s8], [sflag:$0x9], $0x4000, $0x38;
	[tilespmem:$0x18C00] =	vst v63  }
0x158: {  	_ =	swait.ge [sflag:s9], $0x4000  }
0x159: {  	s23 =	sld [smem:$0x7F8]  }
0x15a: {  	[sflag:s9] =	ssyncset.done $0x0  }
0x15b: {  	[sflag:s9] =	ssyncadd.s32 $0xFFFFC000  }
0x15c: {  	[tilespmem:s16], [sflag:$0x1] =	stream.indirect.gather [hbm4b:s3+s7], $0x80, s23, s7, $0xb8;
	[tilespmem:$0x18C00] =	vst v63  }
0x15d: {  	_ =	swait.ge [sflag:s18], $0x4000  }
0x15e: {  	[sflag:s18] =	ssyncset.done $0x0  }
0x15f: {  	s23 =	rddreg [dreg:$0xc];
	[sflag:s18] =	ssyncadd.s32 $0xFFFFC000  }
0x160: {  	[hbm4b:s23+s2] =	stream.linear.scatter [tilespmem:s4], [sflag:$0xA], $0x4000, $0x38;
	[tilespmem:$0x18C00] =	vst v63  }
0x161: {  	_ =	swait.ge [sflag:s10], $0x4000  }
0x162: {  	s23 =	sld [smem:$0x7F9]  }
0x163: {  	[sflag:s10] =	ssyncset.done $0x0  }
0x164: {  	[sflag:s10] =	ssyncadd.s32 $0xFFFFC000  }
0x165: {  	[tilespmem:s11], [sflag:$0x2] =	stream.indirect.gather [hbm4b:s3+s7], $0x80, s23, s7, $0xb8;
	[tilespmem:$0x18C00] =	vst v63  }
0x166: {  	_ =	swait.ge [sflag:s19], $0x4000  }
0x167: {  	[sflag:s19] =	ssyncset.done $0x0  }
0x168: {  	s23 =	rddreg [dreg:$0xd];
	[sflag:s19] =	ssyncadd.s32 $0xFFFFC000  }
0x169: {  	[hbm4b:s23+s2] =	stream.linear.scatter [tilespmem:s5], [sflag:$0xB], $0x4000, $0x38;
	[tilespmem:$0x18C00] =	vst v63  }
0x16a: {  	_ =	swait.ge [sflag:s12], $0x4000  }
0x16b: {  	s23 =	sld [smem:$0x7FA]  }
0x16c: {  	[sflag:s12] =	ssyncset.done $0x0  }
0x16d: {  	[sflag:s12] =	ssyncadd.s32 $0xFFFFC000  }
0x16e: {  	[tilespmem:s8], [sflag:$0x3] =	stream.indirect.gather [hbm4b:s3+s7], $0x80, s23, s7, $0xb8;
	[tilespmem:$0x18C00] =	vst v63  }
0x16f: {  	_ =	swait.ge [sflag:s21], $0x4000  }
0x170: {  	[sflag:s21] =	ssyncset.done $0x0  }
0x171: {  	s23 =	rddreg [dreg:$0xe];
	[sflag:s21] =	ssyncadd.s32 $0xFFFFC000  }
0x172: {  	[hbm4b:s23+s2] =	stream.linear.scatter [tilespmem:s6], [sflag:$0xC], $0x4000, $0x38;
	[tilespmem:$0x18C00] =	vst v63  }
0x173: {  	_ =	swait.ge [sflag:s13], $0x4000  }
0x174: {  	s23 =	sld [smem:$0x7FB]  }
0x175: {  	[sflag:s13] =	ssyncset.done $0x0  }
0x176: {  	[sflag:s13] =	ssyncadd.s32 $0xFFFFC000  }
0x177: {  	[tilespmem:s4], [sflag:$0x4] =	stream.indirect.gather [hbm4b:s3+s7], $0x80, s23, s7, $0xb8;
	[tilespmem:$0x18C00] =	vst v63  }
0x178: {  	_ =	swait.ge [sflag:s22], $0x4000  }
0x179: {  	[sflag:s22] =	ssyncset.done $0x0  }
0x17a: {  	s23 =	rddreg [dreg:$0xf];
	[sflag:s22] =	ssyncadd.s32 $0xFFFFC000  }
0x17b: {  	[hbm4b:s23+s2] =	stream.linear.scatter [tilespmem:s16], [sflag:$0x7], $0x4000, $0x38;
	[tilespmem:$0x18C00] =	vst v63  }
0x17c: {  	_ =	swait.ge [sflag:s14], $0x4000  }
0x17d: {  	s23 =	sld [smem:$0x7FC]  }
0x17e: {  	[sflag:s14] =	ssyncset.done $0x0  }
0x17f: {  	[sflag:s14] =	ssyncadd.s32 $0xFFFFC000  }
0x180: {  	[tilespmem:s5], [sflag:$0x5] =	stream.indirect.gather [hbm4b:s3+s7], $0x80, s23, s7, $0xb8;
	[tilespmem:$0x18C00] =	vst v63  }
0x181: {  	_ =	swait.ge [sflag:s20], $0x4000  }
0x182: {  	[sflag:s20] =	ssyncset.done $0x0  }
0x183: {  	s23 =	rddreg [dreg:$0x10];
	[sflag:s20] =	ssyncadd.s32 $0xFFFFC000  }
0x184: {  	[hbm4b:s23+s2] =	stream.linear.scatter [tilespmem:s11], [sflag:$0x8], $0x4000, $0x38;
	[tilespmem:$0x18C00] =	vst v63  }
0x185: {  	_ =	swait.ge [sflag:s15], $0x4000  }
0x186: {  	s23 =	sld [smem:$0x7FD]  }
0x187: {  	[sflag:s15] =	ssyncset.done $0x0  }
0x188: {  	[sflag:s15] =	ssyncadd.s32 $0xFFFFC000  }
0x189: {  	[tilespmem:s6], [sflag:$0x6] =	stream.indirect.gather [hbm4b:s3+s7], $0x80, s23, s7, $0xb8;
	[tilespmem:$0x18C00] =	vst v63  }
0x18a: {  	_ =	swait.ge [sflag:s17], $0x4000  }
0x18b: {  	[sflag:s17] =	ssyncset.done $0x0  }
0x18c: {  	s23 =	rddreg [dreg:$0x11];
	[sflag:s17] =	ssyncadd.s32 $0xFFFFC000  }
0x18d: {  	[hbm4b:s23+s2] =	stream.linear.scatter [tilespmem:s8], [sflag:$0x9], $0x4000, $0x38;
	[tilespmem:$0x18C00] =	vst v63  }
0x18e: {  	_ =	swait.ge [sflag:s9], $0x4000  }
0x18f: {  	[sflag:s9] =	ssyncset.done $0x0  }
0x190: {  	s23 =	simm.s32 $0x900;
	[sflag:s9] =	ssyncadd.s32 $0xFFFFC000  }
0x191: {  	[tilespmem:s16], [sflag:$0x1] =	stream.indirect.gather [hbm4b:s3+s7], $0x80, s23, s7, $0xb8;
	[tilespmem:$0x18C00] =	vst v63  }
0x192: {  	_ =	swait.ge [sflag:s18], $0x4000  }
0x193: {  	[sflag:s18] =	ssyncset.done $0x0  }
0x194: {  	s23 =	rddreg [dreg:$0x12];
	[sflag:s18] =	ssyncadd.s32 $0xFFFFC000  }
0x195: {  	[hbm4b:s23+s2] =	stream.linear.scatter [tilespmem:s4], [sflag:$0xA], $0x4000, $0x38;
	[tilespmem:$0x18C00] =	vst v63  }
0x196: {  	_ =	swait.ge [sflag:s10], $0x4000  }
0x197: {  	[sflag:s10] =	ssyncset.done $0x0  }
0x198: {  	[sflag:s10] =	ssyncadd.s32 $0xFFFFC000  }
0x199: {  	[tilespmem:s11], [sflag:$0x2] =	stream.indirect.gather [hbm4b:s3+s7], $0x80, s29, s7, $0xb8;
	[tilespmem:$0x18C00] =	vst v63  }
0x19a: {  	_ =	swait.ge [sflag:s19], $0x4000  }
0x19b: {  	[sflag:s19] =	ssyncset.done $0x0  }
0x19c: {  	s23 =	rddreg [dreg:$0x13];
	[sflag:s19] =	ssyncadd.s32 $0xFFFFC000  }
0x19d: {  	[hbm4b:s23+s2] =	stream.linear.scatter [tilespmem:s5], [sflag:$0xB], $0x4000, $0x38;
	[tilespmem:$0x18C00] =	vst v63  }
0x19e: {  	_ =	swait.ge [sflag:s12], $0x4000  }
0x19f: {  	[sflag:s12] =	ssyncset.done $0x0  }
0x1a0: {  	[sflag:s12] =	ssyncadd.s32 $0xFFFFC000  }
0x1a1: {  	[tilespmem:s8], [sflag:$0x3] =	stream.indirect.gather [hbm4b:s3+s7], $0x80, s28, s7, $0xb8;
	[tilespmem:$0x18C00] =	vst v63  }
0x1a2: {  	_ =	swait.ge [sflag:s21], $0x4000  }
0x1a3: {  	[sflag:s21] =	ssyncset.done $0x0  }
0x1a4: {  	s23 =	rddreg [dreg:$0x14];
	[sflag:s21] =	ssyncadd.s32 $0xFFFFC000  }
0x1a5: {  	[hbm4b:s23+s2] =	stream.linear.scatter [tilespmem:s6], [sflag:$0xC], $0x4000, $0x38;
	[tilespmem:$0x18C00] =	vst v63  }
0x1a6: {  	_ =	swait.ge [sflag:s13], $0x4000  }
0x1a7: {  	[sflag:s13] =	ssyncset.done $0x0  }
0x1a8: {  	[sflag:s13] =	ssyncadd.s32 $0xFFFFC000  }
0x1a9: {  	[tilespmem:s4], [sflag:$0x4] =	stream.indirect.gather [hbm4b:s3+s7], $0x80, s26, s7, $0xb8;
	[tilespmem:$0x18C00] =	vst v63  }
0x1aa: {  	_ =	swait.ge [sflag:s22], $0x4000  }
0x1ab: {  	[sflag:s22] =	ssyncset.done $0x0  }
0x1ac: {  	s23 =	rddreg [dreg:$0x15];
	[sflag:s22] =	ssyncadd.s32 $0xFFFFC000  }
0x1ad: {  	[hbm4b:s23+s2] =	stream.linear.scatter [tilespmem:s16], [sflag:$0x7], $0x4000, $0x38;
	[tilespmem:$0x18C00] =	vst v63  }
0x1ae: {  	_ =	swait.ge [sflag:s14], $0x4000  }
0x1af: {  	[sflag:s14] =	ssyncset.done $0x0  }
0x1b0: {  	[sflag:s14] =	ssyncadd.s32 $0xFFFFC000  }
0x1b1: {  	[tilespmem:s5], [sflag:$0x5] =	stream.indirect.gather [hbm4b:s3+s7], $0x80, s25, s7, $0xb8;
	[tilespmem:$0x18C00] =	vst v63  }
0x1b2: {  	_ =	swait.ge [sflag:s20], $0x4000  }
0x1b3: {  	[sflag:s20] =	ssyncset.done $0x0  }
0x1b4: {  	s23 =	rddreg [dreg:$0x16];
	[sflag:s20] =	ssyncadd.s32 $0xFFFFC000  }
0x1b5: {  	[hbm4b:s23+s2] =	stream.linear.scatter [tilespmem:s11], [sflag:$0x8], $0x4000, $0x38;
	[tilespmem:$0x18C00] =	vst v63  }
0x1b6: {  	_ =	swait.ge [sflag:s15], $0x4000  }
0x1b7: {  	[sflag:s15] =	ssyncset.done $0x0  }
0x1b8: {  	[sflag:s15] =	ssyncadd.s32 $0xFFFFC000  }
0x1b9: {  	[tilespmem:s6], [sflag:$0x6] =	stream.indirect.gather [hbm4b:s3+s7], $0x80, s24, s7, $0xb8;
	[tilespmem:$0x18C00] =	vst v63  }
0x1ba: {  	_ =	swait.ge [sflag:s17], $0x4000  }
0x1bb: {  	[sflag:s17] =	ssyncset.done $0x0  }
0x1bc: {  	s23 =	rddreg [dreg:$0x17];
	[sflag:s17] =	ssyncadd.s32 $0xFFFFC000  }
0x1bd: {  	[hbm4b:s23+s2] =	stream.linear.scatter [tilespmem:s8], [sflag:$0x9], $0x4000, $0x38;
	[tilespmem:$0x18C00] =	vst v63  }
0x1be: {  	_ =	swait.ge [sflag:s18], $0x4000  }
0x1bf: {  	[sflag:s18] =	ssyncset.done $0x0  }
0x1c0: {  	s23 =	rddreg [dreg:$0x18];
	[sflag:s18] =	ssyncadd.s32 $0xFFFFC000  }
0x1c1: {  	[hbm4b:s23+s2] =	stream.linear.scatter [tilespmem:s4], [sflag:$0xA], $0x4000, $0x38;
	[tilespmem:$0x18C00] =	vst v63  }
0x1c2: {  	_ =	swait.ge [sflag:s19], $0x4000  }
0x1c3: {  	[sflag:s19] =	ssyncset.done $0x0  }
0x1c4: {  	s23 =	rddreg [dreg:$0x19];
	[sflag:s19] =	ssyncadd.s32 $0xFFFFC000  }
0x1c5: {  	[hbm4b:s23+s2] =	stream.linear.scatter [tilespmem:s5], [sflag:$0xB], $0x4000, $0x38;
	[tilespmem:$0x18C00] =	vst v63  }
0x1c6: {  	_ =	swait.ge [sflag:s21], $0x4000  }
0x1c7: {  	[sflag:s21] =	ssyncset.done $0x0  }
0x1c8: {  	s23 =	rddreg [dreg:$0x1a];
	[sflag:s21] =	ssyncadd.s32 $0xFFFFC000  }
0x1c9: {  	[hbm4b:s23+s2] =	stream.linear.scatter [tilespmem:s6], [sflag:$0xC], $0x4000, $0x38;
	[tilespmem:$0x18C00] =	vst v63  }
0x1ca: {  	_ =	swait.ge [sflag:s9], $0x4000  }
0x1cb: {  	[sflag:s9] =	ssyncset.done $0x0  }
0x1cc: {  	[sflag:s9] =	ssyncadd.s32 $0xFFFFC000  }
0x1cd: {  	_ =	swait.ge [sflag:s10], $0x4000  }
0x1ce: {  	[sflag:s10] =	ssyncset.done $0x0  }
0x1cf: {  	[sflag:s10] =	ssyncadd.s32 $0xFFFFC000  }
0x1d0: {  	_ =	swait.ge [sflag:s12], $0x4000  }
0x1d1: {  	[sflag:s12] =	ssyncset.done $0x0  }
0x1d2: {  	[sflag:s12] =	ssyncadd.s32 $0xFFFFC000  }
0x1d3: {  	_ =	swait.ge [sflag:s13], $0x4000  }
0x1d4: {  	[sflag:s13] =	ssyncset.done $0x0  }
0x1d5: {  	p1 =	sne.s32 s1, $0x1;
	[sflag:s13] =	ssyncadd.s32 $0xFFFFC000  }
.Ltmp2:
0x1d6: {  	_ =	swait.ge [sflag:s14], $0x4000;
	(pc) =	sbr.rel @p1 .LBB2_4-.Ltmp2, $4  }
0x1d7: {  	[sflag:s14] =	ssyncset.done $0x0  }
0x1d8: {  	[sflag:s14] =	ssyncadd.s32 $0xFFFFC000  }
0x1d9: {  	_ =	swait.ge [sflag:s15], $0x4000  }
0x1da: {  	s1 =	sadd.s32 $0xFFFFFFFF, s1;
	s0 =	rddreg [dreg:$0x3];
	[sflag:s15] =	ssyncset.done $0x0  }
0x1db: {  	s24 =	simm.s32 $0x900;
	s29 =	simm.s32 $0x980;
	s28 =	simm.s32 $0xA00  }
0x1dc: {  	s26 =	simm.s32 $0xA80;
	s25 =	simm.s32 $0xB00;
	s23 =	stileid.u32  }
.LBB2_6:
0x1dd: {  	[sflag:s15] =	ssyncadd.s32 @p0 $0xFFFFC000  }
0x1de: {  	[tilespmem:s2], [sflag:$0xD] =	stream.linear.gather [hbm4b:s0+s2], $0xC00, $0x38;
	[tilespmem:$0x18C00] =	vst v63  }
0x1df: {  	_ =	swait.ge [sflag:s31], $0xC00  }
0x1e0: {  	[sflag:s31] =	ssyncset.done $0x0  }
0x1e1: {  	[sflag:s31] =	ssyncadd.s32 $0xFFFFF400  }
0x1e2: {  	[tilespmem:s16], [sflag:$0x1] =	stream.indirect.gather [hbm4b:s3+s7], $0x80, s2, s7, $0xb8;
	[tilespmem:$0x18C00] =	vst v63  }
0x1e3: {  	_ = 	snop  }
0x1e4: {  	[tilespmem:s11], [sflag:$0x2] =	stream.indirect.gather [hbm4b:s3+s7], $0x80, s7, s7, $0xb8;
	[tilespmem:$0x18C00] =	vst v63  }
0x1e5: {  	s31 =	rddreg [dreg:$0x1b]  }
0x1e6: {  	[tilespmem:s8], [sflag:$0x3] =	stream.indirect.gather [hbm4b:s3+s7], $0x80, s31, s7, $0xb8;
	[tilespmem:$0x18C00] =	vst v63  }
0x1e7: {  	s1 =	rddreg [dreg:$0x1c]  }
0x1e8: {  	[tilespmem:s4], [sflag:$0x4] =	stream.indirect.gather [hbm4b:s3+s7], $0x80, s1, s7, $0xb8;
	[tilespmem:$0x18C00] =	vst v63  }
0x1e9: {  	_ =	swait.ge [sflag:s22], $0x4000  }
0x1ea: {  	[sflag:s22] =	ssyncset.done $0x0  }
0x1eb: {  	[sflag:s22] =	ssyncadd.s32 $0xFFFFC000  }
0x1ec: {  	[hbm4b:s30+s2] =	stream.linear.scatter [tilespmem:s16], [sflag:$0x7], $0x4000, $0x38;
	[tilespmem:$0x18C00] =	vst v63  }
0x1ed: {  	s1 =	rddreg [dreg:$0x1d]  }
0x1ee: {  	[tilespmem:s5], [sflag:$0x5] =	stream.indirect.gather [hbm4b:s3+s7], $0x80, s1, s7, $0xb8;
	[tilespmem:$0x18C00] =	vst v63  }
0x1ef: {  	_ =	swait.ge [sflag:s20], $0x4000  }
0x1f0: {  	[sflag:s20] =	ssyncset.done $0x0  }
0x1f1: {  	s30 =	rddreg [dreg:$0x4];
	[sflag:s20] =	ssyncadd.s32 $0xFFFFC000  }
0x1f2: {  	[hbm4b:s30+s2] =	stream.linear.scatter [tilespmem:s11], [sflag:$0x8], $0x4000, $0x38;
	[tilespmem:$0x18C00] =	vst v63  }
0x1f3: {  	s31 =	rddreg [dreg:$0x1e]  }
0x1f4: {  	[tilespmem:s6], [sflag:$0x6] =	stream.indirect.gather [hbm4b:s3+s7], $0x80, s31, s7, $0xb8;
	[tilespmem:$0x18C00] =	vst v63  }
0x1f5: {  	_ =	swait.ge [sflag:s17], $0x4000  }
0x1f6: {  	[sflag:s17] =	ssyncset.done $0x0  }
0x1f7: {  	s1 =	rddreg [dreg:$0x5];
	[sflag:s17] =	ssyncadd.s32 $0xFFFFC000  }
0x1f8: {  	[hbm4b:s1+s2] =	stream.linear.scatter [tilespmem:s8], [sflag:$0x9], $0x4000, $0x38;
	[tilespmem:$0x18C00] =	vst v63  }
0x1f9: {  	_ =	swait.ge [sflag:s9], $0x4000  }
0x1fa: {  	[sflag:s9] =	ssyncset.done $0x0  }
0x1fb: {  	s30 =	rddreg [dreg:$0x1f];
	[sflag:s9] =	ssyncadd.s32 $0xFFFFC000  }
0x1fc: {  	[tilespmem:s16], [sflag:$0x1] =	stream.indirect.gather [hbm4b:s3+s7], $0x80, s30, s7, $0xb8;
	[tilespmem:$0x18C00] =	vst v63  }
0x1fd: {  	_ =	swait.ge [sflag:s18], $0x4000  }
0x1fe: {  	[sflag:s18] =	ssyncset.done $0x0  }
0x1ff: {  	s31 =	rddreg [dreg:$0x6];
	[sflag:s18] =	ssyncadd.s32 $0xFFFFC000  }
0x200: {  	[hbm4b:s31+s2] =	stream.linear.scatter [tilespmem:s4], [sflag:$0xA], $0x4000, $0x38;
	[tilespmem:$0x18C00] =	vst v63  }
0x201: {  	_ =	swait.ge [sflag:s10], $0x4000  }
0x202: {  	s1 =	sld [smem:$0x7F3]  }
0x203: {  	[sflag:s10] =	ssyncset.done $0x0  }
0x204: {  	[sflag:s10] =	ssyncadd.s32 $0xFFFFC000  }
0x205: {  	[tilespmem:s11], [sflag:$0x2] =	stream.indirect.gather [hbm4b:s3+s7], $0x80, s1, s7, $0xb8;
	[tilespmem:$0x18C00] =	vst v63  }
0x206: {  	_ =	swait.ge [sflag:s19], $0x4000  }
0x207: {  	[sflag:s19] =	ssyncset.done $0x0  }
0x208: {  	s30 =	rddreg [dreg:$0x7];
	[sflag:s19] =	ssyncadd.s32 $0xFFFFC000  }
0x209: {  	[hbm4b:s30+s2] =	stream.linear.scatter [tilespmem:s5], [sflag:$0xB], $0x4000, $0x38;
	[tilespmem:$0x18C00] =	vst v63  }
0x20a: {  	_ =	swait.ge [sflag:s12], $0x4000  }
0x20b: {  	s31 =	sld [smem:$0x7F4]  }
0x20c: {  	[sflag:s12] =	ssyncset.done $0x0  }
0x20d: {  	[sflag:s12] =	ssyncadd.s32 $0xFFFFC000  }
0x20e: {  	[tilespmem:s8], [sflag:$0x3] =	stream.indirect.gather [hbm4b:s3+s7], $0x80, s31, s7, $0xb8;
	[tilespmem:$0x18C00] =	vst v63  }
0x20f: {  	_ =	swait.ge [sflag:s21], $0x4000  }
0x210: {  	[sflag:s21] =	ssyncset.done $0x0  }
0x211: {  	s1 =	rddreg [dreg:$0x8];
	[sflag:s21] =	ssyncadd.s32 $0xFFFFC000  }
0x212: {  	[hbm4b:s1+s2] =	stream.linear.scatter [tilespmem:s6], [sflag:$0xC], $0x4000, $0x38;
	[tilespmem:$0x18C00] =	vst v63  }
0x213: {  	_ =	swait.ge [sflag:s13], $0x4000  }
0x214: {  	s30 =	sld [smem:$0x7F5]  }
0x215: {  	[sflag:s13] =	ssyncset.done $0x0  }
0x216: {  	[sflag:s13] =	ssyncadd.s32 $0xFFFFC000  }
0x217: {  	[tilespmem:s4], [sflag:$0x4] =	stream.indirect.gather [hbm4b:s3+s7], $0x80, s30, s7, $0xb8;
	[tilespmem:$0x18C00] =	vst v63  }
0x218: {  	_ =	swait.ge [sflag:s22], $0x4000  }
0x219: {  	[sflag:s22] =	ssyncset.done $0x0  }
0x21a: {  	s31 =	rddreg [dreg:$0x9];
	[sflag:s22] =	ssyncadd.s32 $0xFFFFC000  }
0x21b: {  	[hbm4b:s31+s2] =	stream.linear.scatter [tilespmem:s16], [sflag:$0x7], $0x4000, $0x38;
	[tilespmem:$0x18C00] =	vst v63  }
0x21c: {  	_ =	swait.ge [sflag:s14], $0x4000  }
0x21d: {  	s1 =	sld [smem:$0x7F6]  }
0x21e: {  	[sflag:s14] =	ssyncset.done $0x0  }
0x21f: {  	[sflag:s14] =	ssyncadd.s32 $0xFFFFC000  }
0x220: {  	[tilespmem:s5], [sflag:$0x5] =	stream.indirect.gather [hbm4b:s3+s7], $0x80, s1, s7, $0xb8;
	[tilespmem:$0x18C00] =	vst v63  }
0x221: {  	_ =	swait.ge [sflag:s20], $0x4000  }
0x222: {  	[sflag:s20] =	ssyncset.done $0x0  }
0x223: {  	s30 =	rddreg [dreg:$0xa];
	[sflag:s20] =	ssyncadd.s32 $0xFFFFC000  }
0x224: {  	[hbm4b:s30+s2] =	stream.linear.scatter [tilespmem:s11], [sflag:$0x8], $0x4000, $0x38;
	[tilespmem:$0x18C00] =	vst v63  }
0x225: {  	_ =	swait.ge [sflag:s15], $0x4000  }
0x226: {  	s31 =	sld [smem:$0x7F7]  }
0x227: {  	[sflag:s15] =	ssyncset.done $0x0  }
0x228: {  	[sflag:s15] =	ssyncadd.s32 $0xFFFFC000  }
0x229: {  	[tilespmem:s6], [sflag:$0x6] =	stream.indirect.gather [hbm4b:s3+s7], $0x80, s31, s7, $0xb8;
	[tilespmem:$0x18C00] =	vst v63  }
0x22a: {  	_ =	swait.ge [sflag:s17], $0x4000  }
0x22b: {  	[sflag:s17] =	ssyncset.done $0x0  }
0x22c: {  	s1 =	rddreg [dreg:$0xb];
	[sflag:s17] =	ssyncadd.s32 $0xFFFFC000  }
0x22d: {  	[hbm4b:s1+s2] =	stream.linear.scatter [tilespmem:s8], [sflag:$0x9], $0x4000, $0x38;
	[tilespmem:$0x18C00] =	vst v63  }
0x22e: {  	_ =	swait.ge [sflag:s9], $0x4000  }
0x22f: {  	s30 =	sld [smem:$0x7F8]  }
0x230: {  	[sflag:s9] =	ssyncset.done $0x0  }
0x231: {  	[sflag:s9] =	ssyncadd.s32 $0xFFFFC000  }
0x232: {  	[tilespmem:s16], [sflag:$0x1] =	stream.indirect.gather [hbm4b:s3+s7], $0x80, s30, s7, $0xb8;
	[tilespmem:$0x18C00] =	vst v63  }
0x233: {  	_ =	swait.ge [sflag:s18], $0x4000  }
0x234: {  	[sflag:s18] =	ssyncset.done $0x0  }
0x235: {  	s31 =	rddreg [dreg:$0xc];
	[sflag:s18] =	ssyncadd.s32 $0xFFFFC000  }
0x236: {  	[hbm4b:s31+s2] =	stream.linear.scatter [tilespmem:s4], [sflag:$0xA], $0x4000, $0x38;
	[tilespmem:$0x18C00] =	vst v63  }
0x237: {  	_ =	swait.ge [sflag:s10], $0x4000  }
0x238: {  	s1 =	sld [smem:$0x7F9]  }
0x239: {  	[sflag:s10] =	ssyncset.done $0x0  }
0x23a: {  	[sflag:s10] =	ssyncadd.s32 $0xFFFFC000  }
0x23b: {  	[tilespmem:s11], [sflag:$0x2] =	stream.indirect.gather [hbm4b:s3+s7], $0x80, s1, s7, $0xb8;
	[tilespmem:$0x18C00] =	vst v63  }
0x23c: {  	_ =	swait.ge [sflag:s19], $0x4000  }
0x23d: {  	[sflag:s19] =	ssyncset.done $0x0  }
0x23e: {  	s30 =	rddreg [dreg:$0xd];
	[sflag:s19] =	ssyncadd.s32 $0xFFFFC000  }
0x23f: {  	[hbm4b:s30+s2] =	stream.linear.scatter [tilespmem:s5], [sflag:$0xB], $0x4000, $0x38;
	[tilespmem:$0x18C00] =	vst v63  }
0x240: {  	_ =	swait.ge [sflag:s12], $0x4000  }
0x241: {  	s31 =	sld [smem:$0x7FA]  }
0x242: {  	[sflag:s12] =	ssyncset.done $0x0  }
0x243: {  	[sflag:s12] =	ssyncadd.s32 $0xFFFFC000  }
0x244: {  	[tilespmem:s8], [sflag:$0x3] =	stream.indirect.gather [hbm4b:s3+s7], $0x80, s31, s7, $0xb8;
	[tilespmem:$0x18C00] =	vst v63  }
0x245: {  	_ =	swait.ge [sflag:s21], $0x4000  }
0x246: {  	[sflag:s21] =	ssyncset.done $0x0  }
0x247: {  	s1 =	rddreg [dreg:$0xe];
	[sflag:s21] =	ssyncadd.s32 $0xFFFFC000  }
0x248: {  	[hbm4b:s1+s2] =	stream.linear.scatter [tilespmem:s6], [sflag:$0xC], $0x4000, $0x38;
	[tilespmem:$0x18C00] =	vst v63  }
0x249: {  	_ =	swait.ge [sflag:s13], $0x4000  }
0x24a: {  	s30 =	sld [smem:$0x7FB]  }
0x24b: {  	[sflag:s13] =	ssyncset.done $0x0  }
0x24c: {  	[sflag:s13] =	ssyncadd.s32 $0xFFFFC000  }
0x24d: {  	[tilespmem:s4], [sflag:$0x4] =	stream.indirect.gather [hbm4b:s3+s7], $0x80, s30, s7, $0xb8;
	[tilespmem:$0x18C00] =	vst v63  }
0x24e: {  	_ =	swait.ge [sflag:s22], $0x4000  }
0x24f: {  	[sflag:s22] =	ssyncset.done $0x0  }
0x250: {  	s31 =	rddreg [dreg:$0xf];
	[sflag:s22] =	ssyncadd.s32 $0xFFFFC000  }
0x251: {  	[hbm4b:s31+s2] =	stream.linear.scatter [tilespmem:s16], [sflag:$0x7], $0x4000, $0x38;
	[tilespmem:$0x18C00] =	vst v63  }
0x252: {  	_ =	swait.ge [sflag:s14], $0x4000  }
0x253: {  	s1 =	sld [smem:$0x7FC]  }
0x254: {  	[sflag:s14] =	ssyncset.done $0x0  }
0x255: {  	[sflag:s14] =	ssyncadd.s32 $0xFFFFC000  }
0x256: {  	[tilespmem:s5], [sflag:$0x5] =	stream.indirect.gather [hbm4b:s3+s7], $0x80, s1, s7, $0xb8;
	[tilespmem:$0x18C00] =	vst v63  }
0x257: {  	_ =	swait.ge [sflag:s20], $0x4000  }
0x258: {  	[sflag:s20] =	ssyncset.done $0x0  }
0x259: {  	s30 =	rddreg [dreg:$0x10];
	[sflag:s20] =	ssyncadd.s32 $0xFFFFC000  }
0x25a: {  	[hbm4b:s30+s2] =	stream.linear.scatter [tilespmem:s11], [sflag:$0x8], $0x4000, $0x38;
	[tilespmem:$0x18C00] =	vst v63  }
0x25b: {  	_ =	swait.ge [sflag:s15], $0x4000  }
0x25c: {  	s31 =	sld [smem:$0x7FD]  }
0x25d: {  	[sflag:s15] =	ssyncset.done $0x0  }
0x25e: {  	[sflag:s15] =	ssyncadd.s32 $0xFFFFC000  }
0x25f: {  	[tilespmem:s6], [sflag:$0x6] =	stream.indirect.gather [hbm4b:s3+s7], $0x80, s31, s7, $0xb8;
	[tilespmem:$0x18C00] =	vst v63  }
0x260: {  	_ =	swait.ge [sflag:s17], $0x4000  }
0x261: {  	[sflag:s17] =	ssyncset.done $0x0  }
0x262: {  	s1 =	rddreg [dreg:$0x11];
	[sflag:s17] =	ssyncadd.s32 $0xFFFFC000  }
0x263: {  	[hbm4b:s1+s2] =	stream.linear.scatter [tilespmem:s8], [sflag:$0x9], $0x4000, $0x38;
	[tilespmem:$0x18C00] =	vst v63  }
0x264: {  	_ =	swait.ge [sflag:s9], $0x4000  }
0x265: {  	[sflag:s9] =	ssyncset.done $0x0  }
0x266: {  	[sflag:s9] =	ssyncadd.s32 $0xFFFFC000  }
0x267: {  	[tilespmem:s16], [sflag:$0x1] =	stream.indirect.gather [hbm4b:s3+s7], $0x80, s24, s7, $0xb8;
	[tilespmem:$0x18C00] =	vst v63  }
0x268: {  	_ =	swait.ge [sflag:s18], $0x4000  }
0x269: {  	[sflag:s18] =	ssyncset.done $0x0  }
0x26a: {  	s30 =	rddreg [dreg:$0x12];
	[sflag:s18] =	ssyncadd.s32 $0xFFFFC000  }
0x26b: {  	[hbm4b:s30+s2] =	stream.linear.scatter [tilespmem:s4], [sflag:$0xA], $0x4000, $0x38;
	[tilespmem:$0x18C00] =	vst v63  }
0x26c: {  	_ =	swait.ge [sflag:s10], $0x4000  }
0x26d: {  	[sflag:s10] =	ssyncset.done $0x0  }
0x26e: {  	[sflag:s10] =	ssyncadd.s32 $0xFFFFC000  }
0x26f: {  	[tilespmem:s11], [sflag:$0x2] =	stream.indirect.gather [hbm4b:s3+s7], $0x80, s29, s7, $0xb8;
	[tilespmem:$0x18C00] =	vst v63  }
0x270: {  	_ =	swait.ge [sflag:s19], $0x4000  }
0x271: {  	[sflag:s19] =	ssyncset.done $0x0  }
0x272: {  	s31 =	rddreg [dreg:$0x13];
	[sflag:s19] =	ssyncadd.s32 $0xFFFFC000  }
0x273: {  	[hbm4b:s31+s2] =	stream.linear.scatter [tilespmem:s5], [sflag:$0xB], $0x4000, $0x38;
	[tilespmem:$0x18C00] =	vst v63  }
0x274: {  	_ =	swait.ge [sflag:s12], $0x4000  }
0x275: {  	[sflag:s12] =	ssyncset.done $0x0  }
0x276: {  	[sflag:s12] =	ssyncadd.s32 $0xFFFFC000  }
0x277: {  	[tilespmem:s8], [sflag:$0x3] =	stream.indirect.gather [hbm4b:s3+s7], $0x80, s28, s7, $0xb8;
	[tilespmem:$0x18C00] =	vst v63  }
0x278: {  	_ =	swait.ge [sflag:s21], $0x4000  }
0x279: {  	[sflag:s21] =	ssyncset.done $0x0  }
0x27a: {  	s1 =	rddreg [dreg:$0x14];
	[sflag:s21] =	ssyncadd.s32 $0xFFFFC000  }
0x27b: {  	[hbm4b:s1+s2] =	stream.linear.scatter [tilespmem:s6], [sflag:$0xC], $0x4000, $0x38;
	[tilespmem:$0x18C00] =	vst v63  }
0x27c: {  	_ =	swait.ge [sflag:s13], $0x4000  }
0x27d: {  	[sflag:s13] =	ssyncset.done $0x0  }
0x27e: {  	[sflag:s13] =	ssyncadd.s32 $0xFFFFC000  }
0x27f: {  	[tilespmem:s4], [sflag:$0x4] =	stream.indirect.gather [hbm4b:s3+s7], $0x80, s26, s7, $0xb8;
	[tilespmem:$0x18C00] =	vst v63  }
0x280: {  	_ =	swait.ge [sflag:s22], $0x4000  }
0x281: {  	[sflag:s22] =	ssyncset.done $0x0  }
0x282: {  	s24 =	rddreg [dreg:$0x15];
	[sflag:s22] =	ssyncadd.s32 $0xFFFFC000  }
0x283: {  	[hbm4b:s24+s2] =	stream.linear.scatter [tilespmem:s16], [sflag:$0x7], $0x4000, $0x38;
	[tilespmem:$0x18C00] =	vst v63  }
0x284: {  	_ =	swait.ge [sflag:s14], $0x4000  }
0x285: {  	[sflag:s14] =	ssyncset.done $0x0  }
0x286: {  	[sflag:s14] =	ssyncadd.s32 $0xFFFFC000  }
0x287: {  	[tilespmem:s5], [sflag:$0x5] =	stream.indirect.gather [hbm4b:s3+s7], $0x80, s25, s7, $0xb8;
	[tilespmem:$0x18C00] =	vst v63  }
0x288: {  	_ =	swait.ge [sflag:s20], $0x4000  }
0x289: {  	[sflag:s20] =	ssyncset.done $0x0  }
0x28a: {  	s25 =	rddreg [dreg:$0x16];
	[sflag:s20] =	ssyncadd.s32 $0xFFFFC000  }
0x28b: {  	[hbm4b:s25+s2] =	stream.linear.scatter [tilespmem:s11], [sflag:$0x8], $0x4000, $0x38;
	[tilespmem:$0x18C00] =	vst v63  }
0x28c: {  	_ =	swait.ge [sflag:s15], $0x4000  }
0x28d: {  	[sflag:s15] =	ssyncset.done $0x0  }
0x28e: {  	s26 =	simm.s32 $0xB80;
	[sflag:s15] =	ssyncadd.s32 $0xFFFFC000  }
0x28f: {  	[tilespmem:s6], [sflag:$0x6] =	stream.indirect.gather [hbm4b:s3+s7], $0x80, s26, s7, $0xb8;
	[tilespmem:$0x18C00] =	vst v63  }
0x290: {  	_ =	swait.ge [sflag:s17], $0x4000  }
0x291: {  	[sflag:s17] =	ssyncset.done $0x0  }
0x292: {  	s28 =	rddreg [dreg:$0x17];
	[sflag:s17] =	ssyncadd.s32 $0xFFFFC000  }
0x293: {  	[hbm4b:s28+s2] =	stream.linear.scatter [tilespmem:s8], [sflag:$0x9], $0x4000, $0x38;
	[tilespmem:$0x18C00] =	vst v63  }
0x294: {  	_ =	swait.ge [sflag:s18], $0x4000  }
0x295: {  	[sflag:s18] =	ssyncset.done $0x0  }
0x296: {  	s29 =	rddreg [dreg:$0x18];
	[sflag:s18] =	ssyncadd.s32 $0xFFFFC000  }
0x297: {  	[hbm4b:s29+s2] =	stream.linear.scatter [tilespmem:s4], [sflag:$0xA], $0x4000, $0x38;
	[tilespmem:$0x18C00] =	vst v63  }
0x298: {  	_ =	swait.ge [sflag:s19], $0x4000  }
0x299: {  	[sflag:s19] =	ssyncset.done $0x0  }
0x29a: {  	s30 =	rddreg [dreg:$0x19];
	[sflag:s19] =	ssyncadd.s32 $0xFFFFC000  }
0x29b: {  	[hbm4b:s30+s2] =	stream.linear.scatter [tilespmem:s5], [sflag:$0xB], $0x4000, $0x38;
	[tilespmem:$0x18C00] =	vst v63  }
0x29c: {  	_ =	swait.ge [sflag:s21], $0x4000  }
0x29d: {  	[sflag:s21] =	ssyncset.done $0x0  }
0x29e: {  	s31 =	rddreg [dreg:$0x1a];
	[sflag:s21] =	ssyncadd.s32 $0xFFFFC000  }
0x29f: {  	[hbm4b:s31+s2] =	stream.linear.scatter [tilespmem:s6], [sflag:$0xC], $0x4000, $0x38;
	[tilespmem:$0x18C00] =	vst v63  }
0x2a0: {  	_ =	swait.ge [sflag:s9], $0x4000  }
0x2a1: {  	[sflag:s9] =	ssyncset.done $0x0  }
0x2a2: {  	[sflag:s9] =	ssyncadd.s32 $0xFFFFC000  }
0x2a3: {  	_ =	swait.ge [sflag:s10], $0x4000  }
0x2a4: {  	[sflag:s10] =	ssyncset.done $0x0  }
0x2a5: {  	[sflag:s10] =	ssyncadd.s32 $0xFFFFC000  }
0x2a6: {  	_ =	swait.ge [sflag:s12], $0x4000  }
0x2a7: {  	[sflag:s12] =	ssyncset.done $0x0  }
0x2a8: {  	[sflag:s12] =	ssyncadd.s32 $0xFFFFC000  }
0x2a9: {  	_ =	swait.ge [sflag:s13], $0x4000  }
0x2aa: {  	[sflag:s13] =	ssyncset.done $0x0  }
0x2ab: {  	[sflag:s13] =	ssyncadd.s32 $0xFFFFC000  }
0x2ac: {  	_ =	swait.ge [sflag:s14], $0x4000  }
0x2ad: {  	[sflag:s14] =	ssyncset.done $0x0  }
0x2ae: {  	[sflag:s14] =	ssyncadd.s32 $0xFFFFC000  }
0x2af: {  	_ =	swait.ge [sflag:s15], $0x4000  }
0x2b0: {  	[sflag:s15] =	ssyncset.done $0x0  }
0x2b1: {  	[sflag:s15] =	ssyncadd.s32 $0xFFFFC000  }
0x2b2: {  	_ =	sfence.sel $0x180000  }
0x2b3: {  	[bflag:$0x0] =	sbarrier.arrive $0xFFFF  }
0x2b4: {  	_ =	strace $0x90000047  }
0x2b5: {  	[bflag:$0x2] =	sbarrier.arrive $0xFFFF  }
0x2b6: {  	p0 =	sne.s32 s23, $0x0;
	s0 =	rddreg [dreg:$0x2]  }
0x2b7: {  	s0 =	sadd.s32 @!p0 $0x100000, s0  }
0x2b8: {  	[sflag:s0] =	ssyncadd.tile.s32 @!p0 $0x1;
	_ =	shalt  }
.LBB2_1:
.Ltmp3:
0x2b9: {  	(pc) =	sbr.rel .LBB2_6-.Ltmp3, $3  }
0x2ba: {  	_ =	sdelay $0x1  }
0x2bb: {  	s24 =	simm.s32 $0x900;
	s29 =	simm.s32 $0x980  }
0x2bc: {  	s28 =	simm.s32 $0xA00;
	s26 =	simm.s32 $0xA80;
	s25 =	simm.s32 $0xB00  }
.LBB2_3:
.Ltmp4:
0x2bd: {  	(pc) =	sbr.rel .LBB2_6-.Ltmp4, $3  }
0x2be: {  	_ =	sdelay $0x1  }
0x2bf: {  	s24 =	simm.s32 $0x900;
	s29 =	simm.s32 $0x980;
	s28 =	simm.s32 $0xA00  }
0x2c0: {  	s26 =	simm.s32 $0xA80;
	s25 =	simm.s32 $0xB00;
	s23 =	stileid.u32  }
.Lfunc_end2:
_tile_overlayer_lowered:
.L_overlay_start_2:
0x2c1: {  	(tag) =	ssettag $0x2  }
0x2c2: {  	s0 =	rddreg [dreg:$0x0];
	s2 =	stileid.u32  }
0x2c3: {  	s1 =	rddreg [dreg:$0x1];
	p0 =	sne.s32 s2, $0x0  }
0x2c4: {  	s3 =	rddreg [dreg:$0x2];
	[bflag:$0x3] =	sbarrier.arrive $0xFFFF;
	s2 =	simm.s32 @!p0 $0x1C0D  }
0x2c5: {  	[timem:s3], [sflag:s2] =	dma.local @!p0 [hbm:s0], s1  }
0x2c6: {  	s0 =	simm.s32 @!p0 $0xD  }
0x2c7: {  	_ =	swait.ge @!p0 [sflag:s0], s1  }
0x2c8: {  	s1 =	ssub.s32 @!p0 $0x0, s1;
	[sflag:s0] =	ssyncset.done @!p0 $0x0  }
0x2c9: {  	[sflag:s0] =	ssyncadd.s32 @!p0 s1  }
0x2ca: {  	[bflag:$0x3] =	sbarrier.arrive $0xFFFF  }
0x2cb: {  	_ =	shalt  }

// kernel: kernel.9.cloned.1.call-start
scs
__scs_entry_jumppad:
0x0: {  	(pc) =	sbr.rel $0x88, $3  }
0x1: {  	(tag) =	ssettag $0x0;
	lr =	simm.s32 $0x1  }
0x2: {  	[smem:$0x3F95] =	sst lr;
	_ =	strace $0xD0000000  }
0x3: {  	_ = 	snop  }
0x4: {  	_ = 	snop  }
0x5: {  	_ = 	snop  }
0x6: {  	_ = 	snop  }
0x7: {  	_ = 	snop  }
__scs_overlays_trampoline_lowered:
0x8: {  	[smem:$0x3FA4] =	sst s0  }
0x9: {  	[smem:$0x3FA5] =	sst s1  }
0xa: {  	[smem:$0x3FA6] =	sst s2  }
0xb: {  	[smem:$0x3FA7] =	sst s3  }
0xc: {  	[smem:$0x3FA8] =	sst s4  }
0xd: {  	[smem:$0x3FA9] =	sst s5  }
0xe: {  	[smem:$0x3FAA] =	sst s6  }
0xf: {  	[smem:$0x3FAB] =	sst s7  }
0x10: {  	[smem:$0x3FAC] =	sst s8  }
0x11: {  	[smem:$0x3FAD] =	sst s9;
	s0 =	simm.s32 @!p0 $0x0  }
0x12: {  	s1 =	sld [smem:$0x3F93];
	s0 =	simm.s32 @p0 $0x1  }
0x13: {  	[smem:$0x3FAE] =	sst s0;
	s0 =	simm.s32 @!p1 $0x0  }
0x14: {  	s2 =	sld [smem:$0x3F92];
	s0 =	simm.s32 @p1 $0x1  }
0x15: {  	[smem:$0x3FAF] =	sst s0;
	s0 =	simm.s32 @!p2 $0x0  }
0x16: {  	s3 =	sld [smem:$0x3FDB];
	s0 =	simm.s32 @p2 $0x1  }
0x17: {  	s4 =	simm.s32 $0x1BF5;
	[smem:$0x3FB1] =	sst s0  }
0x18: {  	s0 =	sld [smem:$0x3F94];
	_ =	swait.ge [sflag:s4], $0x0  }
0x19: {  	s7 =	sld [smem:$0x3F95]  }
0x1a: {  	s8 =	sadd.s32 $0xFFFFE003, lr  }
0x1b: {  	s9 =	sadd.s32 $0xFFFFFEF7, lr;
	s5 =	simm.s32 $0xFFFFFFFF;
	p2 =	slt.u32 s8, $0xFFFFF086  }
0x1c: {  	p1 =	slt.u32 s9, $0xF7A;
	s5 =	simm.s32 @!p2 $0x0  }
0x1d: {  	s5 =	simm.s32 @p1 $0x1;
	p0 =	seq.s32 s7, s2  }
0x1e: {  	s7 =	smul.u32 @!p0 $0xF7A, s2;
	p2 =	seq.s32 @!p0 s5, $0x0  }
0x1f: {  	s9 =	smul.u32 $0xF7A, s1;
	s8 =	simm.s32 @!p0 $0x1BF5;
	p2 =	por !p2, p0  }
0x20: {  	[sflag:s8] =	ssyncset.s32 @!p0 $0xFFFFF086;
	s6 =	sadd.s32 @!p0 s3, s7;
	s7 =	simm.s32 @!p0 $0x108  }
0x21: {  	s3 =	sadd.s32 s3, s9;
	s6 =	sadd.s32 @!p0 $0x88, s6;
	s7 =	simm.s32 @p2 $0x1082  }
0x22: {  	[simem:s7], [sflag:s8] =	dma.local @!p0 [hbm:s6], $0xF7A  }
0x23: {  	s9 =	sor.u32 $0xD0000000, s2;
	s6 =	simm.s32 $0x108;
	_ =	swait.ge @!p0 [sflag:s8], $0x0  }
0x24: {  	s3 =	sadd.s32 $0x88, s3;
	s6 =	simm.s32 @!p1 $0x1082;
	[sflag:s4] =	ssyncset.s32 $0xFFFFF086  }
0x25: {  	[simem:s6], [sflag:s4] =	dma.local [hbm:s3], $0xF7A  }
0x26: {  	[smem:$0x3F95] =	sst s1;
	(tag) =	ssettag s2;
	_ =	strace s9  }
0x27: {  	s1 =	sld [smem:$0x3FA5]  }
0x28: {  	s2 =	sld [smem:$0x3FA6]  }
0x29: {  	s4 =	sld [smem:$0x3FA8]  }
0x2a: {  	p0 =	seq.s32 s5, $0x0;
	s5 =	sld [smem:$0x3FA9]  }
0x2b: {  	s6 =	sld [smem:$0x3FAA]  }
0x2c: {  	s7 =	sld [smem:$0x3FAB]  }
0x2d: {  	s3 =	simm.s32 $0x108;
	s8 =	sld [smem:$0x3FAC]  }
0x2e: {  	s3 =	simm.s32 @!p0 $0x1082;
	s9 =	sld [smem:$0x3FAD]  }
0x2f: {  	lr =	sadd.s32 s0, s3;
	s0 =	sld [smem:$0x3FA4]  }
0x30: {  	s3 =	sld [smem:$0x3FA7]  }
0x31: {  	[smem:$0x3FB0] =	sst s10  }
0x32: {  	s10 =	sld [smem:$0x3FAE];
	_ =	sdelay $0x3  }
0x33: {  	p0 =	seq.s32 s10, $0x1;
	s10 =	sld [smem:$0x3FB0];
	_ =	sdelay $0x3  }
0x34: {  	[smem:$0x3FB0] =	sst s10  }
0x35: {  	s10 =	sld [smem:$0x3FAF];
	_ =	sdelay $0x3  }
0x36: {  	p1 =	seq.s32 s10, $0x1;
	s10 =	sld [smem:$0x3FB0];
	_ =	sdelay $0x3  }
0x37: {  	[smem:$0x3FB0] =	sst s10  }
0x38: {  	s10 =	sld [smem:$0x3FB1]  }
0x39: {  	_ = 	snop;
	(pc) =	sbr.ind lr, $3  }
0x3a: {  	_ = 	snop  }
0x3b: {  	_ = 	snop  }
0x3c: {  	p2 =	seq.s32 s10, $0x1;
	s10 =	sld [smem:$0x3FB0]  }
0x3d: {  	_ =	shalt  }
0x3e: {  	_ =	shalt  }
0x3f: {  	_ =	shalt  }
0x40: {  	_ =	shalt  }
0x41: {  	_ =	shalt  }
0x42: {  	_ =	shalt  }
0x43: {  	_ =	shalt  }
0x44: {  	_ =	shalt  }
0x45: {  	_ =	shalt  }
0x46: {  	_ =	shalt  }
0x47: {  	_ =	shalt  }
0x48: {  	_ =	shalt  }
0x49: {  	_ =	shalt  }
0x4a: {  	_ =	shalt  }
0x4b: {  	_ =	shalt  }
0x4c: {  	_ =	shalt  }
0x4d: {  	_ =	shalt  }
0x4e: {  	_ =	shalt  }
0x4f: {  	_ =	shalt  }
0x50: {  	_ =	shalt  }
0x51: {  	_ =	shalt  }
0x52: {  	_ =	shalt  }
0x53: {  	_ =	shalt  }
0x54: {  	_ =	shalt  }
0x55: {  	_ =	shalt  }
0x56: {  	_ =	shalt  }
0x57: {  	_ =	shalt  }
0x58: {  	_ =	shalt  }
0x59: {  	_ =	shalt  }
0x5a: {  	_ =	shalt  }
0x5b: {  	_ =	shalt  }
0x5c: {  	_ =	shalt  }
0x5d: {  	_ =	shalt  }
0x5e: {  	_ =	shalt  }
0x5f: {  	_ =	shalt  }
0x60: {  	_ =	shalt  }
0x61: {  	_ =	shalt  }
0x62: {  	_ =	shalt  }
0x63: {  	_ =	shalt  }
0x64: {  	_ =	shalt  }
0x65: {  	_ =	shalt  }
0x66: {  	_ =	shalt  }
0x67: {  	_ =	shalt  }
0x68: {  	_ =	shalt  }
0x69: {  	_ =	shalt  }
0x6a: {  	_ =	shalt  }
0x6b: {  	_ =	shalt  }
0x6c: {  	_ =	shalt  }
0x6d: {  	_ =	shalt  }
0x6e: {  	_ =	shalt  }
0x6f: {  	_ =	shalt  }
0x70: {  	_ =	shalt  }
0x71: {  	_ =	shalt  }
0x72: {  	_ =	shalt  }
0x73: {  	_ =	shalt  }
0x74: {  	_ =	shalt  }
0x75: {  	_ =	shalt  }
0x76: {  	_ =	shalt  }
0x77: {  	_ =	shalt  }
0x78: {  	_ =	shalt  }
0x79: {  	_ =	shalt  }
0x7a: {  	_ =	shalt  }
0x7b: {  	_ =	shalt  }
0x7c: {  	_ =	shalt  }
0x7d: {  	_ =	shalt  }
0x7e: {  	_ =	shalt  }
0x7f: {  	_ =	shalt  }
0x80: {  	_ =	shalt  }
0x81: {  	_ =	shalt  }
0x82: {  	_ =	shalt  }
0x83: {  	_ =	shalt  }
0x84: {  	_ =	shalt  }
0x85: {  	_ =	shalt  }
0x86: {  	_ =	shalt  }
0x87: {  	_ =	shalt  }
.Lfunc_end0:
.L_simem_size_0:
called_computation_lowered:
.L_overlay_start_0:
0x88: {  	s2 =	sld [smem:$0x3FD9]  }
0x89: {  	s3 =	sld [smem:$0x3FFE];
	_ =	sdelay $0x1  }
0x8a: {  	s1 =	srdreg.scid  }
0x8b: {  	s0 =	sand.u32 $0x1, s1  }
0x8c: {  	s17 =	sshll.u32 s0, $0xA;
	s2 =	sadd.s32 s3, s2  }
0x8d: {  	s2 =	sadd.s32 s2, s17  }
0x8e: {  	[smem:$0x3FBC] =	sst s2  }
0x8f: {  	_ = 	snop  }
0x90: {  	s18 =	sld [smem:$0x3FC2]  }
0x91: {  	s4 =	sld [smem:$0x3FD0];
	(tm) =	ssettm $0x1  }
0x92: {  	s19 =	sld [smem:$0x3FFB];
	_ =	sdelay $0x3  }
0x93: {  	_ =	strace s19  }
0x94: {  	s2 =	sld [smem:$0x3FFC];
	_ =	sdelay $0x3  }
0x95: {  	_ =	strace s2  }
0x96: {  	s2 =	sld [smem:$0x3FFD];
	_ =	sdelay $0x3  }
0x97: {  	_ =	strace s2  }
0x98: {  	_ =	strace $0x8FFFFFFF  }
0x99: {  	s20 =	sld [smem:$0x3FDB];
	_ =	sdelay $0x1  }
0x9a: {  	s5 =	simm.s32 $_scs_section_size  }
0x9b: {  	s6 =	simm.s32 $_size__tile_overlayer_lowered;
	s7 =	simm.s32 $_tile_overlayer_lowered  }
0x9c: {  	s8 =	simm.s32 $0x1BFF;
	s21 =	sshll.u32 s7, $0x1;
	s5 =	sadd.s32 s5, s20  }
0x9d: {  	s22 =	simm.s32 $0x0;
	s6 =	sshll.u32 s6, $0x1;
	s7 =	sadd.s32 s21, s5  }
0x9e: {  	[timem:s22], [sflag:s8] =	dma.local [hbm:s7], s6  }
0x9f: {  	_ =	swait.ge [sflag:s8], s6  }
0xa0: {  	s6 =	ssub.s32 $0x0, s6;
	[sflag:s8] =	ssyncset.done $0x0  }
0xa1: {  	[sflag:s8] =	ssyncadd.s32 s6;
	_ =	sdelay $0x1  }
0xa2: {  	s23 =	simm.s32 $0x1B8B  }
0xa3: {  	_ =	swait.ge [sflag:s23], $0x1  }
0xa4: {  	[sflag:s23] =	ssyncset.done $0x0  }
0xa5: {  	[sflag:s23] =	ssyncadd.s32 $0xFFFFFFFF  }
0xa6: {  	s6 =	sld [smem:$0x0]  }
0xa7: {  	s7 =	sand.u32 $0xFFFFFFFE, s1  }
0xa8: {  	p0 =	sne.s32 s1, s7  }
0xa9: {  	s7 =	sshll.u32 @p0 s7, $0xE  }
0xaa: {  	s7 =	sadd.s32 @p0 $0x11B8D, s7;
	s8 =	sshll.u32 @p0 s6, $0x11  }
0xab: {  	s7 =	sor.u32 @p0 s8, s7  }
0xac: {  	[sflag:s7] =	ssyncadd.remote.s32 @p0 $0x1;
	_ =	sdelay $0x1  }
0xad: {  	s7 =	simm.s32 @p0 $0x1B8D  }
0xae: {  	_ =	swait.eq @p0 [sflag:s7], $0x1  }
0xaf: {  	[sflag:s7] =	ssyncadd.s32 @p0 $0xFFFFFFFF  }
0xb0: {  	s8 =	sshll.u32 @!p0 s1, $0xE  }
0xb1: {  	s8 =	sor.u32 @!p0 $0x4000, s8;
	s7 =	simm.s32 @!p0 $0x1B8D  }
0xb2: {  	s6 =	sshll.u32 @!p0 s6, $0x11;
	s8 =	sadd.s32 @!p0 $0x11B8D, s8;
	_ =	swait.eq @!p0 [sflag:s7], $0x1  }
0xb3: {  	s6 =	sor.u32 @!p0 s6, s8;
	[sflag:s7] =	ssyncadd.s32 @!p0 $0xFFFFFFFF  }
0xb4: {  	s25 =	simm.s32 $0x1B8E;
	s24 =	sld [smem:$0x3FFE];
	[sflag:s6] =	ssyncadd.remote.s32 @!p0 $0x1  }
0xb5: {  	s26 =	simm.s32 $execute0_lowered;
	[smem:$0x3FD2] =	sst s25  }
0xb6: {  	s7 =	sshll.u32 s26, $0x1;
	_ =	strace $0x80000049;
	[dreg:$0x1] =	wrdreg $0xFFFFFFFF  }
0xb7: {  	s28 =	simm.s32 $_size_execute0_lowered;
	s5 =	sadd.s32 s5, s7;
	[dreg:$0x0] =	wrdreg $0x0  }
0xb8: {  	s7 =	sshll.u32 s28, $0x1;
	[dreg:$0x2] =	wrdreg s5  }
0xb9: {  	[dreg:$0x3] =	wrdreg s7  }
0xba: {  	[dreg:$0x4] =	wrdreg $0xC0  }
0xbb: {  	_ =	task [dreg:s22], $0x5FFFF  }
0xbc: {  	[dreg:$0x1] =	wrdreg $0xFFFFFFFF  }
0xbd: {  	[dreg:$0x0] =	wrdreg $0x60  }
0xbe: {  	[dreg:$0x2] =	wrdreg s18  }
0xbf: {  	[dreg:$0x3] =	wrdreg s4  }
0xc0: {  	[dreg:$0x4] =	wrdreg s24  }
0xc1: {  	[dreg:$0x5] =	wrdreg $0x9  }
0xc2: {  	_ =	task.clear_ibuf [dreg:s22], $0x6FFFF;
	_ =	strace $0x90000049  }
0xc3: {  	s29 =	simm.s32 $0x9;
	_ =	strace $0x8000004B  }
0xc4: {  	_ =	swait.ge [sflag:s29], $0x1  }
0xc5: {  	[sflag:s29] =	ssyncadd.s32 $0xFFFFFFFF  }
0xc6: {  	_ =	strace $0x9000004B  }
0xc7: {  	_ =	sfence  }
0xc8: {  	s30 =	sld [smem:$0x0];
	_ =	sdelay $0x2  }
0xc9: {  	s31 =	sshll.u32 s1, $0xD;
	s1 =	sshrl.u32 s1, $0x2  }
0xca: {  	s4 =	sand.u32 $0x4000, s31;
	s1 =	sadd.s32 s1, s30  }
0xcb: {  	s0 =	sor.u32 s4, s0;
	s1 =	sshll.u32 s1, $0x11  }
0xcc: {  	s0 =	sor.u32 s1, s0  }
0xcd: {  	s0 =	sadd.s32 $0x8F2B, s0  }
0xce: {  	[sflag:s0] =	ssyncadd.remote.s32 $0x1  }
0xcf: {  	_ =	sfence.sel $0xFFFF  }
0xd0: {  	[dreg:$0x0] =	wrdreg $0xFFFFFFFF;
	(pc) =	sbr.abs _section_cstart, $3  }
0xd1: {  	[dreg:$0x1] =	wrdreg $0xFFFFFFFF  }
0xd2: {  	_ =	task.clear_ibuf [dreg:s22], $0x2FFFF;
	_ =	strace $0x9FFFFFFF  }
0xd3: {  	(tm) =	ssettm $0x7FFFFFFF  }
tec
execute0_lowered:
.L_overlay_start_1:
0x0: {  	(tag) =	ssettag $0x1  }
0x1: {  	s0 =	srdreg.scid;
	s23 =	stileid.u32  }
0x2: {  	s0 =	sand.u32 $0x1, s0;
	s1 =	sshll.u32 s23, $0x1  }
0x3: {  	s1 =	sor.u32 s0, s1  }
0x4: {  	s3 =	rddreg [dreg:$0x0];
	s6 =	smul.u32 $0x180, s1  }
0x5: {  	s5 =	rddreg [dreg:$0x2];
	s7 =	smul.u32 $0xC000, s1  }
0x6: {  	s4 =	rddreg [dreg:$0x1];
	s2 =	simm.s32 $0x0;
	s5 =	sadd.s32 $0x1AD800, s5  }
0x7: {  	[smem:$0x7FF] =	sst s2;
	s4 =	sadd.s32 s4, s6;
	s30 =	sadd.s32 s5, s7  }
0x8: {  	_ =	strace $0x8000004A;
	[dreg:$0x4] =	wrdreg s4;
	s15 =	sadd.s32 $0x800, s30  }
0x9: {  	s16 =	sadd.s32 $0x1000, s30;
	[dreg:$0x5] =	wrdreg s15  }
0xa: {  	s17 =	sadd.s32 $0x1800, s30;
	[dreg:$0x6] =	wrdreg s16  }
0xb: {  	s1 =	smul.u32 $0x60000, s1;
	s18 =	sadd.s32 $0x2000, s30;
	[dreg:$0x7] =	wrdreg s17  }
0xc: {  	s19 =	sadd.s32 $0x2800, s30;
	[dreg:$0x8] =	wrdreg s18  }
0xd: {  	s1 =	sshrl.u32 s1, $0x3;
	s20 =	sadd.s32 $0x3000, s30;
	[dreg:$0x9] =	wrdreg s19  }
0xe: {  	s21 =	sadd.s32 $0x3800, s30;
	s1 =	sadd.s32 s5, s1;
	[dreg:$0xa] =	wrdreg s20  }
0xf: {  	[dreg:$0xb] =	wrdreg s21;
	s22 =	sadd.s32 $0x4000, s1  }
0x10: {  	s24 =	sadd.s32 $0x4800, s1;
	[dreg:$0xc] =	wrdreg s22  }
0x11: {  	s25 =	sadd.s32 $0x5000, s1;
	[dreg:$0xd] =	wrdreg s24  }
0x12: {  	s26 =	sadd.s32 $0x5800, s1;
	[dreg:$0xe] =	wrdreg s25  }
0x13: {  	s5 =	sadd.s32 $0x6000, s1;
	[dreg:$0xf] =	wrdreg s26  }
0x14: {  	s6 =	sadd.s32 $0x6800, s1;
	[dreg:$0x10] =	wrdreg s5  }
0x15: {  	s31 =	simm.s32 $0xD;
	s7 =	sadd.s32 $0x7000, s1;
	[dreg:$0x11] =	wrdreg s6  }
0x16: {  	p0 =	por $0x0, $0x0;
	s8 =	sadd.s32 $0x7800, s1;
	[dreg:$0x12] =	wrdreg s7  }
0x17: {  	s29 =	simm.s32 $0x980;
	s9 =	sadd.s32 $0x8000, s1;
	[dreg:$0x13] =	wrdreg s8  }
0x18: {  	s28 =	simm.s32 $0xA00;
	s10 =	sadd.s32 $0x8800, s1;
	[dreg:$0x14] =	wrdreg s9  }
0x19: {  	s0 =	ssub.s32 $0x2, s0;
	s11 =	sadd.s32 $0x9000, s1;
	[dreg:$0x15] =	wrdreg s10  }
0x1a: {  	s4 =	simm.s32 $0xCC00;
	s12 =	sadd.s32 $0x9800, s1;
	[dreg:$0x16] =	wrdreg s11  }
0x1b: {  	s13 =	sadd.s32 $0xA000, s1;
	s14 =	sadd.s32 $0xA800, s1;
	[dreg:$0x17] =	wrdreg s12  }
0x1c: {  	s15 =	sadd.s32 $0xB000, s1;
	s16 =	sshrl.u32 s0, $0x1;
	[dreg:$0x18] =	wrdreg s13  }
0x1d: {  	s1 =	sadd.s32 $0xB800, s1;
	s17 =	simm.s32 $0x100;
	[dreg:$0x19] =	wrdreg s14  }
0x1e: {  	s18 =	simm.s32 $0x180;
	s19 =	simm.s32 $0x200;
	[dreg:$0x1a] =	wrdreg s15  }
0x1f: {  	s20 =	simm.s32 $0x280;
	s21 =	simm.s32 $0x300;
	[dreg:$0x1b] =	wrdreg s1  }
0x20: {  	s0 =	ssub.s32 s0, s16;
	s7 =	simm.s32 $0x80;
	[dreg:$0x1c] =	wrdreg s17  }
0x21: {  	s16 =	simm.s32 $0xC00;
	s11 =	simm.s32 $0x4C00;
	[dreg:$0x1d] =	wrdreg s18  }
0x22: {  	s8 =	simm.s32 $0x8C00;
	s22 =	simm.s32 $0x1;
	[dreg:$0x1e] =	wrdreg s19  }
0x23: {  	s5 =	simm.s32 $0x10C00;
	[dreg:$0x1f] =	wrdreg s20;
	s20 =	simm.s32 $0x2  }
0x24: {  	[smem:$0x7F2] =	sst s21;
	s24 =	simm.s32 $0x380;
	s6 =	simm.s32 $0x14C00  }
0x25: {  	s25 =	simm.s32 $0x400;
	s17 =	simm.s32 $0x3;
	[smem:$0x7F3] =	sst s24  }
0x26: {  	s26 =	simm.s32 $0x480;
	s9 =	simm.s32 $0x7;
	[smem:$0x7F4] =	sst s25  }
0x27: {  	s10 =	simm.s32 $0x500;
	s18 =	simm.s32 $0x4;
	[smem:$0x7F5] =	sst s26  }
0x28: {  	s12 =	simm.s32 $0x580;
	s13 =	simm.s32 $0x600;
	[smem:$0x7F6] =	sst s10  }
0x29: {  	s19 =	simm.s32 $0x5;
	s14 =	simm.s32 $0x680;
	[smem:$0x7F7] =	sst s12  }
0x2a: {  	s15 =	simm.s32 $0x700;
	s21 =	simm.s32 $0x6;
	[smem:$0x7F8] =	sst s13  }
0x2b: {  	s0 =	smax.u32 s0, $0x1;
	s10 =	simm.s32 $0x8;
	[smem:$0x7F9] =	sst s14  }
0x2c: {  	s12 =	simm.s32 $0x9;
	[smem:$0x7FA] =	sst s15;
	p1 =	sne.s32 s0, $0x1  }
.Ltmp0:
0x2d: {  	s24 =	simm.s32 $0x780;
	s13 =	simm.s32 $0xA;
	(pc) =	sbr.rel @!p1 .LBB2_1-.Ltmp0, $4  }
0x2e: {  	s25 =	simm.s32 $0x800;
	s14 =	simm.s32 $0xB;
	[smem:$0x7FB] =	sst s24  }
0x2f: {  	s26 =	simm.s32 $0x880;
	s15 =	simm.s32 $0xC;
	[smem:$0x7FC] =	sst s25  }
0x30: {  	[smem:$0x7FD] =	sst s26;
	s1 =	sadd.s32 $0xFFFFFFFF, s0;
	s26 =	simm.s32 $0xA80  }
0x31: {  	s25 =	simm.s32 $0xB00;
	s24 =	simm.s32 $0xB80;
	s0 =	rddreg [dreg:$0x4]  }
0x32: {  	[tilespmem:s2], [sflag:$0xD] =	stream.linear.gather [hbm4b:s0+s2], $0xC00, $0x38;
	[tilespmem:$0x18C00] =	vst v63  }
0x33: {  	_ =	swait.ge [sflag:s31], $0xC00  }
0x34: {  	[sflag:s31] =	ssyncset.done $0x0  }
0x35: {  	[sflag:s31] =	ssyncadd.s32 $0xFFFFF400  }
0x36: {  	[tilespmem:s16], [sflag:$0x1] =	stream.indirect.gather [hbm4b:s3+s7], $0x80, s2, s7, $0xb8;
	[tilespmem:$0x18C00] =	vst v63  }
0x37: {  	_ = 	snop  }
0x38: {  	[tilespmem:s11], [sflag:$0x2] =	stream.indirect.gather [hbm4b:s3+s7], $0x80, s7, s7, $0xb8;
	[tilespmem:$0x18C00] =	vst v63  }
0x39: {  	s0 =	rddreg [dreg:$0x1c]  }
0x3a: {  	[tilespmem:s8], [sflag:$0x3] =	stream.indirect.gather [hbm4b:s3+s7], $0x80, s0, s7, $0xb8;
	[tilespmem:$0x18C00] =	vst v63  }
0x3b: {  	s23 =	smov.u32 s1;
	s1 =	rddreg [dreg:$0x1d]  }
0x3c: {  	[tilespmem:s4], [sflag:$0x4] =	stream.indirect.gather [hbm4b:s3+s7], $0x80, s1, s7, $0xb8;
	[tilespmem:$0x18C00] =	vst v63  }
0x3d: {  	_ =	swait.ge [sflag:s22], $0x4000  }
0x3e: {  	[sflag:s22] =	ssyncset.done $0x0  }
0x3f: {  	[sflag:s22] =	ssyncadd.s32 $0xFFFFC000  }
0x40: {  	[hbm4b:s30+s2] =	stream.linear.scatter [tilespmem:s16], [sflag:$0x7], $0x4000, $0x38;
	[tilespmem:$0x18C00] =	vst v63  }
0x41: {  	s1 =	rddreg [dreg:$0x1e]  }
0x42: {  	[tilespmem:s5], [sflag:$0x5] =	stream.indirect.gather [hbm4b:s3+s7], $0x80, s1, s7, $0xb8;
	[tilespmem:$0x18C00] =	vst v63  }
0x43: {  	_ =	swait.ge [sflag:s20], $0x4000  }
0x44: {  	[sflag:s20] =	ssyncset.done $0x0  }
0x45: {  	s0 =	rddreg [dreg:$0x5];
	[sflag:s20] =	ssyncadd.s32 $0xFFFFC000  }
0x46: {  	[hbm4b:s0+s2] =	stream.linear.scatter [tilespmem:s11], [sflag:$0x8], $0x4000, $0x38;
	[tilespmem:$0x18C00] =	vst v63  }
0x47: {  	s1 =	rddreg [dreg:$0x1f]  }
0x48: {  	[tilespmem:s6], [sflag:$0x6] =	stream.indirect.gather [hbm4b:s3+s7], $0x80, s1, s7, $0xb8;
	[tilespmem:$0x18C00] =	vst v63  }
0x49: {  	_ =	swait.ge [sflag:s17], $0x4000  }
0x4a: {  	[sflag:s17] =	ssyncset.done $0x0  }
0x4b: {  	s1 =	rddreg [dreg:$0x6];
	[sflag:s17] =	ssyncadd.s32 $0xFFFFC000  }
0x4c: {  	[hbm4b:s1+s2] =	stream.linear.scatter [tilespmem:s8], [sflag:$0x9], $0x4000, $0x38;
	[tilespmem:$0x18C00] =	vst v63  }
0x4d: {  	_ =	swait.ge [sflag:s9], $0x4000  }
0x4e: {  	s1 =	sld [smem:$0x7F2]  }
0x4f: {  	[sflag:s9] =	ssyncset.done $0x0  }
0x50: {  	[sflag:s9] =	ssyncadd.s32 $0xFFFFC000  }
0x51: {  	[tilespmem:s16], [sflag:$0x1] =	stream.indirect.gather [hbm4b:s3+s7], $0x80, s1, s7, $0xb8;
	[tilespmem:$0x18C00] =	vst v63  }
0x52: {  	_ =	swait.ge [sflag:s18], $0x4000  }
0x53: {  	[sflag:s18] =	ssyncset.done $0x0  }
0x54: {  	s1 =	rddreg [dreg:$0x7];
	[sflag:s18] =	ssyncadd.s32 $0xFFFFC000  }
0x55: {  	[hbm4b:s1+s2] =	stream.linear.scatter [tilespmem:s4], [sflag:$0xA], $0x4000, $0x38;
	[tilespmem:$0x18C00] =	vst v63  }
0x56: {  	_ =	swait.ge [sflag:s10], $0x4000  }
0x57: {  	s1 =	sld [smem:$0x7F3]  }
0x58: {  	[sflag:s10] =	ssyncset.done $0x0  }
0x59: {  	[sflag:s10] =	ssyncadd.s32 $0xFFFFC000  }
0x5a: {  	[tilespmem:s11], [sflag:$0x2] =	stream.indirect.gather [hbm4b:s3+s7], $0x80, s1, s7, $0xb8;
	[tilespmem:$0x18C00] =	vst v63  }
0x5b: {  	_ =	swait.ge [sflag:s19], $0x4000  }
0x5c: {  	[sflag:s19] =	ssyncset.done $0x0  }
0x5d: {  	s1 =	rddreg [dreg:$0x8];
	[sflag:s19] =	ssyncadd.s32 $0xFFFFC000  }
0x5e: {  	[hbm4b:s1+s2] =	stream.linear.scatter [tilespmem:s5], [sflag:$0xB], $0x4000, $0x38;
	[tilespmem:$0x18C00] =	vst v63  }
0x5f: {  	_ =	swait.ge [sflag:s12], $0x4000  }
0x60: {  	s1 =	sld [smem:$0x7F4]  }
0x61: {  	[sflag:s12] =	ssyncset.done $0x0  }
0x62: {  	[sflag:s12] =	ssyncadd.s32 $0xFFFFC000  }
0x63: {  	[tilespmem:s8], [sflag:$0x3] =	stream.indirect.gather [hbm4b:s3+s7], $0x80, s1, s7, $0xb8;
	[tilespmem:$0x18C00] =	vst v63  }
0x64: {  	_ =	swait.ge [sflag:s21], $0x4000  }
0x65: {  	[sflag:s21] =	ssyncset.done $0x0  }
0x66: {  	s1 =	rddreg [dreg:$0x9];
	[sflag:s21] =	ssyncadd.s32 $0xFFFFC000  }
0x67: {  	[hbm4b:s1+s2] =	stream.linear.scatter [tilespmem:s6], [sflag:$0xC], $0x4000, $0x38;
	[tilespmem:$0x18C00] =	vst v63  }
0x68: {  	_ =	swait.ge [sflag:s13], $0x4000  }
0x69: {  	s1 =	sld [smem:$0x7F5]  }
0x6a: {  	[sflag:s13] =	ssyncset.done $0x0  }
0x6b: {  	[sflag:s13] =	ssyncadd.s32 $0xFFFFC000  }
0x6c: {  	[tilespmem:s4], [sflag:$0x4] =	stream.indirect.gather [hbm4b:s3+s7], $0x80, s1, s7, $0xb8;
	[tilespmem:$0x18C00] =	vst v63  }
0x6d: {  	_ =	swait.ge [sflag:s22], $0x4000  }
0x6e: {  	[sflag:s22] =	ssyncset.done $0x0  }
0x6f: {  	s1 =	rddreg [dreg:$0xa];
	[sflag:s22] =	ssyncadd.s32 $0xFFFFC000  }
0x70: {  	[hbm4b:s1+s2] =	stream.linear.scatter [tilespmem:s16], [sflag:$0x7], $0x4000, $0x38;
	[tilespmem:$0x18C00] =	vst v63  }
0x71: {  	_ =	swait.ge [sflag:s14], $0x4000  }
0x72: {  	s1 =	sld [smem:$0x7F6]  }
0x73: {  	[sflag:s14] =	ssyncset.done $0x0  }
0x74: {  	[sflag:s14] =	ssyncadd.s32 $0xFFFFC000  }
0x75: {  	[tilespmem:s5], [sflag:$0x5] =	stream.indirect.gather [hbm4b:s3+s7], $0x80, s1, s7, $0xb8;
	[tilespmem:$0x18C00] =	vst v63  }
0x76: {  	_ =	swait.ge [sflag:s20], $0x4000  }
0x77: {  	[sflag:s20] =	ssyncset.done $0x0  }
0x78: {  	s1 =	rddreg [dreg:$0xb];
	[sflag:s20] =	ssyncadd.s32 $0xFFFFC000  }
0x79: {  	[hbm4b:s1+s2] =	stream.linear.scatter [tilespmem:s11], [sflag:$0x8], $0x4000, $0x38;
	[tilespmem:$0x18C00] =	vst v63  }
0x7a: {  	_ =	swait.ge [sflag:s15], $0x4000  }
0x7b: {  	s1 =	sld [smem:$0x7F7]  }
0x7c: {  	[sflag:s15] =	ssyncset.done $0x0  }
0x7d: {  	[sflag:s15] =	ssyncadd.s32 $0xFFFFC000  }
0x7e: {  	[tilespmem:s6], [sflag:$0x6] =	stream.indirect.gather [hbm4b:s3+s7], $0x80, s1, s7, $0xb8;
	[tilespmem:$0x18C00] =	vst v63  }
0x7f: {  	_ =	swait.ge [sflag:s17], $0x4000  }
0x80: {  	[sflag:s17] =	ssyncset.done $0x0  }
0x81: {  	s1 =	rddreg [dreg:$0xc];
	[sflag:s17] =	ssyncadd.s32 $0xFFFFC000  }
0x82: {  	[hbm4b:s1+s2] =	stream.linear.scatter [tilespmem:s8], [sflag:$0x9], $0x4000, $0x38;
	[tilespmem:$0x18C00] =	vst v63  }
0x83: {  	_ =	swait.ge [sflag:s9], $0x4000  }
0x84: {  	s1 =	sld [smem:$0x7F8]  }
0x85: {  	[sflag:s9] =	ssyncset.done $0x0  }
0x86: {  	[sflag:s9] =	ssyncadd.s32 $0xFFFFC000  }
0x87: {  	[tilespmem:s16], [sflag:$0x1] =	stream.indirect.gather [hbm4b:s3+s7], $0x80, s1, s7, $0xb8;
	[tilespmem:$0x18C00] =	vst v63  }
0x88: {  	_ =	swait.ge [sflag:s18], $0x4000  }
0x89: {  	[sflag:s18] =	ssyncset.done $0x0  }
0x8a: {  	s1 =	rddreg [dreg:$0xd];
	[sflag:s18] =	ssyncadd.s32 $0xFFFFC000  }
0x8b: {  	[hbm4b:s1+s2] =	stream.linear.scatter [tilespmem:s4], [sflag:$0xA], $0x4000, $0x38;
	[tilespmem:$0x18C00] =	vst v63  }
0x8c: {  	_ =	swait.ge [sflag:s10], $0x4000  }
0x8d: {  	s1 =	sld [smem:$0x7F9]  }
0x8e: {  	[sflag:s10] =	ssyncset.done $0x0  }
0x8f: {  	[sflag:s10] =	ssyncadd.s32 $0xFFFFC000  }
0x90: {  	[tilespmem:s11], [sflag:$0x2] =	stream.indirect.gather [hbm4b:s3+s7], $0x80, s1, s7, $0xb8;
	[tilespmem:$0x18C00] =	vst v63  }
0x91: {  	_ =	swait.ge [sflag:s19], $0x4000  }
0x92: {  	[sflag:s19] =	ssyncset.done $0x0  }
0x93: {  	s1 =	rddreg [dreg:$0xe];
	[sflag:s19] =	ssyncadd.s32 $0xFFFFC000  }
0x94: {  	[hbm4b:s1+s2] =	stream.linear.scatter [tilespmem:s5], [sflag:$0xB], $0x4000, $0x38;
	[tilespmem:$0x18C00] =	vst v63  }
0x95: {  	_ =	swait.ge [sflag:s12], $0x4000  }
0x96: {  	s1 =	sld [smem:$0x7FA]  }
0x97: {  	[sflag:s12] =	ssyncset.done $0x0  }
0x98: {  	[sflag:s12] =	ssyncadd.s32 $0xFFFFC000  }
0x99: {  	[tilespmem:s8], [sflag:$0x3] =	stream.indirect.gather [hbm4b:s3+s7], $0x80, s1, s7, $0xb8;
	[tilespmem:$0x18C00] =	vst v63  }
0x9a: {  	_ =	swait.ge [sflag:s21], $0x4000  }
0x9b: {  	[sflag:s21] =	ssyncset.done $0x0  }
0x9c: {  	s1 =	rddreg [dreg:$0xf];
	[sflag:s21] =	ssyncadd.s32 $0xFFFFC000  }
0x9d: {  	[hbm4b:s1+s2] =	stream.linear.scatter [tilespmem:s6], [sflag:$0xC], $0x4000, $0x38;
	[tilespmem:$0x18C00] =	vst v63  }
0x9e: {  	_ =	swait.ge [sflag:s13], $0x4000  }
0x9f: {  	s1 =	sld [smem:$0x7FB]  }
0xa0: {  	[sflag:s13] =	ssyncset.done $0x0  }
0xa1: {  	[sflag:s13] =	ssyncadd.s32 $0xFFFFC000  }
0xa2: {  	[tilespmem:s4], [sflag:$0x4] =	stream.indirect.gather [hbm4b:s3+s7], $0x80, s1, s7, $0xb8;
	[tilespmem:$0x18C00] =	vst v63  }
0xa3: {  	_ =	swait.ge [sflag:s22], $0x4000  }
0xa4: {  	[sflag:s22] =	ssyncset.done $0x0  }
0xa5: {  	s1 =	rddreg [dreg:$0x10];
	[sflag:s22] =	ssyncadd.s32 $0xFFFFC000  }
0xa6: {  	[hbm4b:s1+s2] =	stream.linear.scatter [tilespmem:s16], [sflag:$0x7], $0x4000, $0x38;
	[tilespmem:$0x18C00] =	vst v63  }
0xa7: {  	_ =	swait.ge [sflag:s14], $0x4000  }
0xa8: {  	s1 =	sld [smem:$0x7FC]  }
0xa9: {  	[sflag:s14] =	ssyncset.done $0x0  }
0xaa: {  	[sflag:s14] =	ssyncadd.s32 $0xFFFFC000  }
0xab: {  	[tilespmem:s5], [sflag:$0x5] =	stream.indirect.gather [hbm4b:s3+s7], $0x80, s1, s7, $0xb8;
	[tilespmem:$0x18C00] =	vst v63  }
0xac: {  	_ =	swait.ge [sflag:s20], $0x4000  }
0xad: {  	[sflag:s20] =	ssyncset.done $0x0  }
0xae: {  	s1 =	rddreg [dreg:$0x11];
	[sflag:s20] =	ssyncadd.s32 $0xFFFFC000  }
0xaf: {  	[hbm4b:s1+s2] =	stream.linear.scatter [tilespmem:s11], [sflag:$0x8], $0x4000, $0x38;
	[tilespmem:$0x18C00] =	vst v63  }
0xb0: {  	_ =	swait.ge [sflag:s15], $0x4000  }
0xb1: {  	s1 =	sld [smem:$0x7FD]  }
0xb2: {  	[sflag:s15] =	ssyncset.done $0x0  }
0xb3: {  	[sflag:s15] =	ssyncadd.s32 $0xFFFFC000  }
0xb4: {  	[tilespmem:s6], [sflag:$0x6] =	stream.indirect.gather [hbm4b:s3+s7], $0x80, s1, s7, $0xb8;
	[tilespmem:$0x18C00] =	vst v63  }
0xb5: {  	_ =	swait.ge [sflag:s17], $0x4000  }
0xb6: {  	[sflag:s17] =	ssyncset.done $0x0  }
0xb7: {  	s1 =	rddreg [dreg:$0x12];
	[sflag:s17] =	ssyncadd.s32 $0xFFFFC000  }
0xb8: {  	[hbm4b:s1+s2] =	stream.linear.scatter [tilespmem:s8], [sflag:$0x9], $0x4000, $0x38;
	[tilespmem:$0x18C00] =	vst v63  }
0xb9: {  	_ =	swait.ge [sflag:s9], $0x4000  }
0xba: {  	[sflag:s9] =	ssyncset.done $0x0  }
0xbb: {  	s1 =	simm.s32 $0x900;
	[sflag:s9] =	ssyncadd.s32 $0xFFFFC000  }
0xbc: {  	[tilespmem:s16], [sflag:$0x1] =	stream.indirect.gather [hbm4b:s3+s7], $0x80, s1, s7, $0xb8;
	[tilespmem:$0x18C00] =	vst v63  }
0xbd: {  	_ =	swait.ge [sflag:s18], $0x4000  }
0xbe: {  	[sflag:s18] =	ssyncset.done $0x0  }
0xbf: {  	s1 =	rddreg [dreg:$0x13];
	[sflag:s18] =	ssyncadd.s32 $0xFFFFC000  }
0xc0: {  	[hbm4b:s1+s2] =	stream.linear.scatter [tilespmem:s4], [sflag:$0xA], $0x4000, $0x38;
	[tilespmem:$0x18C00] =	vst v63  }
0xc1: {  	_ =	swait.ge [sflag:s10], $0x4000  }
0xc2: {  	[sflag:s10] =	ssyncset.done $0x0  }
0xc3: {  	[sflag:s10] =	ssyncadd.s32 $0xFFFFC000  }
0xc4: {  	[tilespmem:s11], [sflag:$0x2] =	stream.indirect.gather [hbm4b:s3+s7], $0x80, s29, s7, $0xb8;
	[tilespmem:$0x18C00] =	vst v63  }
0xc5: {  	_ =	swait.ge [sflag:s19], $0x4000  }
0xc6: {  	[sflag:s19] =	ssyncset.done $0x0  }
0xc7: {  	s1 =	rddreg [dreg:$0x14];
	[sflag:s19] =	ssyncadd.s32 $0xFFFFC000  }
0xc8: {  	[hbm4b:s1+s2] =	stream.linear.scatter [tilespmem:s5], [sflag:$0xB], $0x4000, $0x38;
	[tilespmem:$0x18C00] =	vst v63  }
0xc9: {  	_ =	swait.ge [sflag:s12], $0x4000  }
0xca: {  	[sflag:s12] =	ssyncset.done $0x0  }
0xcb: {  	[sflag:s12] =	ssyncadd.s32 $0xFFFFC000  }
0xcc: {  	[tilespmem:s8], [sflag:$0x3] =	stream.indirect.gather [hbm4b:s3+s7], $0x80, s28, s7, $0xb8;
	[tilespmem:$0x18C00] =	vst v63  }
0xcd: {  	_ =	swait.ge [sflag:s21], $0x4000  }
0xce: {  	[sflag:s21] =	ssyncset.done $0x0  }
0xcf: {  	s1 =	rddreg [dreg:$0x15];
	[sflag:s21] =	ssyncadd.s32 $0xFFFFC000  }
0xd0: {  	[hbm4b:s1+s2] =	stream.linear.scatter [tilespmem:s6], [sflag:$0xC], $0x4000, $0x38;
	[tilespmem:$0x18C00] =	vst v63  }
0xd1: {  	_ =	swait.ge [sflag:s13], $0x4000  }
0xd2: {  	[sflag:s13] =	ssyncset.done $0x0  }
0xd3: {  	[sflag:s13] =	ssyncadd.s32 $0xFFFFC000  }
0xd4: {  	[tilespmem:s4], [sflag:$0x4] =	stream.indirect.gather [hbm4b:s3+s7], $0x80, s26, s7, $0xb8;
	[tilespmem:$0x18C00] =	vst v63  }
0xd5: {  	_ =	swait.ge [sflag:s22], $0x4000  }
0xd6: {  	[sflag:s22] =	ssyncset.done $0x0  }
0xd7: {  	s1 =	rddreg [dreg:$0x16];
	[sflag:s22] =	ssyncadd.s32 $0xFFFFC000  }
0xd8: {  	[hbm4b:s1+s2] =	stream.linear.scatter [tilespmem:s16], [sflag:$0x7], $0x4000, $0x38;
	[tilespmem:$0x18C00] =	vst v63  }
0xd9: {  	_ =	swait.ge [sflag:s14], $0x4000  }
0xda: {  	[sflag:s14] =	ssyncset.done $0x0  }
0xdb: {  	[sflag:s14] =	ssyncadd.s32 $0xFFFFC000  }
0xdc: {  	[tilespmem:s5], [sflag:$0x5] =	stream.indirect.gather [hbm4b:s3+s7], $0x80, s25, s7, $0xb8;
	[tilespmem:$0x18C00] =	vst v63  }
0xdd: {  	_ =	swait.ge [sflag:s20], $0x4000  }
0xde: {  	[sflag:s20] =	ssyncset.done $0x0  }
0xdf: {  	s1 =	rddreg [dreg:$0x17];
	[sflag:s20] =	ssyncadd.s32 $0xFFFFC000  }
0xe0: {  	[hbm4b:s1+s2] =	stream.linear.scatter [tilespmem:s11], [sflag:$0x8], $0x4000, $0x38;
	[tilespmem:$0x18C00] =	vst v63  }
0xe1: {  	_ =	swait.ge [sflag:s15], $0x4000  }
0xe2: {  	[sflag:s15] =	ssyncset.done $0x0  }
0xe3: {  	[sflag:s15] =	ssyncadd.s32 $0xFFFFC000  }
0xe4: {  	[tilespmem:s6], [sflag:$0x6] =	stream.indirect.gather [hbm4b:s3+s7], $0x80, s24, s7, $0xb8;
	[tilespmem:$0x18C00] =	vst v63  }
0xe5: {  	_ =	swait.ge [sflag:s17], $0x4000  }
0xe6: {  	[sflag:s17] =	ssyncset.done $0x0  }
0xe7: {  	s1 =	rddreg [dreg:$0x18];
	[sflag:s17] =	ssyncadd.s32 $0xFFFFC000  }
0xe8: {  	[hbm4b:s1+s2] =	stream.linear.scatter [tilespmem:s8], [sflag:$0x9], $0x4000, $0x38;
	[tilespmem:$0x18C00] =	vst v63  }
0xe9: {  	_ =	swait.ge [sflag:s18], $0x4000  }
0xea: {  	[sflag:s18] =	ssyncset.done $0x0  }
0xeb: {  	s1 =	rddreg [dreg:$0x19];
	[sflag:s18] =	ssyncadd.s32 $0xFFFFC000  }
0xec: {  	[hbm4b:s1+s2] =	stream.linear.scatter [tilespmem:s4], [sflag:$0xA], $0x4000, $0x38;
	[tilespmem:$0x18C00] =	vst v63  }
0xed: {  	_ =	swait.ge [sflag:s19], $0x4000  }
0xee: {  	[sflag:s19] =	ssyncset.done $0x0  }
0xef: {  	s1 =	rddreg [dreg:$0x1a];
	[sflag:s19] =	ssyncadd.s32 $0xFFFFC000  }
0xf0: {  	[hbm4b:s1+s2] =	stream.linear.scatter [tilespmem:s5], [sflag:$0xB], $0x4000, $0x38;
	[tilespmem:$0x18C00] =	vst v63  }
0xf1: {  	_ =	swait.ge [sflag:s21], $0x4000  }
0xf2: {  	[sflag:s21] =	ssyncset.done $0x0  }
0xf3: {  	s1 =	rddreg [dreg:$0x1b];
	[sflag:s21] =	ssyncadd.s32 $0xFFFFC000  }
0xf4: {  	[hbm4b:s1+s2] =	stream.linear.scatter [tilespmem:s6], [sflag:$0xC], $0x4000, $0x38;
	[tilespmem:$0x18C00] =	vst v63  }
0xf5: {  	_ =	swait.ge [sflag:s9], $0x4000  }
0xf6: {  	[sflag:s9] =	ssyncset.done $0x0  }
0xf7: {  	[sflag:s9] =	ssyncadd.s32 $0xFFFFC000  }
0xf8: {  	_ =	swait.ge [sflag:s10], $0x4000  }
0xf9: {  	[sflag:s10] =	ssyncset.done $0x0  }
0xfa: {  	[sflag:s10] =	ssyncadd.s32 $0xFFFFC000  }
0xfb: {  	_ =	swait.ge [sflag:s12], $0x4000  }
0xfc: {  	[sflag:s12] =	ssyncset.done $0x0  }
0xfd: {  	[sflag:s12] =	ssyncadd.s32 $0xFFFFC000  }
0xfe: {  	_ =	swait.ge [sflag:s13], $0x4000  }
0xff: {  	[sflag:s13] =	ssyncset.done $0x0  }
0x100: {  	p1 =	sne.s32 s23, $0x1;
	[sflag:s13] =	ssyncadd.s32 $0xFFFFC000  }
.Ltmp1:
0x101: {  	_ =	swait.ge [sflag:s14], $0x4000;
	(pc) =	sbr.rel @!p1 .LBB2_3-.Ltmp1, $4  }
0x102: {  	[sflag:s14] =	ssyncset.done $0x0  }
0x103: {  	[sflag:s14] =	ssyncadd.s32 $0xFFFFC000  }
0x104: {  	p0 =	por $0x1, $0x1;
	_ =	swait.ge [sflag:s15], $0x4000  }
0x105: {  	s1 =	sadd.s32 $0xFFFFFFFF, s23;
	s0 =	rddreg [dreg:$0x4];
	[sflag:s15] =	ssyncset.done $0x0  }
.LBB2_4:
0x106: {  	[sflag:s15] =	ssyncadd.s32 $0xFFFFC000  }
0x107: {  	[tilespmem:s2], [sflag:$0xD] =	stream.linear.gather [hbm4b:s0+s2], $0xC00, $0x38;
	[tilespmem:$0x18C00] =	vst v63  }
0x108: {  	_ =	swait.ge [sflag:s31], $0xC00  }
0x109: {  	[sflag:s31] =	ssyncset.done $0x0  }
0x10a: {  	[sflag:s31] =	ssyncadd.s32 $0xFFFFF400  }
0x10b: {  	[tilespmem:s16], [sflag:$0x1] =	stream.indirect.gather [hbm4b:s3+s7], $0x80, s2, s7, $0xb8;
	[tilespmem:$0x18C00] =	vst v63  }
0x10c: {  	_ = 	snop  }
0x10d: {  	[tilespmem:s11], [sflag:$0x2] =	stream.indirect.gather [hbm4b:s3+s7], $0x80, s7, s7, $0xb8;
	[tilespmem:$0x18C00] =	vst v63  }
0x10e: {  	s0 =	rddreg [dreg:$0x1c]  }
0x10f: {  	[tilespmem:s8], [sflag:$0x3] =	stream.indirect.gather [hbm4b:s3+s7], $0x80, s0, s7, $0xb8;
	[tilespmem:$0x18C00] =	vst v63  }
0x110: {  	s23 =	rddreg [dreg:$0x1d]  }
0x111: {  	[tilespmem:s4], [sflag:$0x4] =	stream.indirect.gather [hbm4b:s3+s7], $0x80, s23, s7, $0xb8;
	[tilespmem:$0x18C00] =	vst v63  }
0x112: {  	_ =	swait.ge [sflag:s22], $0x4000  }
0x113: {  	[sflag:s22] =	ssyncset.done $0x0  }
0x114: {  	[sflag:s22] =	ssyncadd.s32 $0xFFFFC000  }
0x115: {  	[hbm4b:s30+s2] =	stream.linear.scatter [tilespmem:s16], [sflag:$0x7], $0x4000, $0x38;
	[tilespmem:$0x18C00] =	vst v63  }
0x116: {  	s23 =	rddreg [dreg:$0x1e]  }
0x117: {  	[tilespmem:s5], [sflag:$0x5] =	stream.indirect.gather [hbm4b:s3+s7], $0x80, s23, s7, $0xb8;
	[tilespmem:$0x18C00] =	vst v63  }
0x118: {  	_ =	swait.ge [sflag:s20], $0x4000  }
0x119: {  	[sflag:s20] =	ssyncset.done $0x0  }
0x11a: {  	s0 =	rddreg [dreg:$0x5];
	[sflag:s20] =	ssyncadd.s32 $0xFFFFC000  }
0x11b: {  	[hbm4b:s0+s2] =	stream.linear.scatter [tilespmem:s11], [sflag:$0x8], $0x4000, $0x38;
	[tilespmem:$0x18C00] =	vst v63  }
0x11c: {  	s23 =	rddreg [dreg:$0x1f]  }
0x11d: {  	[tilespmem:s6], [sflag:$0x6] =	stream.indirect.gather [hbm4b:s3+s7], $0x80, s23, s7, $0xb8;
	[tilespmem:$0x18C00] =	vst v63  }
0x11e: {  	_ =	swait.ge [sflag:s17], $0x4000  }
0x11f: {  	[sflag:s17] =	ssyncset.done $0x0  }
0x120: {  	s23 =	rddreg [dreg:$0x6];
	[sflag:s17] =	ssyncadd.s32 $0xFFFFC000  }
0x121: {  	[hbm4b:s23+s2] =	stream.linear.scatter [tilespmem:s8], [sflag:$0x9], $0x4000, $0x38;
	[tilespmem:$0x18C00] =	vst v63  }
0x122: {  	_ =	swait.ge [sflag:s9], $0x4000  }
0x123: {  	s23 =	sld [smem:$0x7F2]  }
0x124: {  	[sflag:s9] =	ssyncset.done $0x0  }
0x125: {  	[sflag:s9] =	ssyncadd.s32 $0xFFFFC000  }
0x126: {  	[tilespmem:s16], [sflag:$0x1] =	stream.indirect.gather [hbm4b:s3+s7], $0x80, s23, s7, $0xb8;
	[tilespmem:$0x18C00] =	vst v63  }
0x127: {  	_ =	swait.ge [sflag:s18], $0x4000  }
0x128: {  	[sflag:s18] =	ssyncset.done $0x0  }
0x129: {  	s23 =	rddreg [dreg:$0x7];
	[sflag:s18] =	ssyncadd.s32 $0xFFFFC000  }
0x12a: {  	[hbm4b:s23+s2] =	stream.linear.scatter [tilespmem:s4], [sflag:$0xA], $0x4000, $0x38;
	[tilespmem:$0x18C00] =	vst v63  }
0x12b: {  	_ =	swait.ge [sflag:s10], $0x4000  }
0x12c: {  	s23 =	sld [smem:$0x7F3]  }
0x12d: {  	[sflag:s10] =	ssyncset.done $0x0  }
0x12e: {  	[sflag:s10] =	ssyncadd.s32 $0xFFFFC000  }
0x12f: {  	[tilespmem:s11], [sflag:$0x2] =	stream.indirect.gather [hbm4b:s3+s7], $0x80, s23, s7, $0xb8;
	[tilespmem:$0x18C00] =	vst v63  }
0x130: {  	_ =	swait.ge [sflag:s19], $0x4000  }
0x131: {  	[sflag:s19] =	ssyncset.done $0x0  }
0x132: {  	s23 =	rddreg [dreg:$0x8];
	[sflag:s19] =	ssyncadd.s32 $0xFFFFC000  }
0x133: {  	[hbm4b:s23+s2] =	stream.linear.scatter [tilespmem:s5], [sflag:$0xB], $0x4000, $0x38;
	[tilespmem:$0x18C00] =	vst v63  }
0x134: {  	_ =	swait.ge [sflag:s12], $0x4000  }
0x135: {  	s23 =	sld [smem:$0x7F4]  }
0x136: {  	[sflag:s12] =	ssyncset.done $0x0  }
0x137: {  	[sflag:s12] =	ssyncadd.s32 $0xFFFFC000  }
0x138: {  	[tilespmem:s8], [sflag:$0x3] =	stream.indirect.gather [hbm4b:s3+s7], $0x80, s23, s7, $0xb8;
	[tilespmem:$0x18C00] =	vst v63  }
0x139: {  	_ =	swait.ge [sflag:s21], $0x4000  }
0x13a: {  	[sflag:s21] =	ssyncset.done $0x0  }
0x13b: {  	s23 =	rddreg [dreg:$0x9];
	[sflag:s21] =	ssyncadd.s32 $0xFFFFC000  }
0x13c: {  	[hbm4b:s23+s2] =	stream.linear.scatter [tilespmem:s6], [sflag:$0xC], $0x4000, $0x38;
	[tilespmem:$0x18C00] =	vst v63  }
0x13d: {  	_ =	swait.ge [sflag:s13], $0x4000  }
0x13e: {  	s23 =	sld [smem:$0x7F5]  }
0x13f: {  	[sflag:s13] =	ssyncset.done $0x0  }
0x140: {  	[sflag:s13] =	ssyncadd.s32 $0xFFFFC000  }
0x141: {  	[tilespmem:s4], [sflag:$0x4] =	stream.indirect.gather [hbm4b:s3+s7], $0x80, s23, s7, $0xb8;
	[tilespmem:$0x18C00] =	vst v63  }
0x142: {  	_ =	swait.ge [sflag:s22], $0x4000  }
0x143: {  	[sflag:s22] =	ssyncset.done $0x0  }
0x144: {  	s23 =	rddreg [dreg:$0xa];
	[sflag:s22] =	ssyncadd.s32 $0xFFFFC000  }
0x145: {  	[hbm4b:s23+s2] =	stream.linear.scatter [tilespmem:s16], [sflag:$0x7], $0x4000, $0x38;
	[tilespmem:$0x18C00] =	vst v63  }
0x146: {  	_ =	swait.ge [sflag:s14], $0x4000  }
0x147: {  	s23 =	sld [smem:$0x7F6]  }
0x148: {  	[sflag:s14] =	ssyncset.done $0x0  }
0x149: {  	[sflag:s14] =	ssyncadd.s32 $0xFFFFC000  }
0x14a: {  	[tilespmem:s5], [sflag:$0x5] =	stream.indirect.gather [hbm4b:s3+s7], $0x80, s23, s7, $0xb8;
	[tilespmem:$0x18C00] =	vst v63  }
0x14b: {  	_ =	swait.ge [sflag:s20], $0x4000  }
0x14c: {  	[sflag:s20] =	ssyncset.done $0x0  }
0x14d: {  	s23 =	rddreg [dreg:$0xb];
	[sflag:s20] =	ssyncadd.s32 $0xFFFFC000  }
0x14e: {  	[hbm4b:s23+s2] =	stream.linear.scatter [tilespmem:s11], [sflag:$0x8], $0x4000, $0x38;
	[tilespmem:$0x18C00] =	vst v63  }
0x14f: {  	_ =	swait.ge [sflag:s15], $0x4000  }
0x150: {  	s23 =	sld [smem:$0x7F7]  }
0x151: {  	[sflag:s15] =	ssyncset.done $0x0  }
0x152: {  	[sflag:s15] =	ssyncadd.s32 $0xFFFFC000  }
0x153: {  	[tilespmem:s6], [sflag:$0x6] =	stream.indirect.gather [hbm4b:s3+s7], $0x80, s23, s7, $0xb8;
	[tilespmem:$0x18C00] =	vst v63  }
0x154: {  	_ =	swait.ge [sflag:s17], $0x4000  }
0x155: {  	[sflag:s17] =	ssyncset.done $0x0  }
0x156: {  	s23 =	rddreg [dreg:$0xc];
	[sflag:s17] =	ssyncadd.s32 $0xFFFFC000  }
0x157: {  	[hbm4b:s23+s2] =	stream.linear.scatter [tilespmem:s8], [sflag:$0x9], $0x4000, $0x38;
	[tilespmem:$0x18C00] =	vst v63  }
0x158: {  	_ =	swait.ge [sflag:s9], $0x4000  }
0x159: {  	s23 =	sld [smem:$0x7F8]  }
0x15a: {  	[sflag:s9] =	ssyncset.done $0x0  }
0x15b: {  	[sflag:s9] =	ssyncadd.s32 $0xFFFFC000  }
0x15c: {  	[tilespmem:s16], [sflag:$0x1] =	stream.indirect.gather [hbm4b:s3+s7], $0x80, s23, s7, $0xb8;
	[tilespmem:$0x18C00] =	vst v63  }
0x15d: {  	_ =	swait.ge [sflag:s18], $0x4000  }
0x15e: {  	[sflag:s18] =	ssyncset.done $0x0  }
0x15f: {  	s23 =	rddreg [dreg:$0xd];
	[sflag:s18] =	ssyncadd.s32 $0xFFFFC000  }
0x160: {  	[hbm4b:s23+s2] =	stream.linear.scatter [tilespmem:s4], [sflag:$0xA], $0x4000, $0x38;
	[tilespmem:$0x18C00] =	vst v63  }
0x161: {  	_ =	swait.ge [sflag:s10], $0x4000  }
0x162: {  	s23 =	sld [smem:$0x7F9]  }
0x163: {  	[sflag:s10] =	ssyncset.done $0x0  }
0x164: {  	[sflag:s10] =	ssyncadd.s32 $0xFFFFC000  }
0x165: {  	[tilespmem:s11], [sflag:$0x2] =	stream.indirect.gather [hbm4b:s3+s7], $0x80, s23, s7, $0xb8;
	[tilespmem:$0x18C00] =	vst v63  }
0x166: {  	_ =	swait.ge [sflag:s19], $0x4000  }
0x167: {  	[sflag:s19] =	ssyncset.done $0x0  }
0x168: {  	s23 =	rddreg [dreg:$0xe];
	[sflag:s19] =	ssyncadd.s32 $0xFFFFC000  }
0x169: {  	[hbm4b:s23+s2] =	stream.linear.scatter [tilespmem:s5], [sflag:$0xB], $0x4000, $0x38;
	[tilespmem:$0x18C00] =	vst v63  }
0x16a: {  	_ =	swait.ge [sflag:s12], $0x4000  }
0x16b: {  	s23 =	sld [smem:$0x7FA]  }
0x16c: {  	[sflag:s12] =	ssyncset.done $0x0  }
0x16d: {  	[sflag:s12] =	ssyncadd.s32 $0xFFFFC000  }
0x16e: {  	[tilespmem:s8], [sflag:$0x3] =	stream.indirect.gather [hbm4b:s3+s7], $0x80, s23, s7, $0xb8;
	[tilespmem:$0x18C00] =	vst v63  }
0x16f: {  	_ =	swait.ge [sflag:s21], $0x4000  }
0x170: {  	[sflag:s21] =	ssyncset.done $0x0  }
0x171: {  	s23 =	rddreg [dreg:$0xf];
	[sflag:s21] =	ssyncadd.s32 $0xFFFFC000  }
0x172: {  	[hbm4b:s23+s2] =	stream.linear.scatter [tilespmem:s6], [sflag:$0xC], $0x4000, $0x38;
	[tilespmem:$0x18C00] =	vst v63  }
0x173: {  	_ =	swait.ge [sflag:s13], $0x4000  }
0x174: {  	s23 =	sld [smem:$0x7FB]  }
0x175: {  	[sflag:s13] =	ssyncset.done $0x0  }
0x176: {  	[sflag:s13] =	ssyncadd.s32 $0xFFFFC000  }
0x177: {  	[tilespmem:s4], [sflag:$0x4] =	stream.indirect.gather [hbm4b:s3+s7], $0x80, s23, s7, $0xb8;
	[tilespmem:$0x18C00] =	vst v63  }
0x178: {  	_ =	swait.ge [sflag:s22], $0x4000  }
0x179: {  	[sflag:s22] =	ssyncset.done $0x0  }
0x17a: {  	s23 =	rddreg [dreg:$0x10];
	[sflag:s22] =	ssyncadd.s32 $0xFFFFC000  }
0x17b: {  	[hbm4b:s23+s2] =	stream.linear.scatter [tilespmem:s16], [sflag:$0x7], $0x4000, $0x38;
	[tilespmem:$0x18C00] =	vst v63  }
0x17c: {  	_ =	swait.ge [sflag:s14], $0x4000  }
0x17d: {  	s23 =	sld [smem:$0x7FC]  }
0x17e: {  	[sflag:s14] =	ssyncset.done $0x0  }
0x17f: {  	[sflag:s14] =	ssyncadd.s32 $0xFFFFC000  }
0x180: {  	[tilespmem:s5], [sflag:$0x5] =	stream.indirect.gather [hbm4b:s3+s7], $0x80, s23, s7, $0xb8;
	[tilespmem:$0x18C00] =	vst v63  }
0x181: {  	_ =	swait.ge [sflag:s20], $0x4000  }
0x182: {  	[sflag:s20] =	ssyncset.done $0x0  }
0x183: {  	s23 =	rddreg [dreg:$0x11];
	[sflag:s20] =	ssyncadd.s32 $0xFFFFC000  }
0x184: {  	[hbm4b:s23+s2] =	stream.linear.scatter [tilespmem:s11], [sflag:$0x8], $0x4000, $0x38;
	[tilespmem:$0x18C00] =	vst v63  }
0x185: {  	_ =	swait.ge [sflag:s15], $0x4000  }
0x186: {  	s23 =	sld [smem:$0x7FD]  }
0x187: {  	[sflag:s15] =	ssyncset.done $0x0  }
0x188: {  	[sflag:s15] =	ssyncadd.s32 $0xFFFFC000  }
0x189: {  	[tilespmem:s6], [sflag:$0x6] =	stream.indirect.gather [hbm4b:s3+s7], $0x80, s23, s7, $0xb8;
	[tilespmem:$0x18C00] =	vst v63  }
0x18a: {  	_ =	swait.ge [sflag:s17], $0x4000  }
0x18b: {  	[sflag:s17] =	ssyncset.done $0x0  }
0x18c: {  	s23 =	rddreg [dreg:$0x12];
	[sflag:s17] =	ssyncadd.s32 $0xFFFFC000  }
0x18d: {  	[hbm4b:s23+s2] =	stream.linear.scatter [tilespmem:s8], [sflag:$0x9], $0x4000, $0x38;
	[tilespmem:$0x18C00] =	vst v63  }
0x18e: {  	_ =	swait.ge [sflag:s9], $0x4000  }
0x18f: {  	[sflag:s9] =	ssyncset.done $0x0  }
0x190: {  	s23 =	simm.s32 $0x900;
	[sflag:s9] =	ssyncadd.s32 $0xFFFFC000  }
0x191: {  	[tilespmem:s16], [sflag:$0x1] =	stream.indirect.gather [hbm4b:s3+s7], $0x80, s23, s7, $0xb8;
	[tilespmem:$0x18C00] =	vst v63  }
0x192: {  	_ =	swait.ge [sflag:s18], $0x4000  }
0x193: {  	[sflag:s18] =	ssyncset.done $0x0  }
0x194: {  	s23 =	rddreg [dreg:$0x13];
	[sflag:s18] =	ssyncadd.s32 $0xFFFFC000  }
0x195: {  	[hbm4b:s23+s2] =	stream.linear.scatter [tilespmem:s4], [sflag:$0xA], $0x4000, $0x38;
	[tilespmem:$0x18C00] =	vst v63  }
0x196: {  	_ =	swait.ge [sflag:s10], $0x4000  }
0x197: {  	[sflag:s10] =	ssyncset.done $0x0  }
0x198: {  	[sflag:s10] =	ssyncadd.s32 $0xFFFFC000  }
0x199: {  	[tilespmem:s11], [sflag:$0x2] =	stream.indirect.gather [hbm4b:s3+s7], $0x80, s29, s7, $0xb8;
	[tilespmem:$0x18C00] =	vst v63  }
0x19a: {  	_ =	swait.ge [sflag:s19], $0x4000  }
0x19b: {  	[sflag:s19] =	ssyncset.done $0x0  }
0x19c: {  	s23 =	rddreg [dreg:$0x14];
	[sflag:s19] =	ssyncadd.s32 $0xFFFFC000  }
0x19d: {  	[hbm4b:s23+s2] =	stream.linear.scatter [tilespmem:s5], [sflag:$0xB], $0x4000, $0x38;
	[tilespmem:$0x18C00] =	vst v63  }
0x19e: {  	_ =	swait.ge [sflag:s12], $0x4000  }
0x19f: {  	[sflag:s12] =	ssyncset.done $0x0  }
0x1a0: {  	[sflag:s12] =	ssyncadd.s32 $0xFFFFC000  }
0x1a1: {  	[tilespmem:s8], [sflag:$0x3] =	stream.indirect.gather [hbm4b:s3+s7], $0x80, s28, s7, $0xb8;
	[tilespmem:$0x18C00] =	vst v63  }
0x1a2: {  	_ =	swait.ge [sflag:s21], $0x4000  }
0x1a3: {  	[sflag:s21] =	ssyncset.done $0x0  }
0x1a4: {  	s23 =	rddreg [dreg:$0x15];
	[sflag:s21] =	ssyncadd.s32 $0xFFFFC000  }
0x1a5: {  	[hbm4b:s23+s2] =	stream.linear.scatter [tilespmem:s6], [sflag:$0xC], $0x4000, $0x38;
	[tilespmem:$0x18C00] =	vst v63  }
0x1a6: {  	_ =	swait.ge [sflag:s13], $0x4000  }
0x1a7: {  	[sflag:s13] =	ssyncset.done $0x0  }
0x1a8: {  	[sflag:s13] =	ssyncadd.s32 $0xFFFFC000  }
0x1a9: {  	[tilespmem:s4], [sflag:$0x4] =	stream.indirect.gather [hbm4b:s3+s7], $0x80, s26, s7, $0xb8;
	[tilespmem:$0x18C00] =	vst v63  }
0x1aa: {  	_ =	swait.ge [sflag:s22], $0x4000  }
0x1ab: {  	[sflag:s22] =	ssyncset.done $0x0  }
0x1ac: {  	s23 =	rddreg [dreg:$0x16];
	[sflag:s22] =	ssyncadd.s32 $0xFFFFC000  }
0x1ad: {  	[hbm4b:s23+s2] =	stream.linear.scatter [tilespmem:s16], [sflag:$0x7], $0x4000, $0x38;
	[tilespmem:$0x18C00] =	vst v63  }
0x1ae: {  	_ =	swait.ge [sflag:s14], $0x4000  }
0x1af: {  	[sflag:s14] =	ssyncset.done $0x0  }
0x1b0: {  	[sflag:s14] =	ssyncadd.s32 $0xFFFFC000  }
0x1b1: {  	[tilespmem:s5], [sflag:$0x5] =	stream.indirect.gather [hbm4b:s3+s7], $0x80, s25, s7, $0xb8;
	[tilespmem:$0x18C00] =	vst v63  }
0x1b2: {  	_ =	swait.ge [sflag:s20], $0x4000  }
0x1b3: {  	[sflag:s20] =	ssyncset.done $0x0  }
0x1b4: {  	s23 =	rddreg [dreg:$0x17];
	[sflag:s20] =	ssyncadd.s32 $0xFFFFC000  }
0x1b5: {  	[hbm4b:s23+s2] =	stream.linear.scatter [tilespmem:s11], [sflag:$0x8], $0x4000, $0x38;
	[tilespmem:$0x18C00] =	vst v63  }
0x1b6: {  	_ =	swait.ge [sflag:s15], $0x4000  }
0x1b7: {  	[sflag:s15] =	ssyncset.done $0x0  }
0x1b8: {  	[sflag:s15] =	ssyncadd.s32 $0xFFFFC000  }
0x1b9: {  	[tilespmem:s6], [sflag:$0x6] =	stream.indirect.gather [hbm4b:s3+s7], $0x80, s24, s7, $0xb8;
	[tilespmem:$0x18C00] =	vst v63  }
0x1ba: {  	_ =	swait.ge [sflag:s17], $0x4000  }
0x1bb: {  	[sflag:s17] =	ssyncset.done $0x0  }
0x1bc: {  	s23 =	rddreg [dreg:$0x18];
	[sflag:s17] =	ssyncadd.s32 $0xFFFFC000  }
0x1bd: {  	[hbm4b:s23+s2] =	stream.linear.scatter [tilespmem:s8], [sflag:$0x9], $0x4000, $0x38;
	[tilespmem:$0x18C00] =	vst v63  }
0x1be: {  	_ =	swait.ge [sflag:s18], $0x4000  }
0x1bf: {  	[sflag:s18] =	ssyncset.done $0x0  }
0x1c0: {  	s23 =	rddreg [dreg:$0x19];
	[sflag:s18] =	ssyncadd.s32 $0xFFFFC000  }
0x1c1: {  	[hbm4b:s23+s2] =	stream.linear.scatter [tilespmem:s4], [sflag:$0xA], $0x4000, $0x38;
	[tilespmem:$0x18C00] =	vst v63  }
0x1c2: {  	_ =	swait.ge [sflag:s19], $0x4000  }
0x1c3: {  	[sflag:s19] =	ssyncset.done $0x0  }
0x1c4: {  	s23 =	rddreg [dreg:$0x1a];
	[sflag:s19] =	ssyncadd.s32 $0xFFFFC000  }
0x1c5: {  	[hbm4b:s23+s2] =	stream.linear.scatter [tilespmem:s5], [sflag:$0xB], $0x4000, $0x38;
	[tilespmem:$0x18C00] =	vst v63  }
0x1c6: {  	_ =	swait.ge [sflag:s21], $0x4000  }
0x1c7: {  	[sflag:s21] =	ssyncset.done $0x0  }
0x1c8: {  	s23 =	rddreg [dreg:$0x1b];
	[sflag:s21] =	ssyncadd.s32 $0xFFFFC000  }
0x1c9: {  	[hbm4b:s23+s2] =	stream.linear.scatter [tilespmem:s6], [sflag:$0xC], $0x4000, $0x38;
	[tilespmem:$0x18C00] =	vst v63  }
0x1ca: {  	_ =	swait.ge [sflag:s9], $0x4000  }
0x1cb: {  	[sflag:s9] =	ssyncset.done $0x0  }
0x1cc: {  	[sflag:s9] =	ssyncadd.s32 $0xFFFFC000  }
0x1cd: {  	_ =	swait.ge [sflag:s10], $0x4000  }
0x1ce: {  	[sflag:s10] =	ssyncset.done $0x0  }
0x1cf: {  	[sflag:s10] =	ssyncadd.s32 $0xFFFFC000  }
0x1d0: {  	_ =	swait.ge [sflag:s12], $0x4000  }
0x1d1: {  	[sflag:s12] =	ssyncset.done $0x0  }
0x1d2: {  	[sflag:s12] =	ssyncadd.s32 $0xFFFFC000  }
0x1d3: {  	_ =	swait.ge [sflag:s13], $0x4000  }
0x1d4: {  	[sflag:s13] =	ssyncset.done $0x0  }
0x1d5: {  	p1 =	sne.s32 s1, $0x1;
	[sflag:s13] =	ssyncadd.s32 $0xFFFFC000  }
.Ltmp2:
0x1d6: {  	_ =	swait.ge [sflag:s14], $0x4000;
	(pc) =	sbr.rel @p1 .LBB2_4-.Ltmp2, $4  }
0x1d7: {  	[sflag:s14] =	ssyncset.done $0x0  }
0x1d8: {  	[sflag:s14] =	ssyncadd.s32 $0xFFFFC000  }
0x1d9: {  	_ =	swait.ge [sflag:s15], $0x4000  }
0x1da: {  	s1 =	sadd.s32 $0xFFFFFFFF, s1;
	s0 =	rddreg [dreg:$0x4];
	[sflag:s15] =	ssyncset.done $0x0  }
0x1db: {  	s24 =	simm.s32 $0x900;
	s29 =	simm.s32 $0x980;
	s28 =	simm.s32 $0xA00  }
0x1dc: {  	s26 =	simm.s32 $0xA80;
	s25 =	simm.s32 $0xB00;
	s23 =	stileid.u32  }
.LBB2_6:
0x1dd: {  	[sflag:s15] =	ssyncadd.s32 @p0 $0xFFFFC000  }
0x1de: {  	[tilespmem:s2], [sflag:$0xD] =	stream.linear.gather [hbm4b:s0+s2], $0xC00, $0x38;
	[tilespmem:$0x18C00] =	vst v63  }
0x1df: {  	_ =	swait.ge [sflag:s31], $0xC00  }
0x1e0: {  	[sflag:s31] =	ssyncset.done $0x0  }
0x1e1: {  	[sflag:s31] =	ssyncadd.s32 $0xFFFFF400  }
0x1e2: {  	[tilespmem:s16], [sflag:$0x1] =	stream.indirect.gather [hbm4b:s3+s7], $0x80, s2, s7, $0xb8;
	[tilespmem:$0x18C00] =	vst v63  }
0x1e3: {  	_ = 	snop  }
0x1e4: {  	[tilespmem:s11], [sflag:$0x2] =	stream.indirect.gather [hbm4b:s3+s7], $0x80, s7, s7, $0xb8;
	[tilespmem:$0x18C00] =	vst v63  }
0x1e5: {  	s31 =	rddreg [dreg:$0x1c]  }
0x1e6: {  	[tilespmem:s8], [sflag:$0x3] =	stream.indirect.gather [hbm4b:s3+s7], $0x80, s31, s7, $0xb8;
	[tilespmem:$0x18C00] =	vst v63  }
0x1e7: {  	s1 =	rddreg [dreg:$0x1d]  }
0x1e8: {  	[tilespmem:s4], [sflag:$0x4] =	stream.indirect.gather [hbm4b:s3+s7], $0x80, s1, s7, $0xb8;
	[tilespmem:$0x18C00] =	vst v63  }
0x1e9: {  	_ =	swait.ge [sflag:s22], $0x4000  }
0x1ea: {  	[sflag:s22] =	ssyncset.done $0x0  }
0x1eb: {  	[sflag:s22] =	ssyncadd.s32 $0xFFFFC000  }
0x1ec: {  	[hbm4b:s30+s2] =	stream.linear.scatter [tilespmem:s16], [sflag:$0x7], $0x4000, $0x38;
	[tilespmem:$0x18C00] =	vst v63  }
0x1ed: {  	s1 =	rddreg [dreg:$0x1e]  }
0x1ee: {  	[tilespmem:s5], [sflag:$0x5] =	stream.indirect.gather [hbm4b:s3+s7], $0x80, s1, s7, $0xb8;
	[tilespmem:$0x18C00] =	vst v63  }
0x1ef: {  	_ =	swait.ge [sflag:s20], $0x4000  }
0x1f0: {  	[sflag:s20] =	ssyncset.done $0x0  }
0x1f1: {  	s30 =	rddreg [dreg:$0x5];
	[sflag:s20] =	ssyncadd.s32 $0xFFFFC000  }
0x1f2: {  	[hbm4b:s30+s2] =	stream.linear.scatter [tilespmem:s11], [sflag:$0x8], $0x4000, $0x38;
	[tilespmem:$0x18C00] =	vst v63  }
0x1f3: {  	s31 =	rddreg [dreg:$0x1f]  }
0x1f4: {  	[tilespmem:s6], [sflag:$0x6] =	stream.indirect.gather [hbm4b:s3+s7], $0x80, s31, s7, $0xb8;
	[tilespmem:$0x18C00] =	vst v63  }
0x1f5: {  	_ =	swait.ge [sflag:s17], $0x4000  }
0x1f6: {  	[sflag:s17] =	ssyncset.done $0x0  }
0x1f7: {  	s1 =	rddreg [dreg:$0x6];
	[sflag:s17] =	ssyncadd.s32 $0xFFFFC000  }
0x1f8: {  	[hbm4b:s1+s2] =	stream.linear.scatter [tilespmem:s8], [sflag:$0x9], $0x4000, $0x38;
	[tilespmem:$0x18C00] =	vst v63  }
0x1f9: {  	_ =	swait.ge [sflag:s9], $0x4000  }
0x1fa: {  	s30 =	sld [smem:$0x7F2]  }
0x1fb: {  	[sflag:s9] =	ssyncset.done $0x0  }
0x1fc: {  	[sflag:s9] =	ssyncadd.s32 $0xFFFFC000  }
0x1fd: {  	[tilespmem:s16], [sflag:$0x1] =	stream.indirect.gather [hbm4b:s3+s7], $0x80, s30, s7, $0xb8;
	[tilespmem:$0x18C00] =	vst v63  }
0x1fe: {  	_ =	swait.ge [sflag:s18], $0x4000  }
0x1ff: {  	[sflag:s18] =	ssyncset.done $0x0  }
0x200: {  	s31 =	rddreg [dreg:$0x7];
	[sflag:s18] =	ssyncadd.s32 $0xFFFFC000  }
0x201: {  	[hbm4b:s31+s2] =	stream.linear.scatter [tilespmem:s4], [sflag:$0xA], $0x4000, $0x38;
	[tilespmem:$0x18C00] =	vst v63  }
0x202: {  	_ =	swait.ge [sflag:s10], $0x4000  }
0x203: {  	s1 =	sld [smem:$0x7F3]  }
0x204: {  	[sflag:s10] =	ssyncset.done $0x0  }
0x205: {  	[sflag:s10] =	ssyncadd.s32 $0xFFFFC000  }
0x206: {  	[tilespmem:s11], [sflag:$0x2] =	stream.indirect.gather [hbm4b:s3+s7], $0x80, s1, s7, $0xb8;
	[tilespmem:$0x18C00] =	vst v63  }
0x207: {  	_ =	swait.ge [sflag:s19], $0x4000  }
0x208: {  	[sflag:s19] =	ssyncset.done $0x0  }
0x209: {  	s30 =	rddreg [dreg:$0x8];
	[sflag:s19] =	ssyncadd.s32 $0xFFFFC000  }
0x20a: {  	[hbm4b:s30+s2] =	stream.linear.scatter [tilespmem:s5], [sflag:$0xB], $0x4000, $0x38;
	[tilespmem:$0x18C00] =	vst v63  }
0x20b: {  	_ =	swait.ge [sflag:s12], $0x4000  }
0x20c: {  	s31 =	sld [smem:$0x7F4]  }
0x20d: {  	[sflag:s12] =	ssyncset.done $0x0  }
0x20e: {  	[sflag:s12] =	ssyncadd.s32 $0xFFFFC000  }
0x20f: {  	[tilespmem:s8], [sflag:$0x3] =	stream.indirect.gather [hbm4b:s3+s7], $0x80, s31, s7, $0xb8;
	[tilespmem:$0x18C00] =	vst v63  }
0x210: {  	_ =	swait.ge [sflag:s21], $0x4000  }
0x211: {  	[sflag:s21] =	ssyncset.done $0x0  }
0x212: {  	s1 =	rddreg [dreg:$0x9];
	[sflag:s21] =	ssyncadd.s32 $0xFFFFC000  }
0x213: {  	[hbm4b:s1+s2] =	stream.linear.scatter [tilespmem:s6], [sflag:$0xC], $0x4000, $0x38;
	[tilespmem:$0x18C00] =	vst v63  }
0x214: {  	_ =	swait.ge [sflag:s13], $0x4000  }
0x215: {  	s30 =	sld [smem:$0x7F5]  }
0x216: {  	[sflag:s13] =	ssyncset.done $0x0  }
0x217: {  	[sflag:s13] =	ssyncadd.s32 $0xFFFFC000  }
0x218: {  	[tilespmem:s4], [sflag:$0x4] =	stream.indirect.gather [hbm4b:s3+s7], $0x80, s30, s7, $0xb8;
	[tilespmem:$0x18C00] =	vst v63  }
0x219: {  	_ =	swait.ge [sflag:s22], $0x4000  }
0x21a: {  	[sflag:s22] =	ssyncset.done $0x0  }
0x21b: {  	s31 =	rddreg [dreg:$0xa];
	[sflag:s22] =	ssyncadd.s32 $0xFFFFC000  }
0x21c: {  	[hbm4b:s31+s2] =	stream.linear.scatter [tilespmem:s16], [sflag:$0x7], $0x4000, $0x38;
	[tilespmem:$0x18C00] =	vst v63  }
0x21d: {  	_ =	swait.ge [sflag:s14], $0x4000  }
0x21e: {  	s1 =	sld [smem:$0x7F6]  }
0x21f: {  	[sflag:s14] =	ssyncset.done $0x0  }
0x220: {  	[sflag:s14] =	ssyncadd.s32 $0xFFFFC000  }
0x221: {  	[tilespmem:s5], [sflag:$0x5] =	stream.indirect.gather [hbm4b:s3+s7], $0x80, s1, s7, $0xb8;
	[tilespmem:$0x18C00] =	vst v63  }
0x222: {  	_ =	swait.ge [sflag:s20], $0x4000  }
0x223: {  	[sflag:s20] =	ssyncset.done $0x0  }
0x224: {  	s30 =	rddreg [dreg:$0xb];
	[sflag:s20] =	ssyncadd.s32 $0xFFFFC000  }
0x225: {  	[hbm4b:s30+s2] =	stream.linear.scatter [tilespmem:s11], [sflag:$0x8], $0x4000, $0x38;
	[tilespmem:$0x18C00] =	vst v63  }
0x226: {  	_ =	swait.ge [sflag:s15], $0x4000  }
0x227: {  	s31 =	sld [smem:$0x7F7]  }
0x228: {  	[sflag:s15] =	ssyncset.done $0x0  }
0x229: {  	[sflag:s15] =	ssyncadd.s32 $0xFFFFC000  }
0x22a: {  	[tilespmem:s6], [sflag:$0x6] =	stream.indirect.gather [hbm4b:s3+s7], $0x80, s31, s7, $0xb8;
	[tilespmem:$0x18C00] =	vst v63  }
0x22b: {  	_ =	swait.ge [sflag:s17], $0x4000  }
0x22c: {  	[sflag:s17] =	ssyncset.done $0x0  }
0x22d: {  	s1 =	rddreg [dreg:$0xc];
	[sflag:s17] =	ssyncadd.s32 $0xFFFFC000  }
0x22e: {  	[hbm4b:s1+s2] =	stream.linear.scatter [tilespmem:s8], [sflag:$0x9], $0x4000, $0x38;
	[tilespmem:$0x18C00] =	vst v63  }
0x22f: {  	_ =	swait.ge [sflag:s9], $0x4000  }
0x230: {  	s30 =	sld [smem:$0x7F8]  }
0x231: {  	[sflag:s9] =	ssyncset.done $0x0  }
0x232: {  	[sflag:s9] =	ssyncadd.s32 $0xFFFFC000  }
0x233: {  	[tilespmem:s16], [sflag:$0x1] =	stream.indirect.gather [hbm4b:s3+s7], $0x80, s30, s7, $0xb8;
	[tilespmem:$0x18C00] =	vst v63  }
0x234: {  	_ =	swait.ge [sflag:s18], $0x4000  }
0x235: {  	[sflag:s18] =	ssyncset.done $0x0  }
0x236: {  	s31 =	rddreg [dreg:$0xd];
	[sflag:s18] =	ssyncadd.s32 $0xFFFFC000  }
0x237: {  	[hbm4b:s31+s2] =	stream.linear.scatter [tilespmem:s4], [sflag:$0xA], $0x4000, $0x38;
	[tilespmem:$0x18C00] =	vst v63  }
0x238: {  	_ =	swait.ge [sflag:s10], $0x4000  }
0x239: {  	s1 =	sld [smem:$0x7F9]  }
0x23a: {  	[sflag:s10] =	ssyncset.done $0x0  }
0x23b: {  	[sflag:s10] =	ssyncadd.s32 $0xFFFFC000  }
0x23c: {  	[tilespmem:s11], [sflag:$0x2] =	stream.indirect.gather [hbm4b:s3+s7], $0x80, s1, s7, $0xb8;
	[tilespmem:$0x18C00] =	vst v63  }
0x23d: {  	_ =	swait.ge [sflag:s19], $0x4000  }
0x23e: {  	[sflag:s19] =	ssyncset.done $0x0  }
0x23f: {  	s30 =	rddreg [dreg:$0xe];
	[sflag:s19] =	ssyncadd.s32 $0xFFFFC000  }
0x240: {  	[hbm4b:s30+s2] =	stream.linear.scatter [tilespmem:s5], [sflag:$0xB], $0x4000, $0x38;
	[tilespmem:$0x18C00] =	vst v63  }
0x241: {  	_ =	swait.ge [sflag:s12], $0x4000  }
0x242: {  	s31 =	sld [smem:$0x7FA]  }
0x243: {  	[sflag:s12] =	ssyncset.done $0x0  }
0x244: {  	[sflag:s12] =	ssyncadd.s32 $0xFFFFC000  }
0x245: {  	[tilespmem:s8], [sflag:$0x3] =	stream.indirect.gather [hbm4b:s3+s7], $0x80, s31, s7, $0xb8;
	[tilespmem:$0x18C00] =	vst v63  }
0x246: {  	_ =	swait.ge [sflag:s21], $0x4000  }
0x247: {  	[sflag:s21] =	ssyncset.done $0x0  }
0x248: {  	s1 =	rddreg [dreg:$0xf];
	[sflag:s21] =	ssyncadd.s32 $0xFFFFC000  }
0x249: {  	[hbm4b:s1+s2] =	stream.linear.scatter [tilespmem:s6], [sflag:$0xC], $0x4000, $0x38;
	[tilespmem:$0x18C00] =	vst v63  }
0x24a: {  	_ =	swait.ge [sflag:s13], $0x4000  }
0x24b: {  	s30 =	sld [smem:$0x7FB]  }
0x24c: {  	[sflag:s13] =	ssyncset.done $0x0  }
0x24d: {  	[sflag:s13] =	ssyncadd.s32 $0xFFFFC000  }
0x24e: {  	[tilespmem:s4], [sflag:$0x4] =	stream.indirect.gather [hbm4b:s3+s7], $0x80, s30, s7, $0xb8;
	[tilespmem:$0x18C00] =	vst v63  }
0x24f: {  	_ =	swait.ge [sflag:s22], $0x4000  }
0x250: {  	[sflag:s22] =	ssyncset.done $0x0  }
0x251: {  	s31 =	rddreg [dreg:$0x10];
	[sflag:s22] =	ssyncadd.s32 $0xFFFFC000  }
0x252: {  	[hbm4b:s31+s2] =	stream.linear.scatter [tilespmem:s16], [sflag:$0x7], $0x4000, $0x38;
	[tilespmem:$0x18C00] =	vst v63  }
0x253: {  	_ =	swait.ge [sflag:s14], $0x4000  }
0x254: {  	s1 =	sld [smem:$0x7FC]  }
0x255: {  	[sflag:s14] =	ssyncset.done $0x0  }
0x256: {  	[sflag:s14] =	ssyncadd.s32 $0xFFFFC000  }
0x257: {  	[tilespmem:s5], [sflag:$0x5] =	stream.indirect.gather [hbm4b:s3+s7], $0x80, s1, s7, $0xb8;
	[tilespmem:$0x18C00] =	vst v63  }
0x258: {  	_ =	swait.ge [sflag:s20], $0x4000  }
0x259: {  	[sflag:s20] =	ssyncset.done $0x0  }
0x25a: {  	s30 =	rddreg [dreg:$0x11];
	[sflag:s20] =	ssyncadd.s32 $0xFFFFC000  }
0x25b: {  	[hbm4b:s30+s2] =	stream.linear.scatter [tilespmem:s11], [sflag:$0x8], $0x4000, $0x38;
	[tilespmem:$0x18C00] =	vst v63  }
0x25c: {  	_ =	swait.ge [sflag:s15], $0x4000  }
0x25d: {  	s31 =	sld [smem:$0x7FD]  }
0x25e: {  	[sflag:s15] =	ssyncset.done $0x0  }
0x25f: {  	[sflag:s15] =	ssyncadd.s32 $0xFFFFC000  }
0x260: {  	[tilespmem:s6], [sflag:$0x6] =	stream.indirect.gather [hbm4b:s3+s7], $0x80, s31, s7, $0xb8;
	[tilespmem:$0x18C00] =	vst v63  }
0x261: {  	_ =	swait.ge [sflag:s17], $0x4000  }
0x262: {  	[sflag:s17] =	ssyncset.done $0x0  }
0x263: {  	s1 =	rddreg [dreg:$0x12];
	[sflag:s17] =	ssyncadd.s32 $0xFFFFC000  }
0x264: {  	[hbm4b:s1+s2] =	stream.linear.scatter [tilespmem:s8], [sflag:$0x9], $0x4000, $0x38;
	[tilespmem:$0x18C00] =	vst v63  }
0x265: {  	_ =	swait.ge [sflag:s9], $0x4000  }
0x266: {  	[sflag:s9] =	ssyncset.done $0x0  }
0x267: {  	[sflag:s9] =	ssyncadd.s32 $0xFFFFC000  }
0x268: {  	[tilespmem:s16], [sflag:$0x1] =	stream.indirect.gather [hbm4b:s3+s7], $0x80, s24, s7, $0xb8;
	[tilespmem:$0x18C00] =	vst v63  }
0x269: {  	_ =	swait.ge [sflag:s18], $0x4000  }
0x26a: {  	[sflag:s18] =	ssyncset.done $0x0  }
0x26b: {  	s30 =	rddreg [dreg:$0x13];
	[sflag:s18] =	ssyncadd.s32 $0xFFFFC000  }
0x26c: {  	[hbm4b:s30+s2] =	stream.linear.scatter [tilespmem:s4], [sflag:$0xA], $0x4000, $0x38;
	[tilespmem:$0x18C00] =	vst v63  }
0x26d: {  	_ =	swait.ge [sflag:s10], $0x4000  }
0x26e: {  	[sflag:s10] =	ssyncset.done $0x0  }
0x26f: {  	[sflag:s10] =	ssyncadd.s32 $0xFFFFC000  }
0x270: {  	[tilespmem:s11], [sflag:$0x2] =	stream.indirect.gather [hbm4b:s3+s7], $0x80, s29, s7, $0xb8;
	[tilespmem:$0x18C00] =	vst v63  }
0x271: {  	_ =	swait.ge [sflag:s19], $0x4000  }
0x272: {  	[sflag:s19] =	ssyncset.done $0x0  }
0x273: {  	s31 =	rddreg [dreg:$0x14];
	[sflag:s19] =	ssyncadd.s32 $0xFFFFC000  }
0x274: {  	[hbm4b:s31+s2] =	stream.linear.scatter [tilespmem:s5], [sflag:$0xB], $0x4000, $0x38;
	[tilespmem:$0x18C00] =	vst v63  }
0x275: {  	_ =	swait.ge [sflag:s12], $0x4000  }
0x276: {  	[sflag:s12] =	ssyncset.done $0x0  }
0x277: {  	[sflag:s12] =	ssyncadd.s32 $0xFFFFC000  }
0x278: {  	[tilespmem:s8], [sflag:$0x3] =	stream.indirect.gather [hbm4b:s3+s7], $0x80, s28, s7, $0xb8;
	[tilespmem:$0x18C00] =	vst v63  }
0x279: {  	_ =	swait.ge [sflag:s21], $0x4000  }
0x27a: {  	[sflag:s21] =	ssyncset.done $0x0  }
0x27b: {  	s1 =	rddreg [dreg:$0x15];
	[sflag:s21] =	ssyncadd.s32 $0xFFFFC000  }
0x27c: {  	[hbm4b:s1+s2] =	stream.linear.scatter [tilespmem:s6], [sflag:$0xC], $0x4000, $0x38;
	[tilespmem:$0x18C00] =	vst v63  }
0x27d: {  	_ =	swait.ge [sflag:s13], $0x4000  }
0x27e: {  	[sflag:s13] =	ssyncset.done $0x0  }
0x27f: {  	[sflag:s13] =	ssyncadd.s32 $0xFFFFC000  }
0x280: {  	[tilespmem:s4], [sflag:$0x4] =	stream.indirect.gather [hbm4b:s3+s7], $0x80, s26, s7, $0xb8;
	[tilespmem:$0x18C00] =	vst v63  }
0x281: {  	_ =	swait.ge [sflag:s22], $0x4000  }
0x282: {  	[sflag:s22] =	ssyncset.done $0x0  }
0x283: {  	s24 =	rddreg [dreg:$0x16];
	[sflag:s22] =	ssyncadd.s32 $0xFFFFC000  }
0x284: {  	[hbm4b:s24+s2] =	stream.linear.scatter [tilespmem:s16], [sflag:$0x7], $0x4000, $0x38;
	[tilespmem:$0x18C00] =	vst v63  }
0x285: {  	_ =	swait.ge [sflag:s14], $0x4000  }
0x286: {  	[sflag:s14] =	ssyncset.done $0x0  }
0x287: {  	[sflag:s14] =	ssyncadd.s32 $0xFFFFC000  }
0x288: {  	[tilespmem:s5], [sflag:$0x5] =	stream.indirect.gather [hbm4b:s3+s7], $0x80, s25, s7, $0xb8;
	[tilespmem:$0x18C00] =	vst v63  }
0x289: {  	_ =	swait.ge [sflag:s20], $0x4000  }
0x28a: {  	[sflag:s20] =	ssyncset.done $0x0  }
0x28b: {  	s25 =	rddreg [dreg:$0x17];
	[sflag:s20] =	ssyncadd.s32 $0xFFFFC000  }
0x28c: {  	[hbm4b:s25+s2] =	stream.linear.scatter [tilespmem:s11], [sflag:$0x8], $0x4000, $0x38;
	[tilespmem:$0x18C00] =	vst v63  }
0x28d: {  	_ =	swait.ge [sflag:s15], $0x4000  }
0x28e: {  	[sflag:s15] =	ssyncset.done $0x0  }
0x28f: {  	s26 =	simm.s32 $0xB80;
	[sflag:s15] =	ssyncadd.s32 $0xFFFFC000  }
0x290: {  	[tilespmem:s6], [sflag:$0x6] =	stream.indirect.gather [hbm4b:s3+s7], $0x80, s26, s7, $0xb8;
	[tilespmem:$0x18C00] =	vst v63  }
0x291: {  	_ =	swait.ge [sflag:s17], $0x4000  }
0x292: {  	[sflag:s17] =	ssyncset.done $0x0  }
0x293: {  	s28 =	rddreg [dreg:$0x18];
	[sflag:s17] =	ssyncadd.s32 $0xFFFFC000  }
0x294: {  	[hbm4b:s28+s2] =	stream.linear.scatter [tilespmem:s8], [sflag:$0x9], $0x4000, $0x38;
	[tilespmem:$0x18C00] =	vst v63  }
0x295: {  	_ =	swait.ge [sflag:s18], $0x4000  }
0x296: {  	[sflag:s18] =	ssyncset.done $0x0  }
0x297: {  	s29 =	rddreg [dreg:$0x19];
	[sflag:s18] =	ssyncadd.s32 $0xFFFFC000  }
0x298: {  	[hbm4b:s29+s2] =	stream.linear.scatter [tilespmem:s4], [sflag:$0xA], $0x4000, $0x38;
	[tilespmem:$0x18C00] =	vst v63  }
0x299: {  	_ =	swait.ge [sflag:s19], $0x4000  }
0x29a: {  	[sflag:s19] =	ssyncset.done $0x0  }
0x29b: {  	s30 =	rddreg [dreg:$0x1a];
	[sflag:s19] =	ssyncadd.s32 $0xFFFFC000  }
0x29c: {  	[hbm4b:s30+s2] =	stream.linear.scatter [tilespmem:s5], [sflag:$0xB], $0x4000, $0x38;
	[tilespmem:$0x18C00] =	vst v63  }
0x29d: {  	_ =	swait.ge [sflag:s21], $0x4000  }
0x29e: {  	[sflag:s21] =	ssyncset.done $0x0  }
0x29f: {  	s31 =	rddreg [dreg:$0x1b];
	[sflag:s21] =	ssyncadd.s32 $0xFFFFC000  }
0x2a0: {  	[hbm4b:s31+s2] =	stream.linear.scatter [tilespmem:s6], [sflag:$0xC], $0x4000, $0x38;
	[tilespmem:$0x18C00] =	vst v63  }
0x2a1: {  	_ =	swait.ge [sflag:s9], $0x4000  }
0x2a2: {  	[sflag:s9] =	ssyncset.done $0x0  }
0x2a3: {  	[sflag:s9] =	ssyncadd.s32 $0xFFFFC000  }
0x2a4: {  	_ =	swait.ge [sflag:s10], $0x4000  }
0x2a5: {  	[sflag:s10] =	ssyncset.done $0x0  }
0x2a6: {  	[sflag:s10] =	ssyncadd.s32 $0xFFFFC000  }
0x2a7: {  	_ =	swait.ge [sflag:s12], $0x4000  }
0x2a8: {  	[sflag:s12] =	ssyncset.done $0x0  }
0x2a9: {  	[sflag:s12] =	ssyncadd.s32 $0xFFFFC000  }
0x2aa: {  	_ =	swait.ge [sflag:s13], $0x4000  }
0x2ab: {  	[sflag:s13] =	ssyncset.done $0x0  }
0x2ac: {  	[sflag:s13] =	ssyncadd.s32 $0xFFFFC000  }
0x2ad: {  	_ =	swait.ge [sflag:s14], $0x4000  }
0x2ae: {  	[sflag:s14] =	ssyncset.done $0x0  }
0x2af: {  	[sflag:s14] =	ssyncadd.s32 $0xFFFFC000  }
0x2b0: {  	_ =	swait.ge [sflag:s15], $0x4000  }
0x2b1: {  	[sflag:s15] =	ssyncset.done $0x0  }
0x2b2: {  	[sflag:s15] =	ssyncadd.s32 $0xFFFFC000  }
0x2b3: {  	_ =	sfence.sel $0x180000  }
0x2b4: {  	[bflag:$0x0] =	sbarrier.arrive $0xFFFF  }
0x2b5: {  	_ =	strace $0x9000004A  }
0x2b6: {  	[bflag:$0x2] =	sbarrier.arrive $0xFFFF  }
0x2b7: {  	p0 =	sne.s32 s23, $0x0;
	s0 =	rddreg [dreg:$0x3]  }
0x2b8: {  	s0 =	sadd.s32 @!p0 $0x100000, s0  }
0x2b9: {  	[sflag:s0] =	ssyncadd.tile.s32 @!p0 $0x1;
	_ =	shalt  }
.LBB2_1:
.Ltmp3:
0x2ba: {  	(pc) =	sbr.rel .LBB2_6-.Ltmp3, $3  }
0x2bb: {  	_ =	sdelay $0x1  }
0x2bc: {  	s24 =	simm.s32 $0x900;
	s29 =	simm.s32 $0x980  }
0x2bd: {  	s28 =	simm.s32 $0xA00;
	s26 =	simm.s32 $0xA80;
	s25 =	simm.s32 $0xB00  }
.LBB2_3:
.Ltmp4:
0x2be: {  	(pc) =	sbr.rel .LBB2_6-.Ltmp4, $3  }
0x2bf: {  	_ =	sdelay $0x1  }
0x2c0: {  	s24 =	simm.s32 $0x900;
	s29 =	simm.s32 $0x980;
	s28 =	simm.s32 $0xA00  }
0x2c1: {  	s26 =	simm.s32 $0xA80;
	s25 =	simm.s32 $0xB00;
	s23 =	stileid.u32  }
.Lfunc_end2:
_tile_overlayer_lowered:
.L_overlay_start_2:
0x2c2: {  	(tag) =	ssettag $0x2  }
0x2c3: {  	s0 =	rddreg [dreg:$0x0];
	s2 =	stileid.u32  }
0x2c4: {  	s1 =	rddreg [dreg:$0x1];
	p0 =	sne.s32 s2, $0x0  }
0x2c5: {  	s3 =	rddreg [dreg:$0x2];
	[bflag:$0x3] =	sbarrier.arrive $0xFFFF;
	s2 =	simm.s32 @!p0 $0x1C0D  }
0x2c6: {  	[timem:s3], [sflag:s2] =	dma.local @!p0 [hbm:s0], s1  }
0x2c7: {  	s0 =	simm.s32 @!p0 $0xD  }
0x2c8: {  	_ =	swait.ge @!p0 [sflag:s0], s1  }
0x2c9: {  	s1 =	ssub.s32 @!p0 $0x0, s1;
	[sflag:s0] =	ssyncset.done @!p0 $0x0  }
0x2ca: {  	[sflag:s0] =	ssyncadd.s32 @!p0 s1  }
0x2cb: {  	[bflag:$0x3] =	sbarrier.arrive $0xFFFF  }
0x2cc: {  	_ =	shalt  }

</sc_bundles>
